<compile_context>
chip_gen: v7x
topology: tpu7x:2x2x1
jax: 0.10.2.dev20260603
libtpu: 0.0.44.dev20260713+nightly
codegen_flags: <defaults>
</compile_context>

<pallas_src>
import functools

import jax
import jax.numpy as jnp
from jax import lax
from jax.experimental import pallas as pl
from jax.experimental.pallas import tpu as pltpu
from jax.experimental.pallas import tpu_sc as plsc

N = 10000
E = 320000
IN = 16
OUT = 16
D_EDGE = 16
HID = 64

NC = 2
NS = 16
NW = NC * NS
LANE = 128
RPW = 80
E_PAD = NW * RPW * LANE
EW = E_PAD // 8
PAD = E_PAD - E

G_CH = 4
GA = 112
GB = 48
GIDX = NS * GA + NS * GB + (GA - GB)
S_CH = 8

N_ACC = 10240
NAW = N_ACC * 16 // 128
STRIPE = N_ACC // NS
SW = STRIPE * 16 // 128

BE = 4096
BEW = BE // 8
NB = (E + BE - 1) // BE

_f32 = jnp.float32


def _make_gather(ga, gb, ne, row0):
  def _gather_body(x_hbm, srcidx_hbm, xj_hbm, idx_v, gbuf0, gbuf1, gsem,
                   osem0, osem1):
    c = lax.axis_index("c")
    s = lax.axis_index("s")
    local_row = jnp.where(c == 0, s * ga, NS * ga + s * gb)
    n_outer = jnp.where(c == 0, ga // (2 * G_CH), gb // (2 * G_CH))
    pltpu.sync_copy(srcidx_hbm.at[pl.ds(row0 + local_row, ga)], idx_v)
    gbufs = (gbuf0, gbuf1)
    osems = (osem0, osem1)

    def outer(k2, carry):
        for b in range(2):
            kk = k2 * 2 + b
            gb = gbufs[b]
            os_ = osems[b]

            @pl.when(kk >= 2)
            def _drain():
                pltpu.make_async_copy(
                    gb, xj_hbm.at[pl.ds(0, G_CH * LANE), pl.ds(0, IN)],
                    os_).wait()

            descs = []
            for r in range(G_CH):
                descs.append(
                    pltpu.async_copy(
                        x_hbm.at[idx_v.at[kk * G_CH + r]],
                        gb.at[pl.ds(r * LANE, LANE)],
                        gsem,
                    )
                )
            for d in descs:
                d.wait()
            pltpu.async_copy(
                gb,
                xj_hbm.at[pl.ds((local_row + kk * G_CH) * LANE, G_CH * LANE),
                          pl.ds(0, IN)],
                os_,
            )
        return carry

    lax.fori_loop(0, n_outer, outer, 0)
    for b in range(2):
        pltpu.make_async_copy(
            gbufs[b], xj_hbm.at[pl.ds(0, G_CH * LANE), pl.ds(0, IN)],
            osems[b]).wait()

  return functools.partial(
      pl.kernel,
      out_type=jax.ShapeDtypeStruct((ne * LANE, 128), _f32),
      mesh=plsc.VectorSubcoreMesh(core_axis_name="c", subcore_axis_name="s"),
      scratch_types=[
          pltpu.VMEM((ga, LANE), jnp.int32),
          pltpu.VMEM((G_CH * LANE, IN), _f32),
          pltpu.VMEM((G_CH * LANE, IN), _f32),
          pltpu.SemaphoreType.DMA,
          pltpu.SemaphoreType.DMA,
          pltpu.SemaphoreType.DMA,
      ],
      compiler_params=pltpu.CompilerParams(use_tc_tiling_on_sc=False),
  )(_gather_body)


def _msgs_body(ea_t, xj, w1, b1, w2, b2, rmat, smat, out):
    h = jnp.maximum(
        lax.dot_general(ea_t[...], w1[...], (((0,), (0,)), ((), ())),
                        preferred_element_type=_f32) + b1[...], 0.0
    )
    wflat = jnp.dot(h, w2[...], preferred_element_type=_f32) + b2[...]
    xt = jnp.dot(xj[:, 0:IN], rmat[...], preferred_element_type=_f32)
    out[:, 0:OUT] = jnp.dot(xt * wflat, smat[...],
                            preferred_element_type=_f32)


def _msgs(ea, xj, W1, b1, W2, b2, rmat, smat, nb, blk0, ne):
    full = lambda shape: pl.BlockSpec(shape, lambda i: (0, 0))
    return pl.pallas_call(
        _msgs_body,
        grid=(nb,),
        in_specs=[
            pl.BlockSpec((D_EDGE, BE), lambda i: (0, i + blk0)),
            pl.BlockSpec((BE, 128), lambda i: (i, 0)),
            full((D_EDGE, HID)),
            full((1, HID)),
            full((HID, IN * OUT)),
            full((1, IN * OUT)),
            full((IN, IN * OUT)),
            full((IN * OUT, OUT)),
        ],
        out_specs=pl.BlockSpec((BE, 128), lambda i: (i, 0)),
        out_shape=jax.ShapeDtypeStruct((ne * LANE, 128), _f32),
        compiler_params=pltpu.CompilerParams(
            dimension_semantics=("parallel",),
            fuse_transposed_lhs_in_matmul=True,
        ),
    )(ea, xj, W1, b1, W2, b2, rmat, smat)


def _counts_body(dstidx_hbm, cnts_hbm, idx_v, onesb, zbuf, cacc, csem):
    c = lax.axis_index("c")
    s = lax.axis_index("s")
    w = s * NC + c

    def fill(i, carry):
        zbuf[i] = jnp.zeros((OUT,), _f32)
        return carry

    lax.fori_loop(0, STRIPE, fill, 0)

    def fill1(i, carry):
        onesb[i] = jnp.ones((OUT,), _f32)
        return carry

    lax.fori_loop(0, LANE, fill1, 0)
    pltpu.sync_copy(zbuf, cacc.at[pl.ds(s * STRIPE, STRIPE)])
    pltpu.sync_copy(dstidx_hbm.at[w], idx_v)
    plsc.subcore_barrier()

    def chunk(k, carry):
        for r in range(S_CH):
            pltpu.async_copy(
                onesb, cacc.at[idx_v.at[k * S_CH + r]], csem, add=True)
        for r in range(S_CH):
            pltpu.make_async_copy(
                cnts_hbm.at[0, pl.ds(0, LANE), pl.ds(0, OUT)], onesb,
                csem).wait()
        return carry

    lax.fori_loop(0, RPW // S_CH, chunk, 0)
    plsc.subcore_barrier()
    pltpu.sync_copy(cacc.at[pl.ds(s * STRIPE, STRIPE)],
                    cnts_hbm.at[c, pl.ds(s * STRIPE, STRIPE), pl.ds(0, OUT)])


_counts = functools.partial(
    pl.kernel,
    out_type=jax.ShapeDtypeStruct((NC, N_ACC, 128), _f32),
    mesh=plsc.VectorSubcoreMesh(core_axis_name="c", subcore_axis_name="s"),
    scratch_types=[
        pltpu.VMEM((RPW, LANE), jnp.int32),
        pltpu.VMEM((LANE, OUT), _f32),
        pltpu.VMEM((STRIPE, OUT), _f32),
        pltpu.VMEM_SHARED((N_ACC, OUT), _f32),
        pltpu.SemaphoreType.DMA,
    ],
    compiler_params=pltpu.CompilerParams(use_tc_tiling_on_sc=False),
)(_counts_body)


def _make_scatter(rpw, sch):
  def _scatter_body(msgs_hbm, dstidx_hbm, sums_hbm,
                    idx_v, mbuf0, mbuf1, zbuf, acc, ssem0, ssem1):
    c = lax.axis_index("c")
    s = lax.axis_index("s")
    w = s * NC + c

    def fill(i, carry):
        zbuf[i] = jnp.zeros((OUT,), _f32)
        return carry

    lax.fori_loop(0, STRIPE, fill, 0)
    pltpu.sync_copy(zbuf, acc.at[pl.ds(s * STRIPE, STRIPE)])
    pltpu.sync_copy(dstidx_hbm.at[w], idx_v)
    plsc.subcore_barrier()
    mbufs = (mbuf0, mbuf1)
    ssems = (ssem0, ssem1)

    def outer(k2, carry):
        for b in range(2):
            kk = k2 * 2 + b
            mb = mbufs[b]
            ss = ssems[b]

            @pl.when(kk >= 2)
            def _drain():
                pltpu.make_async_copy(
                    msgs_hbm.at[pl.ds(0, sch * LANE), pl.ds(0, OUT)],
                    mb, ss).wait()

            pltpu.sync_copy(
                msgs_hbm.at[pl.ds((w * rpw + kk * sch) * LANE,
                                  sch * LANE), pl.ds(0, OUT)], mb)
            for r in range(sch):
                pltpu.async_copy(
                    mb.at[pl.ds(r * LANE, LANE)],
                    acc.at[idx_v.at[kk * sch + r]],
                    ss,
                    add=True,
                )
        return carry

    lax.fori_loop(0, rpw // sch // 2, outer, 0)
    for b in range(2):
        pltpu.make_async_copy(
            msgs_hbm.at[pl.ds(0, sch * LANE), pl.ds(0, OUT)],
            mbufs[b], ssems[b]).wait()
    plsc.subcore_barrier()
    pltpu.sync_copy(acc.at[pl.ds(s * STRIPE, STRIPE)],
                    sums_hbm.at[c, pl.ds(s * STRIPE, STRIPE), pl.ds(0, OUT)])

  return functools.partial(
      pl.kernel,
      out_type=jax.ShapeDtypeStruct((NC, N_ACC, 128), _f32),
      mesh=plsc.VectorSubcoreMesh(core_axis_name="c", subcore_axis_name="s"),
      scratch_types=[
          pltpu.VMEM((rpw, LANE), jnp.int32),
          pltpu.VMEM((sch * LANE, OUT), _f32),
          pltpu.VMEM((sch * LANE, OUT), _f32),
          pltpu.VMEM((STRIPE, OUT), _f32),
          pltpu.VMEM_SHARED((N_ACC, OUT), _f32),
          pltpu.SemaphoreType.DMA,
          pltpu.SemaphoreType.DMA,
      ],
      compiler_params=pltpu.CompilerParams(use_tc_tiling_on_sc=False),
  )(_scatter_body)


def _final_body(s1_ref, s2_ref, cnts_ref, x_ref, root_ref, bias_ref,
                gamma_ref, beta_ref, out_ref):
    summ = (s1_ref[0] + s1_ref[1] + s2_ref[0] + s2_ref[1])[0:N, 0:OUT]
    cnt = (cnts_ref[0] + cnts_ref[1])[0:N, 0:OUT]
    aggr = summ / jnp.maximum(cnt, 1.0)
    xv = x_ref[...]
    h = aggr + jnp.dot(xv, root_ref[...], preferred_element_type=_f32) \
        + bias_ref[...]
    mu = jnp.mean(h, axis=0, keepdims=True)
    var = jnp.mean((h - mu) ** 2, axis=0, keepdims=True)
    hn = (h - mu) / jnp.sqrt(var + 1e-5) * gamma_ref[...] + beta_ref[...]
    out_ref[...] = xv + jnp.maximum(hn, 0.0)


def _final(s1, s2, cnts, x, root, bias, gamma, beta):
    return pl.pallas_call(
        _final_body,
        out_shape=jax.ShapeDtypeStruct((N, OUT), _f32),
    )(s1, s2, cnts, x, root, bias, gamma, beta)


def kernel(x, edge_index, edge_attr, W1, b1, W2, b2, root, bias, gamma, beta):
    src = edge_index[0].astype(jnp.int32)
    dst = edge_index[1].astype(jnp.int32)
    src_p = jnp.concatenate(
        [src, jnp.zeros((GIDX * LANE - E,), jnp.int32)]).reshape(GIDX, LANE)
    dst_p = jnp.concatenate(
        [dst, jnp.full((PAD,), N, jnp.int32)]).reshape(NW, RPW, LANE)

    cols = jnp.arange(IN * OUT)
    rmat = (cols[None, :] // OUT == jnp.arange(IN)[:, None]).astype(_f32)
    smat = (cols[:, None] % OUT == jnp.arange(OUT)[None, :]).astype(_f32)

    cnts = _counts(dst_p)

    HR = NW * RPW // 2
    NB1 = HR * LANE // BE
    NB2 = (E - HR * LANE + BE - 1) // BE
    dst_flat = dst_p.reshape(NW * RPW, LANE)
    dst_p1 = dst_flat[0:HR].reshape(NW, RPW // 2, LANE)
    dst_p2 = dst_flat[HR:2 * HR].reshape(NW, RPW // 2, LANE)

    gather1 = _make_gather(48, 32, HR, 0)
    gather2 = _make_gather(48, 32, HR, HR)
    scatter_h = _make_scatter(RPW // 2, 4)
    b1r = b1.reshape(1, HID)
    b2r = b2.reshape(1, IN * OUT)

    ea_t = jnp.transpose(edge_attr)
    xj1 = gather1(x, src_p)
    xj2 = gather2(x, src_p)
    m1 = _msgs(ea_t, xj1, W1, b1r, W2, b2r, rmat, smat, NB1, 0, HR)
    s1 = scatter_h(m1, dst_p1)
    m2 = _msgs(ea_t, xj2, W1, b1r, W2, b2r, rmat, smat, NB2, NB1, HR)
    s2 = scatter_h(m2, dst_p2)

    return _final(s1, s2, cnts, x, root,
                  bias.reshape(1, OUT), gamma.reshape(1, OUT),
                  beta.reshape(1, OUT))

# --- scband reference (transcript-rebuilt; emitter-appended) ---
"""Pipeline reference for scband-res-graph-conv-lyr-6545530159681 (READ-ONLY COPY).

The authoritative reference and input builder live on the scoring server;
editing this copy changes nothing except your own understanding.
"""

import jax, jax.numpy as jnp
import numpy as np

N_NODES = 10000
N_EDGES = 320000
IN_CH = 16
OUT_CH = 16
D_EDGE = 16
HID = 64


def setup_inputs(seed: int = 0) -> dict:
    key = jax.random.key(seed)
    ks = jax.random.split(key, 10)
    x = jax.random.normal(ks[0], (N_NODES, IN_CH), dtype=jnp.float32)
    edge_index = jax.random.randint(ks[1], (2, N_EDGES), 0, N_NODES, dtype=jnp.int64)
    edge_attr = jax.random.normal(ks[2], (N_EDGES, D_EDGE), dtype=jnp.float32)
    # edge-conditioned MLP: d_edge -> HID -> IN_CH*OUT_CH
    W1 = jax.random.normal(ks[3], (D_EDGE, HID), dtype=jnp.float32) * (1.0 / np.sqrt(D_EDGE))
    b1 = jnp.zeros((HID,), dtype=jnp.float32)
    W2 = jax.random.normal(ks[4], (HID, IN_CH * OUT_CH), dtype=jnp.float32) * (1.0 / np.sqrt(HID))
    b2 = jnp.zeros((IN_CH * OUT_CH,), dtype=jnp.float32)
    # NNConv root weight + bias
    root = jax.random.normal(ks[5], (IN_CH, OUT_CH), dtype=jnp.float32) * (1.0 / np.sqrt(IN_CH))
    bias = jnp.zeros((OUT_CH,), dtype=jnp.float32)
    # BatchNorm affine params
    gamma = jnp.ones((OUT_CH,), dtype=jnp.float32)
    beta = jnp.zeros((OUT_CH,), dtype=jnp.float32)
    return {"x": x, "edge_index": edge_index, "edge_attr": edge_attr,
            "W1": W1, "b1": b1, "W2": W2, "b2": b2,
            "root": root, "bias": bias, "gamma": gamma, "beta": beta}


def reference(x, edge_index, edge_attr, W1, b1, W2, b2, root, bias, gamma, beta):
    src = edge_index[0]
    dst = edge_index[1]
    # NNConv: per-edge weight matrix from edge MLP
    hmlp = jax.nn.relu(edge_attr @ W1 + b1)
    w_e = (hmlp @ W2 + b2).reshape(-1, IN_CH, OUT_CH)  # [E, in, out]
    x_j = jnp.take(x, src, axis=0)                      # gather [E, in]
    msgs = jnp.einsum('ei,eio->eo', x_j, w_e)           # [E, out]
    # mean aggregation at dst
    summ = jax.ops.segment_sum(msgs, dst, num_segments=N_NODES)
    cnt = jax.ops.segment_sum(jnp.ones((msgs.shape[0],), dtype=jnp.float32), dst, num_segments=N_NODES)
    aggr = summ / jnp.clip(cnt, 1.0, None)[:, None]
    h = aggr + x @ root + bias
    # GNN BatchNorm (batch statistics over nodes), eps=1e-5
    mu = jnp.mean(h, axis=0)
    var = jnp.var(h, axis=0)
    h = (h - mu) / jnp.sqrt(var + 1e-5) * gamma + beta
    h = jax.nn.relu(h)
    return x + h

if __name__ == "__main__":
    import jax
    _d = setup_inputs()
    print(jax.jit(kernel)(*tuple(_d.values())))

</pallas_src>

<mosaic_0001>
#map = affine_map<(d0, d1) -> (0, 0)>
module attributes {stable_mosaic.version = 14 : i64} {
  func.func @_gather_body(%arg0: i32, %arg1: i32, %arg2: memref<10000x16xf32, #tpu.memory_space<hbm>>, %arg3: memref<2624x128xi32, #tpu.memory_space<hbm>>, %arg4: memref<163840x128xf32, #tpu.memory_space<hbm>>, %arg5: memref<48x128xi32, #tpu.memory_space<vmem>>, %arg6: memref<512x16xf32, #tpu.memory_space<vmem>>, %arg7: memref<512x16xf32, #tpu.memory_space<vmem>>, %arg8: memref<!tpu.dma_semaphore, #tpu.memory_space<semaphore_mem>>, %arg9: memref<!tpu.dma_semaphore, #tpu.memory_space<semaphore_mem>>, %arg10: memref<!tpu.dma_semaphore, #tpu.memory_space<semaphore_mem>>) attributes {dimension_semantics = [#tpu.dimension_semantics<core_parallel>, #tpu.dimension_semantics<subcore_parallel>], iteration_bounds = array<i64: 2, 16>, scalar_prefetch = 0 : i64, scratch_operands = 6 : i64, tpu.core_type = #tpu.core_type<sc_vector_subcore>, window_params = [{transform_indices = #map}, {transform_indices = #map}, {transform_indices = #map}]} {
    %eq3A = arith.constant 0 : i32
    %eq3A_0 = arith.cmpi eq, %arg0, %eq3A : i32
    %mul3A = arith.constant 48 : i32
    %mul3A_1 = arith.muli %arg1, %mul3A : i32
    %mul3A_2 = arith.constant 32 : i32
    %mul3A_3 = arith.muli %arg1, %mul3A_2 : i32
    %add3A = arith.constant 768 : i32
    %add3A_4 = arith.addi %add3A, %mul3A_3 : i32
    %select_n3A = arith.select %eq3A_0, %mul3A_1, %add3A_4 : i32
    %eq3A_5 = arith.constant 0 : i32
    %eq3A_6 = arith.cmpi eq, %arg0, %eq3A_5 : i32
    %jit3A = arith.constant 6 : i32
    %jit3A_7 = arith.constant 4 : i32
    %select_n3A_8 = arith.select %eq3A_6, %jit3A, %jit3A_7 : i32
    %add3A_9 = arith.constant 0 : i32
    %add3A_10 = arith.addi %add3A_9, %select_n3A : i32
    "tpu.region"() ({
      %run_scoped3A = tpu.sem_alloc : memref<!tpu.dma_semaphore, #tpu.memory_space<semaphore_mem>>
      %dma_start3A = arith.constant 0 : i32
      %dma_start3A_31 = tpu.memref_slice %arg3[%add3A_10, %dma_start3A] : memref<2624x128xi32, #tpu.memory_space<hbm>> -> memref<48x128xi32, #tpu.memory_space<hbm>>
      %dma_start3A_32 = arith.constant 0 : i32
      %dma_start3A_33 = tpu.memref_slice %arg3[%add3A_10, %dma_start3A_32] : memref<2624x128xi32, #tpu.memory_space<hbm>> -> memref<48x128xi32, #tpu.memory_space<hbm>>
      tpu.enqueue_dma source(%dma_start3A_33 : memref<48x128xi32, #tpu.memory_space<hbm>>) target(%arg5 : memref<48x128xi32, #tpu.memory_space<vmem>>) target_semaphore(%run_scoped3A : memref<!tpu.dma_semaphore, #tpu.memory_space<semaphore_mem>>)
      %dma_wait3A_34 = arith.constant 0 : i32
      %dma_wait3A_35 = tpu.memref_slice %arg3[%add3A_10, %dma_wait3A_34] : memref<2624x128xi32, #tpu.memory_space<hbm>> -> memref<48x128xi32, #tpu.memory_space<hbm>>
      %dma_wait3A_36 = arith.constant 0 : i32
      %dma_wait3A_37 = tpu.memref_slice %arg3[%add3A_10, %dma_wait3A_36] : memref<2624x128xi32, #tpu.memory_space<hbm>> -> memref<48x128xi32, #tpu.memory_space<hbm>>
      tpu.wait_dma2 semaphore(%run_scoped3A : memref<!tpu.dma_semaphore, #tpu.memory_space<semaphore_mem>>) src(%dma_wait3A_37 : memref<48x128xi32, #tpu.memory_space<hbm>>) dst(%arg5 : memref<48x128xi32, #tpu.memory_space<vmem>>)
      tpu.yield
    }) : () -> ()
    %while3A = arith.constant 0 : i32
    %while3A_11 = arith.constant 0 : i32
    %while3A_12 = arith.subi %select_n3A_8, %while3A_11 : i32
    %while3A_13 = arith.addi %while3A_11, %while3A_12 : i32
    %while3A_14 = arith.constant 1 : i32
    %while3A_15 = arith.divsi %while3A_12, %while3A_14 : i32
    %while3A_16 = arith.muli %while3A_15, %while3A_14 : i32
    %while3A_17 = arith.addi %while3A_11, %while3A_16 : i32
    %while3A_18 = arith.constant 1 : i32
    scf.for %while3A_31 = %while3A_11 to %while3A_17 step %while3A_18  : i32 {
      %mul3A_32 = arith.constant 2 : i32
      %mul3A_33 = arith.muli %while3A_31, %mul3A_32 : i32
      %add3A_34 = arith.constant 0 : i32
      %add3A_35 = arith.addi %mul3A_33, %add3A_34 : i32
      %ge3A = arith.constant 2 : i32
      %ge3A_36 = arith.cmpi sge, %add3A_35, %ge3A : i32
      %convert_element_type3A = arith.extui %ge3A_36 : i1 to i32
      %cond3A = arith.constant 0 : i32
      %cond3A_37 = arith.cmpi ne, %convert_element_type3A, %cond3A : i32
      scf.if %cond3A_37 {
        %dma_wait3A_240 = arith.constant 0 : i32
        %dma_wait3A_241 = arith.constant 0 : i32
        %dma_wait3A_242 = tpu.memref_slice %arg4[%dma_wait3A_240, %dma_wait3A_241] : memref<163840x128xf32, #tpu.memory_space<hbm>> -> memref<512x16xf32, #tpu.memory_space<hbm>>
        %dma_wait3A_243 = arith.constant 0 : i32
        %dma_wait3A_244 = arith.constant 0 : i32
        %dma_wait3A_245 = tpu.memref_slice %arg4[%dma_wait3A_243, %dma_wait3A_244] : memref<163840x128xf32, #tpu.memory_space<hbm>> -> memref<512x16xf32, #tpu.memory_space<hbm>>
        tpu.wait_dma2 semaphore(%arg9 : memref<!tpu.dma_semaphore, #tpu.memory_space<semaphore_mem>>) src(%arg6 : memref<512x16xf32, #tpu.memory_space<vmem>>) dst(%dma_wait3A_245 : memref<512x16xf32, #tpu.memory_space<hbm>>)
      } else {
      }
      %mul3A_38 = arith.constant 4 : i32
      %mul3A_39 = arith.muli %add3A_35, %mul3A_38 : i32
      %add3A_40 = arith.constant 0 : i32
      %add3A_41 = arith.addi %mul3A_39, %add3A_40 : i32
      %dma_start3A = arith.constant 0 : i32
      %dma_start3A_42 = arith.constant 0 : i32
      %dma_start3A_43 = tpu.memref_slice %arg6[%dma_start3A, %dma_start3A_42] : memref<512x16xf32, #tpu.memory_space<vmem>> -> memref<128x16xf32, #tpu.memory_space<vmem>>
      %dma_start3A_44 = arith.constant 0 : i32
      %dma_start3A_45 = tpu.memref_slice %arg5[%add3A_41, %dma_start3A_44] : memref<48x128xi32, #tpu.memory_space<vmem>> -> memref<1x128xi32, #tpu.memory_space<vmem>>
      %dma_start3A_46 = tpu.memref_squeeze %dma_start3A_45 : memref<1x128xi32, #tpu.memory_space<vmem>> -> memref<128xi32, #tpu.memory_space<vmem>>
      %dma_start3A_47 = arith.constant 0 : i32
      %dma_start3A_48 = arith.constant 0 : i32
      %dma_start3A_49 = tpu.memref_slice %arg2[%dma_start3A_47, %dma_start3A_48] : memref<10000x16xf32, #tpu.memory_space<hbm>> -> memref<10000x16xf32, #tpu.memory_space<hbm>>
      tpu.enqueue_indirect_dma source(%dma_start3A_49 : memref<10000x16xf32, #tpu.memory_space<hbm>>) target(%dma_start3A_43 : memref<128x16xf32, #tpu.memory_space<vmem>>) offsets(%dma_start3A_46 : memref<128xi32, #tpu.memory_space<vmem>>) semaphore(%arg8 : memref<!tpu.dma_semaphore, #tpu.memory_space<semaphore_mem>>)
      %mul3A_50 = arith.constant 4 : i32
      %mul3A_51 = arith.muli %add3A_35, %mul3A_50 : i32
      %add3A_52 = arith.constant 1 : i32
      %add3A_53 = arith.addi %mul3A_51, %add3A_52 : i32
      %dma_start3A_54 = arith.constant 128 : i32
      %dma_start3A_55 = arith.constant 0 : i32
      %dma_start3A_56 = tpu.memref_slice %arg6[%dma_start3A_54, %dma_start3A_55] : memref<512x16xf32, #tpu.memory_space<vmem>> -> memref<128x16xf32, #tpu.memory_space<vmem>>
      %dma_start3A_57 = arith.constant 0 : i32
      %dma_start3A_58 = tpu.memref_slice %arg5[%add3A_53, %dma_start3A_57] : memref<48x128xi32, #tpu.memory_space<vmem>> -> memref<1x128xi32, #tpu.memory_space<vmem>>
      %dma_start3A_59 = tpu.memref_squeeze %dma_start3A_58 : memref<1x128xi32, #tpu.memory_space<vmem>> -> memref<128xi32, #tpu.memory_space<vmem>>
      %dma_start3A_60 = arith.constant 0 : i32
      %dma_start3A_61 = arith.constant 0 : i32
      %dma_start3A_62 = tpu.memref_slice %arg2[%dma_start3A_60, %dma_start3A_61] : memref<10000x16xf32, #tpu.memory_space<hbm>> -> memref<10000x16xf32, #tpu.memory_space<hbm>>
      tpu.enqueue_indirect_dma source(%dma_start3A_62 : memref<10000x16xf32, #tpu.memory_space<hbm>>) target(%dma_start3A_56 : memref<128x16xf32, #tpu.memory_space<vmem>>) offsets(%dma_start3A_59 : memref<128xi32, #tpu.memory_space<vmem>>) semaphore(%arg8 : memref<!tpu.dma_semaphore, #tpu.memory_space<semaphore_mem>>)
      %mul3A_63 = arith.constant 4 : i32
      %mul3A_64 = arith.muli %add3A_35, %mul3A_63 : i32
      %add3A_65 = arith.constant 2 : i32
      %add3A_66 = arith.addi %mul3A_64, %add3A_65 : i32
      %dma_start3A_67 = arith.constant 256 : i32
      %dma_start3A_68 = arith.constant 0 : i32
      %dma_start3A_69 = tpu.memref_slice %arg6[%dma_start3A_67, %dma_start3A_68] : memref<512x16xf32, #tpu.memory_space<vmem>> -> memref<128x16xf32, #tpu.memory_space<vmem>>
      %dma_start3A_70 = arith.constant 0 : i32
      %dma_start3A_71 = tpu.memref_slice %arg5[%add3A_66, %dma_start3A_70] : memref<48x128xi32, #tpu.memory_space<vmem>> -> memref<1x128xi32, #tpu.memory_space<vmem>>
      %dma_start3A_72 = tpu.memref_squeeze %dma_start3A_71 : memref<1x128xi32, #tpu.memory_space<vmem>> -> memref<128xi32, #tpu.memory_space<vmem>>
      %dma_start3A_73 = arith.constant 0 : i32
      %dma_start3A_74 = arith.constant 0 : i32
      %dma_start3A_75 = tpu.memref_slice %arg2[%dma_start3A_73, %dma_start3A_74] : memref<10000x16xf32, #tpu.memory_space<hbm>> -> memref<10000x16xf32, #tpu.memory_space<hbm>>
      tpu.enqueue_indirect_dma source(%dma_start3A_75 : memref<10000x16xf32, #tpu.memory_space<hbm>>) target(%dma_start3A_69 : memref<128x16xf32, #tpu.memory_space<vmem>>) offsets(%dma_start3A_72 : memref<128xi32, #tpu.memory_space<vmem>>) semaphore(%arg8 : memref<!tpu.dma_semaphore, #tpu.memory_space<semaphore_mem>>)
      %mul3A_76 = arith.constant 4 : i32
      %mul3A_77 = arith.muli %add3A_35, %mul3A_76 : i32
      %add3A_78 = arith.constant 3 : i32
      %add3A_79 = arith.addi %mul3A_77, %add3A_78 : i32
      %dma_start3A_80 = arith.constant 384 : i32
      %dma_start3A_81 = arith.constant 0 : i32
      %dma_start3A_82 = tpu.memref_slice %arg6[%dma_start3A_80, %dma_start3A_81] : memref<512x16xf32, #tpu.memory_space<vmem>> -> memref<128x16xf32, #tpu.memory_space<vmem>>
      %dma_start3A_83 = arith.constant 0 : i32
      %dma_start3A_84 = tpu.memref_slice %arg5[%add3A_79, %dma_start3A_83] : memref<48x128xi32, #tpu.memory_space<vmem>> -> memref<1x128xi32, #tpu.memory_space<vmem>>
      %dma_start3A_85 = tpu.memref_squeeze %dma_start3A_84 : memref<1x128xi32, #tpu.memory_space<vmem>> -> memref<128xi32, #tpu.memory_space<vmem>>
      %dma_start3A_86 = arith.constant 0 : i32
      %dma_start3A_87 = arith.constant 0 : i32
      %dma_start3A_88 = tpu.memref_slice %arg2[%dma_start3A_86, %dma_start3A_87] : memref<10000x16xf32, #tpu.memory_space<hbm>> -> memref<10000x16xf32, #tpu.memory_space<hbm>>
      tpu.enqueue_indirect_dma source(%dma_start3A_88 : memref<10000x16xf32, #tpu.memory_space<hbm>>) target(%dma_start3A_82 : memref<128x16xf32, #tpu.memory_space<vmem>>) offsets(%dma_start3A_85 : memref<128xi32, #tpu.memory_space<vmem>>) semaphore(%arg8 : memref<!tpu.dma_semaphore, #tpu.memory_space<semaphore_mem>>)
      %dma_wait3A_89 = arith.constant 0 : i32
      %dma_wait3A_90 = arith.constant 0 : i32
      %dma_wait3A_91 = tpu.memref_slice %arg6[%dma_wait3A_89, %dma_wait3A_90] : memref<512x16xf32, #tpu.memory_space<vmem>> -> memref<128x16xf32, #tpu.memory_space<vmem>>
      %dma_wait3A_92 = arith.constant 0 : i32
      %dma_wait3A_93 = tpu.memref_slice %arg5[%add3A_41, %dma_wait3A_92] : memref<48x128xi32, #tpu.memory_space<vmem>> -> memref<1x128xi32, #tpu.memory_space<vmem>>
      %dma_wait3A_94 = tpu.memref_squeeze %dma_wait3A_93 : memref<1x128xi32, #tpu.memory_space<vmem>> -> memref<128xi32, #tpu.memory_space<vmem>>
      %dma_wait3A_95 = arith.constant 0 : i32
      %dma_wait3A_96 = arith.constant 0 : i32
      %dma_wait3A_97 = tpu.memref_slice %arg2[%dma_wait3A_95, %dma_wait3A_96] : memref<10000x16xf32, #tpu.memory_space<hbm>> -> memref<10000x16xf32, #tpu.memory_space<hbm>>
      tpu.wait_indirect_dma semaphore(%arg8 : memref<!tpu.dma_semaphore, #tpu.memory_space<semaphore_mem>>) src(%dma_wait3A_97 : memref<10000x16xf32, #tpu.memory_space<hbm>>) dst(%dma_wait3A_91 : memref<128x16xf32, #tpu.memory_space<vmem>>)
      %dma_wait3A_98 = arith.constant 128 : i32
      %dma_wait3A_99 = arith.constant 0 : i32
      %dma_wait3A_100 = tpu.memref_slice %arg6[%dma_wait3A_98, %dma_wait3A_99] : memref<512x16xf32, #tpu.memory_space<vmem>> -> memref<128x16xf32, #tpu.memory_space<vmem>>
      %dma_wait3A_101 = arith.constant 0 : i32
      %dma_wait3A_102 = tpu.memref_slice %arg5[%add3A_53, %dma_wait3A_101] : memref<48x128xi32, #tpu.memory_space<vmem>> -> memref<1x128xi32, #tpu.memory_space<vmem>>
      %dma_wait3A_103 = tpu.memref_squeeze %dma_wait3A_102 : memref<1x128xi32, #tpu.memory_space<vmem>> -> memref<128xi32, #tpu.memory_space<vmem>>
      %dma_wait3A_104 = arith.constant 0 : i32
      %dma_wait3A_105 = arith.constant 0 : i32
      %dma_wait3A_106 = tpu.memref_slice %arg2[%dma_wait3A_104, %dma_wait3A_105] : memref<10000x16xf32, #tpu.memory_space<hbm>> -> memref<10000x16xf32, #tpu.memory_space<hbm>>
      tpu.wait_indirect_dma semaphore(%arg8 : memref<!tpu.dma_semaphore, #tpu.memory_space<semaphore_mem>>) src(%dma_wait3A_106 : memref<10000x16xf32, #tpu.memory_space<hbm>>) dst(%dma_wait3A_100 : memref<128x16xf32, #tpu.memory_space<vmem>>)
      %dma_wait3A_107 = arith.constant 256 : i32
      %dma_wait3A_108 = arith.constant 0 : i32
      %dma_wait3A_109 = tpu.memref_slice %arg6[%dma_wait3A_107, %dma_wait3A_108] : memref<512x16xf32, #tpu.memory_space<vmem>> -> memref<128x16xf32, #tpu.memory_space<vmem>>
      %dma_wait3A_110 = arith.constant 0 : i32
      %dma_wait3A_111 = tpu.memref_slice %arg5[%add3A_66, %dma_wait3A_110] : memref<48x128xi32, #tpu.memory_space<vmem>> -> memref<1x128xi32, #tpu.memory_space<vmem>>
      %dma_wait3A_112 = tpu.memref_squeeze %dma_wait3A_111 : memref<1x128xi32, #tpu.memory_space<vmem>> -> memref<128xi32, #tpu.memory_space<vmem>>
      %dma_wait3A_113 = arith.constant 0 : i32
      %dma_wait3A_114 = arith.constant 0 : i32
      %dma_wait3A_115 = tpu.memref_slice %arg2[%dma_wait3A_113, %dma_wait3A_114] : memref<10000x16xf32, #tpu.memory_space<hbm>> -> memref<10000x16xf32, #tpu.memory_space<hbm>>
      tpu.wait_indirect_dma semaphore(%arg8 : memref<!tpu.dma_semaphore, #tpu.memory_space<semaphore_mem>>) src(%dma_wait3A_115 : memref<10000x16xf32, #tpu.memory_space<hbm>>) dst(%dma_wait3A_109 : memref<128x16xf32, #tpu.memory_space<vmem>>)
      %dma_wait3A_116 = arith.constant 384 : i32
      %dma_wait3A_117 = arith.constant 0 : i32
      %dma_wait3A_118 = tpu.memref_slice %arg6[%dma_wait3A_116, %dma_wait3A_117] : memref<512x16xf32, #tpu.memory_space<vmem>> -> memref<128x16xf32, #tpu.memory_space<vmem>>
      %dma_wait3A_119 = arith.constant 0 : i32
      %dma_wait3A_120 = tpu.memref_slice %arg5[%add3A_79, %dma_wait3A_119] : memref<48x128xi32, #tpu.memory_space<vmem>> -> memref<1x128xi32, #tpu.memory_space<vmem>>
      %dma_wait3A_121 = tpu.memref_squeeze %dma_wait3A_120 : memref<1x128xi32, #tpu.memory_space<vmem>> -> memref<128xi32, #tpu.memory_space<vmem>>
      %dma_wait3A_122 = arith.constant 0 : i32
      %dma_wait3A_123 = arith.constant 0 : i32
      %dma_wait3A_124 = tpu.memref_slice %arg2[%dma_wait3A_122, %dma_wait3A_123] : memref<10000x16xf32, #tpu.memory_space<hbm>> -> memref<10000x16xf32, #tpu.memory_space<hbm>>
      tpu.wait_indirect_dma semaphore(%arg8 : memref<!tpu.dma_semaphore, #tpu.memory_space<semaphore_mem>>) src(%dma_wait3A_124 : memref<10000x16xf32, #tpu.memory_space<hbm>>) dst(%dma_wait3A_118 : memref<128x16xf32, #tpu.memory_space<vmem>>)
      %mul3A_125 = arith.constant 4 : i32
      %mul3A_126 = arith.muli %add3A_35, %mul3A_125 : i32
      %add3A_127 = arith.addi %select_n3A, %mul3A_126 : i32
      %mul3A_128 = arith.constant 128 : i32
      %mul3A_129 = arith.muli %add3A_127, %mul3A_128 : i32
      %dma_start3A_130 = arith.constant 0 : i32
      %dma_start3A_131 = tpu.memref_slice %arg4[%mul3A_129, %dma_start3A_130] : memref<163840x128xf32, #tpu.memory_space<hbm>> -> memref<512x16xf32, #tpu.memory_space<hbm>>
      %dma_start3A_132 = arith.constant 0 : i32
      %dma_start3A_133 = tpu.memref_slice %arg4[%mul3A_129, %dma_start3A_132] : memref<163840x128xf32, #tpu.memory_space<hbm>> -> memref<512x16xf32, #tpu.memory_space<hbm>>
      tpu.enqueue_dma source(%arg6 : memref<512x16xf32, #tpu.memory_space<vmem>>) target(%dma_start3A_133 : memref<512x16xf32, #tpu.memory_space<hbm>>) target_semaphore(%arg9 : memref<!tpu.dma_semaphore, #tpu.memory_space<semaphore_mem>>)
      %mul3A_134 = arith.constant 2 : i32
      %mul3A_135 = arith.muli %while3A_31, %mul3A_134 : i32
      %add3A_136 = arith.constant 1 : i32
      %add3A_137 = arith.addi %mul3A_135, %add3A_136 : i32
      %ge3A_138 = arith.constant 2 : i32
      %ge3A_139 = arith.cmpi sge, %add3A_137, %ge3A_138 : i32
      %convert_element_type3A_140 = arith.extui %ge3A_139 : i1 to i32
      %cond3A_141 = arith.constant 0 : i32
      %cond3A_142 = arith.cmpi ne, %convert_element_type3A_140, %cond3A_141 : i32
      scf.if %cond3A_142 {
        %dma_wait3A_240 = arith.constant 0 : i32
        %dma_wait3A_241 = arith.constant 0 : i32
        %dma_wait3A_242 = tpu.memref_slice %arg4[%dma_wait3A_240, %dma_wait3A_241] : memref<163840x128xf32, #tpu.memory_space<hbm>> -> memref<512x16xf32, #tpu.memory_space<hbm>>
        %dma_wait3A_243 = arith.constant 0 : i32
        %dma_wait3A_244 = arith.constant 0 : i32
        %dma_wait3A_245 = tpu.memref_slice %arg4[%dma_wait3A_243, %dma_wait3A_244] : memref<163840x128xf32, #tpu.memory_space<hbm>> -> memref<512x16xf32, #tpu.memory_space<hbm>>
        tpu.wait_dma2 semaphore(%arg10 : memref<!tpu.dma_semaphore, #tpu.memory_space<semaphore_mem>>) src(%arg7 : memref<512x16xf32, #tpu.memory_space<vmem>>) dst(%dma_wait3A_245 : memref<512x16xf32, #tpu.memory_space<hbm>>)
      } else {
      }
      %mul3A_143 = arith.constant 4 : i32
      %mul3A_144 = arith.muli %add3A_137, %mul3A_143 : i32
      %add3A_145 = arith.constant 0 : i32
      %add3A_146 = arith.addi %mul3A_144, %add3A_145 : i32
      %dma_start3A_147 = arith.constant 0 : i32
      %dma_start3A_148 = arith.constant 0 : i32
      %dma_start3A_149 = tpu.memref_slice %arg7[%dma_start3A_147, %dma_start3A_148] : memref<512x16xf32, #tpu.memory_space<vmem>> -> memref<128x16xf32, #tpu.memory_space<vmem>>
      %dma_start3A_150 = arith.constant 0 : i32
      %dma_start3A_151 = tpu.memref_slice %arg5[%add3A_146, %dma_start3A_150] : memref<48x128xi32, #tpu.memory_space<vmem>> -> memref<1x128xi32, #tpu.memory_space<vmem>>
      %dma_start3A_152 = tpu.memref_squeeze %dma_start3A_151 : memref<1x128xi32, #tpu.memory_space<vmem>> -> memref<128xi32, #tpu.memory_space<vmem>>
      %dma_start3A_153 = arith.constant 0 : i32
      %dma_start3A_154 = arith.constant 0 : i32
      %dma_start3A_155 = tpu.memref_slice %arg2[%dma_start3A_153, %dma_start3A_154] : memref<10000x16xf32, #tpu.memory_space<hbm>> -> memref<10000x16xf32, #tpu.memory_space<hbm>>
      tpu.enqueue_indirect_dma source(%dma_start3A_155 : memref<10000x16xf32, #tpu.memory_space<hbm>>) target(%dma_start3A_149 : memref<128x16xf32, #tpu.memory_space<vmem>>) offsets(%dma_start3A_152 : memref<128xi32, #tpu.memory_space<vmem>>) semaphore(%arg8 : memref<!tpu.dma_semaphore, #tpu.memory_space<semaphore_mem>>)
      %mul3A_156 = arith.constant 4 : i32
      %mul3A_157 = arith.muli %add3A_137, %mul3A_156 : i32
      %add3A_158 = arith.constant 1 : i32
      %add3A_159 = arith.addi %mul3A_157, %add3A_158 : i32
      %dma_start3A_160 = arith.constant 128 : i32
      %dma_start3A_161 = arith.constant 0 : i32
      %dma_start3A_162 = tpu.memref_slice %arg7[%dma_start3A_160, %dma_start3A_161] : memref<512x16xf32, #tpu.memory_space<vmem>> -> memref<128x16xf32, #tpu.memory_space<vmem>>
      %dma_start3A_163 = arith.constant 0 : i32
      %dma_start3A_164 = tpu.memref_slice %arg5[%add3A_159, %dma_start3A_163] : memref<48x128xi32, #tpu.memory_space<vmem>> -> memref<1x128xi32, #tpu.memory_space<vmem>>
      %dma_start3A_165 = tpu.memref_squeeze %dma_start3A_164 : memref<1x128xi32, #tpu.memory_space<vmem>> -> memref<128xi32, #tpu.memory_space<vmem>>
      %dma_start3A_166 = arith.constant 0 : i32
      %dma_start3A_167 = arith.constant 0 : i32
      %dma_start3A_168 = tpu.memref_slice %arg2[%dma_start3A_166, %dma_start3A_167] : memref<10000x16xf32, #tpu.memory_space<hbm>> -> memref<10000x16xf32, #tpu.memory_space<hbm>>
      tpu.enqueue_indirect_dma source(%dma_start3A_168 : memref<10000x16xf32, #tpu.memory_space<hbm>>) target(%dma_start3A_162 : memref<128x16xf32, #tpu.memory_space<vmem>>) offsets(%dma_start3A_165 : memref<128xi32, #tpu.memory_space<vmem>>) semaphore(%arg8 : memref<!tpu.dma_semaphore, #tpu.memory_space<semaphore_mem>>)
      %mul3A_169 = arith.constant 4 : i32
      %mul3A_170 = arith.muli %add3A_137, %mul3A_169 : i32
      %add3A_171 = arith.constant 2 : i32
      %add3A_172 = arith.addi %mul3A_170, %add3A_171 : i32
      %dma_start3A_173 = arith.constant 256 : i32
      %dma_start3A_174 = arith.constant 0 : i32
      %dma_start3A_175 = tpu.memref_slice %arg7[%dma_start3A_173, %dma_start3A_174] : memref<512x16xf32, #tpu.memory_space<vmem>> -> memref<128x16xf32, #tpu.memory_space<vmem>>
      %dma_start3A_176 = arith.constant 0 : i32
      %dma_start3A_177 = tpu.memref_slice %arg5[%add3A_172, %dma_start3A_176] : memref<48x128xi32, #tpu.memory_space<vmem>> -> memref<1x128xi32, #tpu.memory_space<vmem>>
      %dma_start3A_178 = tpu.memref_squeeze %dma_start3A_177 : memref<1x128xi32, #tpu.memory_space<vmem>> -> memref<128xi32, #tpu.memory_space<vmem>>
      %dma_start3A_179 = arith.constant 0 : i32
      %dma_start3A_180 = arith.constant 0 : i32
      %dma_start3A_181 = tpu.memref_slice %arg2[%dma_start3A_179, %dma_start3A_180] : memref<10000x16xf32, #tpu.memory_space<hbm>> -> memref<10000x16xf32, #tpu.memory_space<hbm>>
      tpu.enqueue_indirect_dma source(%dma_start3A_181 : memref<10000x16xf32, #tpu.memory_space<hbm>>) target(%dma_start3A_175 : memref<128x16xf32, #tpu.memory_space<vmem>>) offsets(%dma_start3A_178 : memref<128xi32, #tpu.memory_space<vmem>>) semaphore(%arg8 : memref<!tpu.dma_semaphore, #tpu.memory_space<semaphore_mem>>)
      %mul3A_182 = arith.constant 4 : i32
      %mul3A_183 = arith.muli %add3A_137, %mul3A_182 : i32
      %add3A_184 = arith.constant 3 : i32
      %add3A_185 = arith.addi %mul3A_183, %add3A_184 : i32
      %dma_start3A_186 = arith.constant 384 : i32
      %dma_start3A_187 = arith.constant 0 : i32
      %dma_start3A_188 = tpu.memref_slice %arg7[%dma_start3A_186, %dma_start3A_187] : memref<512x16xf32, #tpu.memory_space<vmem>> -> memref<128x16xf32, #tpu.memory_space<vmem>>
      %dma_start3A_189 = arith.constant 0 : i32
      %dma_start3A_190 = tpu.memref_slice %arg5[%add3A_185, %dma_start3A_189] : memref<48x128xi32, #tpu.memory_space<vmem>> -> memref<1x128xi32, #tpu.memory_space<vmem>>
      %dma_start3A_191 = tpu.memref_squeeze %dma_start3A_190 : memref<1x128xi32, #tpu.memory_space<vmem>> -> memref<128xi32, #tpu.memory_space<vmem>>
      %dma_start3A_192 = arith.constant 0 : i32
      %dma_start3A_193 = arith.constant 0 : i32
      %dma_start3A_194 = tpu.memref_slice %arg2[%dma_start3A_192, %dma_start3A_193] : memref<10000x16xf32, #tpu.memory_space<hbm>> -> memref<10000x16xf32, #tpu.memory_space<hbm>>
      tpu.enqueue_indirect_dma source(%dma_start3A_194 : memref<10000x16xf32, #tpu.memory_space<hbm>>) target(%dma_start3A_188 : memref<128x16xf32, #tpu.memory_space<vmem>>) offsets(%dma_start3A_191 : memref<128xi32, #tpu.memory_space<vmem>>) semaphore(%arg8 : memref<!tpu.dma_semaphore, #tpu.memory_space<semaphore_mem>>)
      %dma_wait3A_195 = arith.constant 0 : i32
      %dma_wait3A_196 = arith.constant 0 : i32
      %dma_wait3A_197 = tpu.memref_slice %arg7[%dma_wait3A_195, %dma_wait3A_196] : memref<512x16xf32, #tpu.memory_space<vmem>> -> memref<128x16xf32, #tpu.memory_space<vmem>>
      %dma_wait3A_198 = arith.constant 0 : i32
      %dma_wait3A_199 = tpu.memref_slice %arg5[%add3A_146, %dma_wait3A_198] : memref<48x128xi32, #tpu.memory_space<vmem>> -> memref<1x128xi32, #tpu.memory_space<vmem>>
      %dma_wait3A_200 = tpu.memref_squeeze %dma_wait3A_199 : memref<1x128xi32, #tpu.memory_space<vmem>> -> memref<128xi32, #tpu.memory_space<vmem>>
      %dma_wait3A_201 = arith.constant 0 : i32
      %dma_wait3A_202 = arith.constant 0 : i32
      %dma_wait3A_203 = tpu.memref_slice %arg2[%dma_wait3A_201, %dma_wait3A_202] : memref<10000x16xf32, #tpu.memory_space<hbm>> -> memref<10000x16xf32, #tpu.memory_space<hbm>>
      tpu.wait_indirect_dma semaphore(%arg8 : memref<!tpu.dma_semaphore, #tpu.memory_space<semaphore_mem>>) src(%dma_wait3A_203 : memref<10000x16xf32, #tpu.memory_space<hbm>>) dst(%dma_wait3A_197 : memref<128x16xf32, #tpu.memory_space<vmem>>)
      %dma_wait3A_204 = arith.constant 128 : i32
      %dma_wait3A_205 = arith.constant 0 : i32
      %dma_wait3A_206 = tpu.memref_slice %arg7[%dma_wait3A_204, %dma_wait3A_205] : memref<512x16xf32, #tpu.memory_space<vmem>> -> memref<128x16xf32, #tpu.memory_space<vmem>>
      %dma_wait3A_207 = arith.constant 0 : i32
      %dma_wait3A_208 = tpu.memref_slice %arg5[%add3A_159, %dma_wait3A_207] : memref<48x128xi32, #tpu.memory_space<vmem>> -> memref<1x128xi32, #tpu.memory_space<vmem>>
      %dma_wait3A_209 = tpu.memref_squeeze %dma_wait3A_208 : memref<1x128xi32, #tpu.memory_space<vmem>> -> memref<128xi32, #tpu.memory_space<vmem>>
      %dma_wait3A_210 = arith.constant 0 : i32
      %dma_wait3A_211 = arith.constant 0 : i32
      %dma_wait3A_212 = tpu.memref_slice %arg2[%dma_wait3A_210, %dma_wait3A_211] : memref<10000x16xf32, #tpu.memory_space<hbm>> -> memref<10000x16xf32, #tpu.memory_space<hbm>>
      tpu.wait_indirect_dma semaphore(%arg8 : memref<!tpu.dma_semaphore, #tpu.memory_space<semaphore_mem>>) src(%dma_wait3A_212 : memref<10000x16xf32, #tpu.memory_space<hbm>>) dst(%dma_wait3A_206 : memref<128x16xf32, #tpu.memory_space<vmem>>)
      %dma_wait3A_213 = arith.constant 256 : i32
      %dma_wait3A_214 = arith.constant 0 : i32
      %dma_wait3A_215 = tpu.memref_slice %arg7[%dma_wait3A_213, %dma_wait3A_214] : memref<512x16xf32, #tpu.memory_space<vmem>> -> memref<128x16xf32, #tpu.memory_space<vmem>>
      %dma_wait3A_216 = arith.constant 0 : i32
      %dma_wait3A_217 = tpu.memref_slice %arg5[%add3A_172, %dma_wait3A_216] : memref<48x128xi32, #tpu.memory_space<vmem>> -> memref<1x128xi32, #tpu.memory_space<vmem>>
      %dma_wait3A_218 = tpu.memref_squeeze %dma_wait3A_217 : memref<1x128xi32, #tpu.memory_space<vmem>> -> memref<128xi32, #tpu.memory_space<vmem>>
      %dma_wait3A_219 = arith.constant 0 : i32
      %dma_wait3A_220 = arith.constant 0 : i32
      %dma_wait3A_221 = tpu.memref_slice %arg2[%dma_wait3A_219, %dma_wait3A_220] : memref<10000x16xf32, #tpu.memory_space<hbm>> -> memref<10000x16xf32, #tpu.memory_space<hbm>>
      tpu.wait_indirect_dma semaphore(%arg8 : memref<!tpu.dma_semaphore, #tpu.memory_space<semaphore_mem>>) src(%dma_wait3A_221 : memref<10000x16xf32, #tpu.memory_space<hbm>>) dst(%dma_wait3A_215 : memref<128x16xf32, #tpu.memory_space<vmem>>)
      %dma_wait3A_222 = arith.constant 384 : i32
      %dma_wait3A_223 = arith.constant 0 : i32
      %dma_wait3A_224 = tpu.memref_slice %arg7[%dma_wait3A_222, %dma_wait3A_223] : memref<512x16xf32, #tpu.memory_space<vmem>> -> memref<128x16xf32, #tpu.memory_space<vmem>>
      %dma_wait3A_225 = arith.constant 0 : i32
      %dma_wait3A_226 = tpu.memref_slice %arg5[%add3A_185, %dma_wait3A_225] : memref<48x128xi32, #tpu.memory_space<vmem>> -> memref<1x128xi32, #tpu.memory_space<vmem>>
      %dma_wait3A_227 = tpu.memref_squeeze %dma_wait3A_226 : memref<1x128xi32, #tpu.memory_space<vmem>> -> memref<128xi32, #tpu.memory_space<vmem>>
      %dma_wait3A_228 = arith.constant 0 : i32
      %dma_wait3A_229 = arith.constant 0 : i32
      %dma_wait3A_230 = tpu.memref_slice %arg2[%dma_wait3A_228, %dma_wait3A_229] : memref<10000x16xf32, #tpu.memory_space<hbm>> -> memref<10000x16xf32, #tpu.memory_space<hbm>>
      tpu.wait_indirect_dma semaphore(%arg8 : memref<!tpu.dma_semaphore, #tpu.memory_space<semaphore_mem>>) src(%dma_wait3A_230 : memref<10000x16xf32, #tpu.memory_space<hbm>>) dst(%dma_wait3A_224 : memref<128x16xf32, #tpu.memory_space<vmem>>)
      %mul3A_231 = arith.constant 4 : i32
      %mul3A_232 = arith.muli %add3A_137, %mul3A_231 : i32
      %add3A_233 = arith.addi %select_n3A, %mul3A_232 : i32
      %mul3A_234 = arith.constant 128 : i32
      %mul3A_235 = arith.muli %add3A_233, %mul3A_234 : i32
      %dma_start3A_236 = arith.constant 0 : i32
      %dma_start3A_237 = tpu.memref_slice %arg4[%mul3A_235, %dma_start3A_236] : memref<163840x128xf32, #tpu.memory_space<hbm>> -> memref<512x16xf32, #tpu.memory_space<hbm>>
      %dma_start3A_238 = arith.constant 0 : i32
      %dma_start3A_239 = tpu.memref_slice %arg4[%mul3A_235, %dma_start3A_238] : memref<163840x128xf32, #tpu.memory_space<hbm>> -> memref<512x16xf32, #tpu.memory_space<hbm>>
      tpu.enqueue_dma source(%arg7 : memref<512x16xf32, #tpu.memory_space<vmem>>) target(%dma_start3A_239 : memref<512x16xf32, #tpu.memory_space<hbm>>) target_semaphore(%arg10 : memref<!tpu.dma_semaphore, #tpu.memory_space<semaphore_mem>>)
    }
    %while3A_19 = arith.constant 1 : i32
    scf.for %while3A_31 = %while3A_17 to %while3A_13 step %while3A_19  : i32 {
      %mul3A_32 = arith.constant 2 : i32
      %mul3A_33 = arith.muli %while3A_31, %mul3A_32 : i32
      %add3A_34 = arith.constant 0 : i32
      %add3A_35 = arith.addi %mul3A_33, %add3A_34 : i32
      %ge3A = arith.constant 2 : i32
      %ge3A_36 = arith.cmpi sge, %add3A_35, %ge3A : i32
      %convert_element_type3A = arith.extui %ge3A_36 : i1 to i32
      %cond3A = arith.constant 0 : i32
      %cond3A_37 = arith.cmpi ne, %convert_element_type3A, %cond3A : i32
      scf.if %cond3A_37 {
        %dma_wait3A_240 = arith.constant 0 : i32
        %dma_wait3A_241 = arith.constant 0 : i32
        %dma_wait3A_242 = tpu.memref_slice %arg4[%dma_wait3A_240, %dma_wait3A_241] : memref<163840x128xf32, #tpu.memory_space<hbm>> -> memref<512x16xf32, #tpu.memory_space<hbm>>
        %dma_wait3A_243 = arith.constant 0 : i32
        %dma_wait3A_244 = arith.constant 0 : i32
        %dma_wait3A_245 = tpu.memref_slice %arg4[%dma_wait3A_243, %dma_wait3A_244] : memref<163840x128xf32, #tpu.memory_space<hbm>> -> memref<512x16xf32, #tpu.memory_space<hbm>>
        tpu.wait_dma2 semaphore(%arg9 : memref<!tpu.dma_semaphore, #tpu.memory_space<semaphore_mem>>) src(%arg6 : memref<512x16xf32, #tpu.memory_space<vmem>>) dst(%dma_wait3A_245 : memref<512x16xf32, #tpu.memory_space<hbm>>)
      } else {
      }
      %mul3A_38 = arith.constant 4 : i32
      %mul3A_39 = arith.muli %add3A_35, %mul3A_38 : i32
      %add3A_40 = arith.constant 0 : i32
      %add3A_41 = arith.addi %mul3A_39, %add3A_40 : i32
      %dma_start3A = arith.constant 0 : i32
      %dma_start3A_42 = arith.constant 0 : i32
      %dma_start3A_43 = tpu.memref_slice %arg6[%dma_start3A, %dma_start3A_42] : memref<512x16xf32, #tpu.memory_space<vmem>> -> memref<128x16xf32, #tpu.memory_space<vmem>>
      %dma_start3A_44 = arith.constant 0 : i32
      %dma_start3A_45 = tpu.memref_slice %arg5[%add3A_41, %dma_start3A_44] : memref<48x128xi32, #tpu.memory_space<vmem>> -> memref<1x128xi32, #tpu.memory_space<vmem>>
      %dma_start3A_46 = tpu.memref_squeeze %dma_start3A_45 : memref<1x128xi32, #tpu.memory_space<vmem>> -> memref<128xi32, #tpu.memory_space<vmem>>
      %dma_start3A_47 = arith.constant 0 : i32
      %dma_start3A_48 = arith.constant 0 : i32
      %dma_start3A_49 = tpu.memref_slice %arg2[%dma_start3A_47, %dma_start3A_48] : memref<10000x16xf32, #tpu.memory_space<hbm>> -> memref<10000x16xf32, #tpu.memory_space<hbm>>
      tpu.enqueue_indirect_dma source(%dma_start3A_49 : memref<10000x16xf32, #tpu.memory_space<hbm>>) target(%dma_start3A_43 : memref<128x16xf32, #tpu.memory_space<vmem>>) offsets(%dma_start3A_46 : memref<128xi32, #tpu.memory_space<vmem>>) semaphore(%arg8 : memref<!tpu.dma_semaphore, #tpu.memory_space<semaphore_mem>>)
      %mul3A_50 = arith.constant 4 : i32
      %mul3A_51 = arith.muli %add3A_35, %mul3A_50 : i32
      %add3A_52 = arith.constant 1 : i32
      %add3A_53 = arith.addi %mul3A_51, %add3A_52 : i32
      %dma_start3A_54 = arith.constant 128 : i32
      %dma_start3A_55 = arith.constant 0 : i32
      %dma_start3A_56 = tpu.memref_slice %arg6[%dma_start3A_54, %dma_start3A_55] : memref<512x16xf32, #tpu.memory_space<vmem>> -> memref<128x16xf32, #tpu.memory_space<vmem>>
      %dma_start3A_57 = arith.constant 0 : i32
      %dma_start3A_58 = tpu.memref_slice %arg5[%add3A_53, %dma_start3A_57] : memref<48x128xi32, #tpu.memory_space<vmem>> -> memref<1x128xi32, #tpu.memory_space<vmem>>
      %dma_start3A_59 = tpu.memref_squeeze %dma_start3A_58 : memref<1x128xi32, #tpu.memory_space<vmem>> -> memref<128xi32, #tpu.memory_space<vmem>>
      %dma_start3A_60 = arith.constant 0 : i32
      %dma_start3A_61 = arith.constant 0 : i32
      %dma_start3A_62 = tpu.memref_slice %arg2[%dma_start3A_60, %dma_start3A_61] : memref<10000x16xf32, #tpu.memory_space<hbm>> -> memref<10000x16xf32, #tpu.memory_space<hbm>>
      tpu.enqueue_indirect_dma source(%dma_start3A_62 : memref<10000x16xf32, #tpu.memory_space<hbm>>) target(%dma_start3A_56 : memref<128x16xf32, #tpu.memory_space<vmem>>) offsets(%dma_start3A_59 : memref<128xi32, #tpu.memory_space<vmem>>) semaphore(%arg8 : memref<!tpu.dma_semaphore, #tpu.memory_space<semaphore_mem>>)
      %mul3A_63 = arith.constant 4 : i32
      %mul3A_64 = arith.muli %add3A_35, %mul3A_63 : i32
      %add3A_65 = arith.constant 2 : i32
      %add3A_66 = arith.addi %mul3A_64, %add3A_65 : i32
      %dma_start3A_67 = arith.constant 256 : i32
      %dma_start3A_68 = arith.constant 0 : i32
      %dma_start3A_69 = tpu.memref_slice %arg6[%dma_start3A_67, %dma_start3A_68] : memref<512x16xf32, #tpu.memory_space<vmem>> -> memref<128x16xf32, #tpu.memory_space<vmem>>
      %dma_start3A_70 = arith.constant 0 : i32
      %dma_start3A_71 = tpu.memref_slice %arg5[%add3A_66, %dma_start3A_70] : memref<48x128xi32, #tpu.memory_space<vmem>> -> memref<1x128xi32, #tpu.memory_space<vmem>>
      %dma_start3A_72 = tpu.memref_squeeze %dma_start3A_71 : memref<1x128xi32, #tpu.memory_space<vmem>> -> memref<128xi32, #tpu.memory_space<vmem>>
      %dma_start3A_73 = arith.constant 0 : i32
      %dma_start3A_74 = arith.constant 0 : i32
      %dma_start3A_75 = tpu.memref_slice %arg2[%dma_start3A_73, %dma_start3A_74] : memref<10000x16xf32, #tpu.memory_space<hbm>> -> memref<10000x16xf32, #tpu.memory_space<hbm>>
      tpu.enqueue_indirect_dma source(%dma_start3A_75 : memref<10000x16xf32, #tpu.memory_space<hbm>>) target(%dma_start3A_69 : memref<128x16xf32, #tpu.memory_space<vmem>>) offsets(%dma_start3A_72 : memref<128xi32, #tpu.memory_space<vmem>>) semaphore(%arg8 : memref<!tpu.dma_semaphore, #tpu.memory_space<semaphore_mem>>)
      %mul3A_76 = arith.constant 4 : i32
      %mul3A_77 = arith.muli %add3A_35, %mul3A_76 : i32
      %add3A_78 = arith.constant 3 : i32
      %add3A_79 = arith.addi %mul3A_77, %add3A_78 : i32
      %dma_start3A_80 = arith.constant 384 : i32
      %dma_start3A_81 = arith.constant 0 : i32
      %dma_start3A_82 = tpu.memref_slice %arg6[%dma_start3A_80, %dma_start3A_81] : memref<512x16xf32, #tpu.memory_space<vmem>> -> memref<128x16xf32, #tpu.memory_space<vmem>>
      %dma_start3A_83 = arith.constant 0 : i32
      %dma_start3A_84 = tpu.memref_slice %arg5[%add3A_79, %dma_start3A_83] : memref<48x128xi32, #tpu.memory_space<vmem>> -> memref<1x128xi32, #tpu.memory_space<vmem>>
      %dma_start3A_85 = tpu.memref_squeeze %dma_start3A_84 : memref<1x128xi32, #tpu.memory_space<vmem>> -> memref<128xi32, #tpu.memory_space<vmem>>
      %dma_start3A_86 = arith.constant 0 : i32
      %dma_start3A_87 = arith.constant 0 : i32
      %dma_start3A_88 = tpu.memref_slice %arg2[%dma_start3A_86, %dma_start3A_87] : memref<10000x16xf32, #tpu.memory_space<hbm>> -> memref<10000x16xf32, #tpu.memory_space<hbm>>
      tpu.enqueue_indirect_dma source(%dma_start3A_88 : memref<10000x16xf32, #tpu.memory_space<hbm>>) target(%dma_start3A_82 : memref<128x16xf32, #tpu.memory_space<vmem>>) offsets(%dma_start3A_85 : memref<128xi32, #tpu.memory_space<vmem>>) semaphore(%arg8 : memref<!tpu.dma_semaphore, #tpu.memory_space<semaphore_mem>>)
      %dma_wait3A_89 = arith.constant 0 : i32
      %dma_wait3A_90 = arith.constant 0 : i32
      %dma_wait3A_91 = tpu.memref_slice %arg6[%dma_wait3A_89, %dma_wait3A_90] : memref<512x16xf32, #tpu.memory_space<vmem>> -> memref<128x16xf32, #tpu.memory_space<vmem>>
      %dma_wait3A_92 = arith.constant 0 : i32
      %dma_wait3A_93 = tpu.memref_slice %arg5[%add3A_41, %dma_wait3A_92] : memref<48x128xi32, #tpu.memory_space<vmem>> -> memref<1x128xi32, #tpu.memory_space<vmem>>
      %dma_wait3A_94 = tpu.memref_squeeze %dma_wait3A_93 : memref<1x128xi32, #tpu.memory_space<vmem>> -> memref<128xi32, #tpu.memory_space<vmem>>
      %dma_wait3A_95 = arith.constant 0 : i32
      %dma_wait3A_96 = arith.constant 0 : i32
      %dma_wait3A_97 = tpu.memref_slice %arg2[%dma_wait3A_95, %dma_wait3A_96] : memref<10000x16xf32, #tpu.memory_space<hbm>> -> memref<10000x16xf32, #tpu.memory_space<hbm>>
      tpu.wait_indirect_dma semaphore(%arg8 : memref<!tpu.dma_semaphore, #tpu.memory_space<semaphore_mem>>) src(%dma_wait3A_97 : memref<10000x16xf32, #tpu.memory_space<hbm>>) dst(%dma_wait3A_91 : memref<128x16xf32, #tpu.memory_space<vmem>>)
      %dma_wait3A_98 = arith.constant 128 : i32
      %dma_wait3A_99 = arith.constant 0 : i32
      %dma_wait3A_100 = tpu.memref_slice %arg6[%dma_wait3A_98, %dma_wait3A_99] : memref<512x16xf32, #tpu.memory_space<vmem>> -> memref<128x16xf32, #tpu.memory_space<vmem>>
      %dma_wait3A_101 = arith.constant 0 : i32
      %dma_wait3A_102 = tpu.memref_slice %arg5[%add3A_53, %dma_wait3A_101] : memref<48x128xi32, #tpu.memory_space<vmem>> -> memref<1x128xi32, #tpu.memory_space<vmem>>
      %dma_wait3A_103 = tpu.memref_squeeze %dma_wait3A_102 : memref<1x128xi32, #tpu.memory_space<vmem>> -> memref<128xi32, #tpu.memory_space<vmem>>
      %dma_wait3A_104 = arith.constant 0 : i32
      %dma_wait3A_105 = arith.constant 0 : i32
      %dma_wait3A_106 = tpu.memref_slice %arg2[%dma_wait3A_104, %dma_wait3A_105] : memref<10000x16xf32, #tpu.memory_space<hbm>> -> memref<10000x16xf32, #tpu.memory_space<hbm>>
      tpu.wait_indirect_dma semaphore(%arg8 : memref<!tpu.dma_semaphore, #tpu.memory_space<semaphore_mem>>) src(%dma_wait3A_106 : memref<10000x16xf32, #tpu.memory_space<hbm>>) dst(%dma_wait3A_100 : memref<128x16xf32, #tpu.memory_space<vmem>>)
      %dma_wait3A_107 = arith.constant 256 : i32
      %dma_wait3A_108 = arith.constant 0 : i32
      %dma_wait3A_109 = tpu.memref_slice %arg6[%dma_wait3A_107, %dma_wait3A_108] : memref<512x16xf32, #tpu.memory_space<vmem>> -> memref<128x16xf32, #tpu.memory_space<vmem>>
      %dma_wait3A_110 = arith.constant 0 : i32
      %dma_wait3A_111 = tpu.memref_slice %arg5[%add3A_66, %dma_wait3A_110] : memref<48x128xi32, #tpu.memory_space<vmem>> -> memref<1x128xi32, #tpu.memory_space<vmem>>
      %dma_wait3A_112 = tpu.memref_squeeze %dma_wait3A_111 : memref<1x128xi32, #tpu.memory_space<vmem>> -> memref<128xi32, #tpu.memory_space<vmem>>
      %dma_wait3A_113 = arith.constant 0 : i32
      %dma_wait3A_114 = arith.constant 0 : i32
      %dma_wait3A_115 = tpu.memref_slice %arg2[%dma_wait3A_113, %dma_wait3A_114] : memref<10000x16xf32, #tpu.memory_space<hbm>> -> memref<10000x16xf32, #tpu.memory_space<hbm>>
      tpu.wait_indirect_dma semaphore(%arg8 : memref<!tpu.dma_semaphore, #tpu.memory_space<semaphore_mem>>) src(%dma_wait3A_115 : memref<10000x16xf32, #tpu.memory_space<hbm>>) dst(%dma_wait3A_109 : memref<128x16xf32, #tpu.memory_space<vmem>>)
      %dma_wait3A_116 = arith.constant 384 : i32
      %dma_wait3A_117 = arith.constant 0 : i32
      %dma_wait3A_118 = tpu.memref_slice %arg6[%dma_wait3A_116, %dma_wait3A_117] : memref<512x16xf32, #tpu.memory_space<vmem>> -> memref<128x16xf32, #tpu.memory_space<vmem>>
      %dma_wait3A_119 = arith.constant 0 : i32
      %dma_wait3A_120 = tpu.memref_slice %arg5[%add3A_79, %dma_wait3A_119] : memref<48x128xi32, #tpu.memory_space<vmem>> -> memref<1x128xi32, #tpu.memory_space<vmem>>
      %dma_wait3A_121 = tpu.memref_squeeze %dma_wait3A_120 : memref<1x128xi32, #tpu.memory_space<vmem>> -> memref<128xi32, #tpu.memory_space<vmem>>
      %dma_wait3A_122 = arith.constant 0 : i32
      %dma_wait3A_123 = arith.constant 0 : i32
      %dma_wait3A_124 = tpu.memref_slice %arg2[%dma_wait3A_122, %dma_wait3A_123] : memref<10000x16xf32, #tpu.memory_space<hbm>> -> memref<10000x16xf32, #tpu.memory_space<hbm>>
      tpu.wait_indirect_dma semaphore(%arg8 : memref<!tpu.dma_semaphore, #tpu.memory_space<semaphore_mem>>) src(%dma_wait3A_124 : memref<10000x16xf32, #tpu.memory_space<hbm>>) dst(%dma_wait3A_118 : memref<128x16xf32, #tpu.memory_space<vmem>>)
      %mul3A_125 = arith.constant 4 : i32
      %mul3A_126 = arith.muli %add3A_35, %mul3A_125 : i32
      %add3A_127 = arith.addi %select_n3A, %mul3A_126 : i32
      %mul3A_128 = arith.constant 128 : i32
      %mul3A_129 = arith.muli %add3A_127, %mul3A_128 : i32
      %dma_start3A_130 = arith.constant 0 : i32
      %dma_start3A_131 = tpu.memref_slice %arg4[%mul3A_129, %dma_start3A_130] : memref<163840x128xf32, #tpu.memory_space<hbm>> -> memref<512x16xf32, #tpu.memory_space<hbm>>
      %dma_start3A_132 = arith.constant 0 : i32
      %dma_start3A_133 = tpu.memref_slice %arg4[%mul3A_129, %dma_start3A_132] : memref<163840x128xf32, #tpu.memory_space<hbm>> -> memref<512x16xf32, #tpu.memory_space<hbm>>
      tpu.enqueue_dma source(%arg6 : memref<512x16xf32, #tpu.memory_space<vmem>>) target(%dma_start3A_133 : memref<512x16xf32, #tpu.memory_space<hbm>>) target_semaphore(%arg9 : memref<!tpu.dma_semaphore, #tpu.memory_space<semaphore_mem>>)
      %mul3A_134 = arith.constant 2 : i32
      %mul3A_135 = arith.muli %while3A_31, %mul3A_134 : i32
      %add3A_136 = arith.constant 1 : i32
      %add3A_137 = arith.addi %mul3A_135, %add3A_136 : i32
      %ge3A_138 = arith.constant 2 : i32
      %ge3A_139 = arith.cmpi sge, %add3A_137, %ge3A_138 : i32
      %convert_element_type3A_140 = arith.extui %ge3A_139 : i1 to i32
      %cond3A_141 = arith.constant 0 : i32
      %cond3A_142 = arith.cmpi ne, %convert_element_type3A_140, %cond3A_141 : i32
      scf.if %cond3A_142 {
        %dma_wait3A_240 = arith.constant 0 : i32
        %dma_wait3A_241 = arith.constant 0 : i32
        %dma_wait3A_242 = tpu.memref_slice %arg4[%dma_wait3A_240, %dma_wait3A_241] : memref<163840x128xf32, #tpu.memory_space<hbm>> -> memref<512x16xf32, #tpu.memory_space<hbm>>
        %dma_wait3A_243 = arith.constant 0 : i32
        %dma_wait3A_244 = arith.constant 0 : i32
        %dma_wait3A_245 = tpu.memref_slice %arg4[%dma_wait3A_243, %dma_wait3A_244] : memref<163840x128xf32, #tpu.memory_space<hbm>> -> memref<512x16xf32, #tpu.memory_space<hbm>>
        tpu.wait_dma2 semaphore(%arg10 : memref<!tpu.dma_semaphore, #tpu.memory_space<semaphore_mem>>) src(%arg7 : memref<512x16xf32, #tpu.memory_space<vmem>>) dst(%dma_wait3A_245 : memref<512x16xf32, #tpu.memory_space<hbm>>)
      } else {
      }
      %mul3A_143 = arith.constant 4 : i32
      %mul3A_144 = arith.muli %add3A_137, %mul3A_143 : i32
      %add3A_145 = arith.constant 0 : i32
      %add3A_146 = arith.addi %mul3A_144, %add3A_145 : i32
      %dma_start3A_147 = arith.constant 0 : i32
      %dma_start3A_148 = arith.constant 0 : i32
      %dma_start3A_149 = tpu.memref_slice %arg7[%dma_start3A_147, %dma_start3A_148] : memref<512x16xf32, #tpu.memory_space<vmem>> -> memref<128x16xf32, #tpu.memory_space<vmem>>
      %dma_start3A_150 = arith.constant 0 : i32
      %dma_start3A_151 = tpu.memref_slice %arg5[%add3A_146, %dma_start3A_150] : memref<48x128xi32, #tpu.memory_space<vmem>> -> memref<1x128xi32, #tpu.memory_space<vmem>>
      %dma_start3A_152 = tpu.memref_squeeze %dma_start3A_151 : memref<1x128xi32, #tpu.memory_space<vmem>> -> memref<128xi32, #tpu.memory_space<vmem>>
      %dma_start3A_153 = arith.constant 0 : i32
      %dma_start3A_154 = arith.constant 0 : i32
      %dma_start3A_155 = tpu.memref_slice %arg2[%dma_start3A_153, %dma_start3A_154] : memref<10000x16xf32, #tpu.memory_space<hbm>> -> memref<10000x16xf32, #tpu.memory_space<hbm>>
      tpu.enqueue_indirect_dma source(%dma_start3A_155 : memref<10000x16xf32, #tpu.memory_space<hbm>>) target(%dma_start3A_149 : memref<128x16xf32, #tpu.memory_space<vmem>>) offsets(%dma_start3A_152 : memref<128xi32, #tpu.memory_space<vmem>>) semaphore(%arg8 : memref<!tpu.dma_semaphore, #tpu.memory_space<semaphore_mem>>)
      %mul3A_156 = arith.constant 4 : i32
      %mul3A_157 = arith.muli %add3A_137, %mul3A_156 : i32
      %add3A_158 = arith.constant 1 : i32
      %add3A_159 = arith.addi %mul3A_157, %add3A_158 : i32
      %dma_start3A_160 = arith.constant 128 : i32
      %dma_start3A_161 = arith.constant 0 : i32
      %dma_start3A_162 = tpu.memref_slice %arg7[%dma_start3A_160, %dma_start3A_161] : memref<512x16xf32, #tpu.memory_space<vmem>> -> memref<128x16xf32, #tpu.memory_space<vmem>>
      %dma_start3A_163 = arith.constant 0 : i32
      %dma_start3A_164 = tpu.memref_slice %arg5[%add3A_159, %dma_start3A_163] : memref<48x128xi32, #tpu.memory_space<vmem>> -> memref<1x128xi32, #tpu.memory_space<vmem>>
      %dma_start3A_165 = tpu.memref_squeeze %dma_start3A_164 : memref<1x128xi32, #tpu.memory_space<vmem>> -> memref<128xi32, #tpu.memory_space<vmem>>
      %dma_start3A_166 = arith.constant 0 : i32
      %dma_start3A_167 = arith.constant 0 : i32
      %dma_start3A_168 = tpu.memref_slice %arg2[%dma_start3A_166, %dma_start3A_167] : memref<10000x16xf32, #tpu.memory_space<hbm>> -> memref<10000x16xf32, #tpu.memory_space<hbm>>
      tpu.enqueue_indirect_dma source(%dma_start3A_168 : memref<10000x16xf32, #tpu.memory_space<hbm>>) target(%dma_start3A_162 : memref<128x16xf32, #tpu.memory_space<vmem>>) offsets(%dma_start3A_165 : memref<128xi32, #tpu.memory_space<vmem>>) semaphore(%arg8 : memref<!tpu.dma_semaphore, #tpu.memory_space<semaphore_mem>>)
      %mul3A_169 = arith.constant 4 : i32
      %mul3A_170 = arith.muli %add3A_137, %mul3A_169 : i32
      %add3A_171 = arith.constant 2 : i32
      %add3A_172 = arith.addi %mul3A_170, %add3A_171 : i32
      %dma_start3A_173 = arith.constant 256 : i32
      %dma_start3A_174 = arith.constant 0 : i32
      %dma_start3A_175 = tpu.memref_slice %arg7[%dma_start3A_173, %dma_start3A_174] : memref<512x16xf32, #tpu.memory_space<vmem>> -> memref<128x16xf32, #tpu.memory_space<vmem>>
      %dma_start3A_176 = arith.constant 0 : i32
      %dma_start3A_177 = tpu.memref_slice %arg5[%add3A_172, %dma_start3A_176] : memref<48x128xi32, #tpu.memory_space<vmem>> -> memref<1x128xi32, #tpu.memory_space<vmem>>
      %dma_start3A_178 = tpu.memref_squeeze %dma_start3A_177 : memref<1x128xi32, #tpu.memory_space<vmem>> -> memref<128xi32, #tpu.memory_space<vmem>>
      %dma_start3A_179 = arith.constant 0 : i32
      %dma_start3A_180 = arith.constant 0 : i32
      %dma_start3A_181 = tpu.memref_slice %arg2[%dma_start3A_179, %dma_start3A_180] : memref<10000x16xf32, #tpu.memory_space<hbm>> -> memref<10000x16xf32, #tpu.memory_space<hbm>>
      tpu.enqueue_indirect_dma source(%dma_start3A_181 : memref<10000x16xf32, #tpu.memory_space<hbm>>) target(%dma_start3A_175 : memref<128x16xf32, #tpu.memory_space<vmem>>) offsets(%dma_start3A_178 : memref<128xi32, #tpu.memory_space<vmem>>) semaphore(%arg8 : memref<!tpu.dma_semaphore, #tpu.memory_space<semaphore_mem>>)
      %mul3A_182 = arith.constant 4 : i32
      %mul3A_183 = arith.muli %add3A_137, %mul3A_182 : i32
      %add3A_184 = arith.constant 3 : i32
      %add3A_185 = arith.addi %mul3A_183, %add3A_184 : i32
      %dma_start3A_186 = arith.constant 384 : i32
      %dma_start3A_187 = arith.constant 0 : i32
      %dma_start3A_188 = tpu.memref_slice %arg7[%dma_start3A_186, %dma_start3A_187] : memref<512x16xf32, #tpu.memory_space<vmem>> -> memref<128x16xf32, #tpu.memory_space<vmem>>
      %dma_start3A_189 = arith.constant 0 : i32
      %dma_start3A_190 = tpu.memref_slice %arg5[%add3A_185, %dma_start3A_189] : memref<48x128xi32, #tpu.memory_space<vmem>> -> memref<1x128xi32, #tpu.memory_space<vmem>>
      %dma_start3A_191 = tpu.memref_squeeze %dma_start3A_190 : memref<1x128xi32, #tpu.memory_space<vmem>> -> memref<128xi32, #tpu.memory_space<vmem>>
      %dma_start3A_192 = arith.constant 0 : i32
      %dma_start3A_193 = arith.constant 0 : i32
      %dma_start3A_194 = tpu.memref_slice %arg2[%dma_start3A_192, %dma_start3A_193] : memref<10000x16xf32, #tpu.memory_space<hbm>> -> memref<10000x16xf32, #tpu.memory_space<hbm>>
      tpu.enqueue_indirect_dma source(%dma_start3A_194 : memref<10000x16xf32, #tpu.memory_space<hbm>>) target(%dma_start3A_188 : memref<128x16xf32, #tpu.memory_space<vmem>>) offsets(%dma_start3A_191 : memref<128xi32, #tpu.memory_space<vmem>>) semaphore(%arg8 : memref<!tpu.dma_semaphore, #tpu.memory_space<semaphore_mem>>)
      %dma_wait3A_195 = arith.constant 0 : i32
      %dma_wait3A_196 = arith.constant 0 : i32
      %dma_wait3A_197 = tpu.memref_slice %arg7[%dma_wait3A_195, %dma_wait3A_196] : memref<512x16xf32, #tpu.memory_space<vmem>> -> memref<128x16xf32, #tpu.memory_space<vmem>>
      %dma_wait3A_198 = arith.constant 0 : i32
      %dma_wait3A_199 = tpu.memref_slice %arg5[%add3A_146, %dma_wait3A_198] : memref<48x128xi32, #tpu.memory_space<vmem>> -> memref<1x128xi32, #tpu.memory_space<vmem>>
      %dma_wait3A_200 = tpu.memref_squeeze %dma_wait3A_199 : memref<1x128xi32, #tpu.memory_space<vmem>> -> memref<128xi32, #tpu.memory_space<vmem>>
      %dma_wait3A_201 = arith.constant 0 : i32
      %dma_wait3A_202 = arith.constant 0 : i32
      %dma_wait3A_203 = tpu.memref_slice %arg2[%dma_wait3A_201, %dma_wait3A_202] : memref<10000x16xf32, #tpu.memory_space<hbm>> -> memref<10000x16xf32, #tpu.memory_space<hbm>>
      tpu.wait_indirect_dma semaphore(%arg8 : memref<!tpu.dma_semaphore, #tpu.memory_space<semaphore_mem>>) src(%dma_wait3A_203 : memref<10000x16xf32, #tpu.memory_space<hbm>>) dst(%dma_wait3A_197 : memref<128x16xf32, #tpu.memory_space<vmem>>)
      %dma_wait3A_204 = arith.constant 128 : i32
      %dma_wait3A_205 = arith.constant 0 : i32
      %dma_wait3A_206 = tpu.memref_slice %arg7[%dma_wait3A_204, %dma_wait3A_205] : memref<512x16xf32, #tpu.memory_space<vmem>> -> memref<128x16xf32, #tpu.memory_space<vmem>>
      %dma_wait3A_207 = arith.constant 0 : i32
      %dma_wait3A_208 = tpu.memref_slice %arg5[%add3A_159, %dma_wait3A_207] : memref<48x128xi32, #tpu.memory_space<vmem>> -> memref<1x128xi32, #tpu.memory_space<vmem>>
      %dma_wait3A_209 = tpu.memref_squeeze %dma_wait3A_208 : memref<1x128xi32, #tpu.memory_space<vmem>> -> memref<128xi32, #tpu.memory_space<vmem>>
      %dma_wait3A_210 = arith.constant 0 : i32
      %dma_wait3A_211 = arith.constant 0 : i32
      %dma_wait3A_212 = tpu.memref_slice %arg2[%dma_wait3A_210, %dma_wait3A_211] : memref<10000x16xf32, #tpu.memory_space<hbm>> -> memref<10000x16xf32, #tpu.memory_space<hbm>>
      tpu.wait_indirect_dma semaphore(%arg8 : memref<!tpu.dma_semaphore, #tpu.memory_space<semaphore_mem>>) src(%dma_wait3A_212 : memref<10000x16xf32, #tpu.memory_space<hbm>>) dst(%dma_wait3A_206 : memref<128x16xf32, #tpu.memory_space<vmem>>)
      %dma_wait3A_213 = arith.constant 256 : i32
      %dma_wait3A_214 = arith.constant 0 : i32
      %dma_wait3A_215 = tpu.memref_slice %arg7[%dma_wait3A_213, %dma_wait3A_214] : memref<512x16xf32, #tpu.memory_space<vmem>> -> memref<128x16xf32, #tpu.memory_space<vmem>>
      %dma_wait3A_216 = arith.constant 0 : i32
      %dma_wait3A_217 = tpu.memref_slice %arg5[%add3A_172, %dma_wait3A_216] : memref<48x128xi32, #tpu.memory_space<vmem>> -> memref<1x128xi32, #tpu.memory_space<vmem>>
      %dma_wait3A_218 = tpu.memref_squeeze %dma_wait3A_217 : memref<1x128xi32, #tpu.memory_space<vmem>> -> memref<128xi32, #tpu.memory_space<vmem>>
      %dma_wait3A_219 = arith.constant 0 : i32
      %dma_wait3A_220 = arith.constant 0 : i32
      %dma_wait3A_221 = tpu.memref_slice %arg2[%dma_wait3A_219, %dma_wait3A_220] : memref<10000x16xf32, #tpu.memory_space<hbm>> -> memref<10000x16xf32, #tpu.memory_space<hbm>>
      tpu.wait_indirect_dma semaphore(%arg8 : memref<!tpu.dma_semaphore, #tpu.memory_space<semaphore_mem>>) src(%dma_wait3A_221 : memref<10000x16xf32, #tpu.memory_space<hbm>>) dst(%dma_wait3A_215 : memref<128x16xf32, #tpu.memory_space<vmem>>)
      %dma_wait3A_222 = arith.constant 384 : i32
      %dma_wait3A_223 = arith.constant 0 : i32
      %dma_wait3A_224 = tpu.memref_slice %arg7[%dma_wait3A_222, %dma_wait3A_223] : memref<512x16xf32, #tpu.memory_space<vmem>> -> memref<128x16xf32, #tpu.memory_space<vmem>>
      %dma_wait3A_225 = arith.constant 0 : i32
      %dma_wait3A_226 = tpu.memref_slice %arg5[%add3A_185, %dma_wait3A_225] : memref<48x128xi32, #tpu.memory_space<vmem>> -> memref<1x128xi32, #tpu.memory_space<vmem>>
      %dma_wait3A_227 = tpu.memref_squeeze %dma_wait3A_226 : memref<1x128xi32, #tpu.memory_space<vmem>> -> memref<128xi32, #tpu.memory_space<vmem>>
      %dma_wait3A_228 = arith.constant 0 : i32
      %dma_wait3A_229 = arith.constant 0 : i32
      %dma_wait3A_230 = tpu.memref_slice %arg2[%dma_wait3A_228, %dma_wait3A_229] : memref<10000x16xf32, #tpu.memory_space<hbm>> -> memref<10000x16xf32, #tpu.memory_space<hbm>>
      tpu.wait_indirect_dma semaphore(%arg8 : memref<!tpu.dma_semaphore, #tpu.memory_space<semaphore_mem>>) src(%dma_wait3A_230 : memref<10000x16xf32, #tpu.memory_space<hbm>>) dst(%dma_wait3A_224 : memref<128x16xf32, #tpu.memory_space<vmem>>)
      %mul3A_231 = arith.constant 4 : i32
      %mul3A_232 = arith.muli %add3A_137, %mul3A_231 : i32
      %add3A_233 = arith.addi %select_n3A, %mul3A_232 : i32
      %mul3A_234 = arith.constant 128 : i32
      %mul3A_235 = arith.muli %add3A_233, %mul3A_234 : i32
      %dma_start3A_236 = arith.constant 0 : i32
      %dma_start3A_237 = tpu.memref_slice %arg4[%mul3A_235, %dma_start3A_236] : memref<163840x128xf32, #tpu.memory_space<hbm>> -> memref<512x16xf32, #tpu.memory_space<hbm>>
      %dma_start3A_238 = arith.constant 0 : i32
      %dma_start3A_239 = tpu.memref_slice %arg4[%mul3A_235, %dma_start3A_238] : memref<163840x128xf32, #tpu.memory_space<hbm>> -> memref<512x16xf32, #tpu.memory_space<hbm>>
      tpu.enqueue_dma source(%arg7 : memref<512x16xf32, #tpu.memory_space<vmem>>) target(%dma_start3A_239 : memref<512x16xf32, #tpu.memory_space<hbm>>) target_semaphore(%arg10 : memref<!tpu.dma_semaphore, #tpu.memory_space<semaphore_mem>>)
    }
    %dma_wait3A = arith.constant 0 : i32
    %dma_wait3A_20 = arith.constant 0 : i32
    %dma_wait3A_21 = tpu.memref_slice %arg4[%dma_wait3A, %dma_wait3A_20] : memref<163840x128xf32, #tpu.memory_space<hbm>> -> memref<512x16xf32, #tpu.memory_space<hbm>>
    %dma_wait3A_22 = arith.constant 0 : i32
    %dma_wait3A_23 = arith.constant 0 : i32
    %dma_wait3A_24 = tpu.memref_slice %arg4[%dma_wait3A_22, %dma_wait3A_23] : memref<163840x128xf32, #tpu.memory_space<hbm>> -> memref<512x16xf32, #tpu.memory_space<hbm>>
    tpu.wait_dma2 semaphore(%arg9 : memref<!tpu.dma_semaphore, #tpu.memory_space<semaphore_mem>>) src(%arg6 : memref<512x16xf32, #tpu.memory_space<vmem>>) dst(%dma_wait3A_24 : memref<512x16xf32, #tpu.memory_space<hbm>>)
    %dma_wait3A_25 = arith.constant 0 : i32
    %dma_wait3A_26 = arith.constant 0 : i32
    %dma_wait3A_27 = tpu.memref_slice %arg4[%dma_wait3A_25, %dma_wait3A_26] : memref<163840x128xf32, #tpu.memory_space<hbm>> -> memref<512x16xf32, #tpu.memory_space<hbm>>
    %dma_wait3A_28 = arith.constant 0 : i32
    %dma_wait3A_29 = arith.constant 0 : i32
    %dma_wait3A_30 = tpu.memref_slice %arg4[%dma_wait3A_28, %dma_wait3A_29] : memref<163840x128xf32, #tpu.memory_space<hbm>> -> memref<512x16xf32, #tpu.memory_space<hbm>>
    tpu.wait_dma2 semaphore(%arg10 : memref<!tpu.dma_semaphore, #tpu.memory_space<semaphore_mem>>) src(%arg7 : memref<512x16xf32, #tpu.memory_space<vmem>>) dst(%dma_wait3A_30 : memref<512x16xf32, #tpu.memory_space<hbm>>)
    return
  }
}

#map = affine_map<(d0, d1) -> (0, 0)>
module attributes {stable_mosaic.version = 14 : i64} {
  func.func @_gather_body(%arg0: i32, %arg1: i32, %arg2: memref<10000x16xf32, #tpu.memory_space<hbm>>, %arg3: memref<2624x128xi32, #tpu.memory_space<hbm>>, %arg4: memref<163840x128xf32, #tpu.memory_space<hbm>>, %arg5: memref<48x128xi32, #tpu.memory_space<vmem>>, %arg6: memref<512x16xf32, #tpu.memory_space<vmem>>, %arg7: memref<512x16xf32, #tpu.memory_space<vmem>>, %arg8: memref<!tpu.dma_semaphore, #tpu.memory_space<semaphore_mem>>, %arg9: memref<!tpu.dma_semaphore, #tpu.memory_space<semaphore_mem>>, %arg10: memref<!tpu.dma_semaphore, #tpu.memory_space<semaphore_mem>>) attributes {dimension_semantics = [#tpu.dimension_semantics<core_parallel>, #tpu.dimension_semantics<subcore_parallel>], iteration_bounds = array<i64: 2, 16>, scalar_prefetch = 0 : i64, scratch_operands = 6 : i64, tpu.core_type = #tpu.core_type<sc_vector_subcore>, window_params = [{transform_indices = #map}, {transform_indices = #map}, {transform_indices = #map}]} {
    %eq3A = arith.constant 0 : i32
    %eq3A_0 = arith.cmpi eq, %arg0, %eq3A : i32
    %mul3A = arith.constant 48 : i32
    %mul3A_1 = arith.muli %arg1, %mul3A : i32
    %mul3A_2 = arith.constant 32 : i32
    %mul3A_3 = arith.muli %arg1, %mul3A_2 : i32
    %add3A = arith.constant 768 : i32
    %add3A_4 = arith.addi %add3A, %mul3A_3 : i32
    %select_n3A = arith.select %eq3A_0, %mul3A_1, %add3A_4 : i32
    %eq3A_5 = arith.constant 0 : i32
    %eq3A_6 = arith.cmpi eq, %arg0, %eq3A_5 : i32
    %jit3A = arith.constant 6 : i32
    %jit3A_7 = arith.constant 4 : i32
    %select_n3A_8 = arith.select %eq3A_6, %jit3A, %jit3A_7 : i32
    %add3A_9 = arith.constant 1280 : i32
    %add3A_10 = arith.addi %add3A_9, %select_n3A : i32
    "tpu.region"() ({
      %run_scoped3A = tpu.sem_alloc : memref<!tpu.dma_semaphore, #tpu.memory_space<semaphore_mem>>
      %dma_start3A = arith.constant 0 : i32
      %dma_start3A_31 = tpu.memref_slice %arg3[%add3A_10, %dma_start3A] : memref<2624x128xi32, #tpu.memory_space<hbm>> -> memref<48x128xi32, #tpu.memory_space<hbm>>
      %dma_start3A_32 = arith.constant 0 : i32
      %dma_start3A_33 = tpu.memref_slice %arg3[%add3A_10, %dma_start3A_32] : memref<2624x128xi32, #tpu.memory_space<hbm>> -> memref<48x128xi32, #tpu.memory_space<hbm>>
      tpu.enqueue_dma source(%dma_start3A_33 : memref<48x128xi32, #tpu.memory_space<hbm>>) target(%arg5 : memref<48x128xi32, #tpu.memory_space<vmem>>) target_semaphore(%run_scoped3A : memref<!tpu.dma_semaphore, #tpu.memory_space<semaphore_mem>>)
      %dma_wait3A_34 = arith.constant 0 : i32
      %dma_wait3A_35 = tpu.memref_slice %arg3[%add3A_10, %dma_wait3A_34] : memref<2624x128xi32, #tpu.memory_space<hbm>> -> memref<48x128xi32, #tpu.memory_space<hbm>>
      %dma_wait3A_36 = arith.constant 0 : i32
      %dma_wait3A_37 = tpu.memref_slice %arg3[%add3A_10, %dma_wait3A_36] : memref<2624x128xi32, #tpu.memory_space<hbm>> -> memref<48x128xi32, #tpu.memory_space<hbm>>
      tpu.wait_dma2 semaphore(%run_scoped3A : memref<!tpu.dma_semaphore, #tpu.memory_space<semaphore_mem>>) src(%dma_wait3A_37 : memref<48x128xi32, #tpu.memory_space<hbm>>) dst(%arg5 : memref<48x128xi32, #tpu.memory_space<vmem>>)
      tpu.yield
    }) : () -> ()
    %while3A = arith.constant 0 : i32
    %while3A_11 = arith.constant 0 : i32
    %while3A_12 = arith.subi %select_n3A_8, %while3A_11 : i32
    %while3A_13 = arith.addi %while3A_11, %while3A_12 : i32
    %while3A_14 = arith.constant 1 : i32
    %while3A_15 = arith.divsi %while3A_12, %while3A_14 : i32
    %while3A_16 = arith.muli %while3A_15, %while3A_14 : i32
    %while3A_17 = arith.addi %while3A_11, %while3A_16 : i32
    %while3A_18 = arith.constant 1 : i32
    scf.for %while3A_31 = %while3A_11 to %while3A_17 step %while3A_18  : i32 {
      %mul3A_32 = arith.constant 2 : i32
      %mul3A_33 = arith.muli %while3A_31, %mul3A_32 : i32
      %add3A_34 = arith.constant 0 : i32
      %add3A_35 = arith.addi %mul3A_33, %add3A_34 : i32
      %ge3A = arith.constant 2 : i32
      %ge3A_36 = arith.cmpi sge, %add3A_35, %ge3A : i32
      %convert_element_type3A = arith.extui %ge3A_36 : i1 to i32
      %cond3A = arith.constant 0 : i32
      %cond3A_37 = arith.cmpi ne, %convert_element_type3A, %cond3A : i32
      scf.if %cond3A_37 {
        %dma_wait3A_240 = arith.constant 0 : i32
        %dma_wait3A_241 = arith.constant 0 : i32
        %dma_wait3A_242 = tpu.memref_slice %arg4[%dma_wait3A_240, %dma_wait3A_241] : memref<163840x128xf32, #tpu.memory_space<hbm>> -> memref<512x16xf32, #tpu.memory_space<hbm>>
        %dma_wait3A_243 = arith.constant 0 : i32
        %dma_wait3A_244 = arith.constant 0 : i32
        %dma_wait3A_245 = tpu.memref_slice %arg4[%dma_wait3A_243, %dma_wait3A_244] : memref<163840x128xf32, #tpu.memory_space<hbm>> -> memref<512x16xf32, #tpu.memory_space<hbm>>
        tpu.wait_dma2 semaphore(%arg9 : memref<!tpu.dma_semaphore, #tpu.memory_space<semaphore_mem>>) src(%arg6 : memref<512x16xf32, #tpu.memory_space<vmem>>) dst(%dma_wait3A_245 : memref<512x16xf32, #tpu.memory_space<hbm>>)
      } else {
      }
      %mul3A_38 = arith.constant 4 : i32
      %mul3A_39 = arith.muli %add3A_35, %mul3A_38 : i32
      %add3A_40 = arith.constant 0 : i32
      %add3A_41 = arith.addi %mul3A_39, %add3A_40 : i32
      %dma_start3A = arith.constant 0 : i32
      %dma_start3A_42 = arith.constant 0 : i32
      %dma_start3A_43 = tpu.memref_slice %arg6[%dma_start3A, %dma_start3A_42] : memref<512x16xf32, #tpu.memory_space<vmem>> -> memref<128x16xf32, #tpu.memory_space<vmem>>
      %dma_start3A_44 = arith.constant 0 : i32
      %dma_start3A_45 = tpu.memref_slice %arg5[%add3A_41, %dma_start3A_44] : memref<48x128xi32, #tpu.memory_space<vmem>> -> memref<1x128xi32, #tpu.memory_space<vmem>>
      %dma_start3A_46 = tpu.memref_squeeze %dma_start3A_45 : memref<1x128xi32, #tpu.memory_space<vmem>> -> memref<128xi32, #tpu.memory_space<vmem>>
      %dma_start3A_47 = arith.constant 0 : i32
      %dma_start3A_48 = arith.constant 0 : i32
      %dma_start3A_49 = tpu.memref_slice %arg2[%dma_start3A_47, %dma_start3A_48] : memref<10000x16xf32, #tpu.memory_space<hbm>> -> memref<10000x16xf32, #tpu.memory_space<hbm>>
      tpu.enqueue_indirect_dma source(%dma_start3A_49 : memref<10000x16xf32, #tpu.memory_space<hbm>>) target(%dma_start3A_43 : memref<128x16xf32, #tpu.memory_space<vmem>>) offsets(%dma_start3A_46 : memref<128xi32, #tpu.memory_space<vmem>>) semaphore(%arg8 : memref<!tpu.dma_semaphore, #tpu.memory_space<semaphore_mem>>)
      %mul3A_50 = arith.constant 4 : i32
      %mul3A_51 = arith.muli %add3A_35, %mul3A_50 : i32
      %add3A_52 = arith.constant 1 : i32
      %add3A_53 = arith.addi %mul3A_51, %add3A_52 : i32
      %dma_start3A_54 = arith.constant 128 : i32
      %dma_start3A_55 = arith.constant 0 : i32
      %dma_start3A_56 = tpu.memref_slice %arg6[%dma_start3A_54, %dma_start3A_55] : memref<512x16xf32, #tpu.memory_space<vmem>> -> memref<128x16xf32, #tpu.memory_space<vmem>>
      %dma_start3A_57 = arith.constant 0 : i32
      %dma_start3A_58 = tpu.memref_slice %arg5[%add3A_53, %dma_start3A_57] : memref<48x128xi32, #tpu.memory_space<vmem>> -> memref<1x128xi32, #tpu.memory_space<vmem>>
      %dma_start3A_59 = tpu.memref_squeeze %dma_start3A_58 : memref<1x128xi32, #tpu.memory_space<vmem>> -> memref<128xi32, #tpu.memory_space<vmem>>
      %dma_start3A_60 = arith.constant 0 : i32
      %dma_start3A_61 = arith.constant 0 : i32
      %dma_start3A_62 = tpu.memref_slice %arg2[%dma_start3A_60, %dma_start3A_61] : memref<10000x16xf32, #tpu.memory_space<hbm>> -> memref<10000x16xf32, #tpu.memory_space<hbm>>
      tpu.enqueue_indirect_dma source(%dma_start3A_62 : memref<10000x16xf32, #tpu.memory_space<hbm>>) target(%dma_start3A_56 : memref<128x16xf32, #tpu.memory_space<vmem>>) offsets(%dma_start3A_59 : memref<128xi32, #tpu.memory_space<vmem>>) semaphore(%arg8 : memref<!tpu.dma_semaphore, #tpu.memory_space<semaphore_mem>>)
      %mul3A_63 = arith.constant 4 : i32
      %mul3A_64 = arith.muli %add3A_35, %mul3A_63 : i32
      %add3A_65 = arith.constant 2 : i32
      %add3A_66 = arith.addi %mul3A_64, %add3A_65 : i32
      %dma_start3A_67 = arith.constant 256 : i32
      %dma_start3A_68 = arith.constant 0 : i32
      %dma_start3A_69 = tpu.memref_slice %arg6[%dma_start3A_67, %dma_start3A_68] : memref<512x16xf32, #tpu.memory_space<vmem>> -> memref<128x16xf32, #tpu.memory_space<vmem>>
      %dma_start3A_70 = arith.constant 0 : i32
      %dma_start3A_71 = tpu.memref_slice %arg5[%add3A_66, %dma_start3A_70] : memref<48x128xi32, #tpu.memory_space<vmem>> -> memref<1x128xi32, #tpu.memory_space<vmem>>
      %dma_start3A_72 = tpu.memref_squeeze %dma_start3A_71 : memref<1x128xi32, #tpu.memory_space<vmem>> -> memref<128xi32, #tpu.memory_space<vmem>>
      %dma_start3A_73 = arith.constant 0 : i32
      %dma_start3A_74 = arith.constant 0 : i32
      %dma_start3A_75 = tpu.memref_slice %arg2[%dma_start3A_73, %dma_start3A_74] : memref<10000x16xf32, #tpu.memory_space<hbm>> -> memref<10000x16xf32, #tpu.memory_space<hbm>>
      tpu.enqueue_indirect_dma source(%dma_start3A_75 : memref<10000x16xf32, #tpu.memory_space<hbm>>) target(%dma_start3A_69 : memref<128x16xf32, #tpu.memory_space<vmem>>) offsets(%dma_start3A_72 : memref<128xi32, #tpu.memory_space<vmem>>) semaphore(%arg8 : memref<!tpu.dma_semaphore, #tpu.memory_space<semaphore_mem>>)
      %mul3A_76 = arith.constant 4 : i32
      %mul3A_77 = arith.muli %add3A_35, %mul3A_76 : i32
      %add3A_78 = arith.constant 3 : i32
      %add3A_79 = arith.addi %mul3A_77, %add3A_78 : i32
      %dma_start3A_80 = arith.constant 384 : i32
      %dma_start3A_81 = arith.constant 0 : i32
      %dma_start3A_82 = tpu.memref_slice %arg6[%dma_start3A_80, %dma_start3A_81] : memref<512x16xf32, #tpu.memory_space<vmem>> -> memref<128x16xf32, #tpu.memory_space<vmem>>
      %dma_start3A_83 = arith.constant 0 : i32
      %dma_start3A_84 = tpu.memref_slice %arg5[%add3A_79, %dma_start3A_83] : memref<48x128xi32, #tpu.memory_space<vmem>> -> memref<1x128xi32, #tpu.memory_space<vmem>>
      %dma_start3A_85 = tpu.memref_squeeze %dma_start3A_84 : memref<1x128xi32, #tpu.memory_space<vmem>> -> memref<128xi32, #tpu.memory_space<vmem>>
      %dma_start3A_86 = arith.constant 0 : i32
      %dma_start3A_87 = arith.constant 0 : i32
      %dma_start3A_88 = tpu.memref_slice %arg2[%dma_start3A_86, %dma_start3A_87] : memref<10000x16xf32, #tpu.memory_space<hbm>> -> memref<10000x16xf32, #tpu.memory_space<hbm>>
      tpu.enqueue_indirect_dma source(%dma_start3A_88 : memref<10000x16xf32, #tpu.memory_space<hbm>>) target(%dma_start3A_82 : memref<128x16xf32, #tpu.memory_space<vmem>>) offsets(%dma_start3A_85 : memref<128xi32, #tpu.memory_space<vmem>>) semaphore(%arg8 : memref<!tpu.dma_semaphore, #tpu.memory_space<semaphore_mem>>)
      %dma_wait3A_89 = arith.constant 0 : i32
      %dma_wait3A_90 = arith.constant 0 : i32
      %dma_wait3A_91 = tpu.memref_slice %arg6[%dma_wait3A_89, %dma_wait3A_90] : memref<512x16xf32, #tpu.memory_space<vmem>> -> memref<128x16xf32, #tpu.memory_space<vmem>>
      %dma_wait3A_92 = arith.constant 0 : i32
      %dma_wait3A_93 = tpu.memref_slice %arg5[%add3A_41, %dma_wait3A_92] : memref<48x128xi32, #tpu.memory_space<vmem>> -> memref<1x128xi32, #tpu.memory_space<vmem>>
      %dma_wait3A_94 = tpu.memref_squeeze %dma_wait3A_93 : memref<1x128xi32, #tpu.memory_space<vmem>> -> memref<128xi32, #tpu.memory_space<vmem>>
      %dma_wait3A_95 = arith.constant 0 : i32
      %dma_wait3A_96 = arith.constant 0 : i32
      %dma_wait3A_97 = tpu.memref_slice %arg2[%dma_wait3A_95, %dma_wait3A_96] : memref<10000x16xf32, #tpu.memory_space<hbm>> -> memref<10000x16xf32, #tpu.memory_space<hbm>>
      tpu.wait_indirect_dma semaphore(%arg8 : memref<!tpu.dma_semaphore, #tpu.memory_space<semaphore_mem>>) src(%dma_wait3A_97 : memref<10000x16xf32, #tpu.memory_space<hbm>>) dst(%dma_wait3A_91 : memref<128x16xf32, #tpu.memory_space<vmem>>)
      %dma_wait3A_98 = arith.constant 128 : i32
      %dma_wait3A_99 = arith.constant 0 : i32
      %dma_wait3A_100 = tpu.memref_slice %arg6[%dma_wait3A_98, %dma_wait3A_99] : memref<512x16xf32, #tpu.memory_space<vmem>> -> memref<128x16xf32, #tpu.memory_space<vmem>>
      %dma_wait3A_101 = arith.constant 0 : i32
      %dma_wait3A_102 = tpu.memref_slice %arg5[%add3A_53, %dma_wait3A_101] : memref<48x128xi32, #tpu.memory_space<vmem>> -> memref<1x128xi32, #tpu.memory_space<vmem>>
      %dma_wait3A_103 = tpu.memref_squeeze %dma_wait3A_102 : memref<1x128xi32, #tpu.memory_space<vmem>> -> memref<128xi32, #tpu.memory_space<vmem>>
      %dma_wait3A_104 = arith.constant 0 : i32
      %dma_wait3A_105 = arith.constant 0 : i32
      %dma_wait3A_106 = tpu.memref_slice %arg2[%dma_wait3A_104, %dma_wait3A_105] : memref<10000x16xf32, #tpu.memory_space<hbm>> -> memref<10000x16xf32, #tpu.memory_space<hbm>>
      tpu.wait_indirect_dma semaphore(%arg8 : memref<!tpu.dma_semaphore, #tpu.memory_space<semaphore_mem>>) src(%dma_wait3A_106 : memref<10000x16xf32, #tpu.memory_space<hbm>>) dst(%dma_wait3A_100 : memref<128x16xf32, #tpu.memory_space<vmem>>)
      %dma_wait3A_107 = arith.constant 256 : i32
      %dma_wait3A_108 = arith.constant 0 : i32
      %dma_wait3A_109 = tpu.memref_slice %arg6[%dma_wait3A_107, %dma_wait3A_108] : memref<512x16xf32, #tpu.memory_space<vmem>> -> memref<128x16xf32, #tpu.memory_space<vmem>>
      %dma_wait3A_110 = arith.constant 0 : i32
      %dma_wait3A_111 = tpu.memref_slice %arg5[%add3A_66, %dma_wait3A_110] : memref<48x128xi32, #tpu.memory_space<vmem>> -> memref<1x128xi32, #tpu.memory_space<vmem>>
      %dma_wait3A_112 = tpu.memref_squeeze %dma_wait3A_111 : memref<1x128xi32, #tpu.memory_space<vmem>> -> memref<128xi32, #tpu.memory_space<vmem>>
      %dma_wait3A_113 = arith.constant 0 : i32
      %dma_wait3A_114 = arith.constant 0 : i32
      %dma_wait3A_115 = tpu.memref_slice %arg2[%dma_wait3A_113, %dma_wait3A_114] : memref<10000x16xf32, #tpu.memory_space<hbm>> -> memref<10000x16xf32, #tpu.memory_space<hbm>>
      tpu.wait_indirect_dma semaphore(%arg8 : memref<!tpu.dma_semaphore, #tpu.memory_space<semaphore_mem>>) src(%dma_wait3A_115 : memref<10000x16xf32, #tpu.memory_space<hbm>>) dst(%dma_wait3A_109 : memref<128x16xf32, #tpu.memory_space<vmem>>)
      %dma_wait3A_116 = arith.constant 384 : i32
      %dma_wait3A_117 = arith.constant 0 : i32
      %dma_wait3A_118 = tpu.memref_slice %arg6[%dma_wait3A_116, %dma_wait3A_117] : memref<512x16xf32, #tpu.memory_space<vmem>> -> memref<128x16xf32, #tpu.memory_space<vmem>>
      %dma_wait3A_119 = arith.constant 0 : i32
      %dma_wait3A_120 = tpu.memref_slice %arg5[%add3A_79, %dma_wait3A_119] : memref<48x128xi32, #tpu.memory_space<vmem>> -> memref<1x128xi32, #tpu.memory_space<vmem>>
      %dma_wait3A_121 = tpu.memref_squeeze %dma_wait3A_120 : memref<1x128xi32, #tpu.memory_space<vmem>> -> memref<128xi32, #tpu.memory_space<vmem>>
      %dma_wait3A_122 = arith.constant 0 : i32
      %dma_wait3A_123 = arith.constant 0 : i32
      %dma_wait3A_124 = tpu.memref_slice %arg2[%dma_wait3A_122, %dma_wait3A_123] : memref<10000x16xf32, #tpu.memory_space<hbm>> -> memref<10000x16xf32, #tpu.memory_space<hbm>>
      tpu.wait_indirect_dma semaphore(%arg8 : memref<!tpu.dma_semaphore, #tpu.memory_space<semaphore_mem>>) src(%dma_wait3A_124 : memref<10000x16xf32, #tpu.memory_space<hbm>>) dst(%dma_wait3A_118 : memref<128x16xf32, #tpu.memory_space<vmem>>)
      %mul3A_125 = arith.constant 4 : i32
      %mul3A_126 = arith.muli %add3A_35, %mul3A_125 : i32
      %add3A_127 = arith.addi %select_n3A, %mul3A_126 : i32
      %mul3A_128 = arith.constant 128 : i32
      %mul3A_129 = arith.muli %add3A_127, %mul3A_128 : i32
      %dma_start3A_130 = arith.constant 0 : i32
      %dma_start3A_131 = tpu.memref_slice %arg4[%mul3A_129, %dma_start3A_130] : memref<163840x128xf32, #tpu.memory_space<hbm>> -> memref<512x16xf32, #tpu.memory_space<hbm>>
      %dma_start3A_132 = arith.constant 0 : i32
      %dma_start3A_133 = tpu.memref_slice %arg4[%mul3A_129, %dma_start3A_132] : memref<163840x128xf32, #tpu.memory_space<hbm>> -> memref<512x16xf32, #tpu.memory_space<hbm>>
      tpu.enqueue_dma source(%arg6 : memref<512x16xf32, #tpu.memory_space<vmem>>) target(%dma_start3A_133 : memref<512x16xf32, #tpu.memory_space<hbm>>) target_semaphore(%arg9 : memref<!tpu.dma_semaphore, #tpu.memory_space<semaphore_mem>>)
      %mul3A_134 = arith.constant 2 : i32
      %mul3A_135 = arith.muli %while3A_31, %mul3A_134 : i32
      %add3A_136 = arith.constant 1 : i32
      %add3A_137 = arith.addi %mul3A_135, %add3A_136 : i32
      %ge3A_138 = arith.constant 2 : i32
      %ge3A_139 = arith.cmpi sge, %add3A_137, %ge3A_138 : i32
      %convert_element_type3A_140 = arith.extui %ge3A_139 : i1 to i32
      %cond3A_141 = arith.constant 0 : i32
      %cond3A_142 = arith.cmpi ne, %convert_element_type3A_140, %cond3A_141 : i32
      scf.if %cond3A_142 {
        %dma_wait3A_240 = arith.constant 0 : i32
        %dma_wait3A_241 = arith.constant 0 : i32
        %dma_wait3A_242 = tpu.memref_slice %arg4[%dma_wait3A_240, %dma_wait3A_241] : memref<163840x128xf32, #tpu.memory_space<hbm>> -> memref<512x16xf32, #tpu.memory_space<hbm>>
        %dma_wait3A_243 = arith.constant 0 : i32
        %dma_wait3A_244 = arith.constant 0 : i32
        %dma_wait3A_245 = tpu.memref_slice %arg4[%dma_wait3A_243, %dma_wait3A_244] : memref<163840x128xf32, #tpu.memory_space<hbm>> -> memref<512x16xf32, #tpu.memory_space<hbm>>
        tpu.wait_dma2 semaphore(%arg10 : memref<!tpu.dma_semaphore, #tpu.memory_space<semaphore_mem>>) src(%arg7 : memref<512x16xf32, #tpu.memory_space<vmem>>) dst(%dma_wait3A_245 : memref<512x16xf32, #tpu.memory_space<hbm>>)
      } else {
      }
      %mul3A_143 = arith.constant 4 : i32
      %mul3A_144 = arith.muli %add3A_137, %mul3A_143 : i32
      %add3A_145 = arith.constant 0 : i32
      %add3A_146 = arith.addi %mul3A_144, %add3A_145 : i32
      %dma_start3A_147 = arith.constant 0 : i32
      %dma_start3A_148 = arith.constant 0 : i32
      %dma_start3A_149 = tpu.memref_slice %arg7[%dma_start3A_147, %dma_start3A_148] : memref<512x16xf32, #tpu.memory_space<vmem>> -> memref<128x16xf32, #tpu.memory_space<vmem>>
      %dma_start3A_150 = arith.constant 0 : i32
      %dma_start3A_151 = tpu.memref_slice %arg5[%add3A_146, %dma_start3A_150] : memref<48x128xi32, #tpu.memory_space<vmem>> -> memref<1x128xi32, #tpu.memory_space<vmem>>
      %dma_start3A_152 = tpu.memref_squeeze %dma_start3A_151 : memref<1x128xi32, #tpu.memory_space<vmem>> -> memref<128xi32, #tpu.memory_space<vmem>>
      %dma_start3A_153 = arith.constant 0 : i32
      %dma_start3A_154 = arith.constant 0 : i32
      %dma_start3A_155 = tpu.memref_slice %arg2[%dma_start3A_153, %dma_start3A_154] : memref<10000x16xf32, #tpu.memory_space<hbm>> -> memref<10000x16xf32, #tpu.memory_space<hbm>>
      tpu.enqueue_indirect_dma source(%dma_start3A_155 : memref<10000x16xf32, #tpu.memory_space<hbm>>) target(%dma_start3A_149 : memref<128x16xf32, #tpu.memory_space<vmem>>) offsets(%dma_start3A_152 : memref<128xi32, #tpu.memory_space<vmem>>) semaphore(%arg8 : memref<!tpu.dma_semaphore, #tpu.memory_space<semaphore_mem>>)
      %mul3A_156 = arith.constant 4 : i32
      %mul3A_157 = arith.muli %add3A_137, %mul3A_156 : i32
      %add3A_158 = arith.constant 1 : i32
      %add3A_159 = arith.addi %mul3A_157, %add3A_158 : i32
      %dma_start3A_160 = arith.constant 128 : i32
      %dma_start3A_161 = arith.constant 0 : i32
      %dma_start3A_162 = tpu.memref_slice %arg7[%dma_start3A_160, %dma_start3A_161] : memref<512x16xf32, #tpu.memory_space<vmem>> -> memref<128x16xf32, #tpu.memory_space<vmem>>
      %dma_start3A_163 = arith.constant 0 : i32
      %dma_start3A_164 = tpu.memref_slice %arg5[%add3A_159, %dma_start3A_163] : memref<48x128xi32, #tpu.memory_space<vmem>> -> memref<1x128xi32, #tpu.memory_space<vmem>>
      %dma_start3A_165 = tpu.memref_squeeze %dma_start3A_164 : memref<1x128xi32, #tpu.memory_space<vmem>> -> memref<128xi32, #tpu.memory_space<vmem>>
      %dma_start3A_166 = arith.constant 0 : i32
      %dma_start3A_167 = arith.constant 0 : i32
      %dma_start3A_168 = tpu.memref_slice %arg2[%dma_start3A_166, %dma_start3A_167] : memref<10000x16xf32, #tpu.memory_space<hbm>> -> memref<10000x16xf32, #tpu.memory_space<hbm>>
      tpu.enqueue_indirect_dma source(%dma_start3A_168 : memref<10000x16xf32, #tpu.memory_space<hbm>>) target(%dma_start3A_162 : memref<128x16xf32, #tpu.memory_space<vmem>>) offsets(%dma_start3A_165 : memref<128xi32, #tpu.memory_space<vmem>>) semaphore(%arg8 : memref<!tpu.dma_semaphore, #tpu.memory_space<semaphore_mem>>)
      %mul3A_169 = arith.constant 4 : i32
      %mul3A_170 = arith.muli %add3A_137, %mul3A_169 : i32
      %add3A_171 = arith.constant 2 : i32
      %add3A_172 = arith.addi %mul3A_170, %add3A_171 : i32
      %dma_start3A_173 = arith.constant 256 : i32
      %dma_start3A_174 = arith.constant 0 : i32
      %dma_start3A_175 = tpu.memref_slice %arg7[%dma_start3A_173, %dma_start3A_174] : memref<512x16xf32, #tpu.memory_space<vmem>> -> memref<128x16xf32, #tpu.memory_space<vmem>>
      %dma_start3A_176 = arith.constant 0 : i32
      %dma_start3A_177 = tpu.memref_slice %arg5[%add3A_172, %dma_start3A_176] : memref<48x128xi32, #tpu.memory_space<vmem>> -> memref<1x128xi32, #tpu.memory_space<vmem>>
      %dma_start3A_178 = tpu.memref_squeeze %dma_start3A_177 : memref<1x128xi32, #tpu.memory_space<vmem>> -> memref<128xi32, #tpu.memory_space<vmem>>
      %dma_start3A_179 = arith.constant 0 : i32
      %dma_start3A_180 = arith.constant 0 : i32
      %dma_start3A_181 = tpu.memref_slice %arg2[%dma_start3A_179, %dma_start3A_180] : memref<10000x16xf32, #tpu.memory_space<hbm>> -> memref<10000x16xf32, #tpu.memory_space<hbm>>
      tpu.enqueue_indirect_dma source(%dma_start3A_181 : memref<10000x16xf32, #tpu.memory_space<hbm>>) target(%dma_start3A_175 : memref<128x16xf32, #tpu.memory_space<vmem>>) offsets(%dma_start3A_178 : memref<128xi32, #tpu.memory_space<vmem>>) semaphore(%arg8 : memref<!tpu.dma_semaphore, #tpu.memory_space<semaphore_mem>>)
      %mul3A_182 = arith.constant 4 : i32
      %mul3A_183 = arith.muli %add3A_137, %mul3A_182 : i32
      %add3A_184 = arith.constant 3 : i32
      %add3A_185 = arith.addi %mul3A_183, %add3A_184 : i32
      %dma_start3A_186 = arith.constant 384 : i32
      %dma_start3A_187 = arith.constant 0 : i32
      %dma_start3A_188 = tpu.memref_slice %arg7[%dma_start3A_186, %dma_start3A_187] : memref<512x16xf32, #tpu.memory_space<vmem>> -> memref<128x16xf32, #tpu.memory_space<vmem>>
      %dma_start3A_189 = arith.constant 0 : i32
      %dma_start3A_190 = tpu.memref_slice %arg5[%add3A_185, %dma_start3A_189] : memref<48x128xi32, #tpu.memory_space<vmem>> -> memref<1x128xi32, #tpu.memory_space<vmem>>
      %dma_start3A_191 = tpu.memref_squeeze %dma_start3A_190 : memref<1x128xi32, #tpu.memory_space<vmem>> -> memref<128xi32, #tpu.memory_space<vmem>>
      %dma_start3A_192 = arith.constant 0 : i32
      %dma_start3A_193 = arith.constant 0 : i32
      %dma_start3A_194 = tpu.memref_slice %arg2[%dma_start3A_192, %dma_start3A_193] : memref<10000x16xf32, #tpu.memory_space<hbm>> -> memref<10000x16xf32, #tpu.memory_space<hbm>>
      tpu.enqueue_indirect_dma source(%dma_start3A_194 : memref<10000x16xf32, #tpu.memory_space<hbm>>) target(%dma_start3A_188 : memref<128x16xf32, #tpu.memory_space<vmem>>) offsets(%dma_start3A_191 : memref<128xi32, #tpu.memory_space<vmem>>) semaphore(%arg8 : memref<!tpu.dma_semaphore, #tpu.memory_space<semaphore_mem>>)
      %dma_wait3A_195 = arith.constant 0 : i32
      %dma_wait3A_196 = arith.constant 0 : i32
      %dma_wait3A_197 = tpu.memref_slice %arg7[%dma_wait3A_195, %dma_wait3A_196] : memref<512x16xf32, #tpu.memory_space<vmem>> -> memref<128x16xf32, #tpu.memory_space<vmem>>
      %dma_wait3A_198 = arith.constant 0 : i32
      %dma_wait3A_199 = tpu.memref_slice %arg5[%add3A_146, %dma_wait3A_198] : memref<48x128xi32, #tpu.memory_space<vmem>> -> memref<1x128xi32, #tpu.memory_space<vmem>>
      %dma_wait3A_200 = tpu.memref_squeeze %dma_wait3A_199 : memref<1x128xi32, #tpu.memory_space<vmem>> -> memref<128xi32, #tpu.memory_space<vmem>>
      %dma_wait3A_201 = arith.constant 0 : i32
      %dma_wait3A_202 = arith.constant 0 : i32
      %dma_wait3A_203 = tpu.memref_slice %arg2[%dma_wait3A_201, %dma_wait3A_202] : memref<10000x16xf32, #tpu.memory_space<hbm>> -> memref<10000x16xf32, #tpu.memory_space<hbm>>
      tpu.wait_indirect_dma semaphore(%arg8 : memref<!tpu.dma_semaphore, #tpu.memory_space<semaphore_mem>>) src(%dma_wait3A_203 : memref<10000x16xf32, #tpu.memory_space<hbm>>) dst(%dma_wait3A_197 : memref<128x16xf32, #tpu.memory_space<vmem>>)
      %dma_wait3A_204 = arith.constant 128 : i32
      %dma_wait3A_205 = arith.constant 0 : i32
      %dma_wait3A_206 = tpu.memref_slice %arg7[%dma_wait3A_204, %dma_wait3A_205] : memref<512x16xf32, #tpu.memory_space<vmem>> -> memref<128x16xf32, #tpu.memory_space<vmem>>
      %dma_wait3A_207 = arith.constant 0 : i32
      %dma_wait3A_208 = tpu.memref_slice %arg5[%add3A_159, %dma_wait3A_207] : memref<48x128xi32, #tpu.memory_space<vmem>> -> memref<1x128xi32, #tpu.memory_space<vmem>>
      %dma_wait3A_209 = tpu.memref_squeeze %dma_wait3A_208 : memref<1x128xi32, #tpu.memory_space<vmem>> -> memref<128xi32, #tpu.memory_space<vmem>>
      %dma_wait3A_210 = arith.constant 0 : i32
      %dma_wait3A_211 = arith.constant 0 : i32
      %dma_wait3A_212 = tpu.memref_slice %arg2[%dma_wait3A_210, %dma_wait3A_211] : memref<10000x16xf32, #tpu.memory_space<hbm>> -> memref<10000x16xf32, #tpu.memory_space<hbm>>
      tpu.wait_indirect_dma semaphore(%arg8 : memref<!tpu.dma_semaphore, #tpu.memory_space<semaphore_mem>>) src(%dma_wait3A_212 : memref<10000x16xf32, #tpu.memory_space<hbm>>) dst(%dma_wait3A_206 : memref<128x16xf32, #tpu.memory_space<vmem>>)
      %dma_wait3A_213 = arith.constant 256 : i32
      %dma_wait3A_214 = arith.constant 0 : i32
      %dma_wait3A_215 = tpu.memref_slice %arg7[%dma_wait3A_213, %dma_wait3A_214] : memref<512x16xf32, #tpu.memory_space<vmem>> -> memref<128x16xf32, #tpu.memory_space<vmem>>
      %dma_wait3A_216 = arith.constant 0 : i32
      %dma_wait3A_217 = tpu.memref_slice %arg5[%add3A_172, %dma_wait3A_216] : memref<48x128xi32, #tpu.memory_space<vmem>> -> memref<1x128xi32, #tpu.memory_space<vmem>>
      %dma_wait3A_218 = tpu.memref_squeeze %dma_wait3A_217 : memref<1x128xi32, #tpu.memory_space<vmem>> -> memref<128xi32, #tpu.memory_space<vmem>>
      %dma_wait3A_219 = arith.constant 0 : i32
      %dma_wait3A_220 = arith.constant 0 : i32
      %dma_wait3A_221 = tpu.memref_slice %arg2[%dma_wait3A_219, %dma_wait3A_220] : memref<10000x16xf32, #tpu.memory_space<hbm>> -> memref<10000x16xf32, #tpu.memory_space<hbm>>
      tpu.wait_indirect_dma semaphore(%arg8 : memref<!tpu.dma_semaphore, #tpu.memory_space<semaphore_mem>>) src(%dma_wait3A_221 : memref<10000x16xf32, #tpu.memory_space<hbm>>) dst(%dma_wait3A_215 : memref<128x16xf32, #tpu.memory_space<vmem>>)
      %dma_wait3A_222 = arith.constant 384 : i32
      %dma_wait3A_223 = arith.constant 0 : i32
      %dma_wait3A_224 = tpu.memref_slice %arg7[%dma_wait3A_222, %dma_wait3A_223] : memref<512x16xf32, #tpu.memory_space<vmem>> -> memref<128x16xf32, #tpu.memory_space<vmem>>
      %dma_wait3A_225 = arith.constant 0 : i32
      %dma_wait3A_226 = tpu.memref_slice %arg5[%add3A_185, %dma_wait3A_225] : memref<48x128xi32, #tpu.memory_space<vmem>> -> memref<1x128xi32, #tpu.memory_space<vmem>>
      %dma_wait3A_227 = tpu.memref_squeeze %dma_wait3A_226 : memref<1x128xi32, #tpu.memory_space<vmem>> -> memref<128xi32, #tpu.memory_space<vmem>>
      %dma_wait3A_228 = arith.constant 0 : i32
      %dma_wait3A_229 = arith.constant 0 : i32
      %dma_wait3A_230 = tpu.memref_slice %arg2[%dma_wait3A_228, %dma_wait3A_229] : memref<10000x16xf32, #tpu.memory_space<hbm>> -> memref<10000x16xf32, #tpu.memory_space<hbm>>
      tpu.wait_indirect_dma semaphore(%arg8 : memref<!tpu.dma_semaphore, #tpu.memory_space<semaphore_mem>>) src(%dma_wait3A_230 : memref<10000x16xf32, #tpu.memory_space<hbm>>) dst(%dma_wait3A_224 : memref<128x16xf32, #tpu.memory_space<vmem>>)
      %mul3A_231 = arith.constant 4 : i32
      %mul3A_232 = arith.muli %add3A_137, %mul3A_231 : i32
      %add3A_233 = arith.addi %select_n3A, %mul3A_232 : i32
      %mul3A_234 = arith.constant 128 : i32
      %mul3A_235 = arith.muli %add3A_233, %mul3A_234 : i32
      %dma_start3A_236 = arith.constant 0 : i32
      %dma_start3A_237 = tpu.memref_slice %arg4[%mul3A_235, %dma_start3A_236] : memref<163840x128xf32, #tpu.memory_space<hbm>> -> memref<512x16xf32, #tpu.memory_space<hbm>>
      %dma_start3A_238 = arith.constant 0 : i32
      %dma_start3A_239 = tpu.memref_slice %arg4[%mul3A_235, %dma_start3A_238] : memref<163840x128xf32, #tpu.memory_space<hbm>> -> memref<512x16xf32, #tpu.memory_space<hbm>>
      tpu.enqueue_dma source(%arg7 : memref<512x16xf32, #tpu.memory_space<vmem>>) target(%dma_start3A_239 : memref<512x16xf32, #tpu.memory_space<hbm>>) target_semaphore(%arg10 : memref<!tpu.dma_semaphore, #tpu.memory_space<semaphore_mem>>)
    }
    %while3A_19 = arith.constant 1 : i32
    scf.for %while3A_31 = %while3A_17 to %while3A_13 step %while3A_19  : i32 {
      %mul3A_32 = arith.constant 2 : i32
      %mul3A_33 = arith.muli %while3A_31, %mul3A_32 : i32
      %add3A_34 = arith.constant 0 : i32
      %add3A_35 = arith.addi %mul3A_33, %add3A_34 : i32
      %ge3A = arith.constant 2 : i32
      %ge3A_36 = arith.cmpi sge, %add3A_35, %ge3A : i32
      %convert_element_type3A = arith.extui %ge3A_36 : i1 to i32
      %cond3A = arith.constant 0 : i32
      %cond3A_37 = arith.cmpi ne, %convert_element_type3A, %cond3A : i32
      scf.if %cond3A_37 {
        %dma_wait3A_240 = arith.constant 0 : i32
        %dma_wait3A_241 = arith.constant 0 : i32
        %dma_wait3A_242 = tpu.memref_slice %arg4[%dma_wait3A_240, %dma_wait3A_241] : memref<163840x128xf32, #tpu.memory_space<hbm>> -> memref<512x16xf32, #tpu.memory_space<hbm>>
        %dma_wait3A_243 = arith.constant 0 : i32
        %dma_wait3A_244 = arith.constant 0 : i32
        %dma_wait3A_245 = tpu.memref_slice %arg4[%dma_wait3A_243, %dma_wait3A_244] : memref<163840x128xf32, #tpu.memory_space<hbm>> -> memref<512x16xf32, #tpu.memory_space<hbm>>
        tpu.wait_dma2 semaphore(%arg9 : memref<!tpu.dma_semaphore, #tpu.memory_space<semaphore_mem>>) src(%arg6 : memref<512x16xf32, #tpu.memory_space<vmem>>) dst(%dma_wait3A_245 : memref<512x16xf32, #tpu.memory_space<hbm>>)
      } else {
      }
      %mul3A_38 = arith.constant 4 : i32
      %mul3A_39 = arith.muli %add3A_35, %mul3A_38 : i32
      %add3A_40 = arith.constant 0 : i32
      %add3A_41 = arith.addi %mul3A_39, %add3A_40 : i32
      %dma_start3A = arith.constant 0 : i32
      %dma_start3A_42 = arith.constant 0 : i32
      %dma_start3A_43 = tpu.memref_slice %arg6[%dma_start3A, %dma_start3A_42] : memref<512x16xf32, #tpu.memory_space<vmem>> -> memref<128x16xf32, #tpu.memory_space<vmem>>
      %dma_start3A_44 = arith.constant 0 : i32
      %dma_start3A_45 = tpu.memref_slice %arg5[%add3A_41, %dma_start3A_44] : memref<48x128xi32, #tpu.memory_space<vmem>> -> memref<1x128xi32, #tpu.memory_space<vmem>>
      %dma_start3A_46 = tpu.memref_squeeze %dma_start3A_45 : memref<1x128xi32, #tpu.memory_space<vmem>> -> memref<128xi32, #tpu.memory_space<vmem>>
      %dma_start3A_47 = arith.constant 0 : i32
      %dma_start3A_48 = arith.constant 0 : i32
      %dma_start3A_49 = tpu.memref_slice %arg2[%dma_start3A_47, %dma_start3A_48] : memref<10000x16xf32, #tpu.memory_space<hbm>> -> memref<10000x16xf32, #tpu.memory_space<hbm>>
      tpu.enqueue_indirect_dma source(%dma_start3A_49 : memref<10000x16xf32, #tpu.memory_space<hbm>>) target(%dma_start3A_43 : memref<128x16xf32, #tpu.memory_space<vmem>>) offsets(%dma_start3A_46 : memref<128xi32, #tpu.memory_space<vmem>>) semaphore(%arg8 : memref<!tpu.dma_semaphore, #tpu.memory_space<semaphore_mem>>)
      %mul3A_50 = arith.constant 4 : i32
      %mul3A_51 = arith.muli %add3A_35, %mul3A_50 : i32
      %add3A_52 = arith.constant 1 : i32
      %add3A_53 = arith.addi %mul3A_51, %add3A_52 : i32
      %dma_start3A_54 = arith.constant 128 : i32
      %dma_start3A_55 = arith.constant 0 : i32
      %dma_start3A_56 = tpu.memref_slice %arg6[%dma_start3A_54, %dma_start3A_55] : memref<512x16xf32, #tpu.memory_space<vmem>> -> memref<128x16xf32, #tpu.memory_space<vmem>>
      %dma_start3A_57 = arith.constant 0 : i32
      %dma_start3A_58 = tpu.memref_slice %arg5[%add3A_53, %dma_start3A_57] : memref<48x128xi32, #tpu.memory_space<vmem>> -> memref<1x128xi32, #tpu.memory_space<vmem>>
      %dma_start3A_59 = tpu.memref_squeeze %dma_start3A_58 : memref<1x128xi32, #tpu.memory_space<vmem>> -> memref<128xi32, #tpu.memory_space<vmem>>
      %dma_start3A_60 = arith.constant 0 : i32
      %dma_start3A_61 = arith.constant 0 : i32
      %dma_start3A_62 = tpu.memref_slice %arg2[%dma_start3A_60, %dma_start3A_61] : memref<10000x16xf32, #tpu.memory_space<hbm>> -> memref<10000x16xf32, #tpu.memory_space<hbm>>
      tpu.enqueue_indirect_dma source(%dma_start3A_62 : memref<10000x16xf32, #tpu.memory_space<hbm>>) target(%dma_start3A_56 : memref<128x16xf32, #tpu.memory_space<vmem>>) offsets(%dma_start3A_59 : memref<128xi32, #tpu.memory_space<vmem>>) semaphore(%arg8 : memref<!tpu.dma_semaphore, #tpu.memory_space<semaphore_mem>>)
      %mul3A_63 = arith.constant 4 : i32
      %mul3A_64 = arith.muli %add3A_35, %mul3A_63 : i32
      %add3A_65 = arith.constant 2 : i32
      %add3A_66 = arith.addi %mul3A_64, %add3A_65 : i32
      %dma_start3A_67 = arith.constant 256 : i32
      %dma_start3A_68 = arith.constant 0 : i32
      %dma_start3A_69 = tpu.memref_slice %arg6[%dma_start3A_67, %dma_start3A_68] : memref<512x16xf32, #tpu.memory_space<vmem>> -> memref<128x16xf32, #tpu.memory_space<vmem>>
      %dma_start3A_70 = arith.constant 0 : i32
      %dma_start3A_71 = tpu.memref_slice %arg5[%add3A_66, %dma_start3A_70] : memref<48x128xi32, #tpu.memory_space<vmem>> -> memref<1x128xi32, #tpu.memory_space<vmem>>
      %dma_start3A_72 = tpu.memref_squeeze %dma_start3A_71 : memref<1x128xi32, #tpu.memory_space<vmem>> -> memref<128xi32, #tpu.memory_space<vmem>>
      %dma_start3A_73 = arith.constant 0 : i32
      %dma_start3A_74 = arith.constant 0 : i32
      %dma_start3A_75 = tpu.memref_slice %arg2[%dma_start3A_73, %dma_start3A_74] : memref<10000x16xf32, #tpu.memory_space<hbm>> -> memref<10000x16xf32, #tpu.memory_space<hbm>>
      tpu.enqueue_indirect_dma source(%dma_start3A_75 : memref<10000x16xf32, #tpu.memory_space<hbm>>) target(%dma_start3A_69 : memref<128x16xf32, #tpu.memory_space<vmem>>) offsets(%dma_start3A_72 : memref<128xi32, #tpu.memory_space<vmem>>) semaphore(%arg8 : memref<!tpu.dma_semaphore, #tpu.memory_space<semaphore_mem>>)
      %mul3A_76 = arith.constant 4 : i32
      %mul3A_77 = arith.muli %add3A_35, %mul3A_76 : i32
      %add3A_78 = arith.constant 3 : i32
      %add3A_79 = arith.addi %mul3A_77, %add3A_78 : i32
      %dma_start3A_80 = arith.constant 384 : i32
      %dma_start3A_81 = arith.constant 0 : i32
      %dma_start3A_82 = tpu.memref_slice %arg6[%dma_start3A_80, %dma_start3A_81] : memref<512x16xf32, #tpu.memory_space<vmem>> -> memref<128x16xf32, #tpu.memory_space<vmem>>
      %dma_start3A_83 = arith.constant 0 : i32
      %dma_start3A_84 = tpu.memref_slice %arg5[%add3A_79, %dma_start3A_83] : memref<48x128xi32, #tpu.memory_space<vmem>> -> memref<1x128xi32, #tpu.memory_space<vmem>>
      %dma_start3A_85 = tpu.memref_squeeze %dma_start3A_84 : memref<1x128xi32, #tpu.memory_space<vmem>> -> memref<128xi32, #tpu.memory_space<vmem>>
      %dma_start3A_86 = arith.constant 0 : i32
      %dma_start3A_87 = arith.constant 0 : i32
      %dma_start3A_88 = tpu.memref_slice %arg2[%dma_start3A_86, %dma_start3A_87] : memref<10000x16xf32, #tpu.memory_space<hbm>> -> memref<10000x16xf32, #tpu.memory_space<hbm>>
      tpu.enqueue_indirect_dma source(%dma_start3A_88 : memref<10000x16xf32, #tpu.memory_space<hbm>>) target(%dma_start3A_82 : memref<128x16xf32, #tpu.memory_space<vmem>>) offsets(%dma_start3A_85 : memref<128xi32, #tpu.memory_space<vmem>>) semaphore(%arg8 : memref<!tpu.dma_semaphore, #tpu.memory_space<semaphore_mem>>)
      %dma_wait3A_89 = arith.constant 0 : i32
      %dma_wait3A_90 = arith.constant 0 : i32
      %dma_wait3A_91 = tpu.memref_slice %arg6[%dma_wait3A_89, %dma_wait3A_90] : memref<512x16xf32, #tpu.memory_space<vmem>> -> memref<128x16xf32, #tpu.memory_space<vmem>>
      %dma_wait3A_92 = arith.constant 0 : i32
      %dma_wait3A_93 = tpu.memref_slice %arg5[%add3A_41, %dma_wait3A_92] : memref<48x128xi32, #tpu.memory_space<vmem>> -> memref<1x128xi32, #tpu.memory_space<vmem>>
      %dma_wait3A_94 = tpu.memref_squeeze %dma_wait3A_93 : memref<1x128xi32, #tpu.memory_space<vmem>> -> memref<128xi32, #tpu.memory_space<vmem>>
      %dma_wait3A_95 = arith.constant 0 : i32
      %dma_wait3A_96 = arith.constant 0 : i32
      %dma_wait3A_97 = tpu.memref_slice %arg2[%dma_wait3A_95, %dma_wait3A_96] : memref<10000x16xf32, #tpu.memory_space<hbm>> -> memref<10000x16xf32, #tpu.memory_space<hbm>>
      tpu.wait_indirect_dma semaphore(%arg8 : memref<!tpu.dma_semaphore, #tpu.memory_space<semaphore_mem>>) src(%dma_wait3A_97 : memref<10000x16xf32, #tpu.memory_space<hbm>>) dst(%dma_wait3A_91 : memref<128x16xf32, #tpu.memory_space<vmem>>)
      %dma_wait3A_98 = arith.constant 128 : i32
      %dma_wait3A_99 = arith.constant 0 : i32
      %dma_wait3A_100 = tpu.memref_slice %arg6[%dma_wait3A_98, %dma_wait3A_99] : memref<512x16xf32, #tpu.memory_space<vmem>> -> memref<128x16xf32, #tpu.memory_space<vmem>>
      %dma_wait3A_101 = arith.constant 0 : i32
      %dma_wait3A_102 = tpu.memref_slice %arg5[%add3A_53, %dma_wait3A_101] : memref<48x128xi32, #tpu.memory_space<vmem>> -> memref<1x128xi32, #tpu.memory_space<vmem>>
      %dma_wait3A_103 = tpu.memref_squeeze %dma_wait3A_102 : memref<1x128xi32, #tpu.memory_space<vmem>> -> memref<128xi32, #tpu.memory_space<vmem>>
      %dma_wait3A_104 = arith.constant 0 : i32
      %dma_wait3A_105 = arith.constant 0 : i32
      %dma_wait3A_106 = tpu.memref_slice %arg2[%dma_wait3A_104, %dma_wait3A_105] : memref<10000x16xf32, #tpu.memory_space<hbm>> -> memref<10000x16xf32, #tpu.memory_space<hbm>>
      tpu.wait_indirect_dma semaphore(%arg8 : memref<!tpu.dma_semaphore, #tpu.memory_space<semaphore_mem>>) src(%dma_wait3A_106 : memref<10000x16xf32, #tpu.memory_space<hbm>>) dst(%dma_wait3A_100 : memref<128x16xf32, #tpu.memory_space<vmem>>)
      %dma_wait3A_107 = arith.constant 256 : i32
      %dma_wait3A_108 = arith.constant 0 : i32
      %dma_wait3A_109 = tpu.memref_slice %arg6[%dma_wait3A_107, %dma_wait3A_108] : memref<512x16xf32, #tpu.memory_space<vmem>> -> memref<128x16xf32, #tpu.memory_space<vmem>>
      %dma_wait3A_110 = arith.constant 0 : i32
      %dma_wait3A_111 = tpu.memref_slice %arg5[%add3A_66, %dma_wait3A_110] : memref<48x128xi32, #tpu.memory_space<vmem>> -> memref<1x128xi32, #tpu.memory_space<vmem>>
      %dma_wait3A_112 = tpu.memref_squeeze %dma_wait3A_111 : memref<1x128xi32, #tpu.memory_space<vmem>> -> memref<128xi32, #tpu.memory_space<vmem>>
      %dma_wait3A_113 = arith.constant 0 : i32
      %dma_wait3A_114 = arith.constant 0 : i32
      %dma_wait3A_115 = tpu.memref_slice %arg2[%dma_wait3A_113, %dma_wait3A_114] : memref<10000x16xf32, #tpu.memory_space<hbm>> -> memref<10000x16xf32, #tpu.memory_space<hbm>>
      tpu.wait_indirect_dma semaphore(%arg8 : memref<!tpu.dma_semaphore, #tpu.memory_space<semaphore_mem>>) src(%dma_wait3A_115 : memref<10000x16xf32, #tpu.memory_space<hbm>>) dst(%dma_wait3A_109 : memref<128x16xf32, #tpu.memory_space<vmem>>)
      %dma_wait3A_116 = arith.constant 384 : i32
      %dma_wait3A_117 = arith.constant 0 : i32
      %dma_wait3A_118 = tpu.memref_slice %arg6[%dma_wait3A_116, %dma_wait3A_117] : memref<512x16xf32, #tpu.memory_space<vmem>> -> memref<128x16xf32, #tpu.memory_space<vmem>>
      %dma_wait3A_119 = arith.constant 0 : i32
      %dma_wait3A_120 = tpu.memref_slice %arg5[%add3A_79, %dma_wait3A_119] : memref<48x128xi32, #tpu.memory_space<vmem>> -> memref<1x128xi32, #tpu.memory_space<vmem>>
      %dma_wait3A_121 = tpu.memref_squeeze %dma_wait3A_120 : memref<1x128xi32, #tpu.memory_space<vmem>> -> memref<128xi32, #tpu.memory_space<vmem>>
      %dma_wait3A_122 = arith.constant 0 : i32
      %dma_wait3A_123 = arith.constant 0 : i32
      %dma_wait3A_124 = tpu.memref_slice %arg2[%dma_wait3A_122, %dma_wait3A_123] : memref<10000x16xf32, #tpu.memory_space<hbm>> -> memref<10000x16xf32, #tpu.memory_space<hbm>>
      tpu.wait_indirect_dma semaphore(%arg8 : memref<!tpu.dma_semaphore, #tpu.memory_space<semaphore_mem>>) src(%dma_wait3A_124 : memref<10000x16xf32, #tpu.memory_space<hbm>>) dst(%dma_wait3A_118 : memref<128x16xf32, #tpu.memory_space<vmem>>)
      %mul3A_125 = arith.constant 4 : i32
      %mul3A_126 = arith.muli %add3A_35, %mul3A_125 : i32
      %add3A_127 = arith.addi %select_n3A, %mul3A_126 : i32
      %mul3A_128 = arith.constant 128 : i32
      %mul3A_129 = arith.muli %add3A_127, %mul3A_128 : i32
      %dma_start3A_130 = arith.constant 0 : i32
      %dma_start3A_131 = tpu.memref_slice %arg4[%mul3A_129, %dma_start3A_130] : memref<163840x128xf32, #tpu.memory_space<hbm>> -> memref<512x16xf32, #tpu.memory_space<hbm>>
      %dma_start3A_132 = arith.constant 0 : i32
      %dma_start3A_133 = tpu.memref_slice %arg4[%mul3A_129, %dma_start3A_132] : memref<163840x128xf32, #tpu.memory_space<hbm>> -> memref<512x16xf32, #tpu.memory_space<hbm>>
      tpu.enqueue_dma source(%arg6 : memref<512x16xf32, #tpu.memory_space<vmem>>) target(%dma_start3A_133 : memref<512x16xf32, #tpu.memory_space<hbm>>) target_semaphore(%arg9 : memref<!tpu.dma_semaphore, #tpu.memory_space<semaphore_mem>>)
      %mul3A_134 = arith.constant 2 : i32
      %mul3A_135 = arith.muli %while3A_31, %mul3A_134 : i32
      %add3A_136 = arith.constant 1 : i32
      %add3A_137 = arith.addi %mul3A_135, %add3A_136 : i32
      %ge3A_138 = arith.constant 2 : i32
      %ge3A_139 = arith.cmpi sge, %add3A_137, %ge3A_138 : i32
      %convert_element_type3A_140 = arith.extui %ge3A_139 : i1 to i32
      %cond3A_141 = arith.constant 0 : i32
      %cond3A_142 = arith.cmpi ne, %convert_element_type3A_140, %cond3A_141 : i32
      scf.if %cond3A_142 {
        %dma_wait3A_240 = arith.constant 0 : i32
        %dma_wait3A_241 = arith.constant 0 : i32
        %dma_wait3A_242 = tpu.memref_slice %arg4[%dma_wait3A_240, %dma_wait3A_241] : memref<163840x128xf32, #tpu.memory_space<hbm>> -> memref<512x16xf32, #tpu.memory_space<hbm>>
        %dma_wait3A_243 = arith.constant 0 : i32
        %dma_wait3A_244 = arith.constant 0 : i32
        %dma_wait3A_245 = tpu.memref_slice %arg4[%dma_wait3A_243, %dma_wait3A_244] : memref<163840x128xf32, #tpu.memory_space<hbm>> -> memref<512x16xf32, #tpu.memory_space<hbm>>
        tpu.wait_dma2 semaphore(%arg10 : memref<!tpu.dma_semaphore, #tpu.memory_space<semaphore_mem>>) src(%arg7 : memref<512x16xf32, #tpu.memory_space<vmem>>) dst(%dma_wait3A_245 : memref<512x16xf32, #tpu.memory_space<hbm>>)
      } else {
      }
      %mul3A_143 = arith.constant 4 : i32
      %mul3A_144 = arith.muli %add3A_137, %mul3A_143 : i32
      %add3A_145 = arith.constant 0 : i32
      %add3A_146 = arith.addi %mul3A_144, %add3A_145 : i32
      %dma_start3A_147 = arith.constant 0 : i32
      %dma_start3A_148 = arith.constant 0 : i32
      %dma_start3A_149 = tpu.memref_slice %arg7[%dma_start3A_147, %dma_start3A_148] : memref<512x16xf32, #tpu.memory_space<vmem>> -> memref<128x16xf32, #tpu.memory_space<vmem>>
      %dma_start3A_150 = arith.constant 0 : i32
      %dma_start3A_151 = tpu.memref_slice %arg5[%add3A_146, %dma_start3A_150] : memref<48x128xi32, #tpu.memory_space<vmem>> -> memref<1x128xi32, #tpu.memory_space<vmem>>
      %dma_start3A_152 = tpu.memref_squeeze %dma_start3A_151 : memref<1x128xi32, #tpu.memory_space<vmem>> -> memref<128xi32, #tpu.memory_space<vmem>>
      %dma_start3A_153 = arith.constant 0 : i32
      %dma_start3A_154 = arith.constant 0 : i32
      %dma_start3A_155 = tpu.memref_slice %arg2[%dma_start3A_153, %dma_start3A_154] : memref<10000x16xf32, #tpu.memory_space<hbm>> -> memref<10000x16xf32, #tpu.memory_space<hbm>>
      tpu.enqueue_indirect_dma source(%dma_start3A_155 : memref<10000x16xf32, #tpu.memory_space<hbm>>) target(%dma_start3A_149 : memref<128x16xf32, #tpu.memory_space<vmem>>) offsets(%dma_start3A_152 : memref<128xi32, #tpu.memory_space<vmem>>) semaphore(%arg8 : memref<!tpu.dma_semaphore, #tpu.memory_space<semaphore_mem>>)
      %mul3A_156 = arith.constant 4 : i32
      %mul3A_157 = arith.muli %add3A_137, %mul3A_156 : i32
      %add3A_158 = arith.constant 1 : i32
      %add3A_159 = arith.addi %mul3A_157, %add3A_158 : i32
      %dma_start3A_160 = arith.constant 128 : i32
      %dma_start3A_161 = arith.constant 0 : i32
      %dma_start3A_162 = tpu.memref_slice %arg7[%dma_start3A_160, %dma_start3A_161] : memref<512x16xf32, #tpu.memory_space<vmem>> -> memref<128x16xf32, #tpu.memory_space<vmem>>
      %dma_start3A_163 = arith.constant 0 : i32
      %dma_start3A_164 = tpu.memref_slice %arg5[%add3A_159, %dma_start3A_163] : memref<48x128xi32, #tpu.memory_space<vmem>> -> memref<1x128xi32, #tpu.memory_space<vmem>>
      %dma_start3A_165 = tpu.memref_squeeze %dma_start3A_164 : memref<1x128xi32, #tpu.memory_space<vmem>> -> memref<128xi32, #tpu.memory_space<vmem>>
      %dma_start3A_166 = arith.constant 0 : i32
      %dma_start3A_167 = arith.constant 0 : i32
      %dma_start3A_168 = tpu.memref_slice %arg2[%dma_start3A_166, %dma_start3A_167] : memref<10000x16xf32, #tpu.memory_space<hbm>> -> memref<10000x16xf32, #tpu.memory_space<hbm>>
      tpu.enqueue_indirect_dma source(%dma_start3A_168 : memref<10000x16xf32, #tpu.memory_space<hbm>>) target(%dma_start3A_162 : memref<128x16xf32, #tpu.memory_space<vmem>>) offsets(%dma_start3A_165 : memref<128xi32, #tpu.memory_space<vmem>>) semaphore(%arg8 : memref<!tpu.dma_semaphore, #tpu.memory_space<semaphore_mem>>)
      %mul3A_169 = arith.constant 4 : i32
      %mul3A_170 = arith.muli %add3A_137, %mul3A_169 : i32
      %add3A_171 = arith.constant 2 : i32
      %add3A_172 = arith.addi %mul3A_170, %add3A_171 : i32
      %dma_start3A_173 = arith.constant 256 : i32
      %dma_start3A_174 = arith.constant 0 : i32
      %dma_start3A_175 = tpu.memref_slice %arg7[%dma_start3A_173, %dma_start3A_174] : memref<512x16xf32, #tpu.memory_space<vmem>> -> memref<128x16xf32, #tpu.memory_space<vmem>>
      %dma_start3A_176 = arith.constant 0 : i32
      %dma_start3A_177 = tpu.memref_slice %arg5[%add3A_172, %dma_start3A_176] : memref<48x128xi32, #tpu.memory_space<vmem>> -> memref<1x128xi32, #tpu.memory_space<vmem>>
      %dma_start3A_178 = tpu.memref_squeeze %dma_start3A_177 : memref<1x128xi32, #tpu.memory_space<vmem>> -> memref<128xi32, #tpu.memory_space<vmem>>
      %dma_start3A_179 = arith.constant 0 : i32
      %dma_start3A_180 = arith.constant 0 : i32
      %dma_start3A_181 = tpu.memref_slice %arg2[%dma_start3A_179, %dma_start3A_180] : memref<10000x16xf32, #tpu.memory_space<hbm>> -> memref<10000x16xf32, #tpu.memory_space<hbm>>
      tpu.enqueue_indirect_dma source(%dma_start3A_181 : memref<10000x16xf32, #tpu.memory_space<hbm>>) target(%dma_start3A_175 : memref<128x16xf32, #tpu.memory_space<vmem>>) offsets(%dma_start3A_178 : memref<128xi32, #tpu.memory_space<vmem>>) semaphore(%arg8 : memref<!tpu.dma_semaphore, #tpu.memory_space<semaphore_mem>>)
      %mul3A_182 = arith.constant 4 : i32
      %mul3A_183 = arith.muli %add3A_137, %mul3A_182 : i32
      %add3A_184 = arith.constant 3 : i32
      %add3A_185 = arith.addi %mul3A_183, %add3A_184 : i32
      %dma_start3A_186 = arith.constant 384 : i32
      %dma_start3A_187 = arith.constant 0 : i32
      %dma_start3A_188 = tpu.memref_slice %arg7[%dma_start3A_186, %dma_start3A_187] : memref<512x16xf32, #tpu.memory_space<vmem>> -> memref<128x16xf32, #tpu.memory_space<vmem>>
      %dma_start3A_189 = arith.constant 0 : i32
      %dma_start3A_190 = tpu.memref_slice %arg5[%add3A_185, %dma_start3A_189] : memref<48x128xi32, #tpu.memory_space<vmem>> -> memref<1x128xi32, #tpu.memory_space<vmem>>
      %dma_start3A_191 = tpu.memref_squeeze %dma_start3A_190 : memref<1x128xi32, #tpu.memory_space<vmem>> -> memref<128xi32, #tpu.memory_space<vmem>>
      %dma_start3A_192 = arith.constant 0 : i32
      %dma_start3A_193 = arith.constant 0 : i32
      %dma_start3A_194 = tpu.memref_slice %arg2[%dma_start3A_192, %dma_start3A_193] : memref<10000x16xf32, #tpu.memory_space<hbm>> -> memref<10000x16xf32, #tpu.memory_space<hbm>>
      tpu.enqueue_indirect_dma source(%dma_start3A_194 : memref<10000x16xf32, #tpu.memory_space<hbm>>) target(%dma_start3A_188 : memref<128x16xf32, #tpu.memory_space<vmem>>) offsets(%dma_start3A_191 : memref<128xi32, #tpu.memory_space<vmem>>) semaphore(%arg8 : memref<!tpu.dma_semaphore, #tpu.memory_space<semaphore_mem>>)
      %dma_wait3A_195 = arith.constant 0 : i32
      %dma_wait3A_196 = arith.constant 0 : i32
      %dma_wait3A_197 = tpu.memref_slice %arg7[%dma_wait3A_195, %dma_wait3A_196] : memref<512x16xf32, #tpu.memory_space<vmem>> -> memref<128x16xf32, #tpu.memory_space<vmem>>
      %dma_wait3A_198 = arith.constant 0 : i32
      %dma_wait3A_199 = tpu.memref_slice %arg5[%add3A_146, %dma_wait3A_198] : memref<48x128xi32, #tpu.memory_space<vmem>> -> memref<1x128xi32, #tpu.memory_space<vmem>>
      %dma_wait3A_200 = tpu.memref_squeeze %dma_wait3A_199 : memref<1x128xi32, #tpu.memory_space<vmem>> -> memref<128xi32, #tpu.memory_space<vmem>>
      %dma_wait3A_201 = arith.constant 0 : i32
      %dma_wait3A_202 = arith.constant 0 : i32
      %dma_wait3A_203 = tpu.memref_slice %arg2[%dma_wait3A_201, %dma_wait3A_202] : memref<10000x16xf32, #tpu.memory_space<hbm>> -> memref<10000x16xf32, #tpu.memory_space<hbm>>
      tpu.wait_indirect_dma semaphore(%arg8 : memref<!tpu.dma_semaphore, #tpu.memory_space<semaphore_mem>>) src(%dma_wait3A_203 : memref<10000x16xf32, #tpu.memory_space<hbm>>) dst(%dma_wait3A_197 : memref<128x16xf32, #tpu.memory_space<vmem>>)
      %dma_wait3A_204 = arith.constant 128 : i32
      %dma_wait3A_205 = arith.constant 0 : i32
      %dma_wait3A_206 = tpu.memref_slice %arg7[%dma_wait3A_204, %dma_wait3A_205] : memref<512x16xf32, #tpu.memory_space<vmem>> -> memref<128x16xf32, #tpu.memory_space<vmem>>
      %dma_wait3A_207 = arith.constant 0 : i32
      %dma_wait3A_208 = tpu.memref_slice %arg5[%add3A_159, %dma_wait3A_207] : memref<48x128xi32, #tpu.memory_space<vmem>> -> memref<1x128xi32, #tpu.memory_space<vmem>>
      %dma_wait3A_209 = tpu.memref_squeeze %dma_wait3A_208 : memref<1x128xi32, #tpu.memory_space<vmem>> -> memref<128xi32, #tpu.memory_space<vmem>>
      %dma_wait3A_210 = arith.constant 0 : i32
      %dma_wait3A_211 = arith.constant 0 : i32
      %dma_wait3A_212 = tpu.memref_slice %arg2[%dma_wait3A_210, %dma_wait3A_211] : memref<10000x16xf32, #tpu.memory_space<hbm>> -> memref<10000x16xf32, #tpu.memory_space<hbm>>
      tpu.wait_indirect_dma semaphore(%arg8 : memref<!tpu.dma_semaphore, #tpu.memory_space<semaphore_mem>>) src(%dma_wait3A_212 : memref<10000x16xf32, #tpu.memory_space<hbm>>) dst(%dma_wait3A_206 : memref<128x16xf32, #tpu.memory_space<vmem>>)
      %dma_wait3A_213 = arith.constant 256 : i32
      %dma_wait3A_214 = arith.constant 0 : i32
      %dma_wait3A_215 = tpu.memref_slice %arg7[%dma_wait3A_213, %dma_wait3A_214] : memref<512x16xf32, #tpu.memory_space<vmem>> -> memref<128x16xf32, #tpu.memory_space<vmem>>
      %dma_wait3A_216 = arith.constant 0 : i32
      %dma_wait3A_217 = tpu.memref_slice %arg5[%add3A_172, %dma_wait3A_216] : memref<48x128xi32, #tpu.memory_space<vmem>> -> memref<1x128xi32, #tpu.memory_space<vmem>>
      %dma_wait3A_218 = tpu.memref_squeeze %dma_wait3A_217 : memref<1x128xi32, #tpu.memory_space<vmem>> -> memref<128xi32, #tpu.memory_space<vmem>>
      %dma_wait3A_219 = arith.constant 0 : i32
      %dma_wait3A_220 = arith.constant 0 : i32
      %dma_wait3A_221 = tpu.memref_slice %arg2[%dma_wait3A_219, %dma_wait3A_220] : memref<10000x16xf32, #tpu.memory_space<hbm>> -> memref<10000x16xf32, #tpu.memory_space<hbm>>
      tpu.wait_indirect_dma semaphore(%arg8 : memref<!tpu.dma_semaphore, #tpu.memory_space<semaphore_mem>>) src(%dma_wait3A_221 : memref<10000x16xf32, #tpu.memory_space<hbm>>) dst(%dma_wait3A_215 : memref<128x16xf32, #tpu.memory_space<vmem>>)
      %dma_wait3A_222 = arith.constant 384 : i32
      %dma_wait3A_223 = arith.constant 0 : i32
      %dma_wait3A_224 = tpu.memref_slice %arg7[%dma_wait3A_222, %dma_wait3A_223] : memref<512x16xf32, #tpu.memory_space<vmem>> -> memref<128x16xf32, #tpu.memory_space<vmem>>
      %dma_wait3A_225 = arith.constant 0 : i32
      %dma_wait3A_226 = tpu.memref_slice %arg5[%add3A_185, %dma_wait3A_225] : memref<48x128xi32, #tpu.memory_space<vmem>> -> memref<1x128xi32, #tpu.memory_space<vmem>>
      %dma_wait3A_227 = tpu.memref_squeeze %dma_wait3A_226 : memref<1x128xi32, #tpu.memory_space<vmem>> -> memref<128xi32, #tpu.memory_space<vmem>>
      %dma_wait3A_228 = arith.constant 0 : i32
      %dma_wait3A_229 = arith.constant 0 : i32
      %dma_wait3A_230 = tpu.memref_slice %arg2[%dma_wait3A_228, %dma_wait3A_229] : memref<10000x16xf32, #tpu.memory_space<hbm>> -> memref<10000x16xf32, #tpu.memory_space<hbm>>
      tpu.wait_indirect_dma semaphore(%arg8 : memref<!tpu.dma_semaphore, #tpu.memory_space<semaphore_mem>>) src(%dma_wait3A_230 : memref<10000x16xf32, #tpu.memory_space<hbm>>) dst(%dma_wait3A_224 : memref<128x16xf32, #tpu.memory_space<vmem>>)
      %mul3A_231 = arith.constant 4 : i32
      %mul3A_232 = arith.muli %add3A_137, %mul3A_231 : i32
      %add3A_233 = arith.addi %select_n3A, %mul3A_232 : i32
      %mul3A_234 = arith.constant 128 : i32
      %mul3A_235 = arith.muli %add3A_233, %mul3A_234 : i32
      %dma_start3A_236 = arith.constant 0 : i32
      %dma_start3A_237 = tpu.memref_slice %arg4[%mul3A_235, %dma_start3A_236] : memref<163840x128xf32, #tpu.memory_space<hbm>> -> memref<512x16xf32, #tpu.memory_space<hbm>>
      %dma_start3A_238 = arith.constant 0 : i32
      %dma_start3A_239 = tpu.memref_slice %arg4[%mul3A_235, %dma_start3A_238] : memref<163840x128xf32, #tpu.memory_space<hbm>> -> memref<512x16xf32, #tpu.memory_space<hbm>>
      tpu.enqueue_dma source(%arg7 : memref<512x16xf32, #tpu.memory_space<vmem>>) target(%dma_start3A_239 : memref<512x16xf32, #tpu.memory_space<hbm>>) target_semaphore(%arg10 : memref<!tpu.dma_semaphore, #tpu.memory_space<semaphore_mem>>)
    }
    %dma_wait3A = arith.constant 0 : i32
    %dma_wait3A_20 = arith.constant 0 : i32
    %dma_wait3A_21 = tpu.memref_slice %arg4[%dma_wait3A, %dma_wait3A_20] : memref<163840x128xf32, #tpu.memory_space<hbm>> -> memref<512x16xf32, #tpu.memory_space<hbm>>
    %dma_wait3A_22 = arith.constant 0 : i32
    %dma_wait3A_23 = arith.constant 0 : i32
    %dma_wait3A_24 = tpu.memref_slice %arg4[%dma_wait3A_22, %dma_wait3A_23] : memref<163840x128xf32, #tpu.memory_space<hbm>> -> memref<512x16xf32, #tpu.memory_space<hbm>>
    tpu.wait_dma2 semaphore(%arg9 : memref<!tpu.dma_semaphore, #tpu.memory_space<semaphore_mem>>) src(%arg6 : memref<512x16xf32, #tpu.memory_space<vmem>>) dst(%dma_wait3A_24 : memref<512x16xf32, #tpu.memory_space<hbm>>)
    %dma_wait3A_25 = arith.constant 0 : i32
    %dma_wait3A_26 = arith.constant 0 : i32
    %dma_wait3A_27 = tpu.memref_slice %arg4[%dma_wait3A_25, %dma_wait3A_26] : memref<163840x128xf32, #tpu.memory_space<hbm>> -> memref<512x16xf32, #tpu.memory_space<hbm>>
    %dma_wait3A_28 = arith.constant 0 : i32
    %dma_wait3A_29 = arith.constant 0 : i32
    %dma_wait3A_30 = tpu.memref_slice %arg4[%dma_wait3A_28, %dma_wait3A_29] : memref<163840x128xf32, #tpu.memory_space<hbm>> -> memref<512x16xf32, #tpu.memory_space<hbm>>
    tpu.wait_dma2 semaphore(%arg10 : memref<!tpu.dma_semaphore, #tpu.memory_space<semaphore_mem>>) src(%arg7 : memref<512x16xf32, #tpu.memory_space<vmem>>) dst(%dma_wait3A_30 : memref<512x16xf32, #tpu.memory_space<hbm>>)
    return
  }
}

#map = affine_map<(d0, d1) -> (0, 0)>
#map1 = affine_map<(d0, d1) -> (0, 0, 0)>
module attributes {stable_mosaic.version = 14 : i64} {
  func.func @_scatter_body(%arg0: i32, %arg1: i32, %arg2: memref<163840x128xf32, #tpu.memory_space<hbm>>, %arg3: memref<32x40x128xi32, #tpu.memory_space<hbm>>, %arg4: memref<2x10240x128xf32, #tpu.memory_space<hbm>>, %arg5: memref<40x128xi32, #tpu.memory_space<vmem>>, %arg6: memref<512x16xf32, #tpu.memory_space<vmem>>, %arg7: memref<512x16xf32, #tpu.memory_space<vmem>>, %arg8: memref<640x16xf32, #tpu.memory_space<vmem>>, %arg9: memref<10240x16xf32, #tpu.memory_space<vmem_shared>>, %arg10: memref<!tpu.dma_semaphore, #tpu.memory_space<semaphore_mem>>, %arg11: memref<!tpu.dma_semaphore, #tpu.memory_space<semaphore_mem>>) attributes {dimension_semantics = [#tpu.dimension_semantics<core_parallel>, #tpu.dimension_semantics<subcore_parallel>], iteration_bounds = array<i64: 2, 16>, scalar_prefetch = 0 : i64, scratch_operands = 7 : i64, tpu.core_type = #tpu.core_type<sc_vector_subcore>, window_params = [{transform_indices = #map}, {transform_indices = #map1}, {transform_indices = #map1}]} {
    %mul3A = arith.constant 2 : i32
    %mul3A_0 = arith.muli %arg1, %mul3A : i32
    %add3A = arith.addi %mul3A_0, %arg0 : i32
    %scan3A = arith.constant 0 : i32
    %scan3A_1 = arith.constant 0 : i32
    %scan3A_2 = arith.constant 640 : i32
    %scan3A_3 = arith.addi %scan3A_1, %scan3A_2 : i32
    %scan3A_4 = arith.constant 1 : i32
    scf.for %scan3A_30 = %scan3A_1 to %scan3A_3 step %scan3A_4  : i32 {
      %broadcast_in_dim3A = arith.constant 0.000000e+00 : f32
      %broadcast_in_dim3A_31 = vector.broadcast %broadcast_in_dim3A : f32 to vector<16xf32>
      %swap3A = arith.index_cast %scan3A_30 : i32 to index
      %swap3A_32 = arith.constant 0 : index
      %swap3A_33 = tpu.vector_load %arg8[%swap3A, %swap3A_32] {strides = array<i32>} : memref<640x16xf32, #tpu.memory_space<vmem>>, vector<1x16xf32>,
      %swap3A_34 = vector.shape_cast %swap3A_33 : vector<1x16xf32> to vector<16xf32>
      %swap3A_35 = vector.shape_cast %broadcast_in_dim3A_31 : vector<16xf32> to vector<1x16xf32>
      tpu.vector_store %arg8[%swap3A, %swap3A_32], %swap3A_35 {strides = array<i32>} : memref<640x16xf32, #tpu.memory_space<vmem>>, vector<1x16xf32>,
    }
    %scan3A_5 = arith.constant 640 : i32
    %mul3A_6 = arith.constant 640 : i32
    %mul3A_7 = arith.muli %arg1, %mul3A_6 : i32
    "tpu.region"() ({
      %run_scoped3A = tpu.sem_alloc : memref<!tpu.dma_semaphore, #tpu.memory_space<semaphore_mem>>
      %dma_start3A = arith.constant 0 : i32
      %dma_start3A_30 = tpu.memref_slice %arg9[%mul3A_7, %dma_start3A] : memref<10240x16xf32, #tpu.memory_space<vmem_shared>> -> memref<640x16xf32, #tpu.memory_space<vmem_shared>>
      %dma_start3A_31 = arith.constant 0 : i32
      %dma_start3A_32 = tpu.memref_slice %arg9[%mul3A_7, %dma_start3A_31] : memref<10240x16xf32, #tpu.memory_space<vmem_shared>> -> memref<640x16xf32, #tpu.memory_space<vmem_shared>>
      tpu.enqueue_dma source(%arg8 : memref<640x16xf32, #tpu.memory_space<vmem>>) target(%dma_start3A_32 : memref<640x16xf32, #tpu.memory_space<vmem_shared>>) target_semaphore(%run_scoped3A : memref<!tpu.dma_semaphore, #tpu.memory_space<semaphore_mem>>)
      %dma_wait3A_33 = arith.constant 0 : i32
      %dma_wait3A_34 = tpu.memref_slice %arg9[%mul3A_7, %dma_wait3A_33] : memref<10240x16xf32, #tpu.memory_space<vmem_shared>> -> memref<640x16xf32, #tpu.memory_space<vmem_shared>>
      %dma_wait3A_35 = arith.constant 0 : i32
      %dma_wait3A_36 = tpu.memref_slice %arg9[%mul3A_7, %dma_wait3A_35] : memref<10240x16xf32, #tpu.memory_space<vmem_shared>> -> memref<640x16xf32, #tpu.memory_space<vmem_shared>>
      tpu.wait_dma2 semaphore(%run_scoped3A : memref<!tpu.dma_semaphore, #tpu.memory_space<semaphore_mem>>) src(%arg8 : memref<640x16xf32, #tpu.memory_space<vmem>>) dst(%dma_wait3A_36 : memref<640x16xf32, #tpu.memory_space<vmem_shared>>)
      tpu.yield
    }) : () -> ()
    "tpu.region"() ({
      %run_scoped3A = tpu.sem_alloc : memref<!tpu.dma_semaphore, #tpu.memory_space<semaphore_mem>>
      %dma_start3A = arith.constant 0 : i32
      %dma_start3A_30 = arith.constant 0 : i32
      %dma_start3A_31 = tpu.memref_slice %arg3[%add3A, %dma_start3A, %dma_start3A_30] : memref<32x40x128xi32, #tpu.memory_space<hbm>> -> memref<1x40x128xi32, #tpu.memory_space<hbm>>
      %dma_start3A_32 = tpu.memref_squeeze %dma_start3A_31 : memref<1x40x128xi32, #tpu.memory_space<hbm>> -> memref<40x128xi32, #tpu.memory_space<hbm>>
      %dma_start3A_33 = arith.constant 0 : i32
      %dma_start3A_34 = arith.constant 0 : i32
      %dma_start3A_35 = tpu.memref_slice %arg3[%add3A, %dma_start3A_33, %dma_start3A_34] : memref<32x40x128xi32, #tpu.memory_space<hbm>> -> memref<1x40x128xi32, #tpu.memory_space<hbm>>
      %dma_start3A_36 = tpu.memref_squeeze %dma_start3A_35 : memref<1x40x128xi32, #tpu.memory_space<hbm>> -> memref<40x128xi32, #tpu.memory_space<hbm>>
      tpu.enqueue_dma source(%dma_start3A_36 : memref<40x128xi32, #tpu.memory_space<hbm>>) target(%arg5 : memref<40x128xi32, #tpu.memory_space<vmem>>) target_semaphore(%run_scoped3A : memref<!tpu.dma_semaphore, #tpu.memory_space<semaphore_mem>>)
      %dma_wait3A_37 = arith.constant 0 : i32
      %dma_wait3A_38 = arith.constant 0 : i32
      %dma_wait3A_39 = tpu.memref_slice %arg3[%add3A, %dma_wait3A_37, %dma_wait3A_38] : memref<32x40x128xi32, #tpu.memory_space<hbm>> -> memref<1x40x128xi32, #tpu.memory_space<hbm>>
      %dma_wait3A_40 = tpu.memref_squeeze %dma_wait3A_39 : memref<1x40x128xi32, #tpu.memory_space<hbm>> -> memref<40x128xi32, #tpu.memory_space<hbm>>
      %dma_wait3A_41 = arith.constant 0 : i32
      %dma_wait3A_42 = arith.constant 0 : i32
      %dma_wait3A_43 = tpu.memref_slice %arg3[%add3A, %dma_wait3A_41, %dma_wait3A_42] : memref<32x40x128xi32, #tpu.memory_space<hbm>> -> memref<1x40x128xi32, #tpu.memory_space<hbm>>
      %dma_wait3A_44 = tpu.memref_squeeze %dma_wait3A_43 : memref<1x40x128xi32, #tpu.memory_space<hbm>> -> memref<40x128xi32, #tpu.memory_space<hbm>>
      tpu.wait_dma2 semaphore(%run_scoped3A : memref<!tpu.dma_semaphore, #tpu.memory_space<semaphore_mem>>) src(%dma_wait3A_44 : memref<40x128xi32, #tpu.memory_space<hbm>>) dst(%arg5 : memref<40x128xi32, #tpu.memory_space<vmem>>)
      tpu.yield
    }) : () -> ()
    %barrier3A = arith.constant 0 : index
    tpu.barrier barrier_id(%barrier3A)
    %scan3A_8 = arith.constant 0 : i32
    %scan3A_9 = arith.constant 0 : i32
    %scan3A_10 = arith.constant 5 : i32
    %scan3A_11 = arith.addi %scan3A_9, %scan3A_10 : i32
    %scan3A_12 = arith.constant 1 : i32
    scf.for %scan3A_30 = %scan3A_9 to %scan3A_11 step %scan3A_12  : i32 {
      %mul3A_31 = arith.constant 2 : i32
      %mul3A_32 = arith.muli %scan3A_30, %mul3A_31 : i32
      %add3A_33 = arith.constant 0 : i32
      %add3A_34 = arith.addi %mul3A_32, %add3A_33 : i32
      %ge3A = arith.constant 2 : i32
      %ge3A_35 = arith.cmpi sge, %add3A_34, %ge3A : i32
      %convert_element_type3A = arith.extui %ge3A_35 : i1 to i32
      %cond3A = arith.constant 0 : i32
      %cond3A_36 = arith.cmpi ne, %convert_element_type3A, %cond3A : i32
      scf.if %cond3A_36 {
        %dma_wait3A_163 = arith.constant 0 : i32
        %dma_wait3A_164 = arith.constant 0 : i32
        %dma_wait3A_165 = tpu.memref_slice %arg2[%dma_wait3A_163, %dma_wait3A_164] : memref<163840x128xf32, #tpu.memory_space<hbm>> -> memref<512x16xf32, #tpu.memory_space<hbm>>
        %dma_wait3A_166 = arith.constant 0 : i32
        %dma_wait3A_167 = arith.constant 0 : i32
        %dma_wait3A_168 = tpu.memref_slice %arg2[%dma_wait3A_166, %dma_wait3A_167] : memref<163840x128xf32, #tpu.memory_space<hbm>> -> memref<512x16xf32, #tpu.memory_space<hbm>>
        tpu.wait_dma2 semaphore(%arg10 : memref<!tpu.dma_semaphore, #tpu.memory_space<semaphore_mem>>) src(%dma_wait3A_168 : memref<512x16xf32, #tpu.memory_space<hbm>>) dst(%arg6 : memref<512x16xf32, #tpu.memory_space<vmem>>)
      } else {
      }
      %mul3A_37 = arith.constant 40 : i32
      %mul3A_38 = arith.muli %add3A, %mul3A_37 : i32
      %mul3A_39 = arith.constant 4 : i32
      %mul3A_40 = arith.muli %add3A_34, %mul3A_39 : i32
      %add3A_41 = arith.addi %mul3A_38, %mul3A_40 : i32
      %mul3A_42 = arith.constant 128 : i32
      %mul3A_43 = arith.muli %add3A_41, %mul3A_42 : i32
      "tpu.region"() ({
        %run_scoped3A = tpu.sem_alloc : memref<!tpu.dma_semaphore, #tpu.memory_space<semaphore_mem>>
        %dma_start3A_163 = arith.constant 0 : i32
        %dma_start3A_164 = tpu.memref_slice %arg2[%mul3A_43, %dma_start3A_163] : memref<163840x128xf32, #tpu.memory_space<hbm>> -> memref<512x16xf32, #tpu.memory_space<hbm>>
        %dma_start3A_165 = arith.constant 0 : i32
        %dma_start3A_166 = tpu.memref_slice %arg2[%mul3A_43, %dma_start3A_165] : memref<163840x128xf32, #tpu.memory_space<hbm>> -> memref<512x16xf32, #tpu.memory_space<hbm>>
        tpu.enqueue_dma source(%dma_start3A_166 : memref<512x16xf32, #tpu.memory_space<hbm>>) target(%arg6 : memref<512x16xf32, #tpu.memory_space<vmem>>) target_semaphore(%run_scoped3A : memref<!tpu.dma_semaphore, #tpu.memory_space<semaphore_mem>>)
        %dma_wait3A_167 = arith.constant 0 : i32
        %dma_wait3A_168 = tpu.memref_slice %arg2[%mul3A_43, %dma_wait3A_167] : memref<163840x128xf32, #tpu.memory_space<hbm>> -> memref<512x16xf32, #tpu.memory_space<hbm>>
        %dma_wait3A_169 = arith.constant 0 : i32
        %dma_wait3A_170 = tpu.memref_slice %arg2[%mul3A_43, %dma_wait3A_169] : memref<163840x128xf32, #tpu.memory_space<hbm>> -> memref<512x16xf32, #tpu.memory_space<hbm>>
        tpu.wait_dma2 semaphore(%run_scoped3A : memref<!tpu.dma_semaphore, #tpu.memory_space<semaphore_mem>>) src(%dma_wait3A_170 : memref<512x16xf32, #tpu.memory_space<hbm>>) dst(%arg6 : memref<512x16xf32, #tpu.memory_space<vmem>>)
        tpu.yield
      }) : () -> ()
      %mul3A_44 = arith.constant 4 : i32
      %mul3A_45 = arith.muli %add3A_34, %mul3A_44 : i32
      %add3A_46 = arith.constant 0 : i32
      %add3A_47 = arith.addi %mul3A_45, %add3A_46 : i32
      %dma_start3A = arith.constant 0 : i32
      %dma_start3A_48 = arith.constant 0 : i32
      %dma_start3A_49 = tpu.memref_slice %arg6[%dma_start3A, %dma_start3A_48] : memref<512x16xf32, #tpu.memory_space<vmem>> -> memref<128x16xf32, #tpu.memory_space<vmem>>
      %dma_start3A_50 = arith.constant 0 : i32
      %dma_start3A_51 = tpu.memref_slice %arg5[%add3A_47, %dma_start3A_50] : memref<40x128xi32, #tpu.memory_space<vmem>> -> memref<1x128xi32, #tpu.memory_space<vmem>>
      %dma_start3A_52 = tpu.memref_squeeze %dma_start3A_51 : memref<1x128xi32, #tpu.memory_space<vmem>> -> memref<128xi32, #tpu.memory_space<vmem>>
      %dma_start3A_53 = arith.constant 0 : i32
      %dma_start3A_54 = arith.constant 0 : i32
      %dma_start3A_55 = tpu.memref_slice %arg9[%dma_start3A_53, %dma_start3A_54] : memref<10240x16xf32, #tpu.memory_space<vmem_shared>> -> memref<10240x16xf32, #tpu.memory_space<vmem_shared>>
      tpu.enqueue_indirect_dma source(%dma_start3A_49 : memref<128x16xf32, #tpu.memory_space<vmem>>) target(%dma_start3A_55 : memref<10240x16xf32, #tpu.memory_space<vmem_shared>>) offsets(%dma_start3A_52 : memref<128xi32, #tpu.memory_space<vmem>>) semaphore(%arg10 : memref<!tpu.dma_semaphore, #tpu.memory_space<semaphore_mem>>) {add = true}
      %mul3A_56 = arith.constant 4 : i32
      %mul3A_57 = arith.muli %add3A_34, %mul3A_56 : i32
      %add3A_58 = arith.constant 1 : i32
      %add3A_59 = arith.addi %mul3A_57, %add3A_58 : i32
      %dma_start3A_60 = arith.constant 128 : i32
      %dma_start3A_61 = arith.constant 0 : i32
      %dma_start3A_62 = tpu.memref_slice %arg6[%dma_start3A_60, %dma_start3A_61] : memref<512x16xf32, #tpu.memory_space<vmem>> -> memref<128x16xf32, #tpu.memory_space<vmem>>
      %dma_start3A_63 = arith.constant 0 : i32
      %dma_start3A_64 = tpu.memref_slice %arg5[%add3A_59, %dma_start3A_63] : memref<40x128xi32, #tpu.memory_space<vmem>> -> memref<1x128xi32, #tpu.memory_space<vmem>>
      %dma_start3A_65 = tpu.memref_squeeze %dma_start3A_64 : memref<1x128xi32, #tpu.memory_space<vmem>> -> memref<128xi32, #tpu.memory_space<vmem>>
      %dma_start3A_66 = arith.constant 0 : i32
      %dma_start3A_67 = arith.constant 0 : i32
      %dma_start3A_68 = tpu.memref_slice %arg9[%dma_start3A_66, %dma_start3A_67] : memref<10240x16xf32, #tpu.memory_space<vmem_shared>> -> memref<10240x16xf32, #tpu.memory_space<vmem_shared>>
      tpu.enqueue_indirect_dma source(%dma_start3A_62 : memref<128x16xf32, #tpu.memory_space<vmem>>) target(%dma_start3A_68 : memref<10240x16xf32, #tpu.memory_space<vmem_shared>>) offsets(%dma_start3A_65 : memref<128xi32, #tpu.memory_space<vmem>>) semaphore(%arg10 : memref<!tpu.dma_semaphore, #tpu.memory_space<semaphore_mem>>) {add = true}
      %mul3A_69 = arith.constant 4 : i32
      %mul3A_70 = arith.muli %add3A_34, %mul3A_69 : i32
      %add3A_71 = arith.constant 2 : i32
      %add3A_72 = arith.addi %mul3A_70, %add3A_71 : i32
      %dma_start3A_73 = arith.constant 256 : i32
      %dma_start3A_74 = arith.constant 0 : i32
      %dma_start3A_75 = tpu.memref_slice %arg6[%dma_start3A_73, %dma_start3A_74] : memref<512x16xf32, #tpu.memory_space<vmem>> -> memref<128x16xf32, #tpu.memory_space<vmem>>
      %dma_start3A_76 = arith.constant 0 : i32
      %dma_start3A_77 = tpu.memref_slice %arg5[%add3A_72, %dma_start3A_76] : memref<40x128xi32, #tpu.memory_space<vmem>> -> memref<1x128xi32, #tpu.memory_space<vmem>>
      %dma_start3A_78 = tpu.memref_squeeze %dma_start3A_77 : memref<1x128xi32, #tpu.memory_space<vmem>> -> memref<128xi32, #tpu.memory_space<vmem>>
      %dma_start3A_79 = arith.constant 0 : i32
      %dma_start3A_80 = arith.constant 0 : i32
      %dma_start3A_81 = tpu.memref_slice %arg9[%dma_start3A_79, %dma_start3A_80] : memref<10240x16xf32, #tpu.memory_space<vmem_shared>> -> memref<10240x16xf32, #tpu.memory_space<vmem_shared>>
      tpu.enqueue_indirect_dma source(%dma_start3A_75 : memref<128x16xf32, #tpu.memory_space<vmem>>) target(%dma_start3A_81 : memref<10240x16xf32, #tpu.memory_space<vmem_shared>>) offsets(%dma_start3A_78 : memref<128xi32, #tpu.memory_space<vmem>>) semaphore(%arg10 : memref<!tpu.dma_semaphore, #tpu.memory_space<semaphore_mem>>) {add = true}
      %mul3A_82 = arith.constant 4 : i32
      %mul3A_83 = arith.muli %add3A_34, %mul3A_82 : i32
      %add3A_84 = arith.constant 3 : i32
      %add3A_85 = arith.addi %mul3A_83, %add3A_84 : i32
      %dma_start3A_86 = arith.constant 384 : i32
      %dma_start3A_87 = arith.constant 0 : i32
      %dma_start3A_88 = tpu.memref_slice %arg6[%dma_start3A_86, %dma_start3A_87] : memref<512x16xf32, #tpu.memory_space<vmem>> -> memref<128x16xf32, #tpu.memory_space<vmem>>
      %dma_start3A_89 = arith.constant 0 : i32
      %dma_start3A_90 = tpu.memref_slice %arg5[%add3A_85, %dma_start3A_89] : memref<40x128xi32, #tpu.memory_space<vmem>> -> memref<1x128xi32, #tpu.memory_space<vmem>>
      %dma_start3A_91 = tpu.memref_squeeze %dma_start3A_90 : memref<1x128xi32, #tpu.memory_space<vmem>> -> memref<128xi32, #tpu.memory_space<vmem>>
      %dma_start3A_92 = arith.constant 0 : i32
      %dma_start3A_93 = arith.constant 0 : i32
      %dma_start3A_94 = tpu.memref_slice %arg9[%dma_start3A_92, %dma_start3A_93] : memref<10240x16xf32, #tpu.memory_space<vmem_shared>> -> memref<10240x16xf32, #tpu.memory_space<vmem_shared>>
      tpu.enqueue_indirect_dma source(%dma_start3A_88 : memref<128x16xf32, #tpu.memory_space<vmem>>) target(%dma_start3A_94 : memref<10240x16xf32, #tpu.memory_space<vmem_shared>>) offsets(%dma_start3A_91 : memref<128xi32, #tpu.memory_space<vmem>>) semaphore(%arg10 : memref<!tpu.dma_semaphore, #tpu.memory_space<semaphore_mem>>) {add = true}
      %mul3A_95 = arith.constant 2 : i32
      %mul3A_96 = arith.muli %scan3A_30, %mul3A_95 : i32
      %add3A_97 = arith.constant 1 : i32
      %add3A_98 = arith.addi %mul3A_96, %add3A_97 : i32
      %ge3A_99 = arith.constant 2 : i32
      %ge3A_100 = arith.cmpi sge, %add3A_98, %ge3A_99 : i32
      %convert_element_type3A_101 = arith.extui %ge3A_100 : i1 to i32
      %cond3A_102 = arith.constant 0 : i32
      %cond3A_103 = arith.cmpi ne, %convert_element_type3A_101, %cond3A_102 : i32
      scf.if %cond3A_103 {
        %dma_wait3A_163 = arith.constant 0 : i32
        %dma_wait3A_164 = arith.constant 0 : i32
        %dma_wait3A_165 = tpu.memref_slice %arg2[%dma_wait3A_163, %dma_wait3A_164] : memref<163840x128xf32, #tpu.memory_space<hbm>> -> memref<512x16xf32, #tpu.memory_space<hbm>>
        %dma_wait3A_166 = arith.constant 0 : i32
        %dma_wait3A_167 = arith.constant 0 : i32
        %dma_wait3A_168 = tpu.memref_slice %arg2[%dma_wait3A_166, %dma_wait3A_167] : memref<163840x128xf32, #tpu.memory_space<hbm>> -> memref<512x16xf32, #tpu.memory_space<hbm>>
        tpu.wait_dma2 semaphore(%arg11 : memref<!tpu.dma_semaphore, #tpu.memory_space<semaphore_mem>>) src(%dma_wait3A_168 : memref<512x16xf32, #tpu.memory_space<hbm>>) dst(%arg7 : memref<512x16xf32, #tpu.memory_space<vmem>>)
      } else {
      }
      %mul3A_104 = arith.constant 40 : i32
      %mul3A_105 = arith.muli %add3A, %mul3A_104 : i32
      %mul3A_106 = arith.constant 4 : i32
      %mul3A_107 = arith.muli %add3A_98, %mul3A_106 : i32
      %add3A_108 = arith.addi %mul3A_105, %mul3A_107 : i32
      %mul3A_109 = arith.constant 128 : i32
      %mul3A_110 = arith.muli %add3A_108, %mul3A_109 : i32
      "tpu.region"() ({
        %run_scoped3A = tpu.sem_alloc : memref<!tpu.dma_semaphore, #tpu.memory_space<semaphore_mem>>
        %dma_start3A_163 = arith.constant 0 : i32
        %dma_start3A_164 = tpu.memref_slice %arg2[%mul3A_110, %dma_start3A_163] : memref<163840x128xf32, #tpu.memory_space<hbm>> -> memref<512x16xf32, #tpu.memory_space<hbm>>
        %dma_start3A_165 = arith.constant 0 : i32
        %dma_start3A_166 = tpu.memref_slice %arg2[%mul3A_110, %dma_start3A_165] : memref<163840x128xf32, #tpu.memory_space<hbm>> -> memref<512x16xf32, #tpu.memory_space<hbm>>
        tpu.enqueue_dma source(%dma_start3A_166 : memref<512x16xf32, #tpu.memory_space<hbm>>) target(%arg7 : memref<512x16xf32, #tpu.memory_space<vmem>>) target_semaphore(%run_scoped3A : memref<!tpu.dma_semaphore, #tpu.memory_space<semaphore_mem>>)
        %dma_wait3A_167 = arith.constant 0 : i32
        %dma_wait3A_168 = tpu.memref_slice %arg2[%mul3A_110, %dma_wait3A_167] : memref<163840x128xf32, #tpu.memory_space<hbm>> -> memref<512x16xf32, #tpu.memory_space<hbm>>
        %dma_wait3A_169 = arith.constant 0 : i32
        %dma_wait3A_170 = tpu.memref_slice %arg2[%mul3A_110, %dma_wait3A_169] : memref<163840x128xf32, #tpu.memory_space<hbm>> -> memref<512x16xf32, #tpu.memory_space<hbm>>
        tpu.wait_dma2 semaphore(%run_scoped3A : memref<!tpu.dma_semaphore, #tpu.memory_space<semaphore_mem>>) src(%dma_wait3A_170 : memref<512x16xf32, #tpu.memory_space<hbm>>) dst(%arg7 : memref<512x16xf32, #tpu.memory_space<vmem>>)
        tpu.yield
      }) : () -> ()
      %mul3A_111 = arith.constant 4 : i32
      %mul3A_112 = arith.muli %add3A_98, %mul3A_111 : i32
      %add3A_113 = arith.constant 0 : i32
      %add3A_114 = arith.addi %mul3A_112, %add3A_113 : i32
      %dma_start3A_115 = arith.constant 0 : i32
      %dma_start3A_116 = arith.constant 0 : i32
      %dma_start3A_117 = tpu.memref_slice %arg7[%dma_start3A_115, %dma_start3A_116] : memref<512x16xf32, #tpu.memory_space<vmem>> -> memref<128x16xf32, #tpu.memory_space<vmem>>
      %dma_start3A_118 = arith.constant 0 : i32
      %dma_start3A_119 = tpu.memref_slice %arg5[%add3A_114, %dma_start3A_118] : memref<40x128xi32, #tpu.memory_space<vmem>> -> memref<1x128xi32, #tpu.memory_space<vmem>>
      %dma_start3A_120 = tpu.memref_squeeze %dma_start3A_119 : memref<1x128xi32, #tpu.memory_space<vmem>> -> memref<128xi32, #tpu.memory_space<vmem>>
      %dma_start3A_121 = arith.constant 0 : i32
      %dma_start3A_122 = arith.constant 0 : i32
      %dma_start3A_123 = tpu.memref_slice %arg9[%dma_start3A_121, %dma_start3A_122] : memref<10240x16xf32, #tpu.memory_space<vmem_shared>> -> memref<10240x16xf32, #tpu.memory_space<vmem_shared>>
      tpu.enqueue_indirect_dma source(%dma_start3A_117 : memref<128x16xf32, #tpu.memory_space<vmem>>) target(%dma_start3A_123 : memref<10240x16xf32, #tpu.memory_space<vmem_shared>>) offsets(%dma_start3A_120 : memref<128xi32, #tpu.memory_space<vmem>>) semaphore(%arg11 : memref<!tpu.dma_semaphore, #tpu.memory_space<semaphore_mem>>) {add = true}
      %mul3A_124 = arith.constant 4 : i32
      %mul3A_125 = arith.muli %add3A_98, %mul3A_124 : i32
      %add3A_126 = arith.constant 1 : i32
      %add3A_127 = arith.addi %mul3A_125, %add3A_126 : i32
      %dma_start3A_128 = arith.constant 128 : i32
      %dma_start3A_129 = arith.constant 0 : i32
      %dma_start3A_130 = tpu.memref_slice %arg7[%dma_start3A_128, %dma_start3A_129] : memref<512x16xf32, #tpu.memory_space<vmem>> -> memref<128x16xf32, #tpu.memory_space<vmem>>
      %dma_start3A_131 = arith.constant 0 : i32
      %dma_start3A_132 = tpu.memref_slice %arg5[%add3A_127, %dma_start3A_131] : memref<40x128xi32, #tpu.memory_space<vmem>> -> memref<1x128xi32, #tpu.memory_space<vmem>>
      %dma_start3A_133 = tpu.memref_squeeze %dma_start3A_132 : memref<1x128xi32, #tpu.memory_space<vmem>> -> memref<128xi32, #tpu.memory_space<vmem>>
      %dma_start3A_134 = arith.constant 0 : i32
      %dma_start3A_135 = arith.constant 0 : i32
      %dma_start3A_136 = tpu.memref_slice %arg9[%dma_start3A_134, %dma_start3A_135] : memref<10240x16xf32, #tpu.memory_space<vmem_shared>> -> memref<10240x16xf32, #tpu.memory_space<vmem_shared>>
      tpu.enqueue_indirect_dma source(%dma_start3A_130 : memref<128x16xf32, #tpu.memory_space<vmem>>) target(%dma_start3A_136 : memref<10240x16xf32, #tpu.memory_space<vmem_shared>>) offsets(%dma_start3A_133 : memref<128xi32, #tpu.memory_space<vmem>>) semaphore(%arg11 : memref<!tpu.dma_semaphore, #tpu.memory_space<semaphore_mem>>) {add = true}
      %mul3A_137 = arith.constant 4 : i32
      %mul3A_138 = arith.muli %add3A_98, %mul3A_137 : i32
      %add3A_139 = arith.constant 2 : i32
      %add3A_140 = arith.addi %mul3A_138, %add3A_139 : i32
      %dma_start3A_141 = arith.constant 256 : i32
      %dma_start3A_142 = arith.constant 0 : i32
      %dma_start3A_143 = tpu.memref_slice %arg7[%dma_start3A_141, %dma_start3A_142] : memref<512x16xf32, #tpu.memory_space<vmem>> -> memref<128x16xf32, #tpu.memory_space<vmem>>
      %dma_start3A_144 = arith.constant 0 : i32
      %dma_start3A_145 = tpu.memref_slice %arg5[%add3A_140, %dma_start3A_144] : memref<40x128xi32, #tpu.memory_space<vmem>> -> memref<1x128xi32, #tpu.memory_space<vmem>>
      %dma_start3A_146 = tpu.memref_squeeze %dma_start3A_145 : memref<1x128xi32, #tpu.memory_space<vmem>> -> memref<128xi32, #tpu.memory_space<vmem>>
      %dma_start3A_147 = arith.constant 0 : i32
      %dma_start3A_148 = arith.constant 0 : i32
      %dma_start3A_149 = tpu.memref_slice %arg9[%dma_start3A_147, %dma_start3A_148] : memref<10240x16xf32, #tpu.memory_space<vmem_shared>> -> memref<10240x16xf32, #tpu.memory_space<vmem_shared>>
      tpu.enqueue_indirect_dma source(%dma_start3A_143 : memref<128x16xf32, #tpu.memory_space<vmem>>) target(%dma_start3A_149 : memref<10240x16xf32, #tpu.memory_space<vmem_shared>>) offsets(%dma_start3A_146 : memref<128xi32, #tpu.memory_space<vmem>>) semaphore(%arg11 : memref<!tpu.dma_semaphore, #tpu.memory_space<semaphore_mem>>) {add = true}
      %mul3A_150 = arith.constant 4 : i32
      %mul3A_151 = arith.muli %add3A_98, %mul3A_150 : i32
      %add3A_152 = arith.constant 3 : i32
      %add3A_153 = arith.addi %mul3A_151, %add3A_152 : i32
      %dma_start3A_154 = arith.constant 384 : i32
      %dma_start3A_155 = arith.constant 0 : i32
      %dma_start3A_156 = tpu.memref_slice %arg7[%dma_start3A_154, %dma_start3A_155] : memref<512x16xf32, #tpu.memory_space<vmem>> -> memref<128x16xf32, #tpu.memory_space<vmem>>
      %dma_start3A_157 = arith.constant 0 : i32
      %dma_start3A_158 = tpu.memref_slice %arg5[%add3A_153, %dma_start3A_157] : memref<40x128xi32, #tpu.memory_space<vmem>> -> memref<1x128xi32, #tpu.memory_space<vmem>>
      %dma_start3A_159 = tpu.memref_squeeze %dma_start3A_158 : memref<1x128xi32, #tpu.memory_space<vmem>> -> memref<128xi32, #tpu.memory_space<vmem>>
      %dma_start3A_160 = arith.constant 0 : i32
      %dma_start3A_161 = arith.constant 0 : i32
      %dma_start3A_162 = tpu.memref_slice %arg9[%dma_start3A_160, %dma_start3A_161] : memref<10240x16xf32, #tpu.memory_space<vmem_shared>> -> memref<10240x16xf32, #tpu.memory_space<vmem_shared>>
      tpu.enqueue_indirect_dma source(%dma_start3A_156 : memref<128x16xf32, #tpu.memory_space<vmem>>) target(%dma_start3A_162 : memref<10240x16xf32, #tpu.memory_space<vmem_shared>>) offsets(%dma_start3A_159 : memref<128xi32, #tpu.memory_space<vmem>>) semaphore(%arg11 : memref<!tpu.dma_semaphore, #tpu.memory_space<semaphore_mem>>) {add = true}
    }
    %scan3A_13 = arith.constant 5 : i32
    %dma_wait3A = arith.constant 0 : i32
    %dma_wait3A_14 = arith.constant 0 : i32
    %dma_wait3A_15 = tpu.memref_slice %arg2[%dma_wait3A, %dma_wait3A_14] : memref<163840x128xf32, #tpu.memory_space<hbm>> -> memref<512x16xf32, #tpu.memory_space<hbm>>
    %dma_wait3A_16 = arith.constant 0 : i32
    %dma_wait3A_17 = arith.constant 0 : i32
    %dma_wait3A_18 = tpu.memref_slice %arg2[%dma_wait3A_16, %dma_wait3A_17] : memref<163840x128xf32, #tpu.memory_space<hbm>> -> memref<512x16xf32, #tpu.memory_space<hbm>>
    tpu.wait_dma2 semaphore(%arg10 : memref<!tpu.dma_semaphore, #tpu.memory_space<semaphore_mem>>) src(%dma_wait3A_18 : memref<512x16xf32, #tpu.memory_space<hbm>>) dst(%arg6 : memref<512x16xf32, #tpu.memory_space<vmem>>)
    %dma_wait3A_19 = arith.constant 0 : i32
    %dma_wait3A_20 = arith.constant 0 : i32
    %dma_wait3A_21 = tpu.memref_slice %arg2[%dma_wait3A_19, %dma_wait3A_20] : memref<163840x128xf32, #tpu.memory_space<hbm>> -> memref<512x16xf32, #tpu.memory_space<hbm>>
    %dma_wait3A_22 = arith.constant 0 : i32
    %dma_wait3A_23 = arith.constant 0 : i32
    %dma_wait3A_24 = tpu.memref_slice %arg2[%dma_wait3A_22, %dma_wait3A_23] : memref<163840x128xf32, #tpu.memory_space<hbm>> -> memref<512x16xf32, #tpu.memory_space<hbm>>
    tpu.wait_dma2 semaphore(%arg11 : memref<!tpu.dma_semaphore, #tpu.memory_space<semaphore_mem>>) src(%dma_wait3A_24 : memref<512x16xf32, #tpu.memory_space<hbm>>) dst(%arg7 : memref<512x16xf32, #tpu.memory_space<vmem>>)
    %barrier3A_25 = arith.constant 0 : index
    tpu.barrier barrier_id(%barrier3A_25)
    %mul3A_26 = arith.constant 640 : i32
    %mul3A_27 = arith.muli %arg1, %mul3A_26 : i32
    %mul3A_28 = arith.constant 640 : i32
    %mul3A_29 = arith.muli %arg1, %mul3A_28 : i32
    "tpu.region"() ({
      %run_scoped3A = tpu.sem_alloc : memref<!tpu.dma_semaphore, #tpu.memory_space<semaphore_mem>>
      %dma_start3A = arith.constant 0 : i32
      %dma_start3A_30 = tpu.memref_slice %arg4[%arg0, %mul3A_29, %dma_start3A] : memref<2x10240x128xf32, #tpu.memory_space<hbm>> -> memref<1x640x16xf32, #tpu.memory_space<hbm>>
      %dma_start3A_31 = tpu.memref_squeeze %dma_start3A_30 : memref<1x640x16xf32, #tpu.memory_space<hbm>> -> memref<640x16xf32, #tpu.memory_space<hbm>>
      %dma_start3A_32 = arith.constant 0 : i32
      %dma_start3A_33 = tpu.memref_slice %arg9[%mul3A_27, %dma_start3A_32] : memref<10240x16xf32, #tpu.memory_space<vmem_shared>> -> memref<640x16xf32, #tpu.memory_space<vmem_shared>>
      tpu.enqueue_dma source(%dma_start3A_33 : memref<640x16xf32, #tpu.memory_space<vmem_shared>>) target(%dma_start3A_31 : memref<640x16xf32, #tpu.memory_space<hbm>>) target_semaphore(%run_scoped3A : memref<!tpu.dma_semaphore, #tpu.memory_space<semaphore_mem>>)
      %dma_wait3A_34 = arith.constant 0 : i32
      %dma_wait3A_35 = tpu.memref_slice %arg4[%arg0, %mul3A_29, %dma_wait3A_34] : memref<2x10240x128xf32, #tpu.memory_space<hbm>> -> memref<1x640x16xf32, #tpu.memory_space<hbm>>
      %dma_wait3A_36 = tpu.memref_squeeze %dma_wait3A_35 : memref<1x640x16xf32, #tpu.memory_space<hbm>> -> memref<640x16xf32, #tpu.memory_space<hbm>>
      %dma_wait3A_37 = arith.constant 0 : i32
      %dma_wait3A_38 = tpu.memref_slice %arg9[%mul3A_27, %dma_wait3A_37] : memref<10240x16xf32, #tpu.memory_space<vmem_shared>> -> memref<640x16xf32, #tpu.memory_space<vmem_shared>>
      tpu.wait_dma2 semaphore(%run_scoped3A : memref<!tpu.dma_semaphore, #tpu.memory_space<semaphore_mem>>) src(%dma_wait3A_38 : memref<640x16xf32, #tpu.memory_space<vmem_shared>>) dst(%dma_wait3A_36 : memref<640x16xf32, #tpu.memory_space<hbm>>)
      tpu.yield
    }) : () -> ()
    return
  }
}

#map = affine_map<(d0, d1) -> (0, 0, 0)>
module attributes {stable_mosaic.version = 14 : i64} {
  func.func @_counts_body(%arg0: i32, %arg1: i32, %arg2: memref<32x80x128xi32, #tpu.memory_space<hbm>>, %arg3: memref<2x10240x128xf32, #tpu.memory_space<hbm>>, %arg4: memref<80x128xi32, #tpu.memory_space<vmem>>, %arg5: memref<128x16xf32, #tpu.memory_space<vmem>>, %arg6: memref<640x16xf32, #tpu.memory_space<vmem>>, %arg7: memref<10240x16xf32, #tpu.memory_space<vmem_shared>>, %arg8: memref<!tpu.dma_semaphore, #tpu.memory_space<semaphore_mem>>) attributes {dimension_semantics = [#tpu.dimension_semantics<core_parallel>, #tpu.dimension_semantics<subcore_parallel>], iteration_bounds = array<i64: 2, 16>, scalar_prefetch = 0 : i64, scratch_operands = 5 : i64, tpu.core_type = #tpu.core_type<sc_vector_subcore>, window_params = [{transform_indices = #map}, {transform_indices = #map}]} {
    %mul3A = arith.constant 2 : i32
    %mul3A_0 = arith.muli %arg1, %mul3A : i32
    %add3A = arith.addi %mul3A_0, %arg0 : i32
    %scan3A = arith.constant 0 : i32
    %scan3A_1 = arith.constant 0 : i32
    %scan3A_2 = arith.constant 640 : i32
    %scan3A_3 = arith.addi %scan3A_1, %scan3A_2 : i32
    %scan3A_4 = arith.constant 1 : i32
    scf.for %scan3A_25 = %scan3A_1 to %scan3A_3 step %scan3A_4  : i32 {
      %broadcast_in_dim3A = arith.constant 0.000000e+00 : f32
      %broadcast_in_dim3A_26 = vector.broadcast %broadcast_in_dim3A : f32 to vector<16xf32>
      %swap3A = arith.index_cast %scan3A_25 : i32 to index
      %swap3A_27 = arith.constant 0 : index
      %swap3A_28 = tpu.vector_load %arg6[%swap3A, %swap3A_27] {strides = array<i32>} : memref<640x16xf32, #tpu.memory_space<vmem>>, vector<1x16xf32>,
      %swap3A_29 = vector.shape_cast %swap3A_28 : vector<1x16xf32> to vector<16xf32>
      %swap3A_30 = vector.shape_cast %broadcast_in_dim3A_26 : vector<16xf32> to vector<1x16xf32>
      tpu.vector_store %arg6[%swap3A, %swap3A_27], %swap3A_30 {strides = array<i32>} : memref<640x16xf32, #tpu.memory_space<vmem>>, vector<1x16xf32>,
    }
    %scan3A_5 = arith.constant 640 : i32
    %scan3A_6 = arith.constant 0 : i32
    %scan3A_7 = arith.constant 0 : i32
    %scan3A_8 = arith.constant 128 : i32
    %scan3A_9 = arith.addi %scan3A_7, %scan3A_8 : i32
    %scan3A_10 = arith.constant 1 : i32
    scf.for %scan3A_25 = %scan3A_7 to %scan3A_9 step %scan3A_10  : i32 {
      %broadcast_in_dim3A = arith.constant 1.000000e+00 : f32
      %broadcast_in_dim3A_26 = vector.broadcast %broadcast_in_dim3A : f32 to vector<16xf32>
      %swap3A = arith.index_cast %scan3A_25 : i32 to index
      %swap3A_27 = arith.constant 0 : index
      %swap3A_28 = tpu.vector_load %arg5[%swap3A, %swap3A_27] {strides = array<i32>} : memref<128x16xf32, #tpu.memory_space<vmem>>, vector<1x16xf32>,
      %swap3A_29 = vector.shape_cast %swap3A_28 : vector<1x16xf32> to vector<16xf32>
      %swap3A_30 = vector.shape_cast %broadcast_in_dim3A_26 : vector<16xf32> to vector<1x16xf32>
      tpu.vector_store %arg5[%swap3A, %swap3A_27], %swap3A_30 {strides = array<i32>} : memref<128x16xf32, #tpu.memory_space<vmem>>, vector<1x16xf32>,
    }
    %scan3A_11 = arith.constant 128 : i32
    %mul3A_12 = arith.constant 640 : i32
    %mul3A_13 = arith.muli %arg1, %mul3A_12 : i32
    "tpu.region"() ({
      %run_scoped3A = tpu.sem_alloc : memref<!tpu.dma_semaphore, #tpu.memory_space<semaphore_mem>>
      %dma_start3A = arith.constant 0 : i32
      %dma_start3A_25 = tpu.memref_slice %arg7[%mul3A_13, %dma_start3A] : memref<10240x16xf32, #tpu.memory_space<vmem_shared>> -> memref<640x16xf32, #tpu.memory_space<vmem_shared>>
      %dma_start3A_26 = arith.constant 0 : i32
      %dma_start3A_27 = tpu.memref_slice %arg7[%mul3A_13, %dma_start3A_26] : memref<10240x16xf32, #tpu.memory_space<vmem_shared>> -> memref<640x16xf32, #tpu.memory_space<vmem_shared>>
      tpu.enqueue_dma source(%arg6 : memref<640x16xf32, #tpu.memory_space<vmem>>) target(%dma_start3A_27 : memref<640x16xf32, #tpu.memory_space<vmem_shared>>) target_semaphore(%run_scoped3A : memref<!tpu.dma_semaphore, #tpu.memory_space<semaphore_mem>>)
      %dma_wait3A = arith.constant 0 : i32
      %dma_wait3A_28 = tpu.memref_slice %arg7[%mul3A_13, %dma_wait3A] : memref<10240x16xf32, #tpu.memory_space<vmem_shared>> -> memref<640x16xf32, #tpu.memory_space<vmem_shared>>
      %dma_wait3A_29 = arith.constant 0 : i32
      %dma_wait3A_30 = tpu.memref_slice %arg7[%mul3A_13, %dma_wait3A_29] : memref<10240x16xf32, #tpu.memory_space<vmem_shared>> -> memref<640x16xf32, #tpu.memory_space<vmem_shared>>
      tpu.wait_dma2 semaphore(%run_scoped3A : memref<!tpu.dma_semaphore, #tpu.memory_space<semaphore_mem>>) src(%arg6 : memref<640x16xf32, #tpu.memory_space<vmem>>) dst(%dma_wait3A_30 : memref<640x16xf32, #tpu.memory_space<vmem_shared>>)
      tpu.yield
    }) : () -> ()
    "tpu.region"() ({
      %run_scoped3A = tpu.sem_alloc : memref<!tpu.dma_semaphore, #tpu.memory_space<semaphore_mem>>
      %dma_start3A = arith.constant 0 : i32
      %dma_start3A_25 = arith.constant 0 : i32
      %dma_start3A_26 = tpu.memref_slice %arg2[%add3A, %dma_start3A, %dma_start3A_25] : memref<32x80x128xi32, #tpu.memory_space<hbm>> -> memref<1x80x128xi32, #tpu.memory_space<hbm>>
      %dma_start3A_27 = tpu.memref_squeeze %dma_start3A_26 : memref<1x80x128xi32, #tpu.memory_space<hbm>> -> memref<80x128xi32, #tpu.memory_space<hbm>>
      %dma_start3A_28 = arith.constant 0 : i32
      %dma_start3A_29 = arith.constant 0 : i32
      %dma_start3A_30 = tpu.memref_slice %arg2[%add3A, %dma_start3A_28, %dma_start3A_29] : memref<32x80x128xi32, #tpu.memory_space<hbm>> -> memref<1x80x128xi32, #tpu.memory_space<hbm>>
      %dma_start3A_31 = tpu.memref_squeeze %dma_start3A_30 : memref<1x80x128xi32, #tpu.memory_space<hbm>> -> memref<80x128xi32, #tpu.memory_space<hbm>>
      tpu.enqueue_dma source(%dma_start3A_31 : memref<80x128xi32, #tpu.memory_space<hbm>>) target(%arg4 : memref<80x128xi32, #tpu.memory_space<vmem>>) target_semaphore(%run_scoped3A : memref<!tpu.dma_semaphore, #tpu.memory_space<semaphore_mem>>)
      %dma_wait3A = arith.constant 0 : i32
      %dma_wait3A_32 = arith.constant 0 : i32
      %dma_wait3A_33 = tpu.memref_slice %arg2[%add3A, %dma_wait3A, %dma_wait3A_32] : memref<32x80x128xi32, #tpu.memory_space<hbm>> -> memref<1x80x128xi32, #tpu.memory_space<hbm>>
      %dma_wait3A_34 = tpu.memref_squeeze %dma_wait3A_33 : memref<1x80x128xi32, #tpu.memory_space<hbm>> -> memref<80x128xi32, #tpu.memory_space<hbm>>
      %dma_wait3A_35 = arith.constant 0 : i32
      %dma_wait3A_36 = arith.constant 0 : i32
      %dma_wait3A_37 = tpu.memref_slice %arg2[%add3A, %dma_wait3A_35, %dma_wait3A_36] : memref<32x80x128xi32, #tpu.memory_space<hbm>> -> memref<1x80x128xi32, #tpu.memory_space<hbm>>
      %dma_wait3A_38 = tpu.memref_squeeze %dma_wait3A_37 : memref<1x80x128xi32, #tpu.memory_space<hbm>> -> memref<80x128xi32, #tpu.memory_space<hbm>>
      tpu.wait_dma2 semaphore(%run_scoped3A : memref<!tpu.dma_semaphore, #tpu.memory_space<semaphore_mem>>) src(%dma_wait3A_38 : memref<80x128xi32, #tpu.memory_space<hbm>>) dst(%arg4 : memref<80x128xi32, #tpu.memory_space<vmem>>)
      tpu.yield
    }) : () -> ()
    %barrier3A = arith.constant 0 : index
    tpu.barrier barrier_id(%barrier3A)
    %scan3A_14 = arith.constant 0 : i32
    %scan3A_15 = arith.constant 0 : i32
    %scan3A_16 = arith.constant 10 : i32
    %scan3A_17 = arith.addi %scan3A_15, %scan3A_16 : i32
    %scan3A_18 = arith.constant 1 : i32
    scf.for %scan3A_25 = %scan3A_15 to %scan3A_17 step %scan3A_18  : i32 {
      %mul3A_26 = arith.constant 8 : i32
      %mul3A_27 = arith.muli %scan3A_25, %mul3A_26 : i32
      %add3A_28 = arith.constant 0 : i32
      %add3A_29 = arith.addi %mul3A_27, %add3A_28 : i32
      %dma_start3A = arith.constant 0 : i32
      %dma_start3A_30 = tpu.memref_slice %arg4[%add3A_29, %dma_start3A] : memref<80x128xi32, #tpu.memory_space<vmem>> -> memref<1x128xi32, #tpu.memory_space<vmem>>
      %dma_start3A_31 = tpu.memref_squeeze %dma_start3A_30 : memref<1x128xi32, #tpu.memory_space<vmem>> -> memref<128xi32, #tpu.memory_space<vmem>>
      %dma_start3A_32 = arith.constant 0 : i32
      %dma_start3A_33 = arith.constant 0 : i32
      %dma_start3A_34 = tpu.memref_slice %arg7[%dma_start3A_32, %dma_start3A_33] : memref<10240x16xf32, #tpu.memory_space<vmem_shared>> -> memref<10240x16xf32, #tpu.memory_space<vmem_shared>>
      tpu.enqueue_indirect_dma source(%arg5 : memref<128x16xf32, #tpu.memory_space<vmem>>) target(%dma_start3A_34 : memref<10240x16xf32, #tpu.memory_space<vmem_shared>>) offsets(%dma_start3A_31 : memref<128xi32, #tpu.memory_space<vmem>>) semaphore(%arg8 : memref<!tpu.dma_semaphore, #tpu.memory_space<semaphore_mem>>) {add = true}
      %mul3A_35 = arith.constant 8 : i32
      %mul3A_36 = arith.muli %scan3A_25, %mul3A_35 : i32
      %add3A_37 = arith.constant 1 : i32
      %add3A_38 = arith.addi %mul3A_36, %add3A_37 : i32
      %dma_start3A_39 = arith.constant 0 : i32
      %dma_start3A_40 = tpu.memref_slice %arg4[%add3A_38, %dma_start3A_39] : memref<80x128xi32, #tpu.memory_space<vmem>> -> memref<1x128xi32, #tpu.memory_space<vmem>>
      %dma_start3A_41 = tpu.memref_squeeze %dma_start3A_40 : memref<1x128xi32, #tpu.memory_space<vmem>> -> memref<128xi32, #tpu.memory_space<vmem>>
      %dma_start3A_42 = arith.constant 0 : i32
      %dma_start3A_43 = arith.constant 0 : i32
      %dma_start3A_44 = tpu.memref_slice %arg7[%dma_start3A_42, %dma_start3A_43] : memref<10240x16xf32, #tpu.memory_space<vmem_shared>> -> memref<10240x16xf32, #tpu.memory_space<vmem_shared>>
      tpu.enqueue_indirect_dma source(%arg5 : memref<128x16xf32, #tpu.memory_space<vmem>>) target(%dma_start3A_44 : memref<10240x16xf32, #tpu.memory_space<vmem_shared>>) offsets(%dma_start3A_41 : memref<128xi32, #tpu.memory_space<vmem>>) semaphore(%arg8 : memref<!tpu.dma_semaphore, #tpu.memory_space<semaphore_mem>>) {add = true}
      %mul3A_45 = arith.constant 8 : i32
      %mul3A_46 = arith.muli %scan3A_25, %mul3A_45 : i32
      %add3A_47 = arith.constant 2 : i32
      %add3A_48 = arith.addi %mul3A_46, %add3A_47 : i32
      %dma_start3A_49 = arith.constant 0 : i32
      %dma_start3A_50 = tpu.memref_slice %arg4[%add3A_48, %dma_start3A_49] : memref<80x128xi32, #tpu.memory_space<vmem>> -> memref<1x128xi32, #tpu.memory_space<vmem>>
      %dma_start3A_51 = tpu.memref_squeeze %dma_start3A_50 : memref<1x128xi32, #tpu.memory_space<vmem>> -> memref<128xi32, #tpu.memory_space<vmem>>
      %dma_start3A_52 = arith.constant 0 : i32
      %dma_start3A_53 = arith.constant 0 : i32
      %dma_start3A_54 = tpu.memref_slice %arg7[%dma_start3A_52, %dma_start3A_53] : memref<10240x16xf32, #tpu.memory_space<vmem_shared>> -> memref<10240x16xf32, #tpu.memory_space<vmem_shared>>
      tpu.enqueue_indirect_dma source(%arg5 : memref<128x16xf32, #tpu.memory_space<vmem>>) target(%dma_start3A_54 : memref<10240x16xf32, #tpu.memory_space<vmem_shared>>) offsets(%dma_start3A_51 : memref<128xi32, #tpu.memory_space<vmem>>) semaphore(%arg8 : memref<!tpu.dma_semaphore, #tpu.memory_space<semaphore_mem>>) {add = true}
      %mul3A_55 = arith.constant 8 : i32
      %mul3A_56 = arith.muli %scan3A_25, %mul3A_55 : i32
      %add3A_57 = arith.constant 3 : i32
      %add3A_58 = arith.addi %mul3A_56, %add3A_57 : i32
      %dma_start3A_59 = arith.constant 0 : i32
      %dma_start3A_60 = tpu.memref_slice %arg4[%add3A_58, %dma_start3A_59] : memref<80x128xi32, #tpu.memory_space<vmem>> -> memref<1x128xi32, #tpu.memory_space<vmem>>
      %dma_start3A_61 = tpu.memref_squeeze %dma_start3A_60 : memref<1x128xi32, #tpu.memory_space<vmem>> -> memref<128xi32, #tpu.memory_space<vmem>>
      %dma_start3A_62 = arith.constant 0 : i32
      %dma_start3A_63 = arith.constant 0 : i32
      %dma_start3A_64 = tpu.memref_slice %arg7[%dma_start3A_62, %dma_start3A_63] : memref<10240x16xf32, #tpu.memory_space<vmem_shared>> -> memref<10240x16xf32, #tpu.memory_space<vmem_shared>>
      tpu.enqueue_indirect_dma source(%arg5 : memref<128x16xf32, #tpu.memory_space<vmem>>) target(%dma_start3A_64 : memref<10240x16xf32, #tpu.memory_space<vmem_shared>>) offsets(%dma_start3A_61 : memref<128xi32, #tpu.memory_space<vmem>>) semaphore(%arg8 : memref<!tpu.dma_semaphore, #tpu.memory_space<semaphore_mem>>) {add = true}
      %mul3A_65 = arith.constant 8 : i32
      %mul3A_66 = arith.muli %scan3A_25, %mul3A_65 : i32
      %add3A_67 = arith.constant 4 : i32
      %add3A_68 = arith.addi %mul3A_66, %add3A_67 : i32
      %dma_start3A_69 = arith.constant 0 : i32
      %dma_start3A_70 = tpu.memref_slice %arg4[%add3A_68, %dma_start3A_69] : memref<80x128xi32, #tpu.memory_space<vmem>> -> memref<1x128xi32, #tpu.memory_space<vmem>>
      %dma_start3A_71 = tpu.memref_squeeze %dma_start3A_70 : memref<1x128xi32, #tpu.memory_space<vmem>> -> memref<128xi32, #tpu.memory_space<vmem>>
      %dma_start3A_72 = arith.constant 0 : i32
      %dma_start3A_73 = arith.constant 0 : i32
      %dma_start3A_74 = tpu.memref_slice %arg7[%dma_start3A_72, %dma_start3A_73] : memref<10240x16xf32, #tpu.memory_space<vmem_shared>> -> memref<10240x16xf32, #tpu.memory_space<vmem_shared>>
      tpu.enqueue_indirect_dma source(%arg5 : memref<128x16xf32, #tpu.memory_space<vmem>>) target(%dma_start3A_74 : memref<10240x16xf32, #tpu.memory_space<vmem_shared>>) offsets(%dma_start3A_71 : memref<128xi32, #tpu.memory_space<vmem>>) semaphore(%arg8 : memref<!tpu.dma_semaphore, #tpu.memory_space<semaphore_mem>>) {add = true}
      %mul3A_75 = arith.constant 8 : i32
      %mul3A_76 = arith.muli %scan3A_25, %mul3A_75 : i32
      %add3A_77 = arith.constant 5 : i32
      %add3A_78 = arith.addi %mul3A_76, %add3A_77 : i32
      %dma_start3A_79 = arith.constant 0 : i32
      %dma_start3A_80 = tpu.memref_slice %arg4[%add3A_78, %dma_start3A_79] : memref<80x128xi32, #tpu.memory_space<vmem>> -> memref<1x128xi32, #tpu.memory_space<vmem>>
      %dma_start3A_81 = tpu.memref_squeeze %dma_start3A_80 : memref<1x128xi32, #tpu.memory_space<vmem>> -> memref<128xi32, #tpu.memory_space<vmem>>
      %dma_start3A_82 = arith.constant 0 : i32
      %dma_start3A_83 = arith.constant 0 : i32
      %dma_start3A_84 = tpu.memref_slice %arg7[%dma_start3A_82, %dma_start3A_83] : memref<10240x16xf32, #tpu.memory_space<vmem_shared>> -> memref<10240x16xf32, #tpu.memory_space<vmem_shared>>
      tpu.enqueue_indirect_dma source(%arg5 : memref<128x16xf32, #tpu.memory_space<vmem>>) target(%dma_start3A_84 : memref<10240x16xf32, #tpu.memory_space<vmem_shared>>) offsets(%dma_start3A_81 : memref<128xi32, #tpu.memory_space<vmem>>) semaphore(%arg8 : memref<!tpu.dma_semaphore, #tpu.memory_space<semaphore_mem>>) {add = true}
      %mul3A_85 = arith.constant 8 : i32
      %mul3A_86 = arith.muli %scan3A_25, %mul3A_85 : i32
      %add3A_87 = arith.constant 6 : i32
      %add3A_88 = arith.addi %mul3A_86, %add3A_87 : i32
      %dma_start3A_89 = arith.constant 0 : i32
      %dma_start3A_90 = tpu.memref_slice %arg4[%add3A_88, %dma_start3A_89] : memref<80x128xi32, #tpu.memory_space<vmem>> -> memref<1x128xi32, #tpu.memory_space<vmem>>
      %dma_start3A_91 = tpu.memref_squeeze %dma_start3A_90 : memref<1x128xi32, #tpu.memory_space<vmem>> -> memref<128xi32, #tpu.memory_space<vmem>>
      %dma_start3A_92 = arith.constant 0 : i32
      %dma_start3A_93 = arith.constant 0 : i32
      %dma_start3A_94 = tpu.memref_slice %arg7[%dma_start3A_92, %dma_start3A_93] : memref<10240x16xf32, #tpu.memory_space<vmem_shared>> -> memref<10240x16xf32, #tpu.memory_space<vmem_shared>>
      tpu.enqueue_indirect_dma source(%arg5 : memref<128x16xf32, #tpu.memory_space<vmem>>) target(%dma_start3A_94 : memref<10240x16xf32, #tpu.memory_space<vmem_shared>>) offsets(%dma_start3A_91 : memref<128xi32, #tpu.memory_space<vmem>>) semaphore(%arg8 : memref<!tpu.dma_semaphore, #tpu.memory_space<semaphore_mem>>) {add = true}
      %mul3A_95 = arith.constant 8 : i32
      %mul3A_96 = arith.muli %scan3A_25, %mul3A_95 : i32
      %add3A_97 = arith.constant 7 : i32
      %add3A_98 = arith.addi %mul3A_96, %add3A_97 : i32
      %dma_start3A_99 = arith.constant 0 : i32
      %dma_start3A_100 = tpu.memref_slice %arg4[%add3A_98, %dma_start3A_99] : memref<80x128xi32, #tpu.memory_space<vmem>> -> memref<1x128xi32, #tpu.memory_space<vmem>>
      %dma_start3A_101 = tpu.memref_squeeze %dma_start3A_100 : memref<1x128xi32, #tpu.memory_space<vmem>> -> memref<128xi32, #tpu.memory_space<vmem>>
      %dma_start3A_102 = arith.constant 0 : i32
      %dma_start3A_103 = arith.constant 0 : i32
      %dma_start3A_104 = tpu.memref_slice %arg7[%dma_start3A_102, %dma_start3A_103] : memref<10240x16xf32, #tpu.memory_space<vmem_shared>> -> memref<10240x16xf32, #tpu.memory_space<vmem_shared>>
      tpu.enqueue_indirect_dma source(%arg5 : memref<128x16xf32, #tpu.memory_space<vmem>>) target(%dma_start3A_104 : memref<10240x16xf32, #tpu.memory_space<vmem_shared>>) offsets(%dma_start3A_101 : memref<128xi32, #tpu.memory_space<vmem>>) semaphore(%arg8 : memref<!tpu.dma_semaphore, #tpu.memory_space<semaphore_mem>>) {add = true}
      %dma_wait3A = arith.constant 0 : i32
      %dma_wait3A_105 = arith.constant 0 : i32
      %dma_wait3A_106 = arith.constant 0 : i32
      %dma_wait3A_107 = tpu.memref_slice %arg3[%dma_wait3A, %dma_wait3A_105, %dma_wait3A_106] : memref<2x10240x128xf32, #tpu.memory_space<hbm>> -> memref<1x128x16xf32, #tpu.memory_space<hbm>>
      %dma_wait3A_108 = tpu.memref_squeeze %dma_wait3A_107 : memref<1x128x16xf32, #tpu.memory_space<hbm>> -> memref<128x16xf32, #tpu.memory_space<hbm>>
      %dma_wait3A_109 = arith.constant 0 : i32
      %dma_wait3A_110 = arith.constant 0 : i32
      %dma_wait3A_111 = tpu.memref_slice %arg3[%dma_wait3A, %dma_wait3A_109, %dma_wait3A_110] : memref<2x10240x128xf32, #tpu.memory_space<hbm>> -> memref<1x128x16xf32, #tpu.memory_space<hbm>>
      %dma_wait3A_112 = tpu.memref_squeeze %dma_wait3A_111 : memref<1x128x16xf32, #tpu.memory_space<hbm>> -> memref<128x16xf32, #tpu.memory_space<hbm>>
      tpu.wait_dma2 semaphore(%arg8 : memref<!tpu.dma_semaphore, #tpu.memory_space<semaphore_mem>>) src(%dma_wait3A_112 : memref<128x16xf32, #tpu.memory_space<hbm>>) dst(%arg5 : memref<128x16xf32, #tpu.memory_space<vmem>>)
      %dma_wait3A_113 = arith.constant 0 : i32
      %dma_wait3A_114 = arith.constant 0 : i32
      %dma_wait3A_115 = arith.constant 0 : i32
      %dma_wait3A_116 = tpu.memref_slice %arg3[%dma_wait3A_113, %dma_wait3A_114, %dma_wait3A_115] : memref<2x10240x128xf32, #tpu.memory_space<hbm>> -> memref<1x128x16xf32, #tpu.memory_space<hbm>>
      %dma_wait3A_117 = tpu.memref_squeeze %dma_wait3A_116 : memref<1x128x16xf32, #tpu.memory_space<hbm>> -> memref<128x16xf32, #tpu.memory_space<hbm>>
      %dma_wait3A_118 = arith.constant 0 : i32
      %dma_wait3A_119 = arith.constant 0 : i32
      %dma_wait3A_120 = tpu.memref_slice %arg3[%dma_wait3A_113, %dma_wait3A_118, %dma_wait3A_119] : memref<2x10240x128xf32, #tpu.memory_space<hbm>> -> memref<1x128x16xf32, #tpu.memory_space<hbm>>
      %dma_wait3A_121 = tpu.memref_squeeze %dma_wait3A_120 : memref<1x128x16xf32, #tpu.memory_space<hbm>> -> memref<128x16xf32, #tpu.memory_space<hbm>>
      tpu.wait_dma2 semaphore(%arg8 : memref<!tpu.dma_semaphore, #tpu.memory_space<semaphore_mem>>) src(%dma_wait3A_121 : memref<128x16xf32, #tpu.memory_space<hbm>>) dst(%arg5 : memref<128x16xf32, #tpu.memory_space<vmem>>)
      %dma_wait3A_122 = arith.constant 0 : i32
      %dma_wait3A_123 = arith.constant 0 : i32
      %dma_wait3A_124 = arith.constant 0 : i32
      %dma_wait3A_125 = tpu.memref_slice %arg3[%dma_wait3A_122, %dma_wait3A_123, %dma_wait3A_124] : memref<2x10240x128xf32, #tpu.memory_space<hbm>> -> memref<1x128x16xf32, #tpu.memory_space<hbm>>
      %dma_wait3A_126 = tpu.memref_squeeze %dma_wait3A_125 : memref<1x128x16xf32, #tpu.memory_space<hbm>> -> memref<128x16xf32, #tpu.memory_space<hbm>>
      %dma_wait3A_127 = arith.constant 0 : i32
      %dma_wait3A_128 = arith.constant 0 : i32
      %dma_wait3A_129 = tpu.memref_slice %arg3[%dma_wait3A_122, %dma_wait3A_127, %dma_wait3A_128] : memref<2x10240x128xf32, #tpu.memory_space<hbm>> -> memref<1x128x16xf32, #tpu.memory_space<hbm>>
      %dma_wait3A_130 = tpu.memref_squeeze %dma_wait3A_129 : memref<1x128x16xf32, #tpu.memory_space<hbm>> -> memref<128x16xf32, #tpu.memory_space<hbm>>
      tpu.wait_dma2 semaphore(%arg8 : memref<!tpu.dma_semaphore, #tpu.memory_space<semaphore_mem>>) src(%dma_wait3A_130 : memref<128x16xf32, #tpu.memory_space<hbm>>) dst(%arg5 : memref<128x16xf32, #tpu.memory_space<vmem>>)
      %dma_wait3A_131 = arith.constant 0 : i32
      %dma_wait3A_132 = arith.constant 0 : i32
      %dma_wait3A_133 = arith.constant 0 : i32
      %dma_wait3A_134 = tpu.memref_slice %arg3[%dma_wait3A_131, %dma_wait3A_132, %dma_wait3A_133] : memref<2x10240x128xf32, #tpu.memory_space<hbm>> -> memref<1x128x16xf32, #tpu.memory_space<hbm>>
      %dma_wait3A_135 = tpu.memref_squeeze %dma_wait3A_134 : memref<1x128x16xf32, #tpu.memory_space<hbm>> -> memref<128x16xf32, #tpu.memory_space<hbm>>
      %dma_wait3A_136 = arith.constant 0 : i32
      %dma_wait3A_137 = arith.constant 0 : i32
      %dma_wait3A_138 = tpu.memref_slice %arg3[%dma_wait3A_131, %dma_wait3A_136, %dma_wait3A_137] : memref<2x10240x128xf32, #tpu.memory_space<hbm>> -> memref<1x128x16xf32, #tpu.memory_space<hbm>>
      %dma_wait3A_139 = tpu.memref_squeeze %dma_wait3A_138 : memref<1x128x16xf32, #tpu.memory_space<hbm>> -> memref<128x16xf32, #tpu.memory_space<hbm>>
      tpu.wait_dma2 semaphore(%arg8 : memref<!tpu.dma_semaphore, #tpu.memory_space<semaphore_mem>>) src(%dma_wait3A_139 : memref<128x16xf32, #tpu.memory_space<hbm>>) dst(%arg5 : memref<128x16xf32, #tpu.memory_space<vmem>>)
      %dma_wait3A_140 = arith.constant 0 : i32
      %dma_wait3A_141 = arith.constant 0 : i32
      %dma_wait3A_142 = arith.constant 0 : i32
      %dma_wait3A_143 = tpu.memref_slice %arg3[%dma_wait3A_140, %dma_wait3A_141, %dma_wait3A_142] : memref<2x10240x128xf32, #tpu.memory_space<hbm>> -> memref<1x128x16xf32, #tpu.memory_space<hbm>>
      %dma_wait3A_144 = tpu.memref_squeeze %dma_wait3A_143 : memref<1x128x16xf32, #tpu.memory_space<hbm>> -> memref<128x16xf32, #tpu.memory_space<hbm>>
      %dma_wait3A_145 = arith.constant 0 : i32
      %dma_wait3A_146 = arith.constant 0 : i32
      %dma_wait3A_147 = tpu.memref_slice %arg3[%dma_wait3A_140, %dma_wait3A_145, %dma_wait3A_146] : memref<2x10240x128xf32, #tpu.memory_space<hbm>> -> memref<1x128x16xf32, #tpu.memory_space<hbm>>
      %dma_wait3A_148 = tpu.memref_squeeze %dma_wait3A_147 : memref<1x128x16xf32, #tpu.memory_space<hbm>> -> memref<128x16xf32, #tpu.memory_space<hbm>>
      tpu.wait_dma2 semaphore(%arg8 : memref<!tpu.dma_semaphore, #tpu.memory_space<semaphore_mem>>) src(%dma_wait3A_148 : memref<128x16xf32, #tpu.memory_space<hbm>>) dst(%arg5 : memref<128x16xf32, #tpu.memory_space<vmem>>)
      %dma_wait3A_149 = arith.constant 0 : i32
      %dma_wait3A_150 = arith.constant 0 : i32
      %dma_wait3A_151 = arith.constant 0 : i32
      %dma_wait3A_152 = tpu.memref_slice %arg3[%dma_wait3A_149, %dma_wait3A_150, %dma_wait3A_151] : memref<2x10240x128xf32, #tpu.memory_space<hbm>> -> memref<1x128x16xf32, #tpu.memory_space<hbm>>
      %dma_wait3A_153 = tpu.memref_squeeze %dma_wait3A_152 : memref<1x128x16xf32, #tpu.memory_space<hbm>> -> memref<128x16xf32, #tpu.memory_space<hbm>>
      %dma_wait3A_154 = arith.constant 0 : i32
      %dma_wait3A_155 = arith.constant 0 : i32
      %dma_wait3A_156 = tpu.memref_slice %arg3[%dma_wait3A_149, %dma_wait3A_154, %dma_wait3A_155] : memref<2x10240x128xf32, #tpu.memory_space<hbm>> -> memref<1x128x16xf32, #tpu.memory_space<hbm>>
      %dma_wait3A_157 = tpu.memref_squeeze %dma_wait3A_156 : memref<1x128x16xf32, #tpu.memory_space<hbm>> -> memref<128x16xf32, #tpu.memory_space<hbm>>
      tpu.wait_dma2 semaphore(%arg8 : memref<!tpu.dma_semaphore, #tpu.memory_space<semaphore_mem>>) src(%dma_wait3A_157 : memref<128x16xf32, #tpu.memory_space<hbm>>) dst(%arg5 : memref<128x16xf32, #tpu.memory_space<vmem>>)
      %dma_wait3A_158 = arith.constant 0 : i32
      %dma_wait3A_159 = arith.constant 0 : i32
      %dma_wait3A_160 = arith.constant 0 : i32
      %dma_wait3A_161 = tpu.memref_slice %arg3[%dma_wait3A_158, %dma_wait3A_159, %dma_wait3A_160] : memref<2x10240x128xf32, #tpu.memory_space<hbm>> -> memref<1x128x16xf32, #tpu.memory_space<hbm>>
      %dma_wait3A_162 = tpu.memref_squeeze %dma_wait3A_161 : memref<1x128x16xf32, #tpu.memory_space<hbm>> -> memref<128x16xf32, #tpu.memory_space<hbm>>
      %dma_wait3A_163 = arith.constant 0 : i32
      %dma_wait3A_164 = arith.constant 0 : i32
      %dma_wait3A_165 = tpu.memref_slice %arg3[%dma_wait3A_158, %dma_wait3A_163, %dma_wait3A_164] : memref<2x10240x128xf32, #tpu.memory_space<hbm>> -> memref<1x128x16xf32, #tpu.memory_space<hbm>>
      %dma_wait3A_166 = tpu.memref_squeeze %dma_wait3A_165 : memref<1x128x16xf32, #tpu.memory_space<hbm>> -> memref<128x16xf32, #tpu.memory_space<hbm>>
      tpu.wait_dma2 semaphore(%arg8 : memref<!tpu.dma_semaphore, #tpu.memory_space<semaphore_mem>>) src(%dma_wait3A_166 : memref<128x16xf32, #tpu.memory_space<hbm>>) dst(%arg5 : memref<128x16xf32, #tpu.memory_space<vmem>>)
      %dma_wait3A_167 = arith.constant 0 : i32
      %dma_wait3A_168 = arith.constant 0 : i32
      %dma_wait3A_169 = arith.constant 0 : i32
      %dma_wait3A_170 = tpu.memref_slice %arg3[%dma_wait3A_167, %dma_wait3A_168, %dma_wait3A_169] : memref<2x10240x128xf32, #tpu.memory_space<hbm>> -> memref<1x128x16xf32, #tpu.memory_space<hbm>>
      %dma_wait3A_171 = tpu.memref_squeeze %dma_wait3A_170 : memref<1x128x16xf32, #tpu.memory_space<hbm>> -> memref<128x16xf32, #tpu.memory_space<hbm>>
      %dma_wait3A_172 = arith.constant 0 : i32
      %dma_wait3A_173 = arith.constant 0 : i32
      %dma_wait3A_174 = tpu.memref_slice %arg3[%dma_wait3A_167, %dma_wait3A_172, %dma_wait3A_173] : memref<2x10240x128xf32, #tpu.memory_space<hbm>> -> memref<1x128x16xf32, #tpu.memory_space<hbm>>
      %dma_wait3A_175 = tpu.memref_squeeze %dma_wait3A_174 : memref<1x128x16xf32, #tpu.memory_space<hbm>> -> memref<128x16xf32, #tpu.memory_space<hbm>>
      tpu.wait_dma2 semaphore(%arg8 : memref<!tpu.dma_semaphore, #tpu.memory_space<semaphore_mem>>) src(%dma_wait3A_175 : memref<128x16xf32, #tpu.memory_space<hbm>>) dst(%arg5 : memref<128x16xf32, #tpu.memory_space<vmem>>)
    }
    %scan3A_19 = arith.constant 10 : i32
    %barrier3A_20 = arith.constant 0 : index
    tpu.barrier barrier_id(%barrier3A_20)
    %mul3A_21 = arith.constant 640 : i32
    %mul3A_22 = arith.muli %arg1, %mul3A_21 : i32
    %mul3A_23 = arith.constant 640 : i32
    %mul3A_24 = arith.muli %arg1, %mul3A_23 : i32
    "tpu.region"() ({
      %run_scoped3A = tpu.sem_alloc : memref<!tpu.dma_semaphore, #tpu.memory_space<semaphore_mem>>
      %dma_start3A = arith.constant 0 : i32
      %dma_start3A_25 = tpu.memref_slice %arg3[%arg0, %mul3A_24, %dma_start3A] : memref<2x10240x128xf32, #tpu.memory_space<hbm>> -> memref<1x640x16xf32, #tpu.memory_space<hbm>>
      %dma_start3A_26 = tpu.memref_squeeze %dma_start3A_25 : memref<1x640x16xf32, #tpu.memory_space<hbm>> -> memref<640x16xf32, #tpu.memory_space<hbm>>
      %dma_start3A_27 = arith.constant 0 : i32
      %dma_start3A_28 = tpu.memref_slice %arg7[%mul3A_22, %dma_start3A_27] : memref<10240x16xf32, #tpu.memory_space<vmem_shared>> -> memref<640x16xf32, #tpu.memory_space<vmem_shared>>
      tpu.enqueue_dma source(%dma_start3A_28 : memref<640x16xf32, #tpu.memory_space<vmem_shared>>) target(%dma_start3A_26 : memref<640x16xf32, #tpu.memory_space<hbm>>) target_semaphore(%run_scoped3A : memref<!tpu.dma_semaphore, #tpu.memory_space<semaphore_mem>>)
      %dma_wait3A = arith.constant 0 : i32
      %dma_wait3A_29 = tpu.memref_slice %arg3[%arg0, %mul3A_24, %dma_wait3A] : memref<2x10240x128xf32, #tpu.memory_space<hbm>> -> memref<1x640x16xf32, #tpu.memory_space<hbm>>
      %dma_wait3A_30 = tpu.memref_squeeze %dma_wait3A_29 : memref<1x640x16xf32, #tpu.memory_space<hbm>> -> memref<640x16xf32, #tpu.memory_space<hbm>>
      %dma_wait3A_31 = arith.constant 0 : i32
      %dma_wait3A_32 = tpu.memref_slice %arg7[%mul3A_22, %dma_wait3A_31] : memref<10240x16xf32, #tpu.memory_space<vmem_shared>> -> memref<640x16xf32, #tpu.memory_space<vmem_shared>>
      tpu.wait_dma2 semaphore(%run_scoped3A : memref<!tpu.dma_semaphore, #tpu.memory_space<semaphore_mem>>) src(%dma_wait3A_32 : memref<640x16xf32, #tpu.memory_space<vmem_shared>>) dst(%dma_wait3A_30 : memref<640x16xf32, #tpu.memory_space<hbm>>)
      tpu.yield
    }) : () -> ()
    return
  }
}

#map = affine_map<(d0, d1) -> (0, 0)>
#map1 = affine_map<(d0, d1) -> (0, 0, 0)>
module attributes {stable_mosaic.version = 14 : i64} {
  func.func @_scatter_body(%arg0: i32, %arg1: i32, %arg2: memref<163840x128xf32, #tpu.memory_space<hbm>>, %arg3: memref<32x40x128xi32, #tpu.memory_space<hbm>>, %arg4: memref<2x10240x128xf32, #tpu.memory_space<hbm>>, %arg5: memref<40x128xi32, #tpu.memory_space<vmem>>, %arg6: memref<512x16xf32, #tpu.memory_space<vmem>>, %arg7: memref<512x16xf32, #tpu.memory_space<vmem>>, %arg8: memref<640x16xf32, #tpu.memory_space<vmem>>, %arg9: memref<10240x16xf32, #tpu.memory_space<vmem_shared>>, %arg10: memref<!tpu.dma_semaphore, #tpu.memory_space<semaphore_mem>>, %arg11: memref<!tpu.dma_semaphore, #tpu.memory_space<semaphore_mem>>) attributes {dimension_semantics = [#tpu.dimension_semantics<core_parallel>, #tpu.dimension_semantics<subcore_parallel>], iteration_bounds = array<i64: 2, 16>, scalar_prefetch = 0 : i64, scratch_operands = 7 : i64, tpu.core_type = #tpu.core_type<sc_vector_subcore>, window_params = [{transform_indices = #map}, {transform_indices = #map1}, {transform_indices = #map1}]} {
    %mul3A = arith.constant 2 : i32
    %mul3A_0 = arith.muli %arg1, %mul3A : i32
    %add3A = arith.addi %mul3A_0, %arg0 : i32
    %scan3A = arith.constant 0 : i32
    %scan3A_1 = arith.constant 0 : i32
    %scan3A_2 = arith.constant 640 : i32
    %scan3A_3 = arith.addi %scan3A_1, %scan3A_2 : i32
    %scan3A_4 = arith.constant 1 : i32
    scf.for %scan3A_30 = %scan3A_1 to %scan3A_3 step %scan3A_4  : i32 {
      %broadcast_in_dim3A = arith.constant 0.000000e+00 : f32
      %broadcast_in_dim3A_31 = vector.broadcast %broadcast_in_dim3A : f32 to vector<16xf32>
      %swap3A = arith.index_cast %scan3A_30 : i32 to index
      %swap3A_32 = arith.constant 0 : index
      %swap3A_33 = tpu.vector_load %arg8[%swap3A, %swap3A_32] {strides = array<i32>} : memref<640x16xf32, #tpu.memory_space<vmem>>, vector<1x16xf32>,
      %swap3A_34 = vector.shape_cast %swap3A_33 : vector<1x16xf32> to vector<16xf32>
      %swap3A_35 = vector.shape_cast %broadcast_in_dim3A_31 : vector<16xf32> to vector<1x16xf32>
      tpu.vector_store %arg8[%swap3A, %swap3A_32], %swap3A_35 {strides = array<i32>} : memref<640x16xf32, #tpu.memory_space<vmem>>, vector<1x16xf32>,
    }
    %scan3A_5 = arith.constant 640 : i32
    %mul3A_6 = arith.constant 640 : i32
    %mul3A_7 = arith.muli %arg1, %mul3A_6 : i32
    "tpu.region"() ({
      %run_scoped3A = tpu.sem_alloc : memref<!tpu.dma_semaphore, #tpu.memory_space<semaphore_mem>>
      %dma_start3A = arith.constant 0 : i32
      %dma_start3A_30 = tpu.memref_slice %arg9[%mul3A_7, %dma_start3A] : memref<10240x16xf32, #tpu.memory_space<vmem_shared>> -> memref<640x16xf32, #tpu.memory_space<vmem_shared>>
      %dma_start3A_31 = arith.constant 0 : i32
      %dma_start3A_32 = tpu.memref_slice %arg9[%mul3A_7, %dma_start3A_31] : memref<10240x16xf32, #tpu.memory_space<vmem_shared>> -> memref<640x16xf32, #tpu.memory_space<vmem_shared>>
      tpu.enqueue_dma source(%arg8 : memref<640x16xf32, #tpu.memory_space<vmem>>) target(%dma_start3A_32 : memref<640x16xf32, #tpu.memory_space<vmem_shared>>) target_semaphore(%run_scoped3A : memref<!tpu.dma_semaphore, #tpu.memory_space<semaphore_mem>>)
      %dma_wait3A_33 = arith.constant 0 : i32
      %dma_wait3A_34 = tpu.memref_slice %arg9[%mul3A_7, %dma_wait3A_33] : memref<10240x16xf32, #tpu.memory_space<vmem_shared>> -> memref<640x16xf32, #tpu.memory_space<vmem_shared>>
      %dma_wait3A_35 = arith.constant 0 : i32
      %dma_wait3A_36 = tpu.memref_slice %arg9[%mul3A_7, %dma_wait3A_35] : memref<10240x16xf32, #tpu.memory_space<vmem_shared>> -> memref<640x16xf32, #tpu.memory_space<vmem_shared>>
      tpu.wait_dma2 semaphore(%run_scoped3A : memref<!tpu.dma_semaphore, #tpu.memory_space<semaphore_mem>>) src(%arg8 : memref<640x16xf32, #tpu.memory_space<vmem>>) dst(%dma_wait3A_36 : memref<640x16xf32, #tpu.memory_space<vmem_shared>>)
      tpu.yield
    }) : () -> ()
    "tpu.region"() ({
      %run_scoped3A = tpu.sem_alloc : memref<!tpu.dma_semaphore, #tpu.memory_space<semaphore_mem>>
      %dma_start3A = arith.constant 0 : i32
      %dma_start3A_30 = arith.constant 0 : i32
      %dma_start3A_31 = tpu.memref_slice %arg3[%add3A, %dma_start3A, %dma_start3A_30] : memref<32x40x128xi32, #tpu.memory_space<hbm>> -> memref<1x40x128xi32, #tpu.memory_space<hbm>>
      %dma_start3A_32 = tpu.memref_squeeze %dma_start3A_31 : memref<1x40x128xi32, #tpu.memory_space<hbm>> -> memref<40x128xi32, #tpu.memory_space<hbm>>
      %dma_start3A_33 = arith.constant 0 : i32
      %dma_start3A_34 = arith.constant 0 : i32
      %dma_start3A_35 = tpu.memref_slice %arg3[%add3A, %dma_start3A_33, %dma_start3A_34] : memref<32x40x128xi32, #tpu.memory_space<hbm>> -> memref<1x40x128xi32, #tpu.memory_space<hbm>>
      %dma_start3A_36 = tpu.memref_squeeze %dma_start3A_35 : memref<1x40x128xi32, #tpu.memory_space<hbm>> -> memref<40x128xi32, #tpu.memory_space<hbm>>
      tpu.enqueue_dma source(%dma_start3A_36 : memref<40x128xi32, #tpu.memory_space<hbm>>) target(%arg5 : memref<40x128xi32, #tpu.memory_space<vmem>>) target_semaphore(%run_scoped3A : memref<!tpu.dma_semaphore, #tpu.memory_space<semaphore_mem>>)
      %dma_wait3A_37 = arith.constant 0 : i32
      %dma_wait3A_38 = arith.constant 0 : i32
      %dma_wait3A_39 = tpu.memref_slice %arg3[%add3A, %dma_wait3A_37, %dma_wait3A_38] : memref<32x40x128xi32, #tpu.memory_space<hbm>> -> memref<1x40x128xi32, #tpu.memory_space<hbm>>
      %dma_wait3A_40 = tpu.memref_squeeze %dma_wait3A_39 : memref<1x40x128xi32, #tpu.memory_space<hbm>> -> memref<40x128xi32, #tpu.memory_space<hbm>>
      %dma_wait3A_41 = arith.constant 0 : i32
      %dma_wait3A_42 = arith.constant 0 : i32
      %dma_wait3A_43 = tpu.memref_slice %arg3[%add3A, %dma_wait3A_41, %dma_wait3A_42] : memref<32x40x128xi32, #tpu.memory_space<hbm>> -> memref<1x40x128xi32, #tpu.memory_space<hbm>>
      %dma_wait3A_44 = tpu.memref_squeeze %dma_wait3A_43 : memref<1x40x128xi32, #tpu.memory_space<hbm>> -> memref<40x128xi32, #tpu.memory_space<hbm>>
      tpu.wait_dma2 semaphore(%run_scoped3A : memref<!tpu.dma_semaphore, #tpu.memory_space<semaphore_mem>>) src(%dma_wait3A_44 : memref<40x128xi32, #tpu.memory_space<hbm>>) dst(%arg5 : memref<40x128xi32, #tpu.memory_space<vmem>>)
      tpu.yield
    }) : () -> ()
    %barrier3A = arith.constant 0 : index
    tpu.barrier barrier_id(%barrier3A)
    %scan3A_8 = arith.constant 0 : i32
    %scan3A_9 = arith.constant 0 : i32
    %scan3A_10 = arith.constant 5 : i32
    %scan3A_11 = arith.addi %scan3A_9, %scan3A_10 : i32
    %scan3A_12 = arith.constant 1 : i32
    scf.for %scan3A_30 = %scan3A_9 to %scan3A_11 step %scan3A_12  : i32 {
      %mul3A_31 = arith.constant 2 : i32
      %mul3A_32 = arith.muli %scan3A_30, %mul3A_31 : i32
      %add3A_33 = arith.constant 0 : i32
      %add3A_34 = arith.addi %mul3A_32, %add3A_33 : i32
      %ge3A = arith.constant 2 : i32
      %ge3A_35 = arith.cmpi sge, %add3A_34, %ge3A : i32
      %convert_element_type3A = arith.extui %ge3A_35 : i1 to i32
      %cond3A = arith.constant 0 : i32
      %cond3A_36 = arith.cmpi ne, %convert_element_type3A, %cond3A : i32
      scf.if %cond3A_36 {
        %dma_wait3A_163 = arith.constant 0 : i32
        %dma_wait3A_164 = arith.constant 0 : i32
        %dma_wait3A_165 = tpu.memref_slice %arg2[%dma_wait3A_163, %dma_wait3A_164] : memref<163840x128xf32, #tpu.memory_space<hbm>> -> memref<512x16xf32, #tpu.memory_space<hbm>>
        %dma_wait3A_166 = arith.constant 0 : i32
        %dma_wait3A_167 = arith.constant 0 : i32
        %dma_wait3A_168 = tpu.memref_slice %arg2[%dma_wait3A_166, %dma_wait3A_167] : memref<163840x128xf32, #tpu.memory_space<hbm>> -> memref<512x16xf32, #tpu.memory_space<hbm>>
        tpu.wait_dma2 semaphore(%arg10 : memref<!tpu.dma_semaphore, #tpu.memory_space<semaphore_mem>>) src(%dma_wait3A_168 : memref<512x16xf32, #tpu.memory_space<hbm>>) dst(%arg6 : memref<512x16xf32, #tpu.memory_space<vmem>>)
      } else {
      }
      %mul3A_37 = arith.constant 40 : i32
      %mul3A_38 = arith.muli %add3A, %mul3A_37 : i32
      %mul3A_39 = arith.constant 4 : i32
      %mul3A_40 = arith.muli %add3A_34, %mul3A_39 : i32
      %add3A_41 = arith.addi %mul3A_38, %mul3A_40 : i32
      %mul3A_42 = arith.constant 128 : i32
      %mul3A_43 = arith.muli %add3A_41, %mul3A_42 : i32
      "tpu.region"() ({
        %run_scoped3A = tpu.sem_alloc : memref<!tpu.dma_semaphore, #tpu.memory_space<semaphore_mem>>
        %dma_start3A_163 = arith.constant 0 : i32
        %dma_start3A_164 = tpu.memref_slice %arg2[%mul3A_43, %dma_start3A_163] : memref<163840x128xf32, #tpu.memory_space<hbm>> -> memref<512x16xf32, #tpu.memory_space<hbm>>
        %dma_start3A_165 = arith.constant 0 : i32
        %dma_start3A_166 = tpu.memref_slice %arg2[%mul3A_43, %dma_start3A_165] : memref<163840x128xf32, #tpu.memory_space<hbm>> -> memref<512x16xf32, #tpu.memory_space<hbm>>
        tpu.enqueue_dma source(%dma_start3A_166 : memref<512x16xf32, #tpu.memory_space<hbm>>) target(%arg6 : memref<512x16xf32, #tpu.memory_space<vmem>>) target_semaphore(%run_scoped3A : memref<!tpu.dma_semaphore, #tpu.memory_space<semaphore_mem>>)
        %dma_wait3A_167 = arith.constant 0 : i32
        %dma_wait3A_168 = tpu.memref_slice %arg2[%mul3A_43, %dma_wait3A_167] : memref<163840x128xf32, #tpu.memory_space<hbm>> -> memref<512x16xf32, #tpu.memory_space<hbm>>
        %dma_wait3A_169 = arith.constant 0 : i32
        %dma_wait3A_170 = tpu.memref_slice %arg2[%mul3A_43, %dma_wait3A_169] : memref<163840x128xf32, #tpu.memory_space<hbm>> -> memref<512x16xf32, #tpu.memory_space<hbm>>
        tpu.wait_dma2 semaphore(%run_scoped3A : memref<!tpu.dma_semaphore, #tpu.memory_space<semaphore_mem>>) src(%dma_wait3A_170 : memref<512x16xf32, #tpu.memory_space<hbm>>) dst(%arg6 : memref<512x16xf32, #tpu.memory_space<vmem>>)
        tpu.yield
      }) : () -> ()
      %mul3A_44 = arith.constant 4 : i32
      %mul3A_45 = arith.muli %add3A_34, %mul3A_44 : i32
      %add3A_46 = arith.constant 0 : i32
      %add3A_47 = arith.addi %mul3A_45, %add3A_46 : i32
      %dma_start3A = arith.constant 0 : i32
      %dma_start3A_48 = arith.constant 0 : i32
      %dma_start3A_49 = tpu.memref_slice %arg6[%dma_start3A, %dma_start3A_48] : memref<512x16xf32, #tpu.memory_space<vmem>> -> memref<128x16xf32, #tpu.memory_space<vmem>>
      %dma_start3A_50 = arith.constant 0 : i32
      %dma_start3A_51 = tpu.memref_slice %arg5[%add3A_47, %dma_start3A_50] : memref<40x128xi32, #tpu.memory_space<vmem>> -> memref<1x128xi32, #tpu.memory_space<vmem>>
      %dma_start3A_52 = tpu.memref_squeeze %dma_start3A_51 : memref<1x128xi32, #tpu.memory_space<vmem>> -> memref<128xi32, #tpu.memory_space<vmem>>
      %dma_start3A_53 = arith.constant 0 : i32
      %dma_start3A_54 = arith.constant 0 : i32
      %dma_start3A_55 = tpu.memref_slice %arg9[%dma_start3A_53, %dma_start3A_54] : memref<10240x16xf32, #tpu.memory_space<vmem_shared>> -> memref<10240x16xf32, #tpu.memory_space<vmem_shared>>
      tpu.enqueue_indirect_dma source(%dma_start3A_49 : memref<128x16xf32, #tpu.memory_space<vmem>>) target(%dma_start3A_55 : memref<10240x16xf32, #tpu.memory_space<vmem_shared>>) offsets(%dma_start3A_52 : memref<128xi32, #tpu.memory_space<vmem>>) semaphore(%arg10 : memref<!tpu.dma_semaphore, #tpu.memory_space<semaphore_mem>>) {add = true}
      %mul3A_56 = arith.constant 4 : i32
      %mul3A_57 = arith.muli %add3A_34, %mul3A_56 : i32
      %add3A_58 = arith.constant 1 : i32
      %add3A_59 = arith.addi %mul3A_57, %add3A_58 : i32
      %dma_start3A_60 = arith.constant 128 : i32
      %dma_start3A_61 = arith.constant 0 : i32
      %dma_start3A_62 = tpu.memref_slice %arg6[%dma_start3A_60, %dma_start3A_61] : memref<512x16xf32, #tpu.memory_space<vmem>> -> memref<128x16xf32, #tpu.memory_space<vmem>>
      %dma_start3A_63 = arith.constant 0 : i32
      %dma_start3A_64 = tpu.memref_slice %arg5[%add3A_59, %dma_start3A_63] : memref<40x128xi32, #tpu.memory_space<vmem>> -> memref<1x128xi32, #tpu.memory_space<vmem>>
      %dma_start3A_65 = tpu.memref_squeeze %dma_start3A_64 : memref<1x128xi32, #tpu.memory_space<vmem>> -> memref<128xi32, #tpu.memory_space<vmem>>
      %dma_start3A_66 = arith.constant 0 : i32
      %dma_start3A_67 = arith.constant 0 : i32
      %dma_start3A_68 = tpu.memref_slice %arg9[%dma_start3A_66, %dma_start3A_67] : memref<10240x16xf32, #tpu.memory_space<vmem_shared>> -> memref<10240x16xf32, #tpu.memory_space<vmem_shared>>
      tpu.enqueue_indirect_dma source(%dma_start3A_62 : memref<128x16xf32, #tpu.memory_space<vmem>>) target(%dma_start3A_68 : memref<10240x16xf32, #tpu.memory_space<vmem_shared>>) offsets(%dma_start3A_65 : memref<128xi32, #tpu.memory_space<vmem>>) semaphore(%arg10 : memref<!tpu.dma_semaphore, #tpu.memory_space<semaphore_mem>>) {add = true}
      %mul3A_69 = arith.constant 4 : i32
      %mul3A_70 = arith.muli %add3A_34, %mul3A_69 : i32
      %add3A_71 = arith.constant 2 : i32
      %add3A_72 = arith.addi %mul3A_70, %add3A_71 : i32
      %dma_start3A_73 = arith.constant 256 : i32
      %dma_start3A_74 = arith.constant 0 : i32
      %dma_start3A_75 = tpu.memref_slice %arg6[%dma_start3A_73, %dma_start3A_74] : memref<512x16xf32, #tpu.memory_space<vmem>> -> memref<128x16xf32, #tpu.memory_space<vmem>>
      %dma_start3A_76 = arith.constant 0 : i32
      %dma_start3A_77 = tpu.memref_slice %arg5[%add3A_72, %dma_start3A_76] : memref<40x128xi32, #tpu.memory_space<vmem>> -> memref<1x128xi32, #tpu.memory_space<vmem>>
      %dma_start3A_78 = tpu.memref_squeeze %dma_start3A_77 : memref<1x128xi32, #tpu.memory_space<vmem>> -> memref<128xi32, #tpu.memory_space<vmem>>
      %dma_start3A_79 = arith.constant 0 : i32
      %dma_start3A_80 = arith.constant 0 : i32
      %dma_start3A_81 = tpu.memref_slice %arg9[%dma_start3A_79, %dma_start3A_80] : memref<10240x16xf32, #tpu.memory_space<vmem_shared>> -> memref<10240x16xf32, #tpu.memory_space<vmem_shared>>
      tpu.enqueue_indirect_dma source(%dma_start3A_75 : memref<128x16xf32, #tpu.memory_space<vmem>>) target(%dma_start3A_81 : memref<10240x16xf32, #tpu.memory_space<vmem_shared>>) offsets(%dma_start3A_78 : memref<128xi32, #tpu.memory_space<vmem>>) semaphore(%arg10 : memref<!tpu.dma_semaphore, #tpu.memory_space<semaphore_mem>>) {add = true}
      %mul3A_82 = arith.constant 4 : i32
      %mul3A_83 = arith.muli %add3A_34, %mul3A_82 : i32
      %add3A_84 = arith.constant 3 : i32
      %add3A_85 = arith.addi %mul3A_83, %add3A_84 : i32
      %dma_start3A_86 = arith.constant 384 : i32
      %dma_start3A_87 = arith.constant 0 : i32
      %dma_start3A_88 = tpu.memref_slice %arg6[%dma_start3A_86, %dma_start3A_87] : memref<512x16xf32, #tpu.memory_space<vmem>> -> memref<128x16xf32, #tpu.memory_space<vmem>>
      %dma_start3A_89 = arith.constant 0 : i32
      %dma_start3A_90 = tpu.memref_slice %arg5[%add3A_85, %dma_start3A_89] : memref<40x128xi32, #tpu.memory_space<vmem>> -> memref<1x128xi32, #tpu.memory_space<vmem>>
      %dma_start3A_91 = tpu.memref_squeeze %dma_start3A_90 : memref<1x128xi32, #tpu.memory_space<vmem>> -> memref<128xi32, #tpu.memory_space<vmem>>
      %dma_start3A_92 = arith.constant 0 : i32
      %dma_start3A_93 = arith.constant 0 : i32
      %dma_start3A_94 = tpu.memref_slice %arg9[%dma_start3A_92, %dma_start3A_93] : memref<10240x16xf32, #tpu.memory_space<vmem_shared>> -> memref<10240x16xf32, #tpu.memory_space<vmem_shared>>
      tpu.enqueue_indirect_dma source(%dma_start3A_88 : memref<128x16xf32, #tpu.memory_space<vmem>>) target(%dma_start3A_94 : memref<10240x16xf32, #tpu.memory_space<vmem_shared>>) offsets(%dma_start3A_91 : memref<128xi32, #tpu.memory_space<vmem>>) semaphore(%arg10 : memref<!tpu.dma_semaphore, #tpu.memory_space<semaphore_mem>>) {add = true}
      %mul3A_95 = arith.constant 2 : i32
      %mul3A_96 = arith.muli %scan3A_30, %mul3A_95 : i32
      %add3A_97 = arith.constant 1 : i32
      %add3A_98 = arith.addi %mul3A_96, %add3A_97 : i32
      %ge3A_99 = arith.constant 2 : i32
      %ge3A_100 = arith.cmpi sge, %add3A_98, %ge3A_99 : i32
      %convert_element_type3A_101 = arith.extui %ge3A_100 : i1 to i32
      %cond3A_102 = arith.constant 0 : i32
      %cond3A_103 = arith.cmpi ne, %convert_element_type3A_101, %cond3A_102 : i32
      scf.if %cond3A_103 {
        %dma_wait3A_163 = arith.constant 0 : i32
        %dma_wait3A_164 = arith.constant 0 : i32
        %dma_wait3A_165 = tpu.memref_slice %arg2[%dma_wait3A_163, %dma_wait3A_164] : memref<163840x128xf32, #tpu.memory_space<hbm>> -> memref<512x16xf32, #tpu.memory_space<hbm>>
        %dma_wait3A_166 = arith.constant 0 : i32
        %dma_wait3A_167 = arith.constant 0 : i32
        %dma_wait3A_168 = tpu.memref_slice %arg2[%dma_wait3A_166, %dma_wait3A_167] : memref<163840x128xf32, #tpu.memory_space<hbm>> -> memref<512x16xf32, #tpu.memory_space<hbm>>
        tpu.wait_dma2 semaphore(%arg11 : memref<!tpu.dma_semaphore, #tpu.memory_space<semaphore_mem>>) src(%dma_wait3A_168 : memref<512x16xf32, #tpu.memory_space<hbm>>) dst(%arg7 : memref<512x16xf32, #tpu.memory_space<vmem>>)
      } else {
      }
      %mul3A_104 = arith.constant 40 : i32
      %mul3A_105 = arith.muli %add3A, %mul3A_104 : i32
      %mul3A_106 = arith.constant 4 : i32
      %mul3A_107 = arith.muli %add3A_98, %mul3A_106 : i32
      %add3A_108 = arith.addi %mul3A_105, %mul3A_107 : i32
      %mul3A_109 = arith.constant 128 : i32
      %mul3A_110 = arith.muli %add3A_108, %mul3A_109 : i32
      "tpu.region"() ({
        %run_scoped3A = tpu.sem_alloc : memref<!tpu.dma_semaphore, #tpu.memory_space<semaphore_mem>>
        %dma_start3A_163 = arith.constant 0 : i32
        %dma_start3A_164 = tpu.memref_slice %arg2[%mul3A_110, %dma_start3A_163] : memref<163840x128xf32, #tpu.memory_space<hbm>> -> memref<512x16xf32, #tpu.memory_space<hbm>>
        %dma_start3A_165 = arith.constant 0 : i32
        %dma_start3A_166 = tpu.memref_slice %arg2[%mul3A_110, %dma_start3A_165] : memref<163840x128xf32, #tpu.memory_space<hbm>> -> memref<512x16xf32, #tpu.memory_space<hbm>>
        tpu.enqueue_dma source(%dma_start3A_166 : memref<512x16xf32, #tpu.memory_space<hbm>>) target(%arg7 : memref<512x16xf32, #tpu.memory_space<vmem>>) target_semaphore(%run_scoped3A : memref<!tpu.dma_semaphore, #tpu.memory_space<semaphore_mem>>)
        %dma_wait3A_167 = arith.constant 0 : i32
        %dma_wait3A_168 = tpu.memref_slice %arg2[%mul3A_110, %dma_wait3A_167] : memref<163840x128xf32, #tpu.memory_space<hbm>> -> memref<512x16xf32, #tpu.memory_space<hbm>>
        %dma_wait3A_169 = arith.constant 0 : i32
        %dma_wait3A_170 = tpu.memref_slice %arg2[%mul3A_110, %dma_wait3A_169] : memref<163840x128xf32, #tpu.memory_space<hbm>> -> memref<512x16xf32, #tpu.memory_space<hbm>>
        tpu.wait_dma2 semaphore(%run_scoped3A : memref<!tpu.dma_semaphore, #tpu.memory_space<semaphore_mem>>) src(%dma_wait3A_170 : memref<512x16xf32, #tpu.memory_space<hbm>>) dst(%arg7 : memref<512x16xf32, #tpu.memory_space<vmem>>)
        tpu.yield
      }) : () -> ()
      %mul3A_111 = arith.constant 4 : i32
      %mul3A_112 = arith.muli %add3A_98, %mul3A_111 : i32
      %add3A_113 = arith.constant 0 : i32
      %add3A_114 = arith.addi %mul3A_112, %add3A_113 : i32
      %dma_start3A_115 = arith.constant 0 : i32
      %dma_start3A_116 = arith.constant 0 : i32
      %dma_start3A_117 = tpu.memref_slice %arg7[%dma_start3A_115, %dma_start3A_116] : memref<512x16xf32, #tpu.memory_space<vmem>> -> memref<128x16xf32, #tpu.memory_space<vmem>>
      %dma_start3A_118 = arith.constant 0 : i32
      %dma_start3A_119 = tpu.memref_slice %arg5[%add3A_114, %dma_start3A_118] : memref<40x128xi32, #tpu.memory_space<vmem>> -> memref<1x128xi32, #tpu.memory_space<vmem>>
      %dma_start3A_120 = tpu.memref_squeeze %dma_start3A_119 : memref<1x128xi32, #tpu.memory_space<vmem>> -> memref<128xi32, #tpu.memory_space<vmem>>
      %dma_start3A_121 = arith.constant 0 : i32
      %dma_start3A_122 = arith.constant 0 : i32
      %dma_start3A_123 = tpu.memref_slice %arg9[%dma_start3A_121, %dma_start3A_122] : memref<10240x16xf32, #tpu.memory_space<vmem_shared>> -> memref<10240x16xf32, #tpu.memory_space<vmem_shared>>
      tpu.enqueue_indirect_dma source(%dma_start3A_117 : memref<128x16xf32, #tpu.memory_space<vmem>>) target(%dma_start3A_123 : memref<10240x16xf32, #tpu.memory_space<vmem_shared>>) offsets(%dma_start3A_120 : memref<128xi32, #tpu.memory_space<vmem>>) semaphore(%arg11 : memref<!tpu.dma_semaphore, #tpu.memory_space<semaphore_mem>>) {add = true}
      %mul3A_124 = arith.constant 4 : i32
      %mul3A_125 = arith.muli %add3A_98, %mul3A_124 : i32
      %add3A_126 = arith.constant 1 : i32
      %add3A_127 = arith.addi %mul3A_125, %add3A_126 : i32
      %dma_start3A_128 = arith.constant 128 : i32
      %dma_start3A_129 = arith.constant 0 : i32
      %dma_start3A_130 = tpu.memref_slice %arg7[%dma_start3A_128, %dma_start3A_129] : memref<512x16xf32, #tpu.memory_space<vmem>> -> memref<128x16xf32, #tpu.memory_space<vmem>>
      %dma_start3A_131 = arith.constant 0 : i32
      %dma_start3A_132 = tpu.memref_slice %arg5[%add3A_127, %dma_start3A_131] : memref<40x128xi32, #tpu.memory_space<vmem>> -> memref<1x128xi32, #tpu.memory_space<vmem>>
      %dma_start3A_133 = tpu.memref_squeeze %dma_start3A_132 : memref<1x128xi32, #tpu.memory_space<vmem>> -> memref<128xi32, #tpu.memory_space<vmem>>
      %dma_start3A_134 = arith.constant 0 : i32
      %dma_start3A_135 = arith.constant 0 : i32
      %dma_start3A_136 = tpu.memref_slice %arg9[%dma_start3A_134, %dma_start3A_135] : memref<10240x16xf32, #tpu.memory_space<vmem_shared>> -> memref<10240x16xf32, #tpu.memory_space<vmem_shared>>
      tpu.enqueue_indirect_dma source(%dma_start3A_130 : memref<128x16xf32, #tpu.memory_space<vmem>>) target(%dma_start3A_136 : memref<10240x16xf32, #tpu.memory_space<vmem_shared>>) offsets(%dma_start3A_133 : memref<128xi32, #tpu.memory_space<vmem>>) semaphore(%arg11 : memref<!tpu.dma_semaphore, #tpu.memory_space<semaphore_mem>>) {add = true}
      %mul3A_137 = arith.constant 4 : i32
      %mul3A_138 = arith.muli %add3A_98, %mul3A_137 : i32
      %add3A_139 = arith.constant 2 : i32
      %add3A_140 = arith.addi %mul3A_138, %add3A_139 : i32
      %dma_start3A_141 = arith.constant 256 : i32
      %dma_start3A_142 = arith.constant 0 : i32
      %dma_start3A_143 = tpu.memref_slice %arg7[%dma_start3A_141, %dma_start3A_142] : memref<512x16xf32, #tpu.memory_space<vmem>> -> memref<128x16xf32, #tpu.memory_space<vmem>>
      %dma_start3A_144 = arith.constant 0 : i32
      %dma_start3A_145 = tpu.memref_slice %arg5[%add3A_140, %dma_start3A_144] : memref<40x128xi32, #tpu.memory_space<vmem>> -> memref<1x128xi32, #tpu.memory_space<vmem>>
      %dma_start3A_146 = tpu.memref_squeeze %dma_start3A_145 : memref<1x128xi32, #tpu.memory_space<vmem>> -> memref<128xi32, #tpu.memory_space<vmem>>
      %dma_start3A_147 = arith.constant 0 : i32
      %dma_start3A_148 = arith.constant 0 : i32
      %dma_start3A_149 = tpu.memref_slice %arg9[%dma_start3A_147, %dma_start3A_148] : memref<10240x16xf32, #tpu.memory_space<vmem_shared>> -> memref<10240x16xf32, #tpu.memory_space<vmem_shared>>
      tpu.enqueue_indirect_dma source(%dma_start3A_143 : memref<128x16xf32, #tpu.memory_space<vmem>>) target(%dma_start3A_149 : memref<10240x16xf32, #tpu.memory_space<vmem_shared>>) offsets(%dma_start3A_146 : memref<128xi32, #tpu.memory_space<vmem>>) semaphore(%arg11 : memref<!tpu.dma_semaphore, #tpu.memory_space<semaphore_mem>>) {add = true}
      %mul3A_150 = arith.constant 4 : i32
      %mul3A_151 = arith.muli %add3A_98, %mul3A_150 : i32
      %add3A_152 = arith.constant 3 : i32
      %add3A_153 = arith.addi %mul3A_151, %add3A_152 : i32
      %dma_start3A_154 = arith.constant 384 : i32
      %dma_start3A_155 = arith.constant 0 : i32
      %dma_start3A_156 = tpu.memref_slice %arg7[%dma_start3A_154, %dma_start3A_155] : memref<512x16xf32, #tpu.memory_space<vmem>> -> memref<128x16xf32, #tpu.memory_space<vmem>>
      %dma_start3A_157 = arith.constant 0 : i32
      %dma_start3A_158 = tpu.memref_slice %arg5[%add3A_153, %dma_start3A_157] : memref<40x128xi32, #tpu.memory_space<vmem>> -> memref<1x128xi32, #tpu.memory_space<vmem>>
      %dma_start3A_159 = tpu.memref_squeeze %dma_start3A_158 : memref<1x128xi32, #tpu.memory_space<vmem>> -> memref<128xi32, #tpu.memory_space<vmem>>
      %dma_start3A_160 = arith.constant 0 : i32
      %dma_start3A_161 = arith.constant 0 : i32
      %dma_start3A_162 = tpu.memref_slice %arg9[%dma_start3A_160, %dma_start3A_161] : memref<10240x16xf32, #tpu.memory_space<vmem_shared>> -> memref<10240x16xf32, #tpu.memory_space<vmem_shared>>
      tpu.enqueue_indirect_dma source(%dma_start3A_156 : memref<128x16xf32, #tpu.memory_space<vmem>>) target(%dma_start3A_162 : memref<10240x16xf32, #tpu.memory_space<vmem_shared>>) offsets(%dma_start3A_159 : memref<128xi32, #tpu.memory_space<vmem>>) semaphore(%arg11 : memref<!tpu.dma_semaphore, #tpu.memory_space<semaphore_mem>>) {add = true}
    }
    %scan3A_13 = arith.constant 5 : i32
    %dma_wait3A = arith.constant 0 : i32
    %dma_wait3A_14 = arith.constant 0 : i32
    %dma_wait3A_15 = tpu.memref_slice %arg2[%dma_wait3A, %dma_wait3A_14] : memref<163840x128xf32, #tpu.memory_space<hbm>> -> memref<512x16xf32, #tpu.memory_space<hbm>>
    %dma_wait3A_16 = arith.constant 0 : i32
    %dma_wait3A_17 = arith.constant 0 : i32
    %dma_wait3A_18 = tpu.memref_slice %arg2[%dma_wait3A_16, %dma_wait3A_17] : memref<163840x128xf32, #tpu.memory_space<hbm>> -> memref<512x16xf32, #tpu.memory_space<hbm>>
    tpu.wait_dma2 semaphore(%arg10 : memref<!tpu.dma_semaphore, #tpu.memory_space<semaphore_mem>>) src(%dma_wait3A_18 : memref<512x16xf32, #tpu.memory_space<hbm>>) dst(%arg6 : memref<512x16xf32, #tpu.memory_space<vmem>>)
    %dma_wait3A_19 = arith.constant 0 : i32
    %dma_wait3A_20 = arith.constant 0 : i32
    %dma_wait3A_21 = tpu.memref_slice %arg2[%dma_wait3A_19, %dma_wait3A_20] : memref<163840x128xf32, #tpu.memory_space<hbm>> -> memref<512x16xf32, #tpu.memory_space<hbm>>
    %dma_wait3A_22 = arith.constant 0 : i32
    %dma_wait3A_23 = arith.constant 0 : i32
    %dma_wait3A_24 = tpu.memref_slice %arg2[%dma_wait3A_22, %dma_wait3A_23] : memref<163840x128xf32, #tpu.memory_space<hbm>> -> memref<512x16xf32, #tpu.memory_space<hbm>>
    tpu.wait_dma2 semaphore(%arg11 : memref<!tpu.dma_semaphore, #tpu.memory_space<semaphore_mem>>) src(%dma_wait3A_24 : memref<512x16xf32, #tpu.memory_space<hbm>>) dst(%arg7 : memref<512x16xf32, #tpu.memory_space<vmem>>)
    %barrier3A_25 = arith.constant 0 : index
    tpu.barrier barrier_id(%barrier3A_25)
    %mul3A_26 = arith.constant 640 : i32
    %mul3A_27 = arith.muli %arg1, %mul3A_26 : i32
    %mul3A_28 = arith.constant 640 : i32
    %mul3A_29 = arith.muli %arg1, %mul3A_28 : i32
    "tpu.region"() ({
      %run_scoped3A = tpu.sem_alloc : memref<!tpu.dma_semaphore, #tpu.memory_space<semaphore_mem>>
      %dma_start3A = arith.constant 0 : i32
      %dma_start3A_30 = tpu.memref_slice %arg4[%arg0, %mul3A_29, %dma_start3A] : memref<2x10240x128xf32, #tpu.memory_space<hbm>> -> memref<1x640x16xf32, #tpu.memory_space<hbm>>
      %dma_start3A_31 = tpu.memref_squeeze %dma_start3A_30 : memref<1x640x16xf32, #tpu.memory_space<hbm>> -> memref<640x16xf32, #tpu.memory_space<hbm>>
      %dma_start3A_32 = arith.constant 0 : i32
      %dma_start3A_33 = tpu.memref_slice %arg9[%mul3A_27, %dma_start3A_32] : memref<10240x16xf32, #tpu.memory_space<vmem_shared>> -> memref<640x16xf32, #tpu.memory_space<vmem_shared>>
      tpu.enqueue_dma source(%dma_start3A_33 : memref<640x16xf32, #tpu.memory_space<vmem_shared>>) target(%dma_start3A_31 : memref<640x16xf32, #tpu.memory_space<hbm>>) target_semaphore(%run_scoped3A : memref<!tpu.dma_semaphore, #tpu.memory_space<semaphore_mem>>)
      %dma_wait3A_34 = arith.constant 0 : i32
      %dma_wait3A_35 = tpu.memref_slice %arg4[%arg0, %mul3A_29, %dma_wait3A_34] : memref<2x10240x128xf32, #tpu.memory_space<hbm>> -> memref<1x640x16xf32, #tpu.memory_space<hbm>>
      %dma_wait3A_36 = tpu.memref_squeeze %dma_wait3A_35 : memref<1x640x16xf32, #tpu.memory_space<hbm>> -> memref<640x16xf32, #tpu.memory_space<hbm>>
      %dma_wait3A_37 = arith.constant 0 : i32
      %dma_wait3A_38 = tpu.memref_slice %arg9[%mul3A_27, %dma_wait3A_37] : memref<10240x16xf32, #tpu.memory_space<vmem_shared>> -> memref<640x16xf32, #tpu.memory_space<vmem_shared>>
      tpu.wait_dma2 semaphore(%run_scoped3A : memref<!tpu.dma_semaphore, #tpu.memory_space<semaphore_mem>>) src(%dma_wait3A_38 : memref<640x16xf32, #tpu.memory_space<vmem_shared>>) dst(%dma_wait3A_36 : memref<640x16xf32, #tpu.memory_space<hbm>>)
      tpu.yield
    }) : () -> ()
    return
  }
}

module attributes {stable_mosaic.version = 14 : i64} {
  func.func @_msgs_body(%arg0: i32, %arg1: memref<16x4096xf32, #tpu.memory_space<vmem>>, %arg2: memref<4096x128xf32, #tpu.memory_space<vmem>>, %arg3: memref<16x64xf32, #tpu.memory_space<vmem>>, %arg4: memref<1x64xf32, #tpu.memory_space<vmem>>, %arg5: memref<64x256xf32, #tpu.memory_space<vmem>>, %arg6: memref<1x256xf32, #tpu.memory_space<vmem>>, %arg7: memref<16x256xf32, #tpu.memory_space<vmem>>, %arg8: memref<256x16xf32, #tpu.memory_space<vmem>>, %arg9: memref<4096x128xf32, #tpu.memory_space<vmem>>) attributes {dimension_semantics = [#tpu.dimension_semantics<parallel>], iteration_bounds = array<i64: 40>, scalar_prefetch = 0 : i64, scratch_operands = 0 : i64, tpu.core_type = #tpu.core_type<tc>, window_params = [{transform_indices = @transform_0, window_bounds = array<i64: 16, 4096>}, {transform_indices = @transform_1, window_bounds = array<i64: 4096, 128>}, {pipeline_mode = #tpu.pipeline_mode<synchronous>, transform_indices = @transform_2, window_bounds = array<i64: 16, 64>}, {pipeline_mode = #tpu.pipeline_mode<synchronous>, transform_indices = @transform_3, window_bounds = array<i64: 1, 64>}, {pipeline_mode = #tpu.pipeline_mode<synchronous>, transform_indices = @transform_4, window_bounds = array<i64: 64, 256>}, {pipeline_mode = #tpu.pipeline_mode<synchronous>, transform_indices = @transform_5, window_bounds = array<i64: 1, 256>}, {pipeline_mode = #tpu.pipeline_mode<synchronous>, transform_indices = @transform_6, window_bounds = array<i64: 16, 256>}, {pipeline_mode = #tpu.pipeline_mode<synchronous>, transform_indices = @transform_7, window_bounds = array<i64: 256, 16>}, {transform_indices = @transform_8, window_bounds = array<i64: 4096, 128>}]} {
    %get3A = arith.constant 0 : index
    %get3A_0 = arith.constant 0 : index
    %get3A_1 = vector.load %arg1[%get3A, %get3A_0] : memref<16x4096xf32, #tpu.memory_space<vmem>>, vector<16x4096xf32>
    %get3A_2 = arith.constant 0 : index
    %get3A_3 = arith.constant 0 : index
    %get3A_4 = vector.load %arg3[%get3A_2, %get3A_3] : memref<16x64xf32, #tpu.memory_space<vmem>>, vector<16x64xf32>
    %dot_general3A = arith.constant dense<0.000000e+00> : vector<4096x64xf32>
    %dot_general3A_5 = tpu.matmul %get3A_1, %get3A_4, %dot_general3A {dimension_numbers = #tpu.dot_dimension_numbers<[0], [0], [1], [1], [0, 1, 1, 1], [], []>, transpose_lhs_hint = true} : vector<16x4096xf32>, vector<16x64xf32>, vector<4096x64xf32> -> vector<4096x64xf32>
    %get3A_6 = arith.constant 0 : index
    %get3A_7 = arith.constant 0 : index
    %get3A_8 = vector.load %arg4[%get3A_6, %get3A_7] : memref<1x64xf32, #tpu.memory_space<vmem>>, vector<1x64xf32>
    %add3A = vector.broadcast %get3A_8 : vector<1x64xf32> to vector<4096x64xf32>
    %add3A_9 = arith.addf %dot_general3A_5, %add3A : vector<4096x64xf32>
    %max3A = arith.constant 0.000000e+00 : f32
    %max3A_10 = vector.broadcast %max3A : f32 to vector<4096x64xf32>
    %max3A_11 = arith.maximumf %add3A_9, %max3A_10 : vector<4096x64xf32>
    %get3A_12 = arith.constant 0 : index
    %get3A_13 = arith.constant 0 : index
    %get3A_14 = vector.load %arg5[%get3A_12, %get3A_13] : memref<64x256xf32, #tpu.memory_space<vmem>>, vector<64x256xf32>
    %dot_general3A_15 = arith.constant dense<0.000000e+00> : vector<4096x256xf32>
    %dot_general3A_16 = tpu.matmul %max3A_11, %get3A_14, %dot_general3A_15 {dimension_numbers = #tpu.dot_dimension_numbers<[1], [0], [0], [1], [0, 0, 1, 1], [], []>, transpose_lhs_hint = false} : vector<4096x64xf32>, vector<64x256xf32>, vector<4096x256xf32> -> vector<4096x256xf32>
    %get3A_17 = arith.constant 0 : index
    %get3A_18 = arith.constant 0 : index
    %get3A_19 = vector.load %arg6[%get3A_17, %get3A_18] : memref<1x256xf32, #tpu.memory_space<vmem>>, vector<1x256xf32>
    %add3A_20 = vector.broadcast %get3A_19 : vector<1x256xf32> to vector<4096x256xf32>
    %add3A_21 = arith.addf %dot_general3A_16, %add3A_20 : vector<4096x256xf32>
    %get3A_22 = arith.constant 0 : index
    %get3A_23 = arith.constant 0 : index
    %get3A_24 = vector.load %arg2[%get3A_22, %get3A_23] : memref<4096x128xf32, #tpu.memory_space<vmem>>, vector<4096x16xf32>
    %get3A_25 = arith.constant 0 : index
    %get3A_26 = arith.constant 0 : index
    %get3A_27 = vector.load %arg7[%get3A_25, %get3A_26] : memref<16x256xf32, #tpu.memory_space<vmem>>, vector<16x256xf32>
    %dot_general3A_28 = arith.constant dense<0.000000e+00> : vector<4096x256xf32>
    %dot_general3A_29 = tpu.matmul %get3A_24, %get3A_27, %dot_general3A_28 {dimension_numbers = #tpu.dot_dimension_numbers<[1], [0], [0], [1], [0, 0, 1, 1], [], []>, transpose_lhs_hint = false} : vector<4096x16xf32>, vector<16x256xf32>, vector<4096x256xf32> -> vector<4096x256xf32>
    %mul3A = arith.mulf %dot_general3A_29, %add3A_21 : vector<4096x256xf32>
    %get3A_30 = arith.constant 0 : index
    %get3A_31 = arith.constant 0 : index
    %get3A_32 = vector.load %arg8[%get3A_30, %get3A_31] : memref<256x16xf32, #tpu.memory_space<vmem>>, vector<256x16xf32>
    %dot_general3A_33 = arith.constant dense<0.000000e+00> : vector<4096x16xf32>
    %dot_general3A_34 = tpu.matmul %mul3A, %get3A_32, %dot_general3A_33 {dimension_numbers = #tpu.dot_dimension_numbers<[1], [0], [0], [1], [0, 0, 1, 1], [], []>, transpose_lhs_hint = false} : vector<4096x256xf32>, vector<256x16xf32>, vector<4096x16xf32> -> vector<4096x16xf32>
    %swap3A = arith.constant 0 : index
    %swap3A_35 = arith.constant 0 : index
    %swap3A_36 = vector.load %arg9[%swap3A, %swap3A_35] : memref<4096x128xf32, #tpu.memory_space<vmem>>, vector<4096x16xf32>
    tpu.vector_store %arg9[%swap3A, %swap3A_35], %dot_general3A_34 {strides = array<i32>} : memref<4096x128xf32, #tpu.memory_space<vmem>>, vector<4096x16xf32>,
    return
  }
  func.func @transform_0(%arg0: i32) -> (i32, i32) {
    %add3A = arith.constant 0 : i32
    %add3A_0 = arith.addi %arg0, %add3A : i32
    %c0_i32 = arith.constant 0 : i32
    %c0_i32_1 = arith.constant 0 : i32
    return %c0_i32, %add3A_0 : i32, i32
  }
  func.func @transform_1(%arg0: i32) -> (i32, i32) {
    %c0_i32 = arith.constant 0 : i32
    %c0_i32_0 = arith.constant 0 : i32
    return %arg0, %c0_i32 : i32, i32
  }
  func.func @transform_2(%arg0: i32) -> (i32, i32) {
    %c0_i32 = arith.constant 0 : i32
    %c0_i32_0 = arith.constant 0 : i32
    %c0_i32_1 = arith.constant 0 : i32
    return %c0_i32, %c0_i32_0 : i32, i32
  }
  func.func @transform_3(%arg0: i32) -> (i32, i32) {
    %c0_i32 = arith.constant 0 : i32
    %c0_i32_0 = arith.constant 0 : i32
    %c0_i32_1 = arith.constant 0 : i32
    return %c0_i32, %c0_i32_0 : i32, i32
  }
  func.func @transform_4(%arg0: i32) -> (i32, i32) {
    %c0_i32 = arith.constant 0 : i32
    %c0_i32_0 = arith.constant 0 : i32
    %c0_i32_1 = arith.constant 0 : i32
    return %c0_i32, %c0_i32_0 : i32, i32
  }
  func.func @transform_5(%arg0: i32) -> (i32, i32) {
    %c0_i32 = arith.constant 0 : i32
    %c0_i32_0 = arith.constant 0 : i32
    %c0_i32_1 = arith.constant 0 : i32
    return %c0_i32, %c0_i32_0 : i32, i32
  }
  func.func @transform_6(%arg0: i32) -> (i32, i32) {
    %c0_i32 = arith.constant 0 : i32
    %c0_i32_0 = arith.constant 0 : i32
    %c0_i32_1 = arith.constant 0 : i32
    return %c0_i32, %c0_i32_0 : i32, i32
  }
  func.func @transform_7(%arg0: i32) -> (i32, i32) {
    %c0_i32 = arith.constant 0 : i32
    %c0_i32_0 = arith.constant 0 : i32
    %c0_i32_1 = arith.constant 0 : i32
    return %c0_i32, %c0_i32_0 : i32, i32
  }
  func.func @transform_8(%arg0: i32) -> (i32, i32) {
    %c0_i32 = arith.constant 0 : i32
    %c0_i32_0 = arith.constant 0 : i32
    return %arg0, %c0_i32 : i32, i32
  }
}

module attributes {stable_mosaic.version = 14 : i64} {
  func.func @_msgs_body(%arg0: i32, %arg1: memref<16x4096xf32, #tpu.memory_space<vmem>>, %arg2: memref<4096x128xf32, #tpu.memory_space<vmem>>, %arg3: memref<16x64xf32, #tpu.memory_space<vmem>>, %arg4: memref<1x64xf32, #tpu.memory_space<vmem>>, %arg5: memref<64x256xf32, #tpu.memory_space<vmem>>, %arg6: memref<1x256xf32, #tpu.memory_space<vmem>>, %arg7: memref<16x256xf32, #tpu.memory_space<vmem>>, %arg8: memref<256x16xf32, #tpu.memory_space<vmem>>, %arg9: memref<4096x128xf32, #tpu.memory_space<vmem>>) attributes {dimension_semantics = [#tpu.dimension_semantics<parallel>], iteration_bounds = array<i64: 39>, scalar_prefetch = 0 : i64, scratch_operands = 0 : i64, tpu.core_type = #tpu.core_type<tc>, window_params = [{transform_indices = @transform_0, window_bounds = array<i64: 16, 4096>}, {transform_indices = @transform_1, window_bounds = array<i64: 4096, 128>}, {pipeline_mode = #tpu.pipeline_mode<synchronous>, transform_indices = @transform_2, window_bounds = array<i64: 16, 64>}, {pipeline_mode = #tpu.pipeline_mode<synchronous>, transform_indices = @transform_3, window_bounds = array<i64: 1, 64>}, {pipeline_mode = #tpu.pipeline_mode<synchronous>, transform_indices = @transform_4, window_bounds = array<i64: 64, 256>}, {pipeline_mode = #tpu.pipeline_mode<synchronous>, transform_indices = @transform_5, window_bounds = array<i64: 1, 256>}, {pipeline_mode = #tpu.pipeline_mode<synchronous>, transform_indices = @transform_6, window_bounds = array<i64: 16, 256>}, {pipeline_mode = #tpu.pipeline_mode<synchronous>, transform_indices = @transform_7, window_bounds = array<i64: 256, 16>}, {transform_indices = @transform_8, window_bounds = array<i64: 4096, 128>}]} {
    %get3A = arith.constant 0 : index
    %get3A_0 = arith.constant 0 : index
    %get3A_1 = vector.load %arg1[%get3A, %get3A_0] : memref<16x4096xf32, #tpu.memory_space<vmem>>, vector<16x4096xf32>
    %get3A_2 = arith.constant 0 : index
    %get3A_3 = arith.constant 0 : index
    %get3A_4 = vector.load %arg3[%get3A_2, %get3A_3] : memref<16x64xf32, #tpu.memory_space<vmem>>, vector<16x64xf32>
    %dot_general3A = arith.constant dense<0.000000e+00> : vector<4096x64xf32>
    %dot_general3A_5 = tpu.matmul %get3A_1, %get3A_4, %dot_general3A {dimension_numbers = #tpu.dot_dimension_numbers<[0], [0], [1], [1], [0, 1, 1, 1], [], []>, transpose_lhs_hint = true} : vector<16x4096xf32>, vector<16x64xf32>, vector<4096x64xf32> -> vector<4096x64xf32>
    %get3A_6 = arith.constant 0 : index
    %get3A_7 = arith.constant 0 : index
    %get3A_8 = vector.load %arg4[%get3A_6, %get3A_7] : memref<1x64xf32, #tpu.memory_space<vmem>>, vector<1x64xf32>
    %add3A = vector.broadcast %get3A_8 : vector<1x64xf32> to vector<4096x64xf32>
    %add3A_9 = arith.addf %dot_general3A_5, %add3A : vector<4096x64xf32>
    %max3A = arith.constant 0.000000e+00 : f32
    %max3A_10 = vector.broadcast %max3A : f32 to vector<4096x64xf32>
    %max3A_11 = arith.maximumf %add3A_9, %max3A_10 : vector<4096x64xf32>
    %get3A_12 = arith.constant 0 : index
    %get3A_13 = arith.constant 0 : index
    %get3A_14 = vector.load %arg5[%get3A_12, %get3A_13] : memref<64x256xf32, #tpu.memory_space<vmem>>, vector<64x256xf32>
    %dot_general3A_15 = arith.constant dense<0.000000e+00> : vector<4096x256xf32>
    %dot_general3A_16 = tpu.matmul %max3A_11, %get3A_14, %dot_general3A_15 {dimension_numbers = #tpu.dot_dimension_numbers<[1], [0], [0], [1], [0, 0, 1, 1], [], []>, transpose_lhs_hint = false} : vector<4096x64xf32>, vector<64x256xf32>, vector<4096x256xf32> -> vector<4096x256xf32>
    %get3A_17 = arith.constant 0 : index
    %get3A_18 = arith.constant 0 : index
    %get3A_19 = vector.load %arg6[%get3A_17, %get3A_18] : memref<1x256xf32, #tpu.memory_space<vmem>>, vector<1x256xf32>
    %add3A_20 = vector.broadcast %get3A_19 : vector<1x256xf32> to vector<4096x256xf32>
    %add3A_21 = arith.addf %dot_general3A_16, %add3A_20 : vector<4096x256xf32>
    %get3A_22 = arith.constant 0 : index
    %get3A_23 = arith.constant 0 : index
    %get3A_24 = vector.load %arg2[%get3A_22, %get3A_23] : memref<4096x128xf32, #tpu.memory_space<vmem>>, vector<4096x16xf32>
    %get3A_25 = arith.constant 0 : index
    %get3A_26 = arith.constant 0 : index
    %get3A_27 = vector.load %arg7[%get3A_25, %get3A_26] : memref<16x256xf32, #tpu.memory_space<vmem>>, vector<16x256xf32>
    %dot_general3A_28 = arith.constant dense<0.000000e+00> : vector<4096x256xf32>
    %dot_general3A_29 = tpu.matmul %get3A_24, %get3A_27, %dot_general3A_28 {dimension_numbers = #tpu.dot_dimension_numbers<[1], [0], [0], [1], [0, 0, 1, 1], [], []>, transpose_lhs_hint = false} : vector<4096x16xf32>, vector<16x256xf32>, vector<4096x256xf32> -> vector<4096x256xf32>
    %mul3A = arith.mulf %dot_general3A_29, %add3A_21 : vector<4096x256xf32>
    %get3A_30 = arith.constant 0 : index
    %get3A_31 = arith.constant 0 : index
    %get3A_32 = vector.load %arg8[%get3A_30, %get3A_31] : memref<256x16xf32, #tpu.memory_space<vmem>>, vector<256x16xf32>
    %dot_general3A_33 = arith.constant dense<0.000000e+00> : vector<4096x16xf32>
    %dot_general3A_34 = tpu.matmul %mul3A, %get3A_32, %dot_general3A_33 {dimension_numbers = #tpu.dot_dimension_numbers<[1], [0], [0], [1], [0, 0, 1, 1], [], []>, transpose_lhs_hint = false} : vector<4096x256xf32>, vector<256x16xf32>, vector<4096x16xf32> -> vector<4096x16xf32>
    %swap3A = arith.constant 0 : index
    %swap3A_35 = arith.constant 0 : index
    %swap3A_36 = vector.load %arg9[%swap3A, %swap3A_35] : memref<4096x128xf32, #tpu.memory_space<vmem>>, vector<4096x16xf32>
    tpu.vector_store %arg9[%swap3A, %swap3A_35], %dot_general3A_34 {strides = array<i32>} : memref<4096x128xf32, #tpu.memory_space<vmem>>, vector<4096x16xf32>,
    return
  }
  func.func @transform_0(%arg0: i32) -> (i32, i32) {
    %add3A = arith.constant 40 : i32
    %add3A_0 = arith.addi %arg0, %add3A : i32
    %c0_i32 = arith.constant 0 : i32
    %c0_i32_1 = arith.constant 0 : i32
    return %c0_i32, %add3A_0 : i32, i32
  }
  func.func @transform_1(%arg0: i32) -> (i32, i32) {
    %c0_i32 = arith.constant 0 : i32
    %c0_i32_0 = arith.constant 0 : i32
    return %arg0, %c0_i32 : i32, i32
  }
  func.func @transform_2(%arg0: i32) -> (i32, i32) {
    %c0_i32 = arith.constant 0 : i32
    %c0_i32_0 = arith.constant 0 : i32
    %c0_i32_1 = arith.constant 0 : i32
    return %c0_i32, %c0_i32_0 : i32, i32
  }
  func.func @transform_3(%arg0: i32) -> (i32, i32) {
    %c0_i32 = arith.constant 0 : i32
    %c0_i32_0 = arith.constant 0 : i32
    %c0_i32_1 = arith.constant 0 : i32
    return %c0_i32, %c0_i32_0 : i32, i32
  }
  func.func @transform_4(%arg0: i32) -> (i32, i32) {
    %c0_i32 = arith.constant 0 : i32
    %c0_i32_0 = arith.constant 0 : i32
    %c0_i32_1 = arith.constant 0 : i32
    return %c0_i32, %c0_i32_0 : i32, i32
  }
  func.func @transform_5(%arg0: i32) -> (i32, i32) {
    %c0_i32 = arith.constant 0 : i32
    %c0_i32_0 = arith.constant 0 : i32
    %c0_i32_1 = arith.constant 0 : i32
    return %c0_i32, %c0_i32_0 : i32, i32
  }
  func.func @transform_6(%arg0: i32) -> (i32, i32) {
    %c0_i32 = arith.constant 0 : i32
    %c0_i32_0 = arith.constant 0 : i32
    %c0_i32_1 = arith.constant 0 : i32
    return %c0_i32, %c0_i32_0 : i32, i32
  }
  func.func @transform_7(%arg0: i32) -> (i32, i32) {
    %c0_i32 = arith.constant 0 : i32
    %c0_i32_0 = arith.constant 0 : i32
    %c0_i32_1 = arith.constant 0 : i32
    return %c0_i32, %c0_i32_0 : i32, i32
  }
  func.func @transform_8(%arg0: i32) -> (i32, i32) {
    %c0_i32 = arith.constant 0 : i32
    %c0_i32_0 = arith.constant 0 : i32
    return %arg0, %c0_i32 : i32, i32
  }
}

module attributes {stable_mosaic.version = 14 : i64} {
  func.func @_final_body(%arg0: memref<2x10240x128xf32, #tpu.memory_space<vmem>>, %arg1: memref<2x10240x128xf32, #tpu.memory_space<vmem>>, %arg2: memref<2x10240x128xf32, #tpu.memory_space<vmem>>, %arg3: memref<10000x16xf32, #tpu.memory_space<vmem>>, %arg4: memref<16x16xf32, #tpu.memory_space<vmem>>, %arg5: memref<1x16xf32, #tpu.memory_space<vmem>>, %arg6: memref<1x16xf32, #tpu.memory_space<vmem>>, %arg7: memref<1x16xf32, #tpu.memory_space<vmem>>, %arg8: memref<10000x16xf32, #tpu.memory_space<vmem>>) attributes {dimension_semantics = [], scalar_prefetch = 0 : i64, scratch_operands = 0 : i64, tpu.core_type = #tpu.core_type<tc>} {
    %get3A = arith.constant 0 : index
    %get3A_0 = arith.constant 0 : index
    %get3A_1 = arith.constant 0 : index
    %get3A_2 = vector.load %arg0[%get3A, %get3A_0, %get3A_1] : memref<2x10240x128xf32, #tpu.memory_space<vmem>>, vector<1x10240x128xf32>
    %get3A_3 = vector.shape_cast %get3A_2 : vector<1x10240x128xf32> to vector<10240x128xf32>
    %get3A_4 = arith.constant 1 : index
    %get3A_5 = arith.constant 0 : index
    %get3A_6 = arith.constant 0 : index
    %get3A_7 = vector.load %arg0[%get3A_4, %get3A_5, %get3A_6] : memref<2x10240x128xf32, #tpu.memory_space<vmem>>, vector<1x10240x128xf32>
    %get3A_8 = vector.shape_cast %get3A_7 : vector<1x10240x128xf32> to vector<10240x128xf32>
    %add3A = arith.addf %get3A_3, %get3A_8 : vector<10240x128xf32>
    %get3A_9 = arith.constant 0 : index
    %get3A_10 = arith.constant 0 : index
    %get3A_11 = arith.constant 0 : index
    %get3A_12 = vector.load %arg1[%get3A_9, %get3A_10, %get3A_11] : memref<2x10240x128xf32, #tpu.memory_space<vmem>>, vector<1x10240x128xf32>
    %get3A_13 = vector.shape_cast %get3A_12 : vector<1x10240x128xf32> to vector<10240x128xf32>
    %add3A_14 = arith.addf %add3A, %get3A_13 : vector<10240x128xf32>
    %get3A_15 = arith.constant 1 : index
    %get3A_16 = arith.constant 0 : index
    %get3A_17 = arith.constant 0 : index
    %get3A_18 = vector.load %arg1[%get3A_15, %get3A_16, %get3A_17] : memref<2x10240x128xf32, #tpu.memory_space<vmem>>, vector<1x10240x128xf32>
    %get3A_19 = vector.shape_cast %get3A_18 : vector<1x10240x128xf32> to vector<10240x128xf32>
    %add3A_20 = arith.addf %add3A_14, %get3A_19 : vector<10240x128xf32>
    %slice3A = vector.extract_strided_slice %add3A_20 {offsets = [0, 0], sizes = [10000, 16], strides = [1, 1]} : vector<10240x128xf32> to vector<10000x16xf32>
    %get3A_21 = arith.constant 0 : index
    %get3A_22 = arith.constant 0 : index
    %get3A_23 = arith.constant 0 : index
    %get3A_24 = vector.load %arg2[%get3A_21, %get3A_22, %get3A_23] : memref<2x10240x128xf32, #tpu.memory_space<vmem>>, vector<1x10240x128xf32>
    %get3A_25 = vector.shape_cast %get3A_24 : vector<1x10240x128xf32> to vector<10240x128xf32>
    %get3A_26 = arith.constant 1 : index
    %get3A_27 = arith.constant 0 : index
    %get3A_28 = arith.constant 0 : index
    %get3A_29 = vector.load %arg2[%get3A_26, %get3A_27, %get3A_28] : memref<2x10240x128xf32, #tpu.memory_space<vmem>>, vector<1x10240x128xf32>
    %get3A_30 = vector.shape_cast %get3A_29 : vector<1x10240x128xf32> to vector<10240x128xf32>
    %add3A_31 = arith.addf %get3A_25, %get3A_30 : vector<10240x128xf32>
    %slice3A_32 = vector.extract_strided_slice %add3A_31 {offsets = [0, 0], sizes = [10000, 16], strides = [1, 1]} : vector<10240x128xf32> to vector<10000x16xf32>
    %max3A = arith.constant 1.000000e+00 : f32
    %max3A_33 = vector.broadcast %max3A : f32 to vector<10000x16xf32>
    %max3A_34 = arith.maximumf %slice3A_32, %max3A_33 : vector<10000x16xf32>
    %div3A = arith.divf %slice3A, %max3A_34 : vector<10000x16xf32>
    %get3A_35 = arith.constant 0 : index
    %get3A_36 = arith.constant 0 : index
    %get3A_37 = vector.load %arg3[%get3A_35, %get3A_36] : memref<10000x16xf32, #tpu.memory_space<vmem>>, vector<10000x16xf32>
    %get3A_38 = arith.constant 0 : index
    %get3A_39 = arith.constant 0 : index
    %get3A_40 = vector.load %arg4[%get3A_38, %get3A_39] : memref<16x16xf32, #tpu.memory_space<vmem>>, vector<16x16xf32>
    %dot_general3A = arith.constant dense<0.000000e+00> : vector<10000x16xf32>
    %dot_general3A_41 = tpu.matmul %get3A_37, %get3A_40, %dot_general3A {dimension_numbers = #tpu.dot_dimension_numbers<[1], [0], [0], [1], [0, 0, 1, 1], [], []>, transpose_lhs_hint = false} : vector<10000x16xf32>, vector<16x16xf32>, vector<10000x16xf32> -> vector<10000x16xf32>
    %add3A_42 = arith.addf %div3A, %dot_general3A_41 : vector<10000x16xf32>
    %get3A_43 = arith.constant 0 : index
    %get3A_44 = arith.constant 0 : index
    %get3A_45 = vector.load %arg5[%get3A_43, %get3A_44] : memref<1x16xf32, #tpu.memory_space<vmem>>, vector<1x16xf32>
    %add3A_46 = vector.broadcast %get3A_45 : vector<1x16xf32> to vector<10000x16xf32>
    %add3A_47 = arith.addf %add3A_42, %add3A_46 : vector<10000x16xf32>
    %reduce_sum3A = arith.constant dense<0.000000e+00> : vector<16xf32>
    %reduce_sum3A_48 = vector.multi_reduction <add>, %add3A_47, %reduce_sum3A [0] : vector<10000x16xf32> to vector<16xf32>
    %broadcast_in_dim3A = vector.shape_cast %reduce_sum3A_48 : vector<16xf32> to vector<1x16xf32>
    %div3A_49 = arith.constant 1.000000e+04 : f32
    %div3A_50 = vector.broadcast %div3A_49 : f32 to vector<1x16xf32>
    %div3A_51 = arith.divf %broadcast_in_dim3A, %div3A_50 : vector<1x16xf32>
    %sub3A = vector.broadcast %div3A_51 : vector<1x16xf32> to vector<10000x16xf32>
    %sub3A_52 = arith.subf %add3A_47, %sub3A : vector<10000x16xf32>
    %integer_pow3A = arith.mulf %sub3A_52, %sub3A_52 : vector<10000x16xf32>
    %reduce_sum3A_53 = arith.constant dense<0.000000e+00> : vector<16xf32>
    %reduce_sum3A_54 = vector.multi_reduction <add>, %integer_pow3A, %reduce_sum3A_53 [0] : vector<10000x16xf32> to vector<16xf32>
    %broadcast_in_dim3A_55 = vector.shape_cast %reduce_sum3A_54 : vector<16xf32> to vector<1x16xf32>
    %div3A_56 = arith.constant 1.000000e+04 : f32
    %div3A_57 = vector.broadcast %div3A_56 : f32 to vector<1x16xf32>
    %div3A_58 = arith.divf %broadcast_in_dim3A_55, %div3A_57 : vector<1x16xf32>
    %sub3A_59 = vector.broadcast %div3A_51 : vector<1x16xf32> to vector<10000x16xf32>
    %sub3A_60 = arith.subf %add3A_47, %sub3A_59 : vector<10000x16xf32>
    %add3A_61 = arith.constant 9.99999974E-6 : f32
    %add3A_62 = vector.broadcast %add3A_61 : f32 to vector<1x16xf32>
    %add3A_63 = arith.addf %div3A_58, %add3A_62 : vector<1x16xf32>
    %sqrt3A = math.sqrt %add3A_63 : vector<1x16xf32>
    %div3A_64 = vector.broadcast %sqrt3A : vector<1x16xf32> to vector<10000x16xf32>
    %div3A_65 = arith.divf %sub3A_60, %div3A_64 : vector<10000x16xf32>
    %get3A_66 = arith.constant 0 : index
    %get3A_67 = arith.constant 0 : index
    %get3A_68 = vector.load %arg6[%get3A_66, %get3A_67] : memref<1x16xf32, #tpu.memory_space<vmem>>, vector<1x16xf32>
    %mul3A = vector.broadcast %get3A_68 : vector<1x16xf32> to vector<10000x16xf32>
    %mul3A_69 = arith.mulf %div3A_65, %mul3A : vector<10000x16xf32>
    %get3A_70 = arith.constant 0 : index
    %get3A_71 = arith.constant 0 : index
    %get3A_72 = vector.load %arg7[%get3A_70, %get3A_71] : memref<1x16xf32, #tpu.memory_space<vmem>>, vector<1x16xf32>
    %add3A_73 = vector.broadcast %get3A_72 : vector<1x16xf32> to vector<10000x16xf32>
    %add3A_74 = arith.addf %mul3A_69, %add3A_73 : vector<10000x16xf32>
    %max3A_75 = arith.constant 0.000000e+00 : f32
    %max3A_76 = vector.broadcast %max3A_75 : f32 to vector<10000x16xf32>
    %max3A_77 = arith.maximumf %add3A_74, %max3A_76 : vector<10000x16xf32>
    %add3A_78 = arith.addf %get3A_37, %max3A_77 : vector<10000x16xf32>
    %swap3A = arith.constant 0 : index
    %swap3A_79 = arith.constant 0 : index
    %swap3A_80 = vector.load %arg8[%swap3A, %swap3A_79] : memref<10000x16xf32, #tpu.memory_space<vmem>>, vector<10000x16xf32>
    tpu.vector_store %arg8[%swap3A, %swap3A_79], %add3A_78 {strides = array<i32>} : memref<10000x16xf32, #tpu.memory_space<vmem>>, vector<10000x16xf32>,
    return
  }
}

</mosaic_0001>

<sc_bundles>
// kernel: kernel.10.cloned.1.call-start
scs
__scs_entry_jumppad:
0x0: {  	(pc) =	sbr.rel $0x88, $3  }
0x1: {  	(tag) =	ssettag $0x0;
	lr =	simm.s32 $0x1  }
0x2: {  	[smem:$0x3F96] =	sst lr;
	_ =	strace $0xD0000000  }
0x3: {  	_ = 	snop  }
0x4: {  	_ = 	snop  }
0x5: {  	_ = 	snop  }
0x6: {  	_ = 	snop  }
0x7: {  	_ = 	snop  }
__scs_overlays_trampoline_lowered:
0x8: {  	[smem:$0x3FA5] =	sst s0  }
0x9: {  	[smem:$0x3FA6] =	sst s1  }
0xa: {  	[smem:$0x3FA7] =	sst s2  }
0xb: {  	[smem:$0x3FA8] =	sst s3  }
0xc: {  	[smem:$0x3FA9] =	sst s4  }
0xd: {  	[smem:$0x3FAA] =	sst s5  }
0xe: {  	[smem:$0x3FAB] =	sst s6  }
0xf: {  	[smem:$0x3FAC] =	sst s7  }
0x10: {  	[smem:$0x3FAD] =	sst s8  }
0x11: {  	[smem:$0x3FAE] =	sst s9;
	s0 =	simm.s32 @!p0 $0x0  }
0x12: {  	s1 =	sld [smem:$0x3F94];
	s0 =	simm.s32 @p0 $0x1  }
0x13: {  	[smem:$0x3FAF] =	sst s0;
	s0 =	simm.s32 @!p1 $0x0  }
0x14: {  	s2 =	sld [smem:$0x3F93];
	s0 =	simm.s32 @p1 $0x1  }
0x15: {  	[smem:$0x3FB0] =	sst s0;
	s0 =	simm.s32 @!p2 $0x0  }
0x16: {  	s3 =	sld [smem:$0x3FDB];
	s0 =	simm.s32 @p2 $0x1  }
0x17: {  	s4 =	simm.s32 $0x1BF5;
	[smem:$0x3FB2] =	sst s0  }
0x18: {  	s0 =	sld [smem:$0x3F95];
	_ =	swait.ge [sflag:s4], $0x0  }
0x19: {  	s7 =	sld [smem:$0x3F96]  }
0x1a: {  	s8 =	sadd.s32 $0xFFFFE003, lr  }
0x1b: {  	s9 =	sadd.s32 $0xFFFFFEF7, lr;
	s5 =	simm.s32 $0xFFFFFFFF;
	p2 =	slt.u32 s8, $0xFFFFF086  }
0x1c: {  	p1 =	slt.u32 s9, $0xF7A;
	s5 =	simm.s32 @!p2 $0x0  }
0x1d: {  	s5 =	simm.s32 @p1 $0x1;
	p0 =	seq.s32 s7, s2  }
0x1e: {  	s7 =	smul.u32 @!p0 $0xF7A, s2;
	p2 =	seq.s32 @!p0 s5, $0x0  }
0x1f: {  	s9 =	smul.u32 $0xF7A, s1;
	s8 =	simm.s32 @!p0 $0x1BF5;
	p2 =	por !p2, p0  }
0x20: {  	[sflag:s8] =	ssyncset.s32 @!p0 $0xFFFFF086;
	s6 =	sadd.s32 @!p0 s3, s7;
	s7 =	simm.s32 @!p0 $0x108  }
0x21: {  	s3 =	sadd.s32 s3, s9;
	s6 =	sadd.s32 @!p0 $0x88, s6;
	s7 =	simm.s32 @p2 $0x1082  }
0x22: {  	[simem:s7], [sflag:s8] =	dma.local @!p0 [hbm:s6], $0xF7A  }
0x23: {  	s9 =	sor.u32 $0xD0000000, s2;
	s6 =	simm.s32 $0x108;
	_ =	swait.ge @!p0 [sflag:s8], $0x0  }
0x24: {  	s3 =	sadd.s32 $0x88, s3;
	s6 =	simm.s32 @!p1 $0x1082;
	[sflag:s4] =	ssyncset.s32 $0xFFFFF086  }
0x25: {  	[simem:s6], [sflag:s4] =	dma.local [hbm:s3], $0xF7A  }
0x26: {  	[smem:$0x3F96] =	sst s1;
	(tag) =	ssettag s2;
	_ =	strace s9  }
0x27: {  	s1 =	sld [smem:$0x3FA6]  }
0x28: {  	s2 =	sld [smem:$0x3FA7]  }
0x29: {  	s4 =	sld [smem:$0x3FA9]  }
0x2a: {  	p0 =	seq.s32 s5, $0x0;
	s5 =	sld [smem:$0x3FAA]  }
0x2b: {  	s6 =	sld [smem:$0x3FAB]  }
0x2c: {  	s7 =	sld [smem:$0x3FAC]  }
0x2d: {  	s3 =	simm.s32 $0x108;
	s8 =	sld [smem:$0x3FAD]  }
0x2e: {  	s3 =	simm.s32 @!p0 $0x1082;
	s9 =	sld [smem:$0x3FAE]  }
0x2f: {  	lr =	sadd.s32 s0, s3;
	s0 =	sld [smem:$0x3FA5]  }
0x30: {  	s3 =	sld [smem:$0x3FA8]  }
0x31: {  	[smem:$0x3FB1] =	sst s10  }
0x32: {  	s10 =	sld [smem:$0x3FAF];
	_ =	sdelay $0x3  }
0x33: {  	p0 =	seq.s32 s10, $0x1;
	s10 =	sld [smem:$0x3FB1];
	_ =	sdelay $0x3  }
0x34: {  	[smem:$0x3FB1] =	sst s10  }
0x35: {  	s10 =	sld [smem:$0x3FB0];
	_ =	sdelay $0x3  }
0x36: {  	p1 =	seq.s32 s10, $0x1;
	s10 =	sld [smem:$0x3FB1];
	_ =	sdelay $0x3  }
0x37: {  	[smem:$0x3FB1] =	sst s10  }
0x38: {  	s10 =	sld [smem:$0x3FB2]  }
0x39: {  	_ = 	snop;
	(pc) =	sbr.ind lr, $3  }
0x3a: {  	_ = 	snop  }
0x3b: {  	_ = 	snop  }
0x3c: {  	p2 =	seq.s32 s10, $0x1;
	s10 =	sld [smem:$0x3FB1]  }
0x3d: {  	_ =	shalt  }
0x3e: {  	_ =	shalt  }
0x3f: {  	_ =	shalt  }
0x40: {  	_ =	shalt  }
0x41: {  	_ =	shalt  }
0x42: {  	_ =	shalt  }
0x43: {  	_ =	shalt  }
0x44: {  	_ =	shalt  }
0x45: {  	_ =	shalt  }
0x46: {  	_ =	shalt  }
0x47: {  	_ =	shalt  }
0x48: {  	_ =	shalt  }
0x49: {  	_ =	shalt  }
0x4a: {  	_ =	shalt  }
0x4b: {  	_ =	shalt  }
0x4c: {  	_ =	shalt  }
0x4d: {  	_ =	shalt  }
0x4e: {  	_ =	shalt  }
0x4f: {  	_ =	shalt  }
0x50: {  	_ =	shalt  }
0x51: {  	_ =	shalt  }
0x52: {  	_ =	shalt  }
0x53: {  	_ =	shalt  }
0x54: {  	_ =	shalt  }
0x55: {  	_ =	shalt  }
0x56: {  	_ =	shalt  }
0x57: {  	_ =	shalt  }
0x58: {  	_ =	shalt  }
0x59: {  	_ =	shalt  }
0x5a: {  	_ =	shalt  }
0x5b: {  	_ =	shalt  }
0x5c: {  	_ =	shalt  }
0x5d: {  	_ =	shalt  }
0x5e: {  	_ =	shalt  }
0x5f: {  	_ =	shalt  }
0x60: {  	_ =	shalt  }
0x61: {  	_ =	shalt  }
0x62: {  	_ =	shalt  }
0x63: {  	_ =	shalt  }
0x64: {  	_ =	shalt  }
0x65: {  	_ =	shalt  }
0x66: {  	_ =	shalt  }
0x67: {  	_ =	shalt  }
0x68: {  	_ =	shalt  }
0x69: {  	_ =	shalt  }
0x6a: {  	_ =	shalt  }
0x6b: {  	_ =	shalt  }
0x6c: {  	_ =	shalt  }
0x6d: {  	_ =	shalt  }
0x6e: {  	_ =	shalt  }
0x6f: {  	_ =	shalt  }
0x70: {  	_ =	shalt  }
0x71: {  	_ =	shalt  }
0x72: {  	_ =	shalt  }
0x73: {  	_ =	shalt  }
0x74: {  	_ =	shalt  }
0x75: {  	_ =	shalt  }
0x76: {  	_ =	shalt  }
0x77: {  	_ =	shalt  }
0x78: {  	_ =	shalt  }
0x79: {  	_ =	shalt  }
0x7a: {  	_ =	shalt  }
0x7b: {  	_ =	shalt  }
0x7c: {  	_ =	shalt  }
0x7d: {  	_ =	shalt  }
0x7e: {  	_ =	shalt  }
0x7f: {  	_ =	shalt  }
0x80: {  	_ =	shalt  }
0x81: {  	_ =	shalt  }
0x82: {  	_ =	shalt  }
0x83: {  	_ =	shalt  }
0x84: {  	_ =	shalt  }
0x85: {  	_ =	shalt  }
0x86: {  	_ =	shalt  }
0x87: {  	_ =	shalt  }
.Lfunc_end0:
.L_simem_size_0:
called_computation_lowered:
.L_overlay_start_0:
0x88: {  	s2 =	sld [smem:$0x3FD9]  }
0x89: {  	s3 =	sld [smem:$0x3FFE];
	_ =	sdelay $0x1  }
0x8a: {  	s1 =	srdreg.scid  }
0x8b: {  	s0 =	sand.u32 $0x1, s1  }
0x8c: {  	s17 =	sshll.u32 s0, $0xA;
	s2 =	sadd.s32 s3, s2  }
0x8d: {  	s2 =	sadd.s32 s2, s17  }
0x8e: {  	[smem:$0x3FBD] =	sst s2  }
0x8f: {  	_ = 	snop  }
0x90: {  	(tm) =	ssettm $0x1  }
0x91: {  	s18 =	sld [smem:$0x3FFB];
	_ =	sdelay $0x3  }
0x92: {  	_ =	strace s18  }
0x93: {  	s2 =	sld [smem:$0x3FFC];
	_ =	sdelay $0x3  }
0x94: {  	_ =	strace s2  }
0x95: {  	s2 =	sld [smem:$0x3FFD];
	_ =	sdelay $0x3  }
0x96: {  	_ =	strace s2  }
0x97: {  	_ =	strace $0x8FFFFFFF  }
0x98: {  	s19 =	sld [smem:$0x3FDB];
	_ =	sdelay $0x1  }
0x99: {  	s20 =	simm.s32 $_scs_section_size  }
0x9a: {  	s4 =	simm.s32 $_size__tile_overlayer_lowered;
	s5 =	simm.s32 $_tile_overlayer_lowered  }
0x9b: {  	s6 =	simm.s32 $0x1BFF;
	s21 =	sshll.u32 s5, $0x1;
	s3 =	sadd.s32 s20, s19  }
0x9c: {  	s22 =	simm.s32 $0x0;
	s4 =	sshll.u32 s4, $0x1;
	s5 =	sadd.s32 s21, s3  }
0x9d: {  	[timem:s22], [sflag:s6] =	dma.local [hbm:s5], s4  }
0x9e: {  	_ =	swait.ge [sflag:s6], s4  }
0x9f: {  	s4 =	ssub.s32 $0x0, s4;
	[sflag:s6] =	ssyncset.done $0x0  }
0xa0: {  	[sflag:s6] =	ssyncadd.s32 s4;
	_ =	sdelay $0x1  }
0xa1: {  	s23 =	simm.s32 $0x1B8B  }
0xa2: {  	_ =	swait.ge [sflag:s23], $0x1  }
0xa3: {  	[sflag:s23] =	ssyncset.done $0x0  }
0xa4: {  	[sflag:s23] =	ssyncadd.s32 $0xFFFFFFFF  }
0xa5: {  	s4 =	sld [smem:$0x0]  }
0xa6: {  	s5 =	sand.u32 $0xFFFFFFFE, s1  }
0xa7: {  	p0 =	sne.s32 s1, s5  }
0xa8: {  	s5 =	sshll.u32 @p0 s5, $0xE  }
0xa9: {  	s5 =	sadd.s32 @p0 $0x11B8D, s5;
	s6 =	sshll.u32 @p0 s4, $0x11  }
0xaa: {  	s5 =	sor.u32 @p0 s6, s5  }
0xab: {  	[sflag:s5] =	ssyncadd.remote.s32 @p0 $0x1;
	_ =	sdelay $0x1  }
0xac: {  	s5 =	simm.s32 @p0 $0x1B8D  }
0xad: {  	_ =	swait.eq @p0 [sflag:s5], $0x1  }
0xae: {  	[sflag:s5] =	ssyncadd.s32 @p0 $0xFFFFFFFF  }
0xaf: {  	s6 =	sshll.u32 @!p0 s1, $0xE  }
0xb0: {  	s6 =	sor.u32 @!p0 $0x4000, s6;
	s5 =	simm.s32 @!p0 $0x1B8D  }
0xb1: {  	s4 =	sshll.u32 @!p0 s4, $0x11;
	s6 =	sadd.s32 @!p0 $0x11B8D, s6;
	_ =	swait.eq @!p0 [sflag:s5], $0x1  }
0xb2: {  	s4 =	sor.u32 @!p0 s4, s6;
	[sflag:s5] =	ssyncadd.s32 @!p0 $0xFFFFFFFF  }
0xb3: {  	s25 =	simm.s32 $0x1B8E;
	s24 =	sld [smem:$0x3FFE];
	[sflag:s4] =	ssyncadd.remote.s32 @!p0 $0x1  }
0xb4: {  	s26 =	simm.s32 $execute0_lowered;
	[smem:$0x3FD2] =	sst s25  }
0xb5: {  	s5 =	sshll.u32 s26, $0x1;
	_ =	strace $0x8000004C;
	[dreg:$0x1] =	wrdreg $0xFFFFFFFF  }
0xb6: {  	s28 =	simm.s32 $_size_execute0_lowered;
	s3 =	sadd.s32 s3, s5;
	[dreg:$0x0] =	wrdreg $0x0  }
0xb7: {  	s5 =	sshll.u32 s28, $0x1;
	[dreg:$0x2] =	wrdreg s3  }
0xb8: {  	[dreg:$0x3] =	wrdreg s5  }
0xb9: {  	[dreg:$0x4] =	wrdreg $0xC0  }
0xba: {  	_ =	task [dreg:s22], $0x5FFFF  }
0xbb: {  	[dreg:$0x1] =	wrdreg $0xFFFFFFFF  }
0xbc: {  	[dreg:$0x0] =	wrdreg $0x60  }
0xbd: {  	[dreg:$0x2] =	wrdreg s24  }
0xbe: {  	[dreg:$0x3] =	wrdreg $0x58000  }
0xbf: {  	[dreg:$0x4] =	wrdreg $0x9  }
0xc0: {  	_ =	task.clear_ibuf [dreg:s22], $0x5FFFF;
	_ =	strace $0x9000004C  }
0xc1: {  	s29 =	simm.s32 $0x9;
	_ =	strace $0x8000004E  }
0xc2: {  	_ =	swait.ge [sflag:s29], $0x1  }
0xc3: {  	[sflag:s29] =	ssyncadd.s32 $0xFFFFFFFF  }
0xc4: {  	_ =	strace $0x9000004E  }
0xc5: {  	_ =	sfence  }
0xc6: {  	s30 =	sld [smem:$0x0];
	_ =	sdelay $0x2  }
0xc7: {  	s31 =	sshll.u32 s1, $0xD;
	s1 =	sshrl.u32 s1, $0x2  }
0xc8: {  	s4 =	sand.u32 $0x4000, s31;
	s1 =	sadd.s32 s1, s30  }
0xc9: {  	s0 =	sor.u32 s4, s0;
	s1 =	sshll.u32 s1, $0x11  }
0xca: {  	s0 =	sor.u32 s1, s0  }
0xcb: {  	s0 =	sadd.s32 $0x8F2B, s0  }
0xcc: {  	[sflag:s0] =	ssyncadd.remote.s32 $0x1  }
0xcd: {  	_ =	sfence.sel $0xFFFF  }
0xce: {  	[dreg:$0x0] =	wrdreg $0xFFFFFFFF;
	(pc) =	sbr.abs _section_cstart, $3  }
0xcf: {  	[dreg:$0x1] =	wrdreg $0xFFFFFFFF  }
0xd0: {  	_ =	task.clear_ibuf [dreg:s22], $0x2FFFF;
	_ =	strace $0x9FFFFFFF  }
0xd1: {  	(tm) =	ssettm $0x7FFFFFFF  }
tec
execute0_lowered:
.L_overlay_start_1:
0x0: {  	(tag) =	ssettag $0x1  }
0x1: {  	s1 =	srdreg.scid  }
0x2: {  	s0 =	stileid.u32;
	s5 =	rddreg [dreg:$0x0]  }
0x3: {  	s2 =	rddreg [dreg:$0x1];
	s3 =	simm.s32 $0x0;
	s10 =	simm.s32 $0x80  }
0x4: {  	s11 =	simm.s32 $0x2800;
	s12 =	simm.s32 $0x1;
	s15 =	simm.s32 $0x10  }
0x5: {  	s4 =	sand.u32 $0x1, s1;
	s30 =	sshll.u32 s0, $0x1;
	s8 =	smul.u32 $0x14000, s0  }
0x6: {  	[smem:$0x7FF] =	sst s3;
	s9 =	smul.u32 $0xA000, s0;
	s13 =	sshll.u32 s0, $0x6  }
0x7: {  	s1 =	sor.u32 s4, s30;
	s7 =	smul.u32 $0x140000, s4;
	s4 =	ssub.s32 $0x2, s4  }
0x8: {  	s13 =	sor.u32 $0x1C02, s13;
	s6 =	smul.u32 $0x500, s1;
	s1 =	rddreg [dreg:$0x2]  }
0x9: {  	_ =	strace $0x8000004D;
	s31 =	sshrl.u32 s4, $0x1;
	s9 =	sshrl.u32 s9, $0x2  }
0xa: {  	s7 =	sadd.s32 s8, s7;
	s8 =	ssub.s32 s4, s31;
	s4 =	sadd.s32 s9, s2  }
0xb: {  	s9 =	simm.s32 $0x2;
	s6 =	sadd.s32 s6, s5;
	s7 =	sshrl.u32 s7, $0x3  }
0xc: {  	s14 =	sshrl.u32 s4, $0x3;
	s7 =	sadd.s32 s7, s5;
	s5 =	sadd.s32 $0x53F600, s6  }
0xd: {  	v0 =	vimm.f32 $0.0e+00;
	v1 =	vimm.f32 $1.000000000e+00;
	s6 =	sadd.s32 $0x549600, s7;
	s7 =	smax.u32 s8, $0x1;
	s8 =	simm.s32 $0x3000  }
.LBB2_1:
0xe: {  	s16 =	simm.s32 $0x0  }
.LBB2_2:
0xf: {  	p0 =	sne.s32 s16, $0x9FC0  }
.Ltmp0:
0x10: {  	_ = 	snop;
	(pc) =	sbr.rel @p0 .LBB2_2-.Ltmp0, $3  }
0x11: {  	_ =	sdelay $0x1  }
0x12: {  	s17 =	sshra.s32 s16, $0x2  }
0x13: {  	s16 =	sadd.s32 $0x40, s16;
	[tilespmem:s17+$0x3000] =	vst v0  }
0x14: {  	s16 =	simm.s32 $0x40;
	s17 =	simm.s32 $0x0  }
.LBB2_4:
0x15: {  	p0 =	sne.s32 s16, $0x1FC0;
	[tilespmem:s17+$0x2800] =	vst v1;
	s17 =	smov.u32 s16;
	s16 =	sadd.s32 $0x40, s16  }
.Ltmp1:
0x16: {  	(pc) =	sbr.rel @p0 .LBB2_4-.Ltmp1, $2  }
0x17: {  	_ =	sdelay $0x2  }
0x18: {  	s17 =	sshra.s32 s17, $0x2  }
0x19: {  	[tilespmem:s17+$0x2800] =	vst v1  }
0x1a: {  	[spmem:s4] =	stream.linear.scatter [tilespmem:s8], [sflag:$0x2], $0x2800, $0x38;
	[tilespmem:$0x8000] =	vst v63  }
0x1b: {  	_ =	swait.ge [sflag:s9], $0x2800  }
0x1c: {  	[sflag:s9] =	ssyncset.done $0x0  }
0x1d: {  	s16 =	simm.s32 $0x0;
	[sflag:s9] =	ssyncadd.s32 $0xFFFFD800  }
0x1e: {  	[tilespmem:s16], [sflag:$0x2] =	stream.linear.gather [hbm4b:s5+s16], $0x2800, $0x38;
	[tilespmem:$0x8000] =	vst v63  }
0x1f: {  	_ =	swait.ge [sflag:s9], $0x2800  }
0x20: {  	[sflag:s9] =	ssyncset.done $0x0  }
0x21: {  	[sflag:s9] =	ssyncadd.s32 $0xFFFFD800  }
0x22: {  	s23 =	simm.s32 $0x0;
	[bflag:$0x0] =	sbarrier.arrive $0xFFFF  }
0x23: {  	[spmem:s2] =	stream.indirect.scatter.add.f32 [tilespmem:s11], [sflag:$0x1], $0x10, s23, s10, $0xb8;
	[tilespmem:$0x8000] =	vst v63  }
0x24: {  	s24 =	simm.s32 $0x80  }
0x25: {  	[spmem:s2] =	stream.indirect.scatter.add.f32 [tilespmem:s11], [sflag:$0x1], $0x10, s24, s10, $0xb8;
	[tilespmem:$0x8000] =	vst v63  }
0x26: {  	s25 =	simm.s32 $0x100  }
0x27: {  	[spmem:s2] =	stream.indirect.scatter.add.f32 [tilespmem:s11], [sflag:$0x1], $0x10, s25, s10, $0xb8;
	[tilespmem:$0x8000] =	vst v63  }
0x28: {  	s26 =	simm.s32 $0x180  }
0x29: {  	[spmem:s2] =	stream.indirect.scatter.add.f32 [tilespmem:s11], [sflag:$0x1], $0x10, s26, s10, $0xb8;
	[tilespmem:$0x8000] =	vst v63  }
0x2a: {  	s28 =	simm.s32 $0x200  }
0x2b: {  	[spmem:s2] =	stream.indirect.scatter.add.f32 [tilespmem:s11], [sflag:$0x1], $0x10, s28, s10, $0xb8;
	[tilespmem:$0x8000] =	vst v63  }
0x2c: {  	s29 =	simm.s32 $0x280  }
0x2d: {  	[spmem:s2] =	stream.indirect.scatter.add.f32 [tilespmem:s11], [sflag:$0x1], $0x10, s29, s10, $0xb8;
	[tilespmem:$0x8000] =	vst v63  }
0x2e: {  	s30 =	simm.s32 $0x300  }
0x2f: {  	[spmem:s2] =	stream.indirect.scatter.add.f32 [tilespmem:s11], [sflag:$0x1], $0x10, s30, s10, $0xb8;
	[tilespmem:$0x8000] =	vst v63  }
0x30: {  	s31 =	simm.s32 $0x380  }
0x31: {  	[spmem:s2] =	stream.indirect.scatter.add.f32 [tilespmem:s11], [sflag:$0x1], $0x10, s31, s10, $0xb8;
	[tilespmem:$0x8000] =	vst v63  }
0x32: {  	_ =	swait.ge [sflag:s12], $0x800  }
0x33: {  	[sflag:s12] =	ssyncset.done $0x0  }
0x34: {  	[sflag:s12] =	ssyncadd.s32 $0xFFFFF800  }
0x35: {  	_ =	swait.ge [sflag:s12], $0x800  }
0x36: {  	[sflag:s12] =	ssyncset.done $0x0  }
0x37: {  	[sflag:s12] =	ssyncadd.s32 $0xFFFFF800  }
0x38: {  	_ =	swait.ge [sflag:s12], $0x800  }
0x39: {  	[sflag:s12] =	ssyncset.done $0x0  }
0x3a: {  	[sflag:s12] =	ssyncadd.s32 $0xFFFFF800  }
0x3b: {  	_ =	swait.ge [sflag:s12], $0x800  }
0x3c: {  	[sflag:s12] =	ssyncset.done $0x0  }
0x3d: {  	[sflag:s12] =	ssyncadd.s32 $0xFFFFF800  }
0x3e: {  	_ =	swait.ge [sflag:s12], $0x800  }
0x3f: {  	[sflag:s12] =	ssyncset.done $0x0  }
0x40: {  	[sflag:s12] =	ssyncadd.s32 $0xFFFFF800  }
0x41: {  	_ =	swait.ge [sflag:s12], $0x800  }
0x42: {  	[sflag:s12] =	ssyncset.done $0x0  }
0x43: {  	[sflag:s12] =	ssyncadd.s32 $0xFFFFF800  }
0x44: {  	_ =	swait.ge [sflag:s12], $0x800  }
0x45: {  	[sflag:s12] =	ssyncset.done $0x0  }
0x46: {  	[sflag:s12] =	ssyncadd.s32 $0xFFFFF800  }
0x47: {  	_ =	swait.ge [sflag:s12], $0x800  }
0x48: {  	s18 =	simm.s32 $0x2000;
	s16 =	simm.s32 $0x1000;
	[sflag:s12] =	ssyncset.done $0x0  }
.LBB2_6:
0x49: {  	s19 =	sshra.s32 s16, $0x2  }
0x4a: {  	[sflag:s12] =	ssyncadd.s32 $0xFFFFF800;
	s16 =	smov.u32 s18;
	s17 =	sadd.s32 $0x1000, s18  }
0x4b: {  	[spmem:s2] =	stream.indirect.scatter.add.f32 [tilespmem:s11], [sflag:$0x1], $0x10, s19, s10, $0xb8;
	[tilespmem:$0x8000] =	vst v63  }
0x4c: {  	p0 =	sne.s32 s18, $0x9000;
	s18 =	sadd.s32 $0x80, s19  }
0x4d: {  	[spmem:s2] =	stream.indirect.scatter.add.f32 [tilespmem:s11], [sflag:$0x1], $0x10, s18, s10, $0xb8;
	[tilespmem:$0x8000] =	vst v63  }
0x4e: {  	s18 =	sadd.s32 $0x100, s19  }
0x4f: {  	[spmem:s2] =	stream.indirect.scatter.add.f32 [tilespmem:s11], [sflag:$0x1], $0x10, s18, s10, $0xb8;
	[tilespmem:$0x8000] =	vst v63  }
0x50: {  	s18 =	sadd.s32 $0x180, s19  }
0x51: {  	[spmem:s2] =	stream.indirect.scatter.add.f32 [tilespmem:s11], [sflag:$0x1], $0x10, s18, s10, $0xb8;
	[tilespmem:$0x8000] =	vst v63  }
0x52: {  	s18 =	sadd.s32 $0x200, s19  }
0x53: {  	[spmem:s2] =	stream.indirect.scatter.add.f32 [tilespmem:s11], [sflag:$0x1], $0x10, s18, s10, $0xb8;
	[tilespmem:$0x8000] =	vst v63  }
0x54: {  	s18 =	sadd.s32 $0x280, s19  }
0x55: {  	[spmem:s2] =	stream.indirect.scatter.add.f32 [tilespmem:s11], [sflag:$0x1], $0x10, s18, s10, $0xb8;
	[tilespmem:$0x8000] =	vst v63  }
0x56: {  	s18 =	sadd.s32 $0x300, s19  }
0x57: {  	[spmem:s2] =	stream.indirect.scatter.add.f32 [tilespmem:s11], [sflag:$0x1], $0x10, s18, s10, $0xb8;
	[tilespmem:$0x8000] =	vst v63  }
0x58: {  	s18 =	sadd.s32 $0x380, s19  }
0x59: {  	[spmem:s2] =	stream.indirect.scatter.add.f32 [tilespmem:s11], [sflag:$0x1], $0x10, s18, s10, $0xb8;
	[tilespmem:$0x8000] =	vst v63  }
0x5a: {  	_ =	swait.ge [sflag:s12], $0x800  }
0x5b: {  	[sflag:s12] =	ssyncset.done $0x0  }
0x5c: {  	[sflag:s12] =	ssyncadd.s32 $0xFFFFF800  }
0x5d: {  	_ =	swait.ge [sflag:s12], $0x800  }
0x5e: {  	[sflag:s12] =	ssyncset.done $0x0  }
0x5f: {  	[sflag:s12] =	ssyncadd.s32 $0xFFFFF800  }
0x60: {  	_ =	swait.ge [sflag:s12], $0x800  }
0x61: {  	[sflag:s12] =	ssyncset.done $0x0  }
0x62: {  	[sflag:s12] =	ssyncadd.s32 $0xFFFFF800  }
0x63: {  	_ =	swait.ge [sflag:s12], $0x800  }
0x64: {  	[sflag:s12] =	ssyncset.done $0x0  }
0x65: {  	[sflag:s12] =	ssyncadd.s32 $0xFFFFF800  }
0x66: {  	_ =	swait.ge [sflag:s12], $0x800  }
0x67: {  	[sflag:s12] =	ssyncset.done $0x0  }
0x68: {  	[sflag:s12] =	ssyncadd.s32 $0xFFFFF800  }
0x69: {  	_ =	swait.ge [sflag:s12], $0x800  }
0x6a: {  	[sflag:s12] =	ssyncset.done $0x0  }
0x6b: {  	[sflag:s12] =	ssyncadd.s32 $0xFFFFF800  }
.Ltmp2:
0x6c: {  	_ =	swait.ge [sflag:s12], $0x800;
	(pc) =	sbr.rel @p0 .LBB2_6-.Ltmp2, $4  }
0x6d: {  	[sflag:s12] =	ssyncset.done $0x0  }
0x6e: {  	[sflag:s12] =	ssyncadd.s32 $0xFFFFF800  }
0x6f: {  	_ =	swait.ge [sflag:s12], $0x800  }
0x70: {  	s18 =	smov.u32 s17;
	[sflag:s12] =	ssyncset.done $0x0  }
0x71: {  	s16 =	sshra.s32 s16, $0x2;
	[sflag:s12] =	ssyncadd.s32 $0xFFFFF800  }
0x72: {  	[spmem:s2] =	stream.indirect.scatter.add.f32 [tilespmem:s11], [sflag:$0x1], $0x10, s16, s10, $0xb8;
	[tilespmem:$0x8000] =	vst v63  }
0x73: {  	s17 =	sadd.s32 $0x80, s16  }
0x74: {  	[spmem:s2] =	stream.indirect.scatter.add.f32 [tilespmem:s11], [sflag:$0x1], $0x10, s17, s10, $0xb8;
	[tilespmem:$0x8000] =	vst v63  }
0x75: {  	s26 =	sadd.s32 $0x100, s16  }
0x76: {  	[spmem:s2] =	stream.indirect.scatter.add.f32 [tilespmem:s11], [sflag:$0x1], $0x10, s26, s10, $0xb8;
	[tilespmem:$0x8000] =	vst v63  }
0x77: {  	s28 =	sadd.s32 $0x180, s16  }
0x78: {  	[spmem:s2] =	stream.indirect.scatter.add.f32 [tilespmem:s11], [sflag:$0x1], $0x10, s28, s10, $0xb8;
	[tilespmem:$0x8000] =	vst v63  }
0x79: {  	s29 =	sadd.s32 $0x200, s16  }
0x7a: {  	[spmem:s2] =	stream.indirect.scatter.add.f32 [tilespmem:s11], [sflag:$0x1], $0x10, s29, s10, $0xb8;
	[tilespmem:$0x8000] =	vst v63  }
0x7b: {  	s30 =	sadd.s32 $0x280, s16  }
0x7c: {  	[spmem:s2] =	stream.indirect.scatter.add.f32 [tilespmem:s11], [sflag:$0x1], $0x10, s30, s10, $0xb8;
	[tilespmem:$0x8000] =	vst v63  }
0x7d: {  	s31 =	sadd.s32 $0x300, s16  }
0x7e: {  	[spmem:s2] =	stream.indirect.scatter.add.f32 [tilespmem:s11], [sflag:$0x1], $0x10, s31, s10, $0xb8;
	[tilespmem:$0x8000] =	vst v63  }
0x7f: {  	s16 =	sadd.s32 $0x380, s16  }
0x80: {  	[spmem:s2] =	stream.indirect.scatter.add.f32 [tilespmem:s11], [sflag:$0x1], $0x10, s16, s10, $0xb8;
	[tilespmem:$0x8000] =	vst v63  }
0x81: {  	_ =	swait.ge [sflag:s12], $0x800  }
0x82: {  	[sflag:s12] =	ssyncset.done $0x0  }
0x83: {  	[sflag:s12] =	ssyncadd.s32 $0xFFFFF800  }
0x84: {  	_ =	swait.ge [sflag:s12], $0x800  }
0x85: {  	[sflag:s12] =	ssyncset.done $0x0  }
0x86: {  	[sflag:s12] =	ssyncadd.s32 $0xFFFFF800  }
0x87: {  	_ =	swait.ge [sflag:s12], $0x800  }
0x88: {  	[sflag:s12] =	ssyncset.done $0x0  }
0x89: {  	[sflag:s12] =	ssyncadd.s32 $0xFFFFF800  }
0x8a: {  	_ =	swait.ge [sflag:s12], $0x800  }
0x8b: {  	[sflag:s12] =	ssyncset.done $0x0  }
0x8c: {  	[sflag:s12] =	ssyncadd.s32 $0xFFFFF800  }
0x8d: {  	_ =	swait.ge [sflag:s12], $0x800  }
0x8e: {  	[sflag:s12] =	ssyncset.done $0x0  }
0x8f: {  	[sflag:s12] =	ssyncadd.s32 $0xFFFFF800  }
0x90: {  	_ =	swait.ge [sflag:s12], $0x800  }
0x91: {  	[sflag:s12] =	ssyncset.done $0x0  }
0x92: {  	[sflag:s12] =	ssyncadd.s32 $0xFFFFF800  }
0x93: {  	_ =	swait.ge [sflag:s12], $0x800  }
0x94: {  	[sflag:s12] =	ssyncset.done $0x0  }
0x95: {  	[sflag:s12] =	ssyncadd.s32 $0xFFFFF800  }
0x96: {  	_ =	swait.ge [sflag:s12], $0x800  }
0x97: {  	s3 =	sadd.s32 $0x1, s3;
	[sflag:s12] =	ssyncset.done $0x0  }
0x98: {  	p0 =	sne.s32 s3, s7;
	[sflag:s12] =	ssyncadd.s32 $0xFFFFF800  }
.Ltmp3:
0x99: {  	[bflag:$0x0] =	sbarrier.arrive $0xFFFF;
	(pc) =	sbr.rel @p0 .LBB2_1-.Ltmp3, $4  }
0x9a: {  	[hbm:s6@s15], [sflag:s13] =	dma.strided [spmem:s14@s9], $0x500, s12, $0x2   }
0x9b: {  	_ =	swait.ge [sflag:s9], $0x500  }
0x9c: {  	[sflag:s9] =	ssyncset.done $0x0  }
0x9d: {  	[sflag:s9] =	ssyncadd.s32 $0xFFFFFB00  }
0x9e: {  	_ =	sfence.sel $0x180000  }
0x9f: {  	[bflag:$0x0] =	sbarrier.arrive $0xFFFF  }
0xa0: {  	p0 =	sne.s32 s0, $0x0;
	_ =	strace $0x9000004D  }
0xa1: {  	s0 =	sadd.s32 @!p0 $0x100000, s1;
	[bflag:$0x2] =	sbarrier.arrive $0xFFFF  }
0xa2: {  	[sflag:s0] =	ssyncadd.tile.s32 @!p0 $0x1;
	_ =	shalt  }
.Lfunc_end2:
_tile_overlayer_lowered:
.L_overlay_start_2:
0xa3: {  	(tag) =	ssettag $0x2  }
0xa4: {  	s0 =	rddreg [dreg:$0x0];
	s2 =	stileid.u32  }
0xa5: {  	s1 =	rddreg [dreg:$0x1];
	p0 =	sne.s32 s2, $0x0  }
0xa6: {  	s3 =	rddreg [dreg:$0x2];
	[bflag:$0x3] =	sbarrier.arrive $0xFFFF;
	s2 =	simm.s32 @!p0 $0x1C02  }
0xa7: {  	[timem:s3], [sflag:s2] =	dma.local @!p0 [hbm:s0], s1  }
0xa8: {  	s0 =	simm.s32 @!p0 $0x2  }
0xa9: {  	_ =	swait.ge @!p0 [sflag:s0], s1  }
0xaa: {  	s1 =	ssub.s32 @!p0 $0x0, s1;
	[sflag:s0] =	ssyncset.done @!p0 $0x0  }
0xab: {  	[sflag:s0] =	ssyncadd.s32 @!p0 s1  }
0xac: {  	[bflag:$0x3] =	sbarrier.arrive $0xFFFF  }
0xad: {  	_ =	shalt  }

// kernel: kernel.13.cloned.1.call-start
scs
__scs_entry_jumppad:
0x0: {  	(pc) =	sbr.rel $0x88, $3  }
0x1: {  	(tag) =	ssettag $0x0;
	lr =	simm.s32 $0x1  }
0x2: {  	[smem:$0x3F96] =	sst lr;
	_ =	strace $0xD0000000  }
0x3: {  	_ = 	snop  }
0x4: {  	_ = 	snop  }
0x5: {  	_ = 	snop  }
0x6: {  	_ = 	snop  }
0x7: {  	_ = 	snop  }
__scs_overlays_trampoline_lowered:
0x8: {  	[smem:$0x3FA5] =	sst s0  }
0x9: {  	[smem:$0x3FA6] =	sst s1  }
0xa: {  	[smem:$0x3FA7] =	sst s2  }
0xb: {  	[smem:$0x3FA8] =	sst s3  }
0xc: {  	[smem:$0x3FA9] =	sst s4  }
0xd: {  	[smem:$0x3FAA] =	sst s5  }
0xe: {  	[smem:$0x3FAB] =	sst s6  }
0xf: {  	[smem:$0x3FAC] =	sst s7  }
0x10: {  	[smem:$0x3FAD] =	sst s8  }
0x11: {  	[smem:$0x3FAE] =	sst s9;
	s0 =	simm.s32 @!p0 $0x0  }
0x12: {  	s1 =	sld [smem:$0x3F94];
	s0 =	simm.s32 @p0 $0x1  }
0x13: {  	[smem:$0x3FAF] =	sst s0;
	s0 =	simm.s32 @!p1 $0x0  }
0x14: {  	s2 =	sld [smem:$0x3F93];
	s0 =	simm.s32 @p1 $0x1  }
0x15: {  	[smem:$0x3FB0] =	sst s0;
	s0 =	simm.s32 @!p2 $0x0  }
0x16: {  	s3 =	sld [smem:$0x3FDB];
	s0 =	simm.s32 @p2 $0x1  }
0x17: {  	s4 =	simm.s32 $0x1BF5;
	[smem:$0x3FB2] =	sst s0  }
0x18: {  	s0 =	sld [smem:$0x3F95];
	_ =	swait.ge [sflag:s4], $0x0  }
0x19: {  	s7 =	sld [smem:$0x3F96]  }
0x1a: {  	s8 =	sadd.s32 $0xFFFFE003, lr  }
0x1b: {  	s9 =	sadd.s32 $0xFFFFFEF7, lr;
	s5 =	simm.s32 $0xFFFFFFFF;
	p2 =	slt.u32 s8, $0xFFFFF086  }
0x1c: {  	p1 =	slt.u32 s9, $0xF7A;
	s5 =	simm.s32 @!p2 $0x0  }
0x1d: {  	s5 =	simm.s32 @p1 $0x1;
	p0 =	seq.s32 s7, s2  }
0x1e: {  	s7 =	smul.u32 @!p0 $0xF7A, s2;
	p2 =	seq.s32 @!p0 s5, $0x0  }
0x1f: {  	s9 =	smul.u32 $0xF7A, s1;
	s8 =	simm.s32 @!p0 $0x1BF5;
	p2 =	por !p2, p0  }
0x20: {  	[sflag:s8] =	ssyncset.s32 @!p0 $0xFFFFF086;
	s6 =	sadd.s32 @!p0 s3, s7;
	s7 =	simm.s32 @!p0 $0x108  }
0x21: {  	s3 =	sadd.s32 s3, s9;
	s6 =	sadd.s32 @!p0 $0x88, s6;
	s7 =	simm.s32 @p2 $0x1082  }
0x22: {  	[simem:s7], [sflag:s8] =	dma.local @!p0 [hbm:s6], $0xF7A  }
0x23: {  	s9 =	sor.u32 $0xD0000000, s2;
	s6 =	simm.s32 $0x108;
	_ =	swait.ge @!p0 [sflag:s8], $0x0  }
0x24: {  	s3 =	sadd.s32 $0x88, s3;
	s6 =	simm.s32 @!p1 $0x1082;
	[sflag:s4] =	ssyncset.s32 $0xFFFFF086  }
0x25: {  	[simem:s6], [sflag:s4] =	dma.local [hbm:s3], $0xF7A  }
0x26: {  	[smem:$0x3F96] =	sst s1;
	(tag) =	ssettag s2;
	_ =	strace s9  }
0x27: {  	s1 =	sld [smem:$0x3FA6]  }
0x28: {  	s2 =	sld [smem:$0x3FA7]  }
0x29: {  	s4 =	sld [smem:$0x3FA9]  }
0x2a: {  	p0 =	seq.s32 s5, $0x0;
	s5 =	sld [smem:$0x3FAA]  }
0x2b: {  	s6 =	sld [smem:$0x3FAB]  }
0x2c: {  	s7 =	sld [smem:$0x3FAC]  }
0x2d: {  	s3 =	simm.s32 $0x108;
	s8 =	sld [smem:$0x3FAD]  }
0x2e: {  	s3 =	simm.s32 @!p0 $0x1082;
	s9 =	sld [smem:$0x3FAE]  }
0x2f: {  	lr =	sadd.s32 s0, s3;
	s0 =	sld [smem:$0x3FA5]  }
0x30: {  	s3 =	sld [smem:$0x3FA8]  }
0x31: {  	[smem:$0x3FB1] =	sst s10  }
0x32: {  	s10 =	sld [smem:$0x3FAF];
	_ =	sdelay $0x3  }
0x33: {  	p0 =	seq.s32 s10, $0x1;
	s10 =	sld [smem:$0x3FB1];
	_ =	sdelay $0x3  }
0x34: {  	[smem:$0x3FB1] =	sst s10  }
0x35: {  	s10 =	sld [smem:$0x3FB0];
	_ =	sdelay $0x3  }
0x36: {  	p1 =	seq.s32 s10, $0x1;
	s10 =	sld [smem:$0x3FB1];
	_ =	sdelay $0x3  }
0x37: {  	[smem:$0x3FB1] =	sst s10  }
0x38: {  	s10 =	sld [smem:$0x3FB2]  }
0x39: {  	_ = 	snop;
	(pc) =	sbr.ind lr, $3  }
0x3a: {  	_ = 	snop  }
0x3b: {  	_ = 	snop  }
0x3c: {  	p2 =	seq.s32 s10, $0x1;
	s10 =	sld [smem:$0x3FB1]  }
0x3d: {  	_ =	shalt  }
0x3e: {  	_ =	shalt  }
0x3f: {  	_ =	shalt  }
0x40: {  	_ =	shalt  }
0x41: {  	_ =	shalt  }
0x42: {  	_ =	shalt  }
0x43: {  	_ =	shalt  }
0x44: {  	_ =	shalt  }
0x45: {  	_ =	shalt  }
0x46: {  	_ =	shalt  }
0x47: {  	_ =	shalt  }
0x48: {  	_ =	shalt  }
0x49: {  	_ =	shalt  }
0x4a: {  	_ =	shalt  }
0x4b: {  	_ =	shalt  }
0x4c: {  	_ =	shalt  }
0x4d: {  	_ =	shalt  }
0x4e: {  	_ =	shalt  }
0x4f: {  	_ =	shalt  }
0x50: {  	_ =	shalt  }
0x51: {  	_ =	shalt  }
0x52: {  	_ =	shalt  }
0x53: {  	_ =	shalt  }
0x54: {  	_ =	shalt  }
0x55: {  	_ =	shalt  }
0x56: {  	_ =	shalt  }
0x57: {  	_ =	shalt  }
0x58: {  	_ =	shalt  }
0x59: {  	_ =	shalt  }
0x5a: {  	_ =	shalt  }
0x5b: {  	_ =	shalt  }
0x5c: {  	_ =	shalt  }
0x5d: {  	_ =	shalt  }
0x5e: {  	_ =	shalt  }
0x5f: {  	_ =	shalt  }
0x60: {  	_ =	shalt  }
0x61: {  	_ =	shalt  }
0x62: {  	_ =	shalt  }
0x63: {  	_ =	shalt  }
0x64: {  	_ =	shalt  }
0x65: {  	_ =	shalt  }
0x66: {  	_ =	shalt  }
0x67: {  	_ =	shalt  }
0x68: {  	_ =	shalt  }
0x69: {  	_ =	shalt  }
0x6a: {  	_ =	shalt  }
0x6b: {  	_ =	shalt  }
0x6c: {  	_ =	shalt  }
0x6d: {  	_ =	shalt  }
0x6e: {  	_ =	shalt  }
0x6f: {  	_ =	shalt  }
0x70: {  	_ =	shalt  }
0x71: {  	_ =	shalt  }
0x72: {  	_ =	shalt  }
0x73: {  	_ =	shalt  }
0x74: {  	_ =	shalt  }
0x75: {  	_ =	shalt  }
0x76: {  	_ =	shalt  }
0x77: {  	_ =	shalt  }
0x78: {  	_ =	shalt  }
0x79: {  	_ =	shalt  }
0x7a: {  	_ =	shalt  }
0x7b: {  	_ =	shalt  }
0x7c: {  	_ =	shalt  }
0x7d: {  	_ =	shalt  }
0x7e: {  	_ =	shalt  }
0x7f: {  	_ =	shalt  }
0x80: {  	_ =	shalt  }
0x81: {  	_ =	shalt  }
0x82: {  	_ =	shalt  }
0x83: {  	_ =	shalt  }
0x84: {  	_ =	shalt  }
0x85: {  	_ =	shalt  }
0x86: {  	_ =	shalt  }
0x87: {  	_ =	shalt  }
.Lfunc_end0:
.L_simem_size_0:
called_computation.1_lowered:
.L_overlay_start_0:
0x88: {  	s2 =	sld [smem:$0x3FD9]  }
0x89: {  	s3 =	sld [smem:$0x3FFE];
	_ =	sdelay $0x1  }
0x8a: {  	s1 =	srdreg.scid  }
0x8b: {  	s0 =	sand.u32 $0x1, s1  }
0x8c: {  	s17 =	sshll.u32 s0, $0xA;
	s2 =	sadd.s32 s3, s2  }
0x8d: {  	s2 =	sadd.s32 s2, s17  }
0x8e: {  	[smem:$0x3FBD] =	sst s2  }
0x8f: {  	_ = 	snop  }
0x90: {  	s2 =	sld [smem:$0x3FD0];
	(tm) =	ssettm $0x1  }
0x91: {  	s18 =	sld [smem:$0x3FFB];
	_ =	sdelay $0x3  }
0x92: {  	_ =	strace s18  }
0x93: {  	s3 =	sld [smem:$0x3FFC];
	_ =	sdelay $0x3  }
0x94: {  	_ =	strace s3  }
0x95: {  	s3 =	sld [smem:$0x3FFD];
	_ =	sdelay $0x3  }
0x96: {  	_ =	strace s3  }
0x97: {  	_ =	strace $0x8FFFFFFF  }
0x98: {  	s19 =	sld [smem:$0x3FDB];
	_ =	sdelay $0x1  }
0x99: {  	s4 =	simm.s32 $_scs_section_size  }
0x9a: {  	s5 =	simm.s32 $_size__tile_overlayer_lowered;
	s6 =	simm.s32 $_tile_overlayer_lowered  }
0x9b: {  	s22 =	simm.s32 $0x1BFF;
	s21 =	sshll.u32 s6, $0x1;
	s3 =	sadd.s32 s4, s19  }
0x9c: {  	s7 =	simm.s32 $0x0;
	s20 =	sshll.u32 s5, $0x1;
	s5 =	sadd.s32 s21, s3  }
0x9d: {  	[timem:s7], [sflag:s22] =	dma.local [hbm:s5], s20  }
0x9e: {  	_ =	swait.ge [sflag:s22], s20  }
0x9f: {  	s4 =	ssub.s32 $0x0, s20;
	[sflag:s22] =	ssyncset.done $0x0  }
0xa0: {  	[sflag:s22] =	ssyncadd.s32 s4;
	_ =	sdelay $0x1  }
0xa1: {  	s23 =	simm.s32 $0x1B8B  }
0xa2: {  	_ =	swait.ge [sflag:s23], $0x1  }
0xa3: {  	[sflag:s23] =	ssyncset.done $0x0  }
0xa4: {  	s25 =	simm.s32 $0x1B8E;
	s24 =	sld [smem:$0x3FFE];
	[sflag:s23] =	ssyncadd.s32 $0xFFFFFFFF  }
0xa5: {  	s26 =	simm.s32 $execute0_lowered;
	[smem:$0x3FD2] =	sst s25  }
0xa6: {  	s5 =	sshll.u32 s26, $0x1;
	_ =	strace $0x80000046;
	[dreg:$0x1] =	wrdreg $0xFFFFFFFF  }
0xa7: {  	s28 =	simm.s32 $_size_execute0_lowered;
	s3 =	sadd.s32 s3, s5;
	[dreg:$0x0] =	wrdreg $0x0  }
0xa8: {  	s5 =	sshll.u32 s28, $0x1;
	[dreg:$0x2] =	wrdreg s3  }
0xa9: {  	[dreg:$0x3] =	wrdreg s5  }
0xaa: {  	[dreg:$0x4] =	wrdreg $0xC0  }
0xab: {  	_ =	task [dreg:s7], $0x5FFFF  }
0xac: {  	[dreg:$0x1] =	wrdreg $0xFFFFFFFF  }
0xad: {  	[dreg:$0x0] =	wrdreg $0x60  }
0xae: {  	[dreg:$0x2] =	wrdreg s2  }
0xaf: {  	[dreg:$0x3] =	wrdreg s24  }
0xb0: {  	[dreg:$0x4] =	wrdreg $0xB  }
0xb1: {  	_ =	task.clear_ibuf [dreg:s7], $0x5FFFF;
	_ =	strace $0x90000046  }
0xb2: {  	s29 =	simm.s32 $0xB;
	_ =	strace $0x80000048  }
0xb3: {  	_ =	swait.ge [sflag:s29], $0x1  }
0xb4: {  	[sflag:s29] =	ssyncadd.s32 $0xFFFFFFFF  }
0xb5: {  	_ =	strace $0x90000048  }
0xb6: {  	_ =	sfence  }
0xb7: {  	s30 =	sld [smem:$0x0];
	_ =	sdelay $0x2  }
0xb8: {  	s31 =	sshll.u32 s1, $0xD;
	s1 =	sshrl.u32 s1, $0x2  }
0xb9: {  	s3 =	sand.u32 $0x4000, s31;
	s1 =	sadd.s32 s1, s30  }
0xba: {  	s0 =	sor.u32 s3, s0;
	s1 =	sshll.u32 s1, $0x11  }
0xbb: {  	s0 =	sor.u32 s1, s0  }
0xbc: {  	s0 =	sadd.s32 $0x8F2B, s0  }
0xbd: {  	[sflag:s0] =	ssyncadd.remote.s32 $0x1  }
0xbe: {  	_ =	sfence.sel $0xFFFF  }
0xbf: {  	[dreg:$0x0] =	wrdreg $0xFFFFFFFF;
	(pc) =	sbr.abs _section_cstart, $3  }
0xc0: {  	[dreg:$0x1] =	wrdreg $0xFFFFFFFF  }
0xc1: {  	_ =	task.clear_ibuf [dreg:s7], $0x2FFFF;
	_ =	strace $0x9FFFFFFF  }
0xc2: {  	(tm) =	ssettm $0x7FFFFFFF  }
0xc3: {  	_ =	shalt  }
tec
execute0_lowered:
.L_overlay_start_1:
0x0: {  	(tag) =	ssettag $0x1  }
0x1: {  	s2 =	rddreg [dreg:$0x0]  }
0x2: {  	s0 =	rddreg [dreg:$0x1]  }
0x3: {  	s1 =	srdreg.scid;
	s3 =	stileid.u32  }
0x4: {  	s11 =	simm.s32 $0x4;
	s12 =	simm.s32 $0x80;
	s13 =	simm.s32 $0x1800  }
0x5: {  	s14 =	simm.s32 $0x2000;
	s16 =	simm.s32 $0x2800;
	s18 =	simm.s32 $0x3000  }
0x6: {  	s19 =	simm.s32 $0x1;
	s20 =	simm.s32 $0x10;
	s21 =	simm.s32 $0x200  }
0x7: {  	s22 =	simm.s32 $0x3800;
	s23 =	simm.s32 $0x280;
	s24 =	simm.s32 $0x4000  }
0x8: {  	s28 =	simm.s32 $0x380;
	s29 =	simm.s32 $0x2;
	s30 =	simm.s32 $0x3  }
0x9: {  	s31 =	simm.s32 $0x0;
	s1 =	sand.u32 $0x1, s1;
	s4 =	smul.u32 $0x30, s3  }
0xa: {  	s5 =	sshll.u32 s3, $0x5;
	s3 =	simm.s32 $0x0;
	p0 =	seq.s32 s1, $0x0  }
0xb: {  	s5 =	sadd.s32 $0x300, s5;
	[smem:$0x7FF] =	sst s3;
	s1 =	ssub.s32 $0x2, s1  }
0xc: {  	s5 =	smov.u32 @p0 s4;
	_ =	strace $0x80000047;
	s26 =	sshrl.u32 s1, $0x1  }
0xd: {  	s4 =	sshll.u32 s5, $0x4;
	s25 =	sshll.u32 s5, $0xB;
	s1 =	ssub.s32 s1, s26  }
0xe: {  	s5 =	simm.s32 $0x5000;
	s26 =	simm.s32 $0x4800;
	s6 =	sadd.s32 s4, s0  }
0xf: {  	s0 =	sadd.s32 s25, s0;
	s4 =	simm.s32 $0x5000;
	s7 =	smax.u32 s1, $0x1  }
0x10: {  	s25 =	simm.s32 $0x300;
	s4 =	simm.s32 @!p0 $0x3000;
	s6 =	sadd.s32 $0x35200, s6  }
0x11: {  	s8 =	sadd.s32 $0x3F600, s0;
	s9 =	sadd.s32 $0x41600, s0;
	s10 =	sadd.s32 $0x43600, s0  }
.LBB2_1:
0x12: {  	[tilespmem:s3], [sflag:$0x4] =	stream.linear.gather [hbm4b:s6+s3], $0x1800, $0x38;
	[tilespmem:$0x5800] =	vst v63  }
0x13: {  	_ =	swait.ge [sflag:s11], $0x1800  }
0x14: {  	[sflag:s11] =	ssyncset.done $0x0  }
0x15: {  	[sflag:s11] =	ssyncadd.s32 $0xFFFFE800  }
0x16: {  	[tilespmem:s13], [sflag:$0x1] =	stream.indirect.gather [hbm4b:s2+s12], $0x10, s3, s12, $0xb8;
	[tilespmem:$0x5800] =	vst v63  }
0x17: {  	_ = 	snop  }
0x18: {  	[tilespmem:s14], [sflag:$0x1] =	stream.indirect.gather [hbm4b:s2+s12], $0x10, s12, s12, $0xb8;
	[tilespmem:$0x5800] =	vst v63  }
0x19: {  	s0 =	simm.s32 $0x100  }
0x1a: {  	[tilespmem:s16], [sflag:$0x1] =	stream.indirect.gather [hbm4b:s2+s12], $0x10, s0, s12, $0xb8;
	[tilespmem:$0x5800] =	vst v63  }
0x1b: {  	s1 =	simm.s32 $0x180  }
0x1c: {  	[tilespmem:s18], [sflag:$0x1] =	stream.indirect.gather [hbm4b:s2+s12], $0x10, s1, s12, $0xb8;
	[tilespmem:$0x5800] =	vst v63  }
0x1d: {  	_ =	swait.ge [sflag:s19], $0x800  }
0x1e: {  	[sflag:s19] =	ssyncset.done $0x0  }
0x1f: {  	[sflag:s19] =	ssyncadd.s32 $0xFFFFF800  }
0x20: {  	_ =	swait.ge [sflag:s19], $0x800  }
0x21: {  	[sflag:s19] =	ssyncset.done $0x0  }
0x22: {  	[sflag:s19] =	ssyncadd.s32 $0xFFFFF800  }
0x23: {  	_ =	swait.ge [sflag:s19], $0x800  }
0x24: {  	[sflag:s19] =	ssyncset.done $0x0  }
0x25: {  	[sflag:s19] =	ssyncadd.s32 $0xFFFFF800  }
0x26: {  	_ =	swait.ge [sflag:s19], $0x800  }
0x27: {  	[sflag:s19] =	ssyncset.done $0x0  }
0x28: {  	[sflag:s19] =	ssyncadd.s32 $0xFFFFF800  }
0x29: {  	[hbm4b:s8+s20] =	stream.strided.scatter [tilespmem:s13], [sflag:$0x2], $0x2000, s12, s20, $0x38;
	[tilespmem:$0x5800] =	vst v63  }
0x2a: {  	_ = 	snop  }
0x2b: {  	[tilespmem:s22], [sflag:$0x1] =	stream.indirect.gather [hbm4b:s2+s12], $0x10, s21, s12, $0xb8;
	[tilespmem:$0x5800] =	vst v63  }
0x2c: {  	_ = 	snop  }
0x2d: {  	[tilespmem:s24], [sflag:$0x1] =	stream.indirect.gather [hbm4b:s2+s12], $0x10, s23, s12, $0xb8;
	[tilespmem:$0x5800] =	vst v63  }
0x2e: {  	_ = 	snop  }
0x2f: {  	[tilespmem:s26], [sflag:$0x1] =	stream.indirect.gather [hbm4b:s2+s12], $0x10, s25, s12, $0xb8;
	[tilespmem:$0x5800] =	vst v63  }
0x30: {  	_ = 	snop  }
0x31: {  	[tilespmem:s5], [sflag:$0x1] =	stream.indirect.gather [hbm4b:s2+s12], $0x10, s28, s12, $0xb8;
	[tilespmem:$0x5800] =	vst v63  }
0x32: {  	_ =	swait.ge [sflag:s19], $0x800  }
0x33: {  	[sflag:s19] =	ssyncset.done $0x0  }
0x34: {  	[sflag:s19] =	ssyncadd.s32 $0xFFFFF800  }
0x35: {  	_ =	swait.ge [sflag:s19], $0x800  }
0x36: {  	[sflag:s19] =	ssyncset.done $0x0  }
0x37: {  	[sflag:s19] =	ssyncadd.s32 $0xFFFFF800  }
0x38: {  	_ =	swait.ge [sflag:s19], $0x800  }
0x39: {  	[sflag:s19] =	ssyncset.done $0x0  }
0x3a: {  	[sflag:s19] =	ssyncadd.s32 $0xFFFFF800  }
0x3b: {  	_ =	swait.ge [sflag:s19], $0x800  }
0x3c: {  	[sflag:s19] =	ssyncset.done $0x0  }
0x3d: {  	[sflag:s19] =	ssyncadd.s32 $0xFFFFF800  }
0x3e: {  	[hbm4b:s9+s20] =	stream.strided.scatter [tilespmem:s22], [sflag:$0x3], $0x2000, s12, s20, $0x38;
	[tilespmem:$0x5800] =	vst v63  }
0x3f: {  	_ =	swait.ge [sflag:s29], $0x2000  }
0x40: {  	[sflag:s29] =	ssyncset.done $0x0  }
0x41: {  	s15 =	simm.s32 $0x400;
	[sflag:s29] =	ssyncadd.s32 $0xFFFFE000  }
0x42: {  	[tilespmem:s13], [sflag:$0x1] =	stream.indirect.gather [hbm4b:s2+s12], $0x10, s15, s12, $0xb8;
	[tilespmem:$0x5800] =	vst v63  }
0x43: {  	s17 =	simm.s32 $0x480  }
0x44: {  	[tilespmem:s14], [sflag:$0x1] =	stream.indirect.gather [hbm4b:s2+s12], $0x10, s17, s12, $0xb8;
	[tilespmem:$0x5800] =	vst v63  }
0x45: {  	s1 =	simm.s32 $0x500  }
0x46: {  	[tilespmem:s16], [sflag:$0x1] =	stream.indirect.gather [hbm4b:s2+s12], $0x10, s1, s12, $0xb8;
	[tilespmem:$0x5800] =	vst v63  }
0x47: {  	s15 =	simm.s32 $0x580  }
0x48: {  	[tilespmem:s18], [sflag:$0x1] =	stream.indirect.gather [hbm4b:s2+s12], $0x10, s15, s12, $0xb8;
	[tilespmem:$0x5800] =	vst v63  }
0x49: {  	_ =	swait.ge [sflag:s19], $0x800  }
0x4a: {  	[sflag:s19] =	ssyncset.done $0x0  }
0x4b: {  	[sflag:s19] =	ssyncadd.s32 $0xFFFFF800  }
0x4c: {  	_ =	swait.ge [sflag:s19], $0x800  }
0x4d: {  	[sflag:s19] =	ssyncset.done $0x0  }
0x4e: {  	[sflag:s19] =	ssyncadd.s32 $0xFFFFF800  }
0x4f: {  	_ =	swait.ge [sflag:s19], $0x800  }
0x50: {  	[sflag:s19] =	ssyncset.done $0x0  }
0x51: {  	[sflag:s19] =	ssyncadd.s32 $0xFFFFF800  }
0x52: {  	_ =	swait.ge [sflag:s19], $0x800  }
0x53: {  	[sflag:s19] =	ssyncset.done $0x0  }
0x54: {  	[sflag:s19] =	ssyncadd.s32 $0xFFFFF800  }
0x55: {  	[hbm4b:s10+s20] =	stream.strided.scatter [tilespmem:s13], [sflag:$0x2], $0x2000, s12, s20, $0x38;
	[tilespmem:$0x5800] =	vst v63  }
0x56: {  	_ =	swait.ge [sflag:s30], $0x2000  }
0x57: {  	[sflag:s30] =	ssyncset.done $0x0  }
0x58: {  	s17 =	simm.s32 $0x600;
	[sflag:s30] =	ssyncadd.s32 $0xFFFFE000  }
0x59: {  	[tilespmem:s22], [sflag:$0x1] =	stream.indirect.gather [hbm4b:s2+s12], $0x10, s17, s12, $0xb8;
	[tilespmem:$0x5800] =	vst v63  }
0x5a: {  	s1 =	simm.s32 $0x680  }
0x5b: {  	[tilespmem:s24], [sflag:$0x1] =	stream.indirect.gather [hbm4b:s2+s12], $0x10, s1, s12, $0xb8;
	[tilespmem:$0x5800] =	vst v63  }
0x5c: {  	s15 =	simm.s32 $0x700  }
0x5d: {  	[tilespmem:s26], [sflag:$0x1] =	stream.indirect.gather [hbm4b:s2+s12], $0x10, s15, s12, $0xb8;
	[tilespmem:$0x5800] =	vst v63  }
0x5e: {  	s17 =	simm.s32 $0x780  }
0x5f: {  	[tilespmem:s5], [sflag:$0x1] =	stream.indirect.gather [hbm4b:s2+s12], $0x10, s17, s12, $0xb8;
	[tilespmem:$0x5800] =	vst v63  }
0x60: {  	_ =	swait.ge [sflag:s19], $0x800  }
0x61: {  	[sflag:s19] =	ssyncset.done $0x0  }
0x62: {  	[sflag:s19] =	ssyncadd.s32 $0xFFFFF800  }
0x63: {  	_ =	swait.ge [sflag:s19], $0x800  }
0x64: {  	[sflag:s19] =	ssyncset.done $0x0  }
0x65: {  	[sflag:s19] =	ssyncadd.s32 $0xFFFFF800  }
0x66: {  	p0 =	sne.s32 s4, $0x1000;
	_ =	swait.ge [sflag:s19], $0x800  }
.Ltmp0:
0x67: {  	[sflag:s19] =	ssyncset.done $0x0;
	(pc) =	sbr.rel @!p0 .LBB2_3-.Ltmp0, $4  }
0x68: {  	[sflag:s19] =	ssyncadd.s32 $0xFFFFF800  }
0x69: {  	_ =	swait.ge [sflag:s19], $0x800  }
0x6a: {  	s0 =	simm.s32 $0x1000;
	[sflag:s19] =	ssyncset.done $0x0  }
0x6b: {  	s1 =	sadd.s32 $0x4000, s10;
	s15 =	sadd.s32 $0x2000, s10;
	[sflag:s19] =	ssyncadd.s32 $0xFFFFF800  }
.LBB2_2:
0x6c: {  	[hbm4b:s15+s20] =	stream.strided.scatter [tilespmem:s22], [sflag:$0x3], $0x2000, s12, s20, $0x38;
	[tilespmem:$0x5800] =	vst v63  }
0x6d: {  	s15 =	smov.u32 s0;
	s0 =	sadd.s32 $0x1000, s0;
	_ =	swait.ge [sflag:s29], $0x2000  }
0x6e: {  	s15 =	sshra.s32 s15, $0x2;
	p0 =	sne.s32 s4, s0;
	[sflag:s29] =	ssyncset.done $0x0  }
0x6f: {  	s17 =	sadd.s32 $0x400, s15;
	[sflag:s29] =	ssyncadd.s32 $0xFFFFE000  }
0x70: {  	[tilespmem:s13], [sflag:$0x1] =	stream.indirect.gather [hbm4b:s2+s12], $0x10, s17, s12, $0xb8;
	[tilespmem:$0x5800] =	vst v63  }
0x71: {  	s17 =	sadd.s32 $0x480, s15  }
0x72: {  	[tilespmem:s14], [sflag:$0x1] =	stream.indirect.gather [hbm4b:s2+s12], $0x10, s17, s12, $0xb8;
	[tilespmem:$0x5800] =	vst v63  }
0x73: {  	s17 =	sadd.s32 $0x500, s15  }
0x74: {  	[tilespmem:s16], [sflag:$0x1] =	stream.indirect.gather [hbm4b:s2+s12], $0x10, s17, s12, $0xb8;
	[tilespmem:$0x5800] =	vst v63  }
0x75: {  	s17 =	sadd.s32 $0x580, s15  }
0x76: {  	[tilespmem:s18], [sflag:$0x1] =	stream.indirect.gather [hbm4b:s2+s12], $0x10, s17, s12, $0xb8;
	[tilespmem:$0x5800] =	vst v63  }
0x77: {  	_ =	swait.ge [sflag:s19], $0x800  }
0x78: {  	[sflag:s19] =	ssyncset.done $0x0  }
0x79: {  	[sflag:s19] =	ssyncadd.s32 $0xFFFFF800  }
0x7a: {  	_ =	swait.ge [sflag:s19], $0x800  }
0x7b: {  	[sflag:s19] =	ssyncset.done $0x0  }
0x7c: {  	[sflag:s19] =	ssyncadd.s32 $0xFFFFF800  }
0x7d: {  	_ =	swait.ge [sflag:s19], $0x800  }
0x7e: {  	[sflag:s19] =	ssyncset.done $0x0  }
0x7f: {  	[sflag:s19] =	ssyncadd.s32 $0xFFFFF800  }
0x80: {  	_ =	swait.ge [sflag:s19], $0x800  }
0x81: {  	[sflag:s19] =	ssyncset.done $0x0  }
0x82: {  	[sflag:s19] =	ssyncadd.s32 $0xFFFFF800  }
0x83: {  	[hbm4b:s1+s20] =	stream.strided.scatter [tilespmem:s13], [sflag:$0x2], $0x2000, s12, s20, $0x38;
	[tilespmem:$0x5800] =	vst v63  }
0x84: {  	_ =	swait.ge [sflag:s30], $0x2000  }
0x85: {  	[sflag:s30] =	ssyncset.done $0x0  }
0x86: {  	s17 =	sadd.s32 $0x600, s15;
	[sflag:s30] =	ssyncadd.s32 $0xFFFFE000  }
0x87: {  	[tilespmem:s22], [sflag:$0x1] =	stream.indirect.gather [hbm4b:s2+s12], $0x10, s17, s12, $0xb8;
	[tilespmem:$0x5800] =	vst v63  }
0x88: {  	s17 =	sadd.s32 $0x680, s15  }
0x89: {  	[tilespmem:s24], [sflag:$0x1] =	stream.indirect.gather [hbm4b:s2+s12], $0x10, s17, s12, $0xb8;
	[tilespmem:$0x5800] =	vst v63  }
0x8a: {  	s17 =	sadd.s32 $0x700, s15  }
0x8b: {  	[tilespmem:s26], [sflag:$0x1] =	stream.indirect.gather [hbm4b:s2+s12], $0x10, s17, s12, $0xb8;
	[tilespmem:$0x5800] =	vst v63  }
0x8c: {  	s15 =	sadd.s32 $0x780, s15  }
0x8d: {  	[tilespmem:s5], [sflag:$0x1] =	stream.indirect.gather [hbm4b:s2+s12], $0x10, s15, s12, $0xb8;
	[tilespmem:$0x5800] =	vst v63  }
0x8e: {  	_ =	swait.ge [sflag:s19], $0x800  }
0x8f: {  	[sflag:s19] =	ssyncset.done $0x0  }
0x90: {  	[sflag:s19] =	ssyncadd.s32 $0xFFFFF800  }
0x91: {  	_ =	swait.ge [sflag:s19], $0x800  }
0x92: {  	[sflag:s19] =	ssyncset.done $0x0  }
0x93: {  	[sflag:s19] =	ssyncadd.s32 $0xFFFFF800  }
0x94: {  	_ =	swait.ge [sflag:s19], $0x800  }
.Ltmp1:
0x95: {  	[sflag:s19] =	ssyncset.done $0x0;
	(pc) =	sbr.rel @p0 .LBB2_2-.Ltmp1, $4  }
0x96: {  	[sflag:s19] =	ssyncadd.s32 $0xFFFFF800  }
0x97: {  	_ =	swait.ge [sflag:s19], $0x800  }
0x98: {  	[sflag:s19] =	ssyncset.done $0x0  }
0x99: {  	s15 =	sadd.s32 $0x2000, s1;
	s1 =	sadd.s32 $0x4000, s1;
	[sflag:s19] =	ssyncadd.s32 $0xFFFFF800  }
.LBB2_3:
0x9a: {  	[hbm4b:s15+s20] =	stream.strided.scatter [tilespmem:s22], [sflag:$0x3], $0x2000, s12, s20, $0x38;
	[tilespmem:$0x5800] =	vst v63  }
0x9b: {  	s31 =	sadd.s32 $0x1, s31  }
0x9c: {  	_ =	swait.ge [sflag:s29], $0x2000;
	p0 =	sne.s32 s31, s7  }
.Ltmp2:
0x9d: {  	[sflag:s29] =	ssyncset.done $0x0;
	(pc) =	sbr.rel @p0 .LBB2_1-.Ltmp2, $4  }
0x9e: {  	[sflag:s29] =	ssyncadd.s32 $0xFFFFE000  }
0x9f: {  	_ =	swait.ge [sflag:s30], $0x2000  }
0xa0: {  	[sflag:s30] =	ssyncset.done $0x0  }
0xa1: {  	[sflag:s30] =	ssyncadd.s32 $0xFFFFE000  }
0xa2: {  	_ =	sfence.sel $0x180000  }
0xa3: {  	[bflag:$0x0] =	sbarrier.arrive $0xFFFF  }
0xa4: {  	_ =	strace $0x90000047  }
0xa5: {  	s0 =	stileid.u32;
	[bflag:$0x2] =	sbarrier.arrive $0xFFFF  }
0xa6: {  	p0 =	sne.s32 s0, $0x0;
	s0 =	rddreg [dreg:$0x2]  }
0xa7: {  	s0 =	sadd.s32 @!p0 $0x100000, s0  }
0xa8: {  	[sflag:s0] =	ssyncadd.tile.s32 @!p0 $0x1;
	_ =	shalt  }
.Lfunc_end2:
_tile_overlayer_lowered:
.L_overlay_start_2:
0xa9: {  	(tag) =	ssettag $0x2  }
0xaa: {  	s0 =	rddreg [dreg:$0x0];
	s2 =	stileid.u32  }
0xab: {  	s1 =	rddreg [dreg:$0x1];
	p0 =	sne.s32 s2, $0x0  }
0xac: {  	s3 =	rddreg [dreg:$0x2];
	[bflag:$0x3] =	sbarrier.arrive $0xFFFF;
	s2 =	simm.s32 @!p0 $0x1C04  }
0xad: {  	[timem:s3], [sflag:s2] =	dma.local @!p0 [hbm:s0], s1  }
0xae: {  	s0 =	simm.s32 @!p0 $0x4  }
0xaf: {  	_ =	swait.ge @!p0 [sflag:s0], s1  }
0xb0: {  	s1 =	ssub.s32 @!p0 $0x0, s1;
	[sflag:s0] =	ssyncset.done @!p0 $0x0  }
0xb1: {  	[sflag:s0] =	ssyncadd.s32 @!p0 s1  }
0xb2: {  	[bflag:$0x3] =	sbarrier.arrive $0xFFFF  }
0xb3: {  	_ =	shalt  }

// kernel: kernel.16.cloned.1.call-start
scs
__scs_entry_jumppad:
0x0: {  	(pc) =	sbr.rel $0x88, $3  }
0x1: {  	(tag) =	ssettag $0x0;
	lr =	simm.s32 $0x1  }
0x2: {  	[smem:$0x3F96] =	sst lr;
	_ =	strace $0xD0000000  }
0x3: {  	_ = 	snop  }
0x4: {  	_ = 	snop  }
0x5: {  	_ = 	snop  }
0x6: {  	_ = 	snop  }
0x7: {  	_ = 	snop  }
__scs_overlays_trampoline_lowered:
0x8: {  	[smem:$0x3FA5] =	sst s0  }
0x9: {  	[smem:$0x3FA6] =	sst s1  }
0xa: {  	[smem:$0x3FA7] =	sst s2  }
0xb: {  	[smem:$0x3FA8] =	sst s3  }
0xc: {  	[smem:$0x3FA9] =	sst s4  }
0xd: {  	[smem:$0x3FAA] =	sst s5  }
0xe: {  	[smem:$0x3FAB] =	sst s6  }
0xf: {  	[smem:$0x3FAC] =	sst s7  }
0x10: {  	[smem:$0x3FAD] =	sst s8  }
0x11: {  	[smem:$0x3FAE] =	sst s9;
	s0 =	simm.s32 @!p0 $0x0  }
0x12: {  	s1 =	sld [smem:$0x3F94];
	s0 =	simm.s32 @p0 $0x1  }
0x13: {  	[smem:$0x3FAF] =	sst s0;
	s0 =	simm.s32 @!p1 $0x0  }
0x14: {  	s2 =	sld [smem:$0x3F93];
	s0 =	simm.s32 @p1 $0x1  }
0x15: {  	[smem:$0x3FB0] =	sst s0;
	s0 =	simm.s32 @!p2 $0x0  }
0x16: {  	s3 =	sld [smem:$0x3FDB];
	s0 =	simm.s32 @p2 $0x1  }
0x17: {  	s4 =	simm.s32 $0x1BF5;
	[smem:$0x3FB2] =	sst s0  }
0x18: {  	s0 =	sld [smem:$0x3F95];
	_ =	swait.ge [sflag:s4], $0x0  }
0x19: {  	s7 =	sld [smem:$0x3F96]  }
0x1a: {  	s8 =	sadd.s32 $0xFFFFE003, lr  }
0x1b: {  	s9 =	sadd.s32 $0xFFFFFEF7, lr;
	s5 =	simm.s32 $0xFFFFFFFF;
	p2 =	slt.u32 s8, $0xFFFFF086  }
0x1c: {  	p1 =	slt.u32 s9, $0xF7A;
	s5 =	simm.s32 @!p2 $0x0  }
0x1d: {  	s5 =	simm.s32 @p1 $0x1;
	p0 =	seq.s32 s7, s2  }
0x1e: {  	s7 =	smul.u32 @!p0 $0xF7A, s2;
	p2 =	seq.s32 @!p0 s5, $0x0  }
0x1f: {  	s9 =	smul.u32 $0xF7A, s1;
	s8 =	simm.s32 @!p0 $0x1BF5;
	p2 =	por !p2, p0  }
0x20: {  	[sflag:s8] =	ssyncset.s32 @!p0 $0xFFFFF086;
	s6 =	sadd.s32 @!p0 s3, s7;
	s7 =	simm.s32 @!p0 $0x108  }
0x21: {  	s3 =	sadd.s32 s3, s9;
	s6 =	sadd.s32 @!p0 $0x88, s6;
	s7 =	simm.s32 @p2 $0x1082  }
0x22: {  	[simem:s7], [sflag:s8] =	dma.local @!p0 [hbm:s6], $0xF7A  }
0x23: {  	s9 =	sor.u32 $0xD0000000, s2;
	s6 =	simm.s32 $0x108;
	_ =	swait.ge @!p0 [sflag:s8], $0x0  }
0x24: {  	s3 =	sadd.s32 $0x88, s3;
	s6 =	simm.s32 @!p1 $0x1082;
	[sflag:s4] =	ssyncset.s32 $0xFFFFF086  }
0x25: {  	[simem:s6], [sflag:s4] =	dma.local [hbm:s3], $0xF7A  }
0x26: {  	[smem:$0x3F96] =	sst s1;
	(tag) =	ssettag s2;
	_ =	strace s9  }
0x27: {  	s1 =	sld [smem:$0x3FA6]  }
0x28: {  	s2 =	sld [smem:$0x3FA7]  }
0x29: {  	s4 =	sld [smem:$0x3FA9]  }
0x2a: {  	p0 =	seq.s32 s5, $0x0;
	s5 =	sld [smem:$0x3FAA]  }
0x2b: {  	s6 =	sld [smem:$0x3FAB]  }
0x2c: {  	s7 =	sld [smem:$0x3FAC]  }
0x2d: {  	s3 =	simm.s32 $0x108;
	s8 =	sld [smem:$0x3FAD]  }
0x2e: {  	s3 =	simm.s32 @!p0 $0x1082;
	s9 =	sld [smem:$0x3FAE]  }
0x2f: {  	lr =	sadd.s32 s0, s3;
	s0 =	sld [smem:$0x3FA5]  }
0x30: {  	s3 =	sld [smem:$0x3FA8]  }
0x31: {  	[smem:$0x3FB1] =	sst s10  }
0x32: {  	s10 =	sld [smem:$0x3FAF];
	_ =	sdelay $0x3  }
0x33: {  	p0 =	seq.s32 s10, $0x1;
	s10 =	sld [smem:$0x3FB1];
	_ =	sdelay $0x3  }
0x34: {  	[smem:$0x3FB1] =	sst s10  }
0x35: {  	s10 =	sld [smem:$0x3FB0];
	_ =	sdelay $0x3  }
0x36: {  	p1 =	seq.s32 s10, $0x1;
	s10 =	sld [smem:$0x3FB1];
	_ =	sdelay $0x3  }
0x37: {  	[smem:$0x3FB1] =	sst s10  }
0x38: {  	s10 =	sld [smem:$0x3FB2]  }
0x39: {  	_ = 	snop;
	(pc) =	sbr.ind lr, $3  }
0x3a: {  	_ = 	snop  }
0x3b: {  	_ = 	snop  }
0x3c: {  	p2 =	seq.s32 s10, $0x1;
	s10 =	sld [smem:$0x3FB1]  }
0x3d: {  	_ =	shalt  }
0x3e: {  	_ =	shalt  }
0x3f: {  	_ =	shalt  }
0x40: {  	_ =	shalt  }
0x41: {  	_ =	shalt  }
0x42: {  	_ =	shalt  }
0x43: {  	_ =	shalt  }
0x44: {  	_ =	shalt  }
0x45: {  	_ =	shalt  }
0x46: {  	_ =	shalt  }
0x47: {  	_ =	shalt  }
0x48: {  	_ =	shalt  }
0x49: {  	_ =	shalt  }
0x4a: {  	_ =	shalt  }
0x4b: {  	_ =	shalt  }
0x4c: {  	_ =	shalt  }
0x4d: {  	_ =	shalt  }
0x4e: {  	_ =	shalt  }
0x4f: {  	_ =	shalt  }
0x50: {  	_ =	shalt  }
0x51: {  	_ =	shalt  }
0x52: {  	_ =	shalt  }
0x53: {  	_ =	shalt  }
0x54: {  	_ =	shalt  }
0x55: {  	_ =	shalt  }
0x56: {  	_ =	shalt  }
0x57: {  	_ =	shalt  }
0x58: {  	_ =	shalt  }
0x59: {  	_ =	shalt  }
0x5a: {  	_ =	shalt  }
0x5b: {  	_ =	shalt  }
0x5c: {  	_ =	shalt  }
0x5d: {  	_ =	shalt  }
0x5e: {  	_ =	shalt  }
0x5f: {  	_ =	shalt  }
0x60: {  	_ =	shalt  }
0x61: {  	_ =	shalt  }
0x62: {  	_ =	shalt  }
0x63: {  	_ =	shalt  }
0x64: {  	_ =	shalt  }
0x65: {  	_ =	shalt  }
0x66: {  	_ =	shalt  }
0x67: {  	_ =	shalt  }
0x68: {  	_ =	shalt  }
0x69: {  	_ =	shalt  }
0x6a: {  	_ =	shalt  }
0x6b: {  	_ =	shalt  }
0x6c: {  	_ =	shalt  }
0x6d: {  	_ =	shalt  }
0x6e: {  	_ =	shalt  }
0x6f: {  	_ =	shalt  }
0x70: {  	_ =	shalt  }
0x71: {  	_ =	shalt  }
0x72: {  	_ =	shalt  }
0x73: {  	_ =	shalt  }
0x74: {  	_ =	shalt  }
0x75: {  	_ =	shalt  }
0x76: {  	_ =	shalt  }
0x77: {  	_ =	shalt  }
0x78: {  	_ =	shalt  }
0x79: {  	_ =	shalt  }
0x7a: {  	_ =	shalt  }
0x7b: {  	_ =	shalt  }
0x7c: {  	_ =	shalt  }
0x7d: {  	_ =	shalt  }
0x7e: {  	_ =	shalt  }
0x7f: {  	_ =	shalt  }
0x80: {  	_ =	shalt  }
0x81: {  	_ =	shalt  }
0x82: {  	_ =	shalt  }
0x83: {  	_ =	shalt  }
0x84: {  	_ =	shalt  }
0x85: {  	_ =	shalt  }
0x86: {  	_ =	shalt  }
0x87: {  	_ =	shalt  }
.Lfunc_end0:
.L_simem_size_0:
called_computation.2_lowered:
.L_overlay_start_0:
0x88: {  	s2 =	sld [smem:$0x3FD9]  }
0x89: {  	s3 =	sld [smem:$0x3FFE];
	_ =	sdelay $0x1  }
0x8a: {  	s1 =	srdreg.scid  }
0x8b: {  	s0 =	sand.u32 $0x1, s1  }
0x8c: {  	s17 =	sshll.u32 s0, $0xA;
	s2 =	sadd.s32 s3, s2  }
0x8d: {  	s2 =	sadd.s32 s2, s17  }
0x8e: {  	[smem:$0x3FBD] =	sst s2  }
0x8f: {  	_ = 	snop  }
0x90: {  	s18 =	sld [smem:$0x3FD0];
	(tm) =	ssettm $0x1  }
0x91: {  	s19 =	sld [smem:$0x3FFB];
	_ =	sdelay $0x3  }
0x92: {  	_ =	strace s19  }
0x93: {  	s2 =	sld [smem:$0x3FFC];
	_ =	sdelay $0x3  }
0x94: {  	_ =	strace s2  }
0x95: {  	s2 =	sld [smem:$0x3FFD];
	_ =	sdelay $0x3  }
0x96: {  	_ =	strace s2  }
0x97: {  	_ =	strace $0x8FFFFFFF  }
0x98: {  	s20 =	sld [smem:$0x3FDB];
	_ =	sdelay $0x1  }
0x99: {  	s4 =	simm.s32 $_scs_section_size  }
0x9a: {  	s5 =	simm.s32 $_size__tile_overlayer_lowered;
	s6 =	simm.s32 $_tile_overlayer_lowered  }
0x9b: {  	s7 =	simm.s32 $0x1BFF;
	s21 =	sshll.u32 s6, $0x1;
	s4 =	sadd.s32 s4, s20  }
0x9c: {  	s22 =	simm.s32 $0x0;
	s5 =	sshll.u32 s5, $0x1;
	s6 =	sadd.s32 s21, s4  }
0x9d: {  	[timem:s22], [sflag:s7] =	dma.local [hbm:s6], s5  }
0x9e: {  	_ =	swait.ge [sflag:s7], s5  }
0x9f: {  	s5 =	ssub.s32 $0x0, s5;
	[sflag:s7] =	ssyncset.done $0x0  }
0xa0: {  	[sflag:s7] =	ssyncadd.s32 s5;
	_ =	sdelay $0x1  }
0xa1: {  	s23 =	simm.s32 $0x1B8B  }
0xa2: {  	_ =	swait.ge [sflag:s23], $0x1  }
0xa3: {  	[sflag:s23] =	ssyncset.done $0x0  }
0xa4: {  	[sflag:s23] =	ssyncadd.s32 $0xFFFFFFFF  }
0xa5: {  	s5 =	sld [smem:$0x0]  }
0xa6: {  	s6 =	sand.u32 $0xFFFFFFFE, s1  }
0xa7: {  	p0 =	sne.s32 s1, s6  }
0xa8: {  	s6 =	sshll.u32 @p0 s6, $0xE  }
0xa9: {  	s6 =	sadd.s32 @p0 $0x11B8D, s6;
	s7 =	sshll.u32 @p0 s5, $0x11  }
0xaa: {  	s6 =	sor.u32 @p0 s7, s6  }
0xab: {  	[sflag:s6] =	ssyncadd.remote.s32 @p0 $0x1;
	_ =	sdelay $0x1  }
0xac: {  	s6 =	simm.s32 @p0 $0x1B8D  }
0xad: {  	_ =	swait.eq @p0 [sflag:s6], $0x1  }
0xae: {  	[sflag:s6] =	ssyncadd.s32 @p0 $0xFFFFFFFF  }
0xaf: {  	s7 =	sshll.u32 @!p0 s1, $0xE  }
0xb0: {  	s7 =	sor.u32 @!p0 $0x4000, s7;
	s6 =	simm.s32 @!p0 $0x1B8D  }
0xb1: {  	s5 =	sshll.u32 @!p0 s5, $0x11;
	s7 =	sadd.s32 @!p0 $0x11B8D, s7;
	_ =	swait.eq @!p0 [sflag:s6], $0x1  }
0xb2: {  	s5 =	sor.u32 @!p0 s5, s7;
	[sflag:s6] =	ssyncadd.s32 @!p0 $0xFFFFFFFF  }
0xb3: {  	s25 =	simm.s32 $0x1B8E;
	s24 =	sld [smem:$0x3FFE];
	[sflag:s5] =	ssyncadd.remote.s32 @!p0 $0x1  }
0xb4: {  	s26 =	simm.s32 $execute0_lowered;
	[smem:$0x3FD2] =	sst s25  }
0xb5: {  	s6 =	sshll.u32 s26, $0x1;
	_ =	strace $0x80000049;
	[dreg:$0x1] =	wrdreg $0xFFFFFFFF  }
0xb6: {  	s28 =	simm.s32 $_size_execute0_lowered;
	s4 =	sadd.s32 s4, s6;
	[dreg:$0x0] =	wrdreg $0x0  }
0xb7: {  	s6 =	sshll.u32 s28, $0x1;
	[dreg:$0x2] =	wrdreg s4  }
0xb8: {  	[dreg:$0x3] =	wrdreg s6  }
0xb9: {  	[dreg:$0x4] =	wrdreg $0xC0  }
0xba: {  	_ =	task [dreg:s22], $0x5FFFF  }
0xbb: {  	[dreg:$0x1] =	wrdreg $0xFFFFFFFF  }
0xbc: {  	[dreg:$0x0] =	wrdreg $0x60  }
0xbd: {  	[dreg:$0x2] =	wrdreg s18  }
0xbe: {  	[dreg:$0x3] =	wrdreg s24  }
0xbf: {  	[dreg:$0x4] =	wrdreg $0xA  }
0xc0: {  	_ =	task.clear_ibuf [dreg:s22], $0x5FFFF;
	_ =	strace $0x90000049  }
0xc1: {  	s29 =	simm.s32 $0xA;
	_ =	strace $0x8000004B  }
0xc2: {  	_ =	swait.ge [sflag:s29], $0x1  }
0xc3: {  	[sflag:s29] =	ssyncadd.s32 $0xFFFFFFFF  }
0xc4: {  	_ =	strace $0x9000004B  }
0xc5: {  	_ =	sfence  }
0xc6: {  	s30 =	sld [smem:$0x0];
	_ =	sdelay $0x2  }
0xc7: {  	s31 =	sshll.u32 s1, $0xD;
	s1 =	sshrl.u32 s1, $0x2  }
0xc8: {  	s4 =	sand.u32 $0x4000, s31;
	s1 =	sadd.s32 s1, s30  }
0xc9: {  	s0 =	sor.u32 s4, s0;
	s1 =	sshll.u32 s1, $0x11  }
0xca: {  	s0 =	sor.u32 s1, s0  }
0xcb: {  	s0 =	sadd.s32 $0x8F2B, s0  }
0xcc: {  	[sflag:s0] =	ssyncadd.remote.s32 $0x1  }
0xcd: {  	_ =	sfence.sel $0xFFFF  }
0xce: {  	[dreg:$0x0] =	wrdreg $0xFFFFFFFF;
	(pc) =	sbr.abs _section_cstart, $3  }
0xcf: {  	[dreg:$0x1] =	wrdreg $0xFFFFFFFF  }
0xd0: {  	_ =	task.clear_ibuf [dreg:s22], $0x2FFFF;
	_ =	strace $0x9FFFFFFF  }
0xd1: {  	(tm) =	ssettm $0x7FFFFFFF  }
tec
execute0_lowered:
.L_overlay_start_1:
0x0: {  	(tag) =	ssettag $0x1  }
0x1: {  	s2 =	rddreg [dreg:$0x0]  }
0x2: {  	s0 =	rddreg [dreg:$0x1]  }
0x3: {  	s1 =	srdreg.scid;
	s3 =	stileid.u32  }
0x4: {  	s11 =	simm.s32 $0x4;
	s12 =	simm.s32 $0x80;
	s13 =	simm.s32 $0x1800  }
0x5: {  	s14 =	simm.s32 $0x2000;
	s16 =	simm.s32 $0x2800;
	s18 =	simm.s32 $0x3000  }
0x6: {  	s19 =	simm.s32 $0x1;
	s20 =	simm.s32 $0x10;
	s21 =	simm.s32 $0x200  }
0x7: {  	s22 =	simm.s32 $0x3800;
	s23 =	simm.s32 $0x280;
	s24 =	simm.s32 $0x4000  }
0x8: {  	s28 =	simm.s32 $0x380;
	s29 =	simm.s32 $0x2;
	s30 =	simm.s32 $0x3  }
0x9: {  	s31 =	simm.s32 $0x0;
	s1 =	sand.u32 $0x1, s1;
	s4 =	smul.u32 $0x30, s3  }
0xa: {  	s5 =	sshll.u32 s3, $0x5;
	s3 =	simm.s32 $0x0;
	p0 =	seq.s32 s1, $0x0  }
0xb: {  	s5 =	sadd.s32 $0x300, s5;
	[smem:$0x7FF] =	sst s3;
	s1 =	ssub.s32 $0x2, s1  }
0xc: {  	s5 =	smov.u32 @p0 s4;
	_ =	strace $0x8000004A;
	s26 =	sshrl.u32 s1, $0x1  }
0xd: {  	s4 =	sshll.u32 s5, $0x4;
	s25 =	sshll.u32 s5, $0xB;
	s1 =	ssub.s32 s1, s26  }
0xe: {  	s5 =	simm.s32 $0x5000;
	s26 =	simm.s32 $0x4800;
	s6 =	sadd.s32 s4, s0  }
0xf: {  	s0 =	sadd.s32 s25, s0;
	s4 =	simm.s32 $0x5000;
	s25 =	simm.s32 $0x300  }
0x10: {  	s4 =	simm.s32 @!p0 $0x3000;
	s6 =	sadd.s32 $0x3A200, s6;
	s8 =	sadd.s32 $0x2BF600, s0  }
0x11: {  	s7 =	smax.u32 s1, $0x1;
	s9 =	sadd.s32 $0x2C1600, s0;
	s10 =	sadd.s32 $0x2C3600, s0  }
.LBB2_1:
0x12: {  	[tilespmem:s3], [sflag:$0x4] =	stream.linear.gather [hbm4b:s6+s3], $0x1800, $0x38;
	[tilespmem:$0x5800] =	vst v63  }
0x13: {  	_ =	swait.ge [sflag:s11], $0x1800  }
0x14: {  	[sflag:s11] =	ssyncset.done $0x0  }
0x15: {  	[sflag:s11] =	ssyncadd.s32 $0xFFFFE800  }
0x16: {  	[tilespmem:s13], [sflag:$0x1] =	stream.indirect.gather [hbm4b:s2+s12], $0x10, s3, s12, $0xb8;
	[tilespmem:$0x5800] =	vst v63  }
0x17: {  	_ = 	snop  }
0x18: {  	[tilespmem:s14], [sflag:$0x1] =	stream.indirect.gather [hbm4b:s2+s12], $0x10, s12, s12, $0xb8;
	[tilespmem:$0x5800] =	vst v63  }
0x19: {  	s0 =	simm.s32 $0x100  }
0x1a: {  	[tilespmem:s16], [sflag:$0x1] =	stream.indirect.gather [hbm4b:s2+s12], $0x10, s0, s12, $0xb8;
	[tilespmem:$0x5800] =	vst v63  }
0x1b: {  	s1 =	simm.s32 $0x180  }
0x1c: {  	[tilespmem:s18], [sflag:$0x1] =	stream.indirect.gather [hbm4b:s2+s12], $0x10, s1, s12, $0xb8;
	[tilespmem:$0x5800] =	vst v63  }
0x1d: {  	_ =	swait.ge [sflag:s19], $0x800  }
0x1e: {  	[sflag:s19] =	ssyncset.done $0x0  }
0x1f: {  	[sflag:s19] =	ssyncadd.s32 $0xFFFFF800  }
0x20: {  	_ =	swait.ge [sflag:s19], $0x800  }
0x21: {  	[sflag:s19] =	ssyncset.done $0x0  }
0x22: {  	[sflag:s19] =	ssyncadd.s32 $0xFFFFF800  }
0x23: {  	_ =	swait.ge [sflag:s19], $0x800  }
0x24: {  	[sflag:s19] =	ssyncset.done $0x0  }
0x25: {  	[sflag:s19] =	ssyncadd.s32 $0xFFFFF800  }
0x26: {  	_ =	swait.ge [sflag:s19], $0x800  }
0x27: {  	[sflag:s19] =	ssyncset.done $0x0  }
0x28: {  	[sflag:s19] =	ssyncadd.s32 $0xFFFFF800  }
0x29: {  	[hbm4b:s8+s20] =	stream.strided.scatter [tilespmem:s13], [sflag:$0x2], $0x2000, s12, s20, $0x38;
	[tilespmem:$0x5800] =	vst v63  }
0x2a: {  	_ = 	snop  }
0x2b: {  	[tilespmem:s22], [sflag:$0x1] =	stream.indirect.gather [hbm4b:s2+s12], $0x10, s21, s12, $0xb8;
	[tilespmem:$0x5800] =	vst v63  }
0x2c: {  	_ = 	snop  }
0x2d: {  	[tilespmem:s24], [sflag:$0x1] =	stream.indirect.gather [hbm4b:s2+s12], $0x10, s23, s12, $0xb8;
	[tilespmem:$0x5800] =	vst v63  }
0x2e: {  	_ = 	snop  }
0x2f: {  	[tilespmem:s26], [sflag:$0x1] =	stream.indirect.gather [hbm4b:s2+s12], $0x10, s25, s12, $0xb8;
	[tilespmem:$0x5800] =	vst v63  }
0x30: {  	_ = 	snop  }
0x31: {  	[tilespmem:s5], [sflag:$0x1] =	stream.indirect.gather [hbm4b:s2+s12], $0x10, s28, s12, $0xb8;
	[tilespmem:$0x5800] =	vst v63  }
0x32: {  	_ =	swait.ge [sflag:s19], $0x800  }
0x33: {  	[sflag:s19] =	ssyncset.done $0x0  }
0x34: {  	[sflag:s19] =	ssyncadd.s32 $0xFFFFF800  }
0x35: {  	_ =	swait.ge [sflag:s19], $0x800  }
0x36: {  	[sflag:s19] =	ssyncset.done $0x0  }
0x37: {  	[sflag:s19] =	ssyncadd.s32 $0xFFFFF800  }
0x38: {  	_ =	swait.ge [sflag:s19], $0x800  }
0x39: {  	[sflag:s19] =	ssyncset.done $0x0  }
0x3a: {  	[sflag:s19] =	ssyncadd.s32 $0xFFFFF800  }
0x3b: {  	_ =	swait.ge [sflag:s19], $0x800  }
0x3c: {  	[sflag:s19] =	ssyncset.done $0x0  }
0x3d: {  	[sflag:s19] =	ssyncadd.s32 $0xFFFFF800  }
0x3e: {  	[hbm4b:s9+s20] =	stream.strided.scatter [tilespmem:s22], [sflag:$0x3], $0x2000, s12, s20, $0x38;
	[tilespmem:$0x5800] =	vst v63  }
0x3f: {  	_ =	swait.ge [sflag:s29], $0x2000  }
0x40: {  	[sflag:s29] =	ssyncset.done $0x0  }
0x41: {  	s15 =	simm.s32 $0x400;
	[sflag:s29] =	ssyncadd.s32 $0xFFFFE000  }
0x42: {  	[tilespmem:s13], [sflag:$0x1] =	stream.indirect.gather [hbm4b:s2+s12], $0x10, s15, s12, $0xb8;
	[tilespmem:$0x5800] =	vst v63  }
0x43: {  	s17 =	simm.s32 $0x480  }
0x44: {  	[tilespmem:s14], [sflag:$0x1] =	stream.indirect.gather [hbm4b:s2+s12], $0x10, s17, s12, $0xb8;
	[tilespmem:$0x5800] =	vst v63  }
0x45: {  	s1 =	simm.s32 $0x500  }
0x46: {  	[tilespmem:s16], [sflag:$0x1] =	stream.indirect.gather [hbm4b:s2+s12], $0x10, s1, s12, $0xb8;
	[tilespmem:$0x5800] =	vst v63  }
0x47: {  	s15 =	simm.s32 $0x580  }
0x48: {  	[tilespmem:s18], [sflag:$0x1] =	stream.indirect.gather [hbm4b:s2+s12], $0x10, s15, s12, $0xb8;
	[tilespmem:$0x5800] =	vst v63  }
0x49: {  	_ =	swait.ge [sflag:s19], $0x800  }
0x4a: {  	[sflag:s19] =	ssyncset.done $0x0  }
0x4b: {  	[sflag:s19] =	ssyncadd.s32 $0xFFFFF800  }
0x4c: {  	_ =	swait.ge [sflag:s19], $0x800  }
0x4d: {  	[sflag:s19] =	ssyncset.done $0x0  }
0x4e: {  	[sflag:s19] =	ssyncadd.s32 $0xFFFFF800  }
0x4f: {  	_ =	swait.ge [sflag:s19], $0x800  }
0x50: {  	[sflag:s19] =	ssyncset.done $0x0  }
0x51: {  	[sflag:s19] =	ssyncadd.s32 $0xFFFFF800  }
0x52: {  	_ =	swait.ge [sflag:s19], $0x800  }
0x53: {  	[sflag:s19] =	ssyncset.done $0x0  }
0x54: {  	[sflag:s19] =	ssyncadd.s32 $0xFFFFF800  }
0x55: {  	[hbm4b:s10+s20] =	stream.strided.scatter [tilespmem:s13], [sflag:$0x2], $0x2000, s12, s20, $0x38;
	[tilespmem:$0x5800] =	vst v63  }
0x56: {  	_ =	swait.ge [sflag:s30], $0x2000  }
0x57: {  	[sflag:s30] =	ssyncset.done $0x0  }
0x58: {  	s17 =	simm.s32 $0x600;
	[sflag:s30] =	ssyncadd.s32 $0xFFFFE000  }
0x59: {  	[tilespmem:s22], [sflag:$0x1] =	stream.indirect.gather [hbm4b:s2+s12], $0x10, s17, s12, $0xb8;
	[tilespmem:$0x5800] =	vst v63  }
0x5a: {  	s1 =	simm.s32 $0x680  }
0x5b: {  	[tilespmem:s24], [sflag:$0x1] =	stream.indirect.gather [hbm4b:s2+s12], $0x10, s1, s12, $0xb8;
	[tilespmem:$0x5800] =	vst v63  }
0x5c: {  	s15 =	simm.s32 $0x700  }
0x5d: {  	[tilespmem:s26], [sflag:$0x1] =	stream.indirect.gather [hbm4b:s2+s12], $0x10, s15, s12, $0xb8;
	[tilespmem:$0x5800] =	vst v63  }
0x5e: {  	s17 =	simm.s32 $0x780  }
0x5f: {  	[tilespmem:s5], [sflag:$0x1] =	stream.indirect.gather [hbm4b:s2+s12], $0x10, s17, s12, $0xb8;
	[tilespmem:$0x5800] =	vst v63  }
0x60: {  	_ =	swait.ge [sflag:s19], $0x800  }
0x61: {  	[sflag:s19] =	ssyncset.done $0x0  }
0x62: {  	[sflag:s19] =	ssyncadd.s32 $0xFFFFF800  }
0x63: {  	_ =	swait.ge [sflag:s19], $0x800  }
0x64: {  	[sflag:s19] =	ssyncset.done $0x0  }
0x65: {  	[sflag:s19] =	ssyncadd.s32 $0xFFFFF800  }
0x66: {  	p0 =	sne.s32 s4, $0x1000;
	_ =	swait.ge [sflag:s19], $0x800  }
.Ltmp0:
0x67: {  	[sflag:s19] =	ssyncset.done $0x0;
	(pc) =	sbr.rel @!p0 .LBB2_3-.Ltmp0, $4  }
0x68: {  	[sflag:s19] =	ssyncadd.s32 $0xFFFFF800  }
0x69: {  	_ =	swait.ge [sflag:s19], $0x800  }
0x6a: {  	s0 =	simm.s32 $0x1000;
	[sflag:s19] =	ssyncset.done $0x0  }
0x6b: {  	s1 =	sadd.s32 $0x4000, s10;
	s15 =	sadd.s32 $0x2000, s10;
	[sflag:s19] =	ssyncadd.s32 $0xFFFFF800  }
.LBB2_2:
0x6c: {  	[hbm4b:s15+s20] =	stream.strided.scatter [tilespmem:s22], [sflag:$0x3], $0x2000, s12, s20, $0x38;
	[tilespmem:$0x5800] =	vst v63  }
0x6d: {  	s15 =	smov.u32 s0;
	s0 =	sadd.s32 $0x1000, s0;
	_ =	swait.ge [sflag:s29], $0x2000  }
0x6e: {  	s15 =	sshra.s32 s15, $0x2;
	p0 =	sne.s32 s4, s0;
	[sflag:s29] =	ssyncset.done $0x0  }
0x6f: {  	s17 =	sadd.s32 $0x400, s15;
	[sflag:s29] =	ssyncadd.s32 $0xFFFFE000  }
0x70: {  	[tilespmem:s13], [sflag:$0x1] =	stream.indirect.gather [hbm4b:s2+s12], $0x10, s17, s12, $0xb8;
	[tilespmem:$0x5800] =	vst v63  }
0x71: {  	s17 =	sadd.s32 $0x480, s15  }
0x72: {  	[tilespmem:s14], [sflag:$0x1] =	stream.indirect.gather [hbm4b:s2+s12], $0x10, s17, s12, $0xb8;
	[tilespmem:$0x5800] =	vst v63  }
0x73: {  	s17 =	sadd.s32 $0x500, s15  }
0x74: {  	[tilespmem:s16], [sflag:$0x1] =	stream.indirect.gather [hbm4b:s2+s12], $0x10, s17, s12, $0xb8;
	[tilespmem:$0x5800] =	vst v63  }
0x75: {  	s17 =	sadd.s32 $0x580, s15  }
0x76: {  	[tilespmem:s18], [sflag:$0x1] =	stream.indirect.gather [hbm4b:s2+s12], $0x10, s17, s12, $0xb8;
	[tilespmem:$0x5800] =	vst v63  }
0x77: {  	_ =	swait.ge [sflag:s19], $0x800  }
0x78: {  	[sflag:s19] =	ssyncset.done $0x0  }
0x79: {  	[sflag:s19] =	ssyncadd.s32 $0xFFFFF800  }
0x7a: {  	_ =	swait.ge [sflag:s19], $0x800  }
0x7b: {  	[sflag:s19] =	ssyncset.done $0x0  }
0x7c: {  	[sflag:s19] =	ssyncadd.s32 $0xFFFFF800  }
0x7d: {  	_ =	swait.ge [sflag:s19], $0x800  }
0x7e: {  	[sflag:s19] =	ssyncset.done $0x0  }
0x7f: {  	[sflag:s19] =	ssyncadd.s32 $0xFFFFF800  }
0x80: {  	_ =	swait.ge [sflag:s19], $0x800  }
0x81: {  	[sflag:s19] =	ssyncset.done $0x0  }
0x82: {  	[sflag:s19] =	ssyncadd.s32 $0xFFFFF800  }
0x83: {  	[hbm4b:s1+s20] =	stream.strided.scatter [tilespmem:s13], [sflag:$0x2], $0x2000, s12, s20, $0x38;
	[tilespmem:$0x5800] =	vst v63  }
0x84: {  	_ =	swait.ge [sflag:s30], $0x2000  }
0x85: {  	[sflag:s30] =	ssyncset.done $0x0  }
0x86: {  	s17 =	sadd.s32 $0x600, s15;
	[sflag:s30] =	ssyncadd.s32 $0xFFFFE000  }
0x87: {  	[tilespmem:s22], [sflag:$0x1] =	stream.indirect.gather [hbm4b:s2+s12], $0x10, s17, s12, $0xb8;
	[tilespmem:$0x5800] =	vst v63  }
0x88: {  	s17 =	sadd.s32 $0x680, s15  }
0x89: {  	[tilespmem:s24], [sflag:$0x1] =	stream.indirect.gather [hbm4b:s2+s12], $0x10, s17, s12, $0xb8;
	[tilespmem:$0x5800] =	vst v63  }
0x8a: {  	s17 =	sadd.s32 $0x700, s15  }
0x8b: {  	[tilespmem:s26], [sflag:$0x1] =	stream.indirect.gather [hbm4b:s2+s12], $0x10, s17, s12, $0xb8;
	[tilespmem:$0x5800] =	vst v63  }
0x8c: {  	s15 =	sadd.s32 $0x780, s15  }
0x8d: {  	[tilespmem:s5], [sflag:$0x1] =	stream.indirect.gather [hbm4b:s2+s12], $0x10, s15, s12, $0xb8;
	[tilespmem:$0x5800] =	vst v63  }
0x8e: {  	_ =	swait.ge [sflag:s19], $0x800  }
0x8f: {  	[sflag:s19] =	ssyncset.done $0x0  }
0x90: {  	[sflag:s19] =	ssyncadd.s32 $0xFFFFF800  }
0x91: {  	_ =	swait.ge [sflag:s19], $0x800  }
0x92: {  	[sflag:s19] =	ssyncset.done $0x0  }
0x93: {  	[sflag:s19] =	ssyncadd.s32 $0xFFFFF800  }
0x94: {  	_ =	swait.ge [sflag:s19], $0x800  }
.Ltmp1:
0x95: {  	[sflag:s19] =	ssyncset.done $0x0;
	(pc) =	sbr.rel @p0 .LBB2_2-.Ltmp1, $4  }
0x96: {  	[sflag:s19] =	ssyncadd.s32 $0xFFFFF800  }
0x97: {  	_ =	swait.ge [sflag:s19], $0x800  }
0x98: {  	[sflag:s19] =	ssyncset.done $0x0  }
0x99: {  	s15 =	sadd.s32 $0x2000, s1;
	s1 =	sadd.s32 $0x4000, s1;
	[sflag:s19] =	ssyncadd.s32 $0xFFFFF800  }
.LBB2_3:
0x9a: {  	[hbm4b:s15+s20] =	stream.strided.scatter [tilespmem:s22], [sflag:$0x3], $0x2000, s12, s20, $0x38;
	[tilespmem:$0x5800] =	vst v63  }
0x9b: {  	s31 =	sadd.s32 $0x1, s31  }
0x9c: {  	_ =	swait.ge [sflag:s29], $0x2000;
	p0 =	sne.s32 s31, s7  }
.Ltmp2:
0x9d: {  	[sflag:s29] =	ssyncset.done $0x0;
	(pc) =	sbr.rel @p0 .LBB2_1-.Ltmp2, $4  }
0x9e: {  	[sflag:s29] =	ssyncadd.s32 $0xFFFFE000  }
0x9f: {  	_ =	swait.ge [sflag:s30], $0x2000  }
0xa0: {  	[sflag:s30] =	ssyncset.done $0x0  }
0xa1: {  	[sflag:s30] =	ssyncadd.s32 $0xFFFFE000  }
0xa2: {  	_ =	sfence.sel $0x180000  }
0xa3: {  	[bflag:$0x0] =	sbarrier.arrive $0xFFFF  }
0xa4: {  	_ =	strace $0x9000004A  }
0xa5: {  	s0 =	stileid.u32;
	[bflag:$0x2] =	sbarrier.arrive $0xFFFF  }
0xa6: {  	p0 =	sne.s32 s0, $0x0;
	s0 =	rddreg [dreg:$0x2]  }
0xa7: {  	s0 =	sadd.s32 @!p0 $0x100000, s0  }
0xa8: {  	[sflag:s0] =	ssyncadd.tile.s32 @!p0 $0x1;
	_ =	shalt  }
.Lfunc_end2:
_tile_overlayer_lowered:
.L_overlay_start_2:
0xa9: {  	(tag) =	ssettag $0x2  }
0xaa: {  	s0 =	rddreg [dreg:$0x0];
	s2 =	stileid.u32  }
0xab: {  	s1 =	rddreg [dreg:$0x1];
	p0 =	sne.s32 s2, $0x0  }
0xac: {  	s3 =	rddreg [dreg:$0x2];
	[bflag:$0x3] =	sbarrier.arrive $0xFFFF;
	s2 =	simm.s32 @!p0 $0x1C04  }
0xad: {  	[timem:s3], [sflag:s2] =	dma.local @!p0 [hbm:s0], s1  }
0xae: {  	s0 =	simm.s32 @!p0 $0x4  }
0xaf: {  	_ =	swait.ge @!p0 [sflag:s0], s1  }
0xb0: {  	s1 =	ssub.s32 @!p0 $0x0, s1;
	[sflag:s0] =	ssyncset.done @!p0 $0x0  }
0xb1: {  	[sflag:s0] =	ssyncadd.s32 @!p0 s1  }
0xb2: {  	[bflag:$0x3] =	sbarrier.arrive $0xFFFF  }
0xb3: {  	_ =	shalt  }

// kernel: kernel.19.cloned.1.call-start
scs
__scs_entry_jumppad:
0x0: {  	(pc) =	sbr.rel $0x88, $3  }
0x1: {  	(tag) =	ssettag $0x0;
	lr =	simm.s32 $0x1  }
0x2: {  	[smem:$0x3F96] =	sst lr;
	_ =	strace $0xD0000000  }
0x3: {  	_ = 	snop  }
0x4: {  	_ = 	snop  }
0x5: {  	_ = 	snop  }
0x6: {  	_ = 	snop  }
0x7: {  	_ = 	snop  }
__scs_overlays_trampoline_lowered:
0x8: {  	[smem:$0x3FA5] =	sst s0  }
0x9: {  	[smem:$0x3FA6] =	sst s1  }
0xa: {  	[smem:$0x3FA7] =	sst s2  }
0xb: {  	[smem:$0x3FA8] =	sst s3  }
0xc: {  	[smem:$0x3FA9] =	sst s4  }
0xd: {  	[smem:$0x3FAA] =	sst s5  }
0xe: {  	[smem:$0x3FAB] =	sst s6  }
0xf: {  	[smem:$0x3FAC] =	sst s7  }
0x10: {  	[smem:$0x3FAD] =	sst s8  }
0x11: {  	[smem:$0x3FAE] =	sst s9;
	s0 =	simm.s32 @!p0 $0x0  }
0x12: {  	s1 =	sld [smem:$0x3F94];
	s0 =	simm.s32 @p0 $0x1  }
0x13: {  	[smem:$0x3FAF] =	sst s0;
	s0 =	simm.s32 @!p1 $0x0  }
0x14: {  	s2 =	sld [smem:$0x3F93];
	s0 =	simm.s32 @p1 $0x1  }
0x15: {  	[smem:$0x3FB0] =	sst s0;
	s0 =	simm.s32 @!p2 $0x0  }
0x16: {  	s3 =	sld [smem:$0x3FDB];
	s0 =	simm.s32 @p2 $0x1  }
0x17: {  	s4 =	simm.s32 $0x1BF5;
	[smem:$0x3FB2] =	sst s0  }
0x18: {  	s0 =	sld [smem:$0x3F95];
	_ =	swait.ge [sflag:s4], $0x0  }
0x19: {  	s7 =	sld [smem:$0x3F96]  }
0x1a: {  	s8 =	sadd.s32 $0xFFFFE003, lr  }
0x1b: {  	s9 =	sadd.s32 $0xFFFFFEF7, lr;
	s5 =	simm.s32 $0xFFFFFFFF;
	p2 =	slt.u32 s8, $0xFFFFF086  }
0x1c: {  	p1 =	slt.u32 s9, $0xF7A;
	s5 =	simm.s32 @!p2 $0x0  }
0x1d: {  	s5 =	simm.s32 @p1 $0x1;
	p0 =	seq.s32 s7, s2  }
0x1e: {  	s7 =	smul.u32 @!p0 $0xF7A, s2;
	p2 =	seq.s32 @!p0 s5, $0x0  }
0x1f: {  	s9 =	smul.u32 $0xF7A, s1;
	s8 =	simm.s32 @!p0 $0x1BF5;
	p2 =	por !p2, p0  }
0x20: {  	[sflag:s8] =	ssyncset.s32 @!p0 $0xFFFFF086;
	s6 =	sadd.s32 @!p0 s3, s7;
	s7 =	simm.s32 @!p0 $0x108  }
0x21: {  	s3 =	sadd.s32 s3, s9;
	s6 =	sadd.s32 @!p0 $0x88, s6;
	s7 =	simm.s32 @p2 $0x1082  }
0x22: {  	[simem:s7], [sflag:s8] =	dma.local @!p0 [hbm:s6], $0xF7A  }
0x23: {  	s9 =	sor.u32 $0xD0000000, s2;
	s6 =	simm.s32 $0x108;
	_ =	swait.ge @!p0 [sflag:s8], $0x0  }
0x24: {  	s3 =	sadd.s32 $0x88, s3;
	s6 =	simm.s32 @!p1 $0x1082;
	[sflag:s4] =	ssyncset.s32 $0xFFFFF086  }
0x25: {  	[simem:s6], [sflag:s4] =	dma.local [hbm:s3], $0xF7A  }
0x26: {  	[smem:$0x3F96] =	sst s1;
	(tag) =	ssettag s2;
	_ =	strace s9  }
0x27: {  	s1 =	sld [smem:$0x3FA6]  }
0x28: {  	s2 =	sld [smem:$0x3FA7]  }
0x29: {  	s4 =	sld [smem:$0x3FA9]  }
0x2a: {  	p0 =	seq.s32 s5, $0x0;
	s5 =	sld [smem:$0x3FAA]  }
0x2b: {  	s6 =	sld [smem:$0x3FAB]  }
0x2c: {  	s7 =	sld [smem:$0x3FAC]  }
0x2d: {  	s3 =	simm.s32 $0x108;
	s8 =	sld [smem:$0x3FAD]  }
0x2e: {  	s3 =	simm.s32 @!p0 $0x1082;
	s9 =	sld [smem:$0x3FAE]  }
0x2f: {  	lr =	sadd.s32 s0, s3;
	s0 =	sld [smem:$0x3FA5]  }
0x30: {  	s3 =	sld [smem:$0x3FA8]  }
0x31: {  	[smem:$0x3FB1] =	sst s10  }
0x32: {  	s10 =	sld [smem:$0x3FAF];
	_ =	sdelay $0x3  }
0x33: {  	p0 =	seq.s32 s10, $0x1;
	s10 =	sld [smem:$0x3FB1];
	_ =	sdelay $0x3  }
0x34: {  	[smem:$0x3FB1] =	sst s10  }
0x35: {  	s10 =	sld [smem:$0x3FB0];
	_ =	sdelay $0x3  }
0x36: {  	p1 =	seq.s32 s10, $0x1;
	s10 =	sld [smem:$0x3FB1];
	_ =	sdelay $0x3  }
0x37: {  	[smem:$0x3FB1] =	sst s10  }
0x38: {  	s10 =	sld [smem:$0x3FB2]  }
0x39: {  	_ = 	snop;
	(pc) =	sbr.ind lr, $3  }
0x3a: {  	_ = 	snop  }
0x3b: {  	_ = 	snop  }
0x3c: {  	p2 =	seq.s32 s10, $0x1;
	s10 =	sld [smem:$0x3FB1]  }
0x3d: {  	_ =	shalt  }
0x3e: {  	_ =	shalt  }
0x3f: {  	_ =	shalt  }
0x40: {  	_ =	shalt  }
0x41: {  	_ =	shalt  }
0x42: {  	_ =	shalt  }
0x43: {  	_ =	shalt  }
0x44: {  	_ =	shalt  }
0x45: {  	_ =	shalt  }
0x46: {  	_ =	shalt  }
0x47: {  	_ =	shalt  }
0x48: {  	_ =	shalt  }
0x49: {  	_ =	shalt  }
0x4a: {  	_ =	shalt  }
0x4b: {  	_ =	shalt  }
0x4c: {  	_ =	shalt  }
0x4d: {  	_ =	shalt  }
0x4e: {  	_ =	shalt  }
0x4f: {  	_ =	shalt  }
0x50: {  	_ =	shalt  }
0x51: {  	_ =	shalt  }
0x52: {  	_ =	shalt  }
0x53: {  	_ =	shalt  }
0x54: {  	_ =	shalt  }
0x55: {  	_ =	shalt  }
0x56: {  	_ =	shalt  }
0x57: {  	_ =	shalt  }
0x58: {  	_ =	shalt  }
0x59: {  	_ =	shalt  }
0x5a: {  	_ =	shalt  }
0x5b: {  	_ =	shalt  }
0x5c: {  	_ =	shalt  }
0x5d: {  	_ =	shalt  }
0x5e: {  	_ =	shalt  }
0x5f: {  	_ =	shalt  }
0x60: {  	_ =	shalt  }
0x61: {  	_ =	shalt  }
0x62: {  	_ =	shalt  }
0x63: {  	_ =	shalt  }
0x64: {  	_ =	shalt  }
0x65: {  	_ =	shalt  }
0x66: {  	_ =	shalt  }
0x67: {  	_ =	shalt  }
0x68: {  	_ =	shalt  }
0x69: {  	_ =	shalt  }
0x6a: {  	_ =	shalt  }
0x6b: {  	_ =	shalt  }
0x6c: {  	_ =	shalt  }
0x6d: {  	_ =	shalt  }
0x6e: {  	_ =	shalt  }
0x6f: {  	_ =	shalt  }
0x70: {  	_ =	shalt  }
0x71: {  	_ =	shalt  }
0x72: {  	_ =	shalt  }
0x73: {  	_ =	shalt  }
0x74: {  	_ =	shalt  }
0x75: {  	_ =	shalt  }
0x76: {  	_ =	shalt  }
0x77: {  	_ =	shalt  }
0x78: {  	_ =	shalt  }
0x79: {  	_ =	shalt  }
0x7a: {  	_ =	shalt  }
0x7b: {  	_ =	shalt  }
0x7c: {  	_ =	shalt  }
0x7d: {  	_ =	shalt  }
0x7e: {  	_ =	shalt  }
0x7f: {  	_ =	shalt  }
0x80: {  	_ =	shalt  }
0x81: {  	_ =	shalt  }
0x82: {  	_ =	shalt  }
0x83: {  	_ =	shalt  }
0x84: {  	_ =	shalt  }
0x85: {  	_ =	shalt  }
0x86: {  	_ =	shalt  }
0x87: {  	_ =	shalt  }
.Lfunc_end0:
.L_simem_size_0:
called_computation.3_lowered:
.L_overlay_start_0:
0x88: {  	s2 =	sld [smem:$0x3FD9]  }
0x89: {  	s3 =	sld [smem:$0x3FFE];
	_ =	sdelay $0x1  }
0x8a: {  	s1 =	srdreg.scid  }
0x8b: {  	s0 =	sand.u32 $0x1, s1  }
0x8c: {  	s17 =	sshll.u32 s0, $0xA;
	s2 =	sadd.s32 s3, s2  }
0x8d: {  	s2 =	sadd.s32 s2, s17  }
0x8e: {  	[smem:$0x3FBD] =	sst s2  }
0x8f: {  	_ = 	snop  }
0x90: {  	(tm) =	ssettm $0x1  }
0x91: {  	s18 =	sld [smem:$0x3FFB];
	_ =	sdelay $0x3  }
0x92: {  	_ =	strace s18  }
0x93: {  	s2 =	sld [smem:$0x3FFC];
	_ =	sdelay $0x3  }
0x94: {  	_ =	strace s2  }
0x95: {  	s2 =	sld [smem:$0x3FFD];
	_ =	sdelay $0x3  }
0x96: {  	_ =	strace s2  }
0x97: {  	_ =	strace $0x8FFFFFFF  }
0x98: {  	s19 =	sld [smem:$0x3FDB];
	_ =	sdelay $0x1  }
0x99: {  	s20 =	simm.s32 $_scs_section_size  }
0x9a: {  	s4 =	simm.s32 $_size__tile_overlayer_lowered;
	s5 =	simm.s32 $_tile_overlayer_lowered  }
0x9b: {  	s6 =	simm.s32 $0x1BFF;
	s21 =	sshll.u32 s5, $0x1;
	s3 =	sadd.s32 s20, s19  }
0x9c: {  	s22 =	simm.s32 $0x0;
	s4 =	sshll.u32 s4, $0x1;
	s5 =	sadd.s32 s21, s3  }
0x9d: {  	[timem:s22], [sflag:s6] =	dma.local [hbm:s5], s4  }
0x9e: {  	_ =	swait.ge [sflag:s6], s4  }
0x9f: {  	s4 =	ssub.s32 $0x0, s4;
	[sflag:s6] =	ssyncset.done $0x0  }
0xa0: {  	[sflag:s6] =	ssyncadd.s32 s4;
	_ =	sdelay $0x1  }
0xa1: {  	s23 =	simm.s32 $0x1B8B  }
0xa2: {  	_ =	swait.ge [sflag:s23], $0x1  }
0xa3: {  	[sflag:s23] =	ssyncset.done $0x0  }
0xa4: {  	[sflag:s23] =	ssyncadd.s32 $0xFFFFFFFF  }
0xa5: {  	s4 =	sld [smem:$0x0]  }
0xa6: {  	s5 =	sand.u32 $0xFFFFFFFE, s1  }
0xa7: {  	p0 =	sne.s32 s1, s5  }
0xa8: {  	s5 =	sshll.u32 @p0 s5, $0xE  }
0xa9: {  	s5 =	sadd.s32 @p0 $0x11B8D, s5;
	s6 =	sshll.u32 @p0 s4, $0x11  }
0xaa: {  	s5 =	sor.u32 @p0 s6, s5  }
0xab: {  	[sflag:s5] =	ssyncadd.remote.s32 @p0 $0x1;
	_ =	sdelay $0x1  }
0xac: {  	s5 =	simm.s32 @p0 $0x1B8D  }
0xad: {  	_ =	swait.eq @p0 [sflag:s5], $0x1  }
0xae: {  	[sflag:s5] =	ssyncadd.s32 @p0 $0xFFFFFFFF  }
0xaf: {  	s6 =	sshll.u32 @!p0 s1, $0xE  }
0xb0: {  	s6 =	sor.u32 @!p0 $0x4000, s6;
	s5 =	simm.s32 @!p0 $0x1B8D  }
0xb1: {  	s4 =	sshll.u32 @!p0 s4, $0x11;
	s6 =	sadd.s32 @!p0 $0x11B8D, s6;
	_ =	swait.eq @!p0 [sflag:s5], $0x1  }
0xb2: {  	s4 =	sor.u32 @!p0 s4, s6;
	[sflag:s5] =	ssyncadd.s32 @!p0 $0xFFFFFFFF  }
0xb3: {  	s25 =	simm.s32 $0x1B8E;
	s24 =	sld [smem:$0x3FFE];
	[sflag:s4] =	ssyncadd.remote.s32 @!p0 $0x1  }
0xb4: {  	s26 =	simm.s32 $execute0_lowered;
	[smem:$0x3FD2] =	sst s25  }
0xb5: {  	s5 =	sshll.u32 s26, $0x1;
	_ =	strace $0x8000004F;
	[dreg:$0x1] =	wrdreg $0xFFFFFFFF  }
0xb6: {  	s28 =	simm.s32 $_size_execute0_lowered;
	s3 =	sadd.s32 s3, s5;
	[dreg:$0x0] =	wrdreg $0x0  }
0xb7: {  	s5 =	sshll.u32 s28, $0x1;
	[dreg:$0x2] =	wrdreg s3  }
0xb8: {  	[dreg:$0x3] =	wrdreg s5  }
0xb9: {  	[dreg:$0x4] =	wrdreg $0xC0  }
0xba: {  	_ =	task [dreg:s22], $0x5FFFF  }
0xbb: {  	[dreg:$0x1] =	wrdreg $0xFFFFFFFF  }
0xbc: {  	[dreg:$0x0] =	wrdreg $0x60  }
0xbd: {  	[dreg:$0x2] =	wrdreg s24  }
0xbe: {  	[dreg:$0x3] =	wrdreg $0x7C000  }
0xbf: {  	[dreg:$0x4] =	wrdreg $0xB  }
0xc0: {  	_ =	task.clear_ibuf [dreg:s22], $0x5FFFF;
	_ =	strace $0x9000004F  }
0xc1: {  	s29 =	simm.s32 $0xB;
	_ =	strace $0x80000051  }
0xc2: {  	_ =	swait.ge [sflag:s29], $0x1  }
0xc3: {  	[sflag:s29] =	ssyncadd.s32 $0xFFFFFFFF  }
0xc4: {  	_ =	strace $0x90000051  }
0xc5: {  	_ =	sfence  }
0xc6: {  	s30 =	sld [smem:$0x0];
	_ =	sdelay $0x2  }
0xc7: {  	s31 =	sshll.u32 s1, $0xD;
	s1 =	sshrl.u32 s1, $0x2  }
0xc8: {  	s4 =	sand.u32 $0x4000, s31;
	s1 =	sadd.s32 s1, s30  }
0xc9: {  	s0 =	sor.u32 s4, s0;
	s1 =	sshll.u32 s1, $0x11  }
0xca: {  	s0 =	sor.u32 s1, s0  }
0xcb: {  	s0 =	sadd.s32 $0x8F2B, s0  }
0xcc: {  	[sflag:s0] =	ssyncadd.remote.s32 $0x1  }
0xcd: {  	_ =	sfence.sel $0xFFFF  }
0xce: {  	[dreg:$0x0] =	wrdreg $0xFFFFFFFF;
	(pc) =	sbr.abs _section_cstart, $3  }
0xcf: {  	[dreg:$0x1] =	wrdreg $0xFFFFFFFF  }
0xd0: {  	_ =	task.clear_ibuf [dreg:s22], $0x2FFFF;
	_ =	strace $0x9FFFFFFF  }
0xd1: {  	(tm) =	ssettm $0x7FFFFFFF  }
tec
execute0_lowered:
.L_overlay_start_1:
0x0: {  	(tag) =	ssettag $0x1  }
0x1: {  	s0 =	srdreg.scid;
	s3 =	rddreg [dreg:$0x0]  }
0x2: {  	s8 =	stileid.u32;
	s2 =	rddreg [dreg:$0x1]  }
0x3: {  	s7 =	simm.s32 $0x0;
	s19 =	simm.s32 $0x3;
	s20 =	simm.s32 $0x10  }
0x4: {  	s21 =	simm.s32 $0x80;
	s22 =	simm.s32 $0x1400;
	s23 =	simm.s32 $0x1C00  }
0x5: {  	s28 =	simm.s32 $0x2C00;
	s29 =	simm.s32 $0x3400;
	s18 =	simm.s32 $0x4400  }
0x6: {  	s30 =	simm.s32 $0x1;
	s24 =	simm.s32 $0x0;
	s6 =	smul.u32 $0x14000, s8  }
0x7: {  	s0 =	sand.u32 $0x1, s0;
	s1 =	sshll.u32 s8, $0x1;
	s9 =	smul.u32 $0xA000, s8  }
0x8: {  	[smem:$0x7FF] =	sst s7;
	s1 =	sor.u32 s0, s1;
	s5 =	smul.u32 $0x140000, s0  }
0x9: {  	_ =	strace $0x80000050;
	s0 =	ssub.s32 $0x2, s0;
	s4 =	smul.u32 $0x14000, s1  }
0xa: {  	s1 =	smul.u32 $0x280, s1;
	s26 =	sshrl.u32 s0, $0x1;
	s25 =	sadd.s32 s6, s5  }
0xb: {  	s0 =	ssub.s32 s0, s26;
	s26 =	simm.s32 $0x4C00;
	s17 =	sadd.s32 s4, s3  }
0xc: {  	s1 =	sadd.s32 s1, s3;
	s4 =	sshrl.u32 s25, $0x3;
	s25 =	simm.s32 $0x2400  }
0xd: {  	s3 =	sadd.s32 s4, s3;
	s4 =	sadd.s32 $0x2B400, s1;
	s5 =	sadd.s32 $0x599600, s17  }
0xe: {  	s31 =	sshrl.u32 s9, $0x2;
	s7 =	sadd.s32 $0x59B600, s17;
	s8 =	sadd.s32 $0x59D600, s17  }
0xf: {  	s11 =	sadd.s32 s31, s2;
	s9 =	sadd.s32 $0x59F600, s17;
	s10 =	sadd.s32 $0x5A1600, s17  }
0x10: {  	s14 =	smax.u32 s0, $0x1;
	s12 =	sadd.s32 $0x5A3600, s17;
	s13 =	sadd.s32 $0x5A5600, s17  }
0x11: {  	s0 =	simm.s32 $0x2;
	s15 =	sadd.s32 $0x5A7600, s17;
	s16 =	sadd.s32 $0x5A9600, s17  }
0x12: {  	v0 =	vimm.f32 $0.0e+00;
	s17 =	sadd.s32 $0x5AB600, s17;
	s1 =	simm.s32 $0x3C00;
	s6 =	sadd.s32 $0x3F600, s3  }
.LBB2_1:
0x13: {  	s31 =	simm.s32 $0x40;
	s3 =	simm.s32 $0x0  }
.LBB2_2:
0x14: {  	p0 =	sne.s32 s31, $0x9FC0;
	[tilespmem:s3+$0x5400] =	vst v0;
	s3 =	smov.u32 s31;
	s31 =	sadd.s32 $0x40, s31  }
.Ltmp0:
0x15: {  	(pc) =	sbr.rel @p0 .LBB2_2-.Ltmp0, $2  }
0x16: {  	_ =	sdelay $0x2  }
0x17: {  	s3 =	sshra.s32 s3, $0x2  }
0x18: {  	[tilespmem:s3+$0x5400] =	vst v0;
	s31 =	simm.s32 $0x5400  }
0x19: {  	[spmem:s11] =	stream.linear.scatter [tilespmem:s31], [sflag:$0x3], $0x2800, $0x38;
	[tilespmem:$0xA400] =	vst v63  }
0x1a: {  	_ =	swait.ge [sflag:s19], $0x2800  }
0x1b: {  	[sflag:s19] =	ssyncset.done $0x0  }
0x1c: {  	s31 =	simm.s32 $0x0;
	[sflag:s19] =	ssyncadd.s32 $0xFFFFD800  }
0x1d: {  	[tilespmem:s31], [sflag:$0x3] =	stream.linear.gather [hbm4b:s4+s31], $0x1400, $0x38;
	[tilespmem:$0xA400] =	vst v63  }
0x1e: {  	_ =	swait.ge [sflag:s19], $0x1400  }
0x1f: {  	[sflag:s19] =	ssyncset.done $0x0  }
0x20: {  	[sflag:s19] =	ssyncadd.s32 $0xFFFFEC00  }
0x21: {  	[bflag:$0x0] =	sbarrier.arrive $0xFFFF  }
0x22: {  	[tilespmem:s22], [sflag:$0x3] =	stream.strided.gather [hbm4b:s5+s20], $0x2000, s21, s20, $0x38;
	[tilespmem:$0xA400] =	vst v63  }
0x23: {  	_ =	swait.ge [sflag:s19], $0x2000  }
0x24: {  	[sflag:s19] =	ssyncset.done $0x0  }
0x25: {  	[sflag:s19] =	ssyncadd.s32 $0xFFFFE000  }
0x26: {  	[spmem:s2] =	stream.indirect.scatter.add.f32 [tilespmem:s22], [sflag:$0x1], $0x10, s31, s21, $0xb8;
	[tilespmem:$0xA400] =	vst v63  }
0x27: {  	_ = 	snop  }
0x28: {  	[spmem:s2] =	stream.indirect.scatter.add.f32 [tilespmem:s23], [sflag:$0x1], $0x10, s21, s21, $0xb8;
	[tilespmem:$0xA400] =	vst v63  }
0x29: {  	s31 =	simm.s32 $0x100  }
0x2a: {  	[spmem:s2] =	stream.indirect.scatter.add.f32 [tilespmem:s25], [sflag:$0x1], $0x10, s31, s21, $0xb8;
	[tilespmem:$0xA400] =	vst v63  }
0x2b: {  	s31 =	simm.s32 $0x180  }
0x2c: {  	[spmem:s2] =	stream.indirect.scatter.add.f32 [tilespmem:s28], [sflag:$0x1], $0x10, s31, s21, $0xb8;
	[tilespmem:$0xA400] =	vst v63  }
0x2d: {  	_ = 	snop  }
0x2e: {  	[tilespmem:s29], [sflag:$0x3] =	stream.strided.gather [hbm4b:s7+s20], $0x2000, s21, s20, $0x38;
	[tilespmem:$0xA400] =	vst v63  }
0x2f: {  	_ =	swait.ge [sflag:s19], $0x2000  }
0x30: {  	[sflag:s19] =	ssyncset.done $0x0  }
0x31: {  	s31 =	simm.s32 $0x200;
	[sflag:s19] =	ssyncadd.s32 $0xFFFFE000  }
0x32: {  	[spmem:s2] =	stream.indirect.scatter.add.f32 [tilespmem:s29], [sflag:$0x2], $0x10, s31, s21, $0xb8;
	[tilespmem:$0xA400] =	vst v63  }
0x33: {  	s31 =	simm.s32 $0x280  }
0x34: {  	[spmem:s2] =	stream.indirect.scatter.add.f32 [tilespmem:s1], [sflag:$0x2], $0x10, s31, s21, $0xb8;
	[tilespmem:$0xA400] =	vst v63  }
0x35: {  	s31 =	simm.s32 $0x300  }
0x36: {  	[spmem:s2] =	stream.indirect.scatter.add.f32 [tilespmem:s18], [sflag:$0x2], $0x10, s31, s21, $0xb8;
	[tilespmem:$0xA400] =	vst v63  }
0x37: {  	s31 =	simm.s32 $0x380  }
0x38: {  	[spmem:s2] =	stream.indirect.scatter.add.f32 [tilespmem:s26], [sflag:$0x2], $0x10, s31, s21, $0xb8;
	[tilespmem:$0xA400] =	vst v63  }
0x39: {  	_ =	swait.ge [sflag:s30], $0x2000  }
0x3a: {  	[sflag:s30] =	ssyncset.done $0x0  }
0x3b: {  	[sflag:s30] =	ssyncadd.s32 $0xFFFFE000  }
0x3c: {  	[tilespmem:s22], [sflag:$0x3] =	stream.strided.gather [hbm4b:s8+s20], $0x2000, s21, s20, $0x38;
	[tilespmem:$0xA400] =	vst v63  }
0x3d: {  	_ =	swait.ge [sflag:s19], $0x2000  }
0x3e: {  	[sflag:s19] =	ssyncset.done $0x0  }
0x3f: {  	s31 =	simm.s32 $0x400;
	[sflag:s19] =	ssyncadd.s32 $0xFFFFE000  }
0x40: {  	[spmem:s2] =	stream.indirect.scatter.add.f32 [tilespmem:s22], [sflag:$0x1], $0x10, s31, s21, $0xb8;
	[tilespmem:$0xA400] =	vst v63  }
0x41: {  	s31 =	simm.s32 $0x480  }
0x42: {  	[spmem:s2] =	stream.indirect.scatter.add.f32 [tilespmem:s23], [sflag:$0x1], $0x10, s31, s21, $0xb8;
	[tilespmem:$0xA400] =	vst v63  }
0x43: {  	s31 =	simm.s32 $0x500  }
0x44: {  	[spmem:s2] =	stream.indirect.scatter.add.f32 [tilespmem:s25], [sflag:$0x1], $0x10, s31, s21, $0xb8;
	[tilespmem:$0xA400] =	vst v63  }
0x45: {  	s31 =	simm.s32 $0x580  }
0x46: {  	[spmem:s2] =	stream.indirect.scatter.add.f32 [tilespmem:s28], [sflag:$0x1], $0x10, s31, s21, $0xb8;
	[tilespmem:$0xA400] =	vst v63  }
0x47: {  	_ =	swait.ge [sflag:s0], $0x2000  }
0x48: {  	[sflag:s0] =	ssyncset.done $0x0  }
0x49: {  	[sflag:s0] =	ssyncadd.s32 $0xFFFFE000  }
0x4a: {  	[tilespmem:s29], [sflag:$0x3] =	stream.strided.gather [hbm4b:s9+s20], $0x2000, s21, s20, $0x38;
	[tilespmem:$0xA400] =	vst v63  }
0x4b: {  	_ =	swait.ge [sflag:s19], $0x2000  }
0x4c: {  	[sflag:s19] =	ssyncset.done $0x0  }
0x4d: {  	s31 =	simm.s32 $0x600;
	[sflag:s19] =	ssyncadd.s32 $0xFFFFE000  }
0x4e: {  	[spmem:s2] =	stream.indirect.scatter.add.f32 [tilespmem:s29], [sflag:$0x2], $0x10, s31, s21, $0xb8;
	[tilespmem:$0xA400] =	vst v63  }
0x4f: {  	s31 =	simm.s32 $0x680  }
0x50: {  	[spmem:s2] =	stream.indirect.scatter.add.f32 [tilespmem:s1], [sflag:$0x2], $0x10, s31, s21, $0xb8;
	[tilespmem:$0xA400] =	vst v63  }
0x51: {  	s31 =	simm.s32 $0x700  }
0x52: {  	[spmem:s2] =	stream.indirect.scatter.add.f32 [tilespmem:s18], [sflag:$0x2], $0x10, s31, s21, $0xb8;
	[tilespmem:$0xA400] =	vst v63  }
0x53: {  	s31 =	simm.s32 $0x780  }
0x54: {  	[spmem:s2] =	stream.indirect.scatter.add.f32 [tilespmem:s26], [sflag:$0x2], $0x10, s31, s21, $0xb8;
	[tilespmem:$0xA400] =	vst v63  }
0x55: {  	_ =	swait.ge [sflag:s30], $0x2000  }
0x56: {  	[sflag:s30] =	ssyncset.done $0x0  }
0x57: {  	[sflag:s30] =	ssyncadd.s32 $0xFFFFE000  }
0x58: {  	[tilespmem:s22], [sflag:$0x3] =	stream.strided.gather [hbm4b:s10+s20], $0x2000, s21, s20, $0x38;
	[tilespmem:$0xA400] =	vst v63  }
0x59: {  	_ =	swait.ge [sflag:s19], $0x2000  }
0x5a: {  	[sflag:s19] =	ssyncset.done $0x0  }
0x5b: {  	s31 =	simm.s32 $0x800;
	[sflag:s19] =	ssyncadd.s32 $0xFFFFE000  }
0x5c: {  	[spmem:s2] =	stream.indirect.scatter.add.f32 [tilespmem:s22], [sflag:$0x1], $0x10, s31, s21, $0xb8;
	[tilespmem:$0xA400] =	vst v63  }
0x5d: {  	s31 =	simm.s32 $0x880  }
0x5e: {  	[spmem:s2] =	stream.indirect.scatter.add.f32 [tilespmem:s23], [sflag:$0x1], $0x10, s31, s21, $0xb8;
	[tilespmem:$0xA400] =	vst v63  }
0x5f: {  	s31 =	simm.s32 $0x900  }
0x60: {  	[spmem:s2] =	stream.indirect.scatter.add.f32 [tilespmem:s25], [sflag:$0x1], $0x10, s31, s21, $0xb8;
	[tilespmem:$0xA400] =	vst v63  }
0x61: {  	s31 =	simm.s32 $0x980  }
0x62: {  	[spmem:s2] =	stream.indirect.scatter.add.f32 [tilespmem:s28], [sflag:$0x1], $0x10, s31, s21, $0xb8;
	[tilespmem:$0xA400] =	vst v63  }
0x63: {  	_ =	swait.ge [sflag:s0], $0x2000  }
0x64: {  	[sflag:s0] =	ssyncset.done $0x0  }
0x65: {  	[sflag:s0] =	ssyncadd.s32 $0xFFFFE000  }
0x66: {  	[tilespmem:s29], [sflag:$0x3] =	stream.strided.gather [hbm4b:s12+s20], $0x2000, s21, s20, $0x38;
	[tilespmem:$0xA400] =	vst v63  }
0x67: {  	_ =	swait.ge [sflag:s19], $0x2000  }
0x68: {  	[sflag:s19] =	ssyncset.done $0x0  }
0x69: {  	s31 =	simm.s32 $0xA00;
	[sflag:s19] =	ssyncadd.s32 $0xFFFFE000  }
0x6a: {  	[spmem:s2] =	stream.indirect.scatter.add.f32 [tilespmem:s29], [sflag:$0x2], $0x10, s31, s21, $0xb8;
	[tilespmem:$0xA400] =	vst v63  }
0x6b: {  	s31 =	simm.s32 $0xA80  }
0x6c: {  	[spmem:s2] =	stream.indirect.scatter.add.f32 [tilespmem:s1], [sflag:$0x2], $0x10, s31, s21, $0xb8;
	[tilespmem:$0xA400] =	vst v63  }
0x6d: {  	s31 =	simm.s32 $0xB00  }
0x6e: {  	[spmem:s2] =	stream.indirect.scatter.add.f32 [tilespmem:s18], [sflag:$0x2], $0x10, s31, s21, $0xb8;
	[tilespmem:$0xA400] =	vst v63  }
0x6f: {  	s31 =	simm.s32 $0xB80  }
0x70: {  	[spmem:s2] =	stream.indirect.scatter.add.f32 [tilespmem:s26], [sflag:$0x2], $0x10, s31, s21, $0xb8;
	[tilespmem:$0xA400] =	vst v63  }
0x71: {  	_ =	swait.ge [sflag:s30], $0x2000  }
0x72: {  	[sflag:s30] =	ssyncset.done $0x0  }
0x73: {  	[sflag:s30] =	ssyncadd.s32 $0xFFFFE000  }
0x74: {  	[tilespmem:s22], [sflag:$0x3] =	stream.strided.gather [hbm4b:s13+s20], $0x2000, s21, s20, $0x38;
	[tilespmem:$0xA400] =	vst v63  }
0x75: {  	_ =	swait.ge [sflag:s19], $0x2000  }
0x76: {  	[sflag:s19] =	ssyncset.done $0x0  }
0x77: {  	s31 =	simm.s32 $0xC00;
	[sflag:s19] =	ssyncadd.s32 $0xFFFFE000  }
0x78: {  	[spmem:s2] =	stream.indirect.scatter.add.f32 [tilespmem:s22], [sflag:$0x1], $0x10, s31, s21, $0xb8;
	[tilespmem:$0xA400] =	vst v63  }
0x79: {  	s31 =	simm.s32 $0xC80  }
0x7a: {  	[spmem:s2] =	stream.indirect.scatter.add.f32 [tilespmem:s23], [sflag:$0x1], $0x10, s31, s21, $0xb8;
	[tilespmem:$0xA400] =	vst v63  }
0x7b: {  	s31 =	simm.s32 $0xD00  }
0x7c: {  	[spmem:s2] =	stream.indirect.scatter.add.f32 [tilespmem:s25], [sflag:$0x1], $0x10, s31, s21, $0xb8;
	[tilespmem:$0xA400] =	vst v63  }
0x7d: {  	s31 =	simm.s32 $0xD80  }
0x7e: {  	[spmem:s2] =	stream.indirect.scatter.add.f32 [tilespmem:s28], [sflag:$0x1], $0x10, s31, s21, $0xb8;
	[tilespmem:$0xA400] =	vst v63  }
0x7f: {  	_ =	swait.ge [sflag:s0], $0x2000  }
0x80: {  	[sflag:s0] =	ssyncset.done $0x0  }
0x81: {  	[sflag:s0] =	ssyncadd.s32 $0xFFFFE000  }
0x82: {  	[tilespmem:s29], [sflag:$0x3] =	stream.strided.gather [hbm4b:s15+s20], $0x2000, s21, s20, $0x38;
	[tilespmem:$0xA400] =	vst v63  }
0x83: {  	_ =	swait.ge [sflag:s19], $0x2000  }
0x84: {  	[sflag:s19] =	ssyncset.done $0x0  }
0x85: {  	s31 =	simm.s32 $0xE00;
	[sflag:s19] =	ssyncadd.s32 $0xFFFFE000  }
0x86: {  	[spmem:s2] =	stream.indirect.scatter.add.f32 [tilespmem:s29], [sflag:$0x2], $0x10, s31, s21, $0xb8;
	[tilespmem:$0xA400] =	vst v63  }
0x87: {  	s31 =	simm.s32 $0xE80  }
0x88: {  	[spmem:s2] =	stream.indirect.scatter.add.f32 [tilespmem:s1], [sflag:$0x2], $0x10, s31, s21, $0xb8;
	[tilespmem:$0xA400] =	vst v63  }
0x89: {  	s31 =	simm.s32 $0xF00  }
0x8a: {  	[spmem:s2] =	stream.indirect.scatter.add.f32 [tilespmem:s18], [sflag:$0x2], $0x10, s31, s21, $0xb8;
	[tilespmem:$0xA400] =	vst v63  }
0x8b: {  	s31 =	simm.s32 $0xF80  }
0x8c: {  	[spmem:s2] =	stream.indirect.scatter.add.f32 [tilespmem:s26], [sflag:$0x2], $0x10, s31, s21, $0xb8;
	[tilespmem:$0xA400] =	vst v63  }
0x8d: {  	_ =	swait.ge [sflag:s30], $0x2000  }
0x8e: {  	[sflag:s30] =	ssyncset.done $0x0  }
0x8f: {  	[sflag:s30] =	ssyncadd.s32 $0xFFFFE000  }
0x90: {  	[tilespmem:s22], [sflag:$0x3] =	stream.strided.gather [hbm4b:s16+s20], $0x2000, s21, s20, $0x38;
	[tilespmem:$0xA400] =	vst v63  }
0x91: {  	_ =	swait.ge [sflag:s19], $0x2000  }
0x92: {  	[sflag:s19] =	ssyncset.done $0x0  }
0x93: {  	s31 =	simm.s32 $0x1000;
	[sflag:s19] =	ssyncadd.s32 $0xFFFFE000  }
0x94: {  	[spmem:s2] =	stream.indirect.scatter.add.f32 [tilespmem:s22], [sflag:$0x1], $0x10, s31, s21, $0xb8;
	[tilespmem:$0xA400] =	vst v63  }
0x95: {  	s31 =	simm.s32 $0x1080  }
0x96: {  	[spmem:s2] =	stream.indirect.scatter.add.f32 [tilespmem:s23], [sflag:$0x1], $0x10, s31, s21, $0xb8;
	[tilespmem:$0xA400] =	vst v63  }
0x97: {  	s31 =	simm.s32 $0x1100  }
0x98: {  	[spmem:s2] =	stream.indirect.scatter.add.f32 [tilespmem:s25], [sflag:$0x1], $0x10, s31, s21, $0xb8;
	[tilespmem:$0xA400] =	vst v63  }
0x99: {  	s31 =	simm.s32 $0x1180  }
0x9a: {  	[spmem:s2] =	stream.indirect.scatter.add.f32 [tilespmem:s28], [sflag:$0x1], $0x10, s31, s21, $0xb8;
	[tilespmem:$0xA400] =	vst v63  }
0x9b: {  	_ =	swait.ge [sflag:s0], $0x2000  }
0x9c: {  	[sflag:s0] =	ssyncset.done $0x0  }
0x9d: {  	[sflag:s0] =	ssyncadd.s32 $0xFFFFE000  }
0x9e: {  	[tilespmem:s29], [sflag:$0x3] =	stream.strided.gather [hbm4b:s17+s20], $0x2000, s21, s20, $0x38;
	[tilespmem:$0xA400] =	vst v63  }
0x9f: {  	_ =	swait.ge [sflag:s19], $0x2000  }
0xa0: {  	[sflag:s19] =	ssyncset.done $0x0  }
0xa1: {  	s31 =	simm.s32 $0x1200;
	[sflag:s19] =	ssyncadd.s32 $0xFFFFE000  }
0xa2: {  	[spmem:s2] =	stream.indirect.scatter.add.f32 [tilespmem:s29], [sflag:$0x2], $0x10, s31, s21, $0xb8;
	[tilespmem:$0xA400] =	vst v63  }
0xa3: {  	s31 =	simm.s32 $0x1280  }
0xa4: {  	[spmem:s2] =	stream.indirect.scatter.add.f32 [tilespmem:s1], [sflag:$0x2], $0x10, s31, s21, $0xb8;
	[tilespmem:$0xA400] =	vst v63  }
0xa5: {  	s31 =	simm.s32 $0x1300  }
0xa6: {  	[spmem:s2] =	stream.indirect.scatter.add.f32 [tilespmem:s18], [sflag:$0x2], $0x10, s31, s21, $0xb8;
	[tilespmem:$0xA400] =	vst v63  }
0xa7: {  	s31 =	simm.s32 $0x1380  }
0xa8: {  	[spmem:s2] =	stream.indirect.scatter.add.f32 [tilespmem:s26], [sflag:$0x2], $0x10, s31, s21, $0xb8;
	[tilespmem:$0xA400] =	vst v63  }
0xa9: {  	_ =	swait.ge [sflag:s30], $0x2000  }
0xaa: {  	[sflag:s30] =	ssyncset.done $0x0  }
0xab: {  	[sflag:s30] =	ssyncadd.s32 $0xFFFFE000  }
0xac: {  	s24 =	sadd.s32 $0x1, s24;
	_ =	swait.ge [sflag:s0], $0x2000  }
0xad: {  	p0 =	sne.s32 s24, s14;
	s31 =	stileid.u32;
	[sflag:s0] =	ssyncset.done $0x0  }
0xae: {  	s3 =	sshll.u32 s31, $0x6;
	s31 =	sshrl.u32 s11, $0x3;
	[sflag:s0] =	ssyncadd.s32 $0xFFFFE000  }
.Ltmp1:
0xaf: {  	s3 =	sor.u32 $0x1C03, s3;
	[bflag:$0x0] =	sbarrier.arrive $0xFFFF;
	(pc) =	sbr.rel @p0 .LBB2_1-.Ltmp1, $4  }
0xb0: {  	[hbm:s6@s20], [sflag:s3] =	dma.strided [spmem:s31@s0], $0x500, s30, $0x2   }
0xb1: {  	_ =	swait.ge [sflag:s19], $0x500  }
0xb2: {  	[sflag:s19] =	ssyncset.done $0x0  }
0xb3: {  	[sflag:s19] =	ssyncadd.s32 $0xFFFFFB00  }
0xb4: {  	_ =	sfence.sel $0x180000  }
0xb5: {  	[bflag:$0x0] =	sbarrier.arrive $0xFFFF  }
0xb6: {  	_ =	strace $0x90000050  }
0xb7: {  	s0 =	stileid.u32;
	[bflag:$0x2] =	sbarrier.arrive $0xFFFF  }
0xb8: {  	p0 =	sne.s32 s0, $0x0;
	s0 =	rddreg [dreg:$0x2]  }
0xb9: {  	s0 =	sadd.s32 @!p0 $0x100000, s0  }
0xba: {  	[sflag:s0] =	ssyncadd.tile.s32 @!p0 $0x1;
	_ =	shalt  }
.Lfunc_end2:
_tile_overlayer_lowered:
.L_overlay_start_2:
0xbb: {  	(tag) =	ssettag $0x2  }
0xbc: {  	s0 =	rddreg [dreg:$0x0];
	s2 =	stileid.u32  }
0xbd: {  	s1 =	rddreg [dreg:$0x1];
	p0 =	sne.s32 s2, $0x0  }
0xbe: {  	s3 =	rddreg [dreg:$0x2];
	[bflag:$0x3] =	sbarrier.arrive $0xFFFF;
	s2 =	simm.s32 @!p0 $0x1C03  }
0xbf: {  	[timem:s3], [sflag:s2] =	dma.local @!p0 [hbm:s0], s1  }
0xc0: {  	s0 =	simm.s32 @!p0 $0x3  }
0xc1: {  	_ =	swait.ge @!p0 [sflag:s0], s1  }
0xc2: {  	s1 =	ssub.s32 @!p0 $0x0, s1;
	[sflag:s0] =	ssyncset.done @!p0 $0x0  }
0xc3: {  	[sflag:s0] =	ssyncadd.s32 @!p0 s1  }
0xc4: {  	[bflag:$0x3] =	sbarrier.arrive $0xFFFF  }
0xc5: {  	_ =	shalt  }

// kernel: kernel.22.cloned.1.call-start
scs
__scs_entry_jumppad:
0x0: {  	(pc) =	sbr.rel $0x88, $3  }
0x1: {  	(tag) =	ssettag $0x0;
	lr =	simm.s32 $0x1  }
0x2: {  	[smem:$0x3F96] =	sst lr;
	_ =	strace $0xD0000000  }
0x3: {  	_ = 	snop  }
0x4: {  	_ = 	snop  }
0x5: {  	_ = 	snop  }
0x6: {  	_ = 	snop  }
0x7: {  	_ = 	snop  }
__scs_overlays_trampoline_lowered:
0x8: {  	[smem:$0x3FA5] =	sst s0  }
0x9: {  	[smem:$0x3FA6] =	sst s1  }
0xa: {  	[smem:$0x3FA7] =	sst s2  }
0xb: {  	[smem:$0x3FA8] =	sst s3  }
0xc: {  	[smem:$0x3FA9] =	sst s4  }
0xd: {  	[smem:$0x3FAA] =	sst s5  }
0xe: {  	[smem:$0x3FAB] =	sst s6  }
0xf: {  	[smem:$0x3FAC] =	sst s7  }
0x10: {  	[smem:$0x3FAD] =	sst s8  }
0x11: {  	[smem:$0x3FAE] =	sst s9;
	s0 =	simm.s32 @!p0 $0x0  }
0x12: {  	s1 =	sld [smem:$0x3F94];
	s0 =	simm.s32 @p0 $0x1  }
0x13: {  	[smem:$0x3FAF] =	sst s0;
	s0 =	simm.s32 @!p1 $0x0  }
0x14: {  	s2 =	sld [smem:$0x3F93];
	s0 =	simm.s32 @p1 $0x1  }
0x15: {  	[smem:$0x3FB0] =	sst s0;
	s0 =	simm.s32 @!p2 $0x0  }
0x16: {  	s3 =	sld [smem:$0x3FDB];
	s0 =	simm.s32 @p2 $0x1  }
0x17: {  	s4 =	simm.s32 $0x1BF5;
	[smem:$0x3FB2] =	sst s0  }
0x18: {  	s0 =	sld [smem:$0x3F95];
	_ =	swait.ge [sflag:s4], $0x0  }
0x19: {  	s7 =	sld [smem:$0x3F96]  }
0x1a: {  	s8 =	sadd.s32 $0xFFFFE003, lr  }
0x1b: {  	s9 =	sadd.s32 $0xFFFFFEF7, lr;
	s5 =	simm.s32 $0xFFFFFFFF;
	p2 =	slt.u32 s8, $0xFFFFF086  }
0x1c: {  	p1 =	slt.u32 s9, $0xF7A;
	s5 =	simm.s32 @!p2 $0x0  }
0x1d: {  	s5 =	simm.s32 @p1 $0x1;
	p0 =	seq.s32 s7, s2  }
0x1e: {  	s7 =	smul.u32 @!p0 $0xF7A, s2;
	p2 =	seq.s32 @!p0 s5, $0x0  }
0x1f: {  	s9 =	smul.u32 $0xF7A, s1;
	s8 =	simm.s32 @!p0 $0x1BF5;
	p2 =	por !p2, p0  }
0x20: {  	[sflag:s8] =	ssyncset.s32 @!p0 $0xFFFFF086;
	s6 =	sadd.s32 @!p0 s3, s7;
	s7 =	simm.s32 @!p0 $0x108  }
0x21: {  	s3 =	sadd.s32 s3, s9;
	s6 =	sadd.s32 @!p0 $0x88, s6;
	s7 =	simm.s32 @p2 $0x1082  }
0x22: {  	[simem:s7], [sflag:s8] =	dma.local @!p0 [hbm:s6], $0xF7A  }
0x23: {  	s9 =	sor.u32 $0xD0000000, s2;
	s6 =	simm.s32 $0x108;
	_ =	swait.ge @!p0 [sflag:s8], $0x0  }
0x24: {  	s3 =	sadd.s32 $0x88, s3;
	s6 =	simm.s32 @!p1 $0x1082;
	[sflag:s4] =	ssyncset.s32 $0xFFFFF086  }
0x25: {  	[simem:s6], [sflag:s4] =	dma.local [hbm:s3], $0xF7A  }
0x26: {  	[smem:$0x3F96] =	sst s1;
	(tag) =	ssettag s2;
	_ =	strace s9  }
0x27: {  	s1 =	sld [smem:$0x3FA6]  }
0x28: {  	s2 =	sld [smem:$0x3FA7]  }
0x29: {  	s4 =	sld [smem:$0x3FA9]  }
0x2a: {  	p0 =	seq.s32 s5, $0x0;
	s5 =	sld [smem:$0x3FAA]  }
0x2b: {  	s6 =	sld [smem:$0x3FAB]  }
0x2c: {  	s7 =	sld [smem:$0x3FAC]  }
0x2d: {  	s3 =	simm.s32 $0x108;
	s8 =	sld [smem:$0x3FAD]  }
0x2e: {  	s3 =	simm.s32 @!p0 $0x1082;
	s9 =	sld [smem:$0x3FAE]  }
0x2f: {  	lr =	sadd.s32 s0, s3;
	s0 =	sld [smem:$0x3FA5]  }
0x30: {  	s3 =	sld [smem:$0x3FA8]  }
0x31: {  	[smem:$0x3FB1] =	sst s10  }
0x32: {  	s10 =	sld [smem:$0x3FAF];
	_ =	sdelay $0x3  }
0x33: {  	p0 =	seq.s32 s10, $0x1;
	s10 =	sld [smem:$0x3FB1];
	_ =	sdelay $0x3  }
0x34: {  	[smem:$0x3FB1] =	sst s10  }
0x35: {  	s10 =	sld [smem:$0x3FB0];
	_ =	sdelay $0x3  }
0x36: {  	p1 =	seq.s32 s10, $0x1;
	s10 =	sld [smem:$0x3FB1];
	_ =	sdelay $0x3  }
0x37: {  	[smem:$0x3FB1] =	sst s10  }
0x38: {  	s10 =	sld [smem:$0x3FB2]  }
0x39: {  	_ = 	snop;
	(pc) =	sbr.ind lr, $3  }
0x3a: {  	_ = 	snop  }
0x3b: {  	_ = 	snop  }
0x3c: {  	p2 =	seq.s32 s10, $0x1;
	s10 =	sld [smem:$0x3FB1]  }
0x3d: {  	_ =	shalt  }
0x3e: {  	_ =	shalt  }
0x3f: {  	_ =	shalt  }
0x40: {  	_ =	shalt  }
0x41: {  	_ =	shalt  }
0x42: {  	_ =	shalt  }
0x43: {  	_ =	shalt  }
0x44: {  	_ =	shalt  }
0x45: {  	_ =	shalt  }
0x46: {  	_ =	shalt  }
0x47: {  	_ =	shalt  }
0x48: {  	_ =	shalt  }
0x49: {  	_ =	shalt  }
0x4a: {  	_ =	shalt  }
0x4b: {  	_ =	shalt  }
0x4c: {  	_ =	shalt  }
0x4d: {  	_ =	shalt  }
0x4e: {  	_ =	shalt  }
0x4f: {  	_ =	shalt  }
0x50: {  	_ =	shalt  }
0x51: {  	_ =	shalt  }
0x52: {  	_ =	shalt  }
0x53: {  	_ =	shalt  }
0x54: {  	_ =	shalt  }
0x55: {  	_ =	shalt  }
0x56: {  	_ =	shalt  }
0x57: {  	_ =	shalt  }
0x58: {  	_ =	shalt  }
0x59: {  	_ =	shalt  }
0x5a: {  	_ =	shalt  }
0x5b: {  	_ =	shalt  }
0x5c: {  	_ =	shalt  }
0x5d: {  	_ =	shalt  }
0x5e: {  	_ =	shalt  }
0x5f: {  	_ =	shalt  }
0x60: {  	_ =	shalt  }
0x61: {  	_ =	shalt  }
0x62: {  	_ =	shalt  }
0x63: {  	_ =	shalt  }
0x64: {  	_ =	shalt  }
0x65: {  	_ =	shalt  }
0x66: {  	_ =	shalt  }
0x67: {  	_ =	shalt  }
0x68: {  	_ =	shalt  }
0x69: {  	_ =	shalt  }
0x6a: {  	_ =	shalt  }
0x6b: {  	_ =	shalt  }
0x6c: {  	_ =	shalt  }
0x6d: {  	_ =	shalt  }
0x6e: {  	_ =	shalt  }
0x6f: {  	_ =	shalt  }
0x70: {  	_ =	shalt  }
0x71: {  	_ =	shalt  }
0x72: {  	_ =	shalt  }
0x73: {  	_ =	shalt  }
0x74: {  	_ =	shalt  }
0x75: {  	_ =	shalt  }
0x76: {  	_ =	shalt  }
0x77: {  	_ =	shalt  }
0x78: {  	_ =	shalt  }
0x79: {  	_ =	shalt  }
0x7a: {  	_ =	shalt  }
0x7b: {  	_ =	shalt  }
0x7c: {  	_ =	shalt  }
0x7d: {  	_ =	shalt  }
0x7e: {  	_ =	shalt  }
0x7f: {  	_ =	shalt  }
0x80: {  	_ =	shalt  }
0x81: {  	_ =	shalt  }
0x82: {  	_ =	shalt  }
0x83: {  	_ =	shalt  }
0x84: {  	_ =	shalt  }
0x85: {  	_ =	shalt  }
0x86: {  	_ =	shalt  }
0x87: {  	_ =	shalt  }
.Lfunc_end0:
.L_simem_size_0:
called_computation.4_lowered:
.L_overlay_start_0:
0x88: {  	s2 =	sld [smem:$0x3FD9]  }
0x89: {  	s3 =	sld [smem:$0x3FFE];
	_ =	sdelay $0x1  }
0x8a: {  	s1 =	srdreg.scid  }
0x8b: {  	s0 =	sand.u32 $0x1, s1  }
0x8c: {  	s17 =	sshll.u32 s0, $0xA;
	s2 =	sadd.s32 s3, s2  }
0x8d: {  	s2 =	sadd.s32 s2, s17  }
0x8e: {  	[smem:$0x3FBD] =	sst s2  }
0x8f: {  	_ = 	snop  }
0x90: {  	(tm) =	ssettm $0x1  }
0x91: {  	s18 =	sld [smem:$0x3FFB];
	_ =	sdelay $0x3  }
0x92: {  	_ =	strace s18  }
0x93: {  	s2 =	sld [smem:$0x3FFC];
	_ =	sdelay $0x3  }
0x94: {  	_ =	strace s2  }
0x95: {  	s2 =	sld [smem:$0x3FFD];
	_ =	sdelay $0x3  }
0x96: {  	_ =	strace s2  }
0x97: {  	_ =	strace $0x8FFFFFFF  }
0x98: {  	s19 =	sld [smem:$0x3FDB];
	_ =	sdelay $0x1  }
0x99: {  	s20 =	simm.s32 $_scs_section_size  }
0x9a: {  	s4 =	simm.s32 $_size__tile_overlayer_lowered;
	s5 =	simm.s32 $_tile_overlayer_lowered  }
0x9b: {  	s6 =	simm.s32 $0x1BFF;
	s21 =	sshll.u32 s5, $0x1;
	s3 =	sadd.s32 s20, s19  }
0x9c: {  	s22 =	simm.s32 $0x0;
	s4 =	sshll.u32 s4, $0x1;
	s5 =	sadd.s32 s21, s3  }
0x9d: {  	[timem:s22], [sflag:s6] =	dma.local [hbm:s5], s4  }
0x9e: {  	_ =	swait.ge [sflag:s6], s4  }
0x9f: {  	s4 =	ssub.s32 $0x0, s4;
	[sflag:s6] =	ssyncset.done $0x0  }
0xa0: {  	[sflag:s6] =	ssyncadd.s32 s4;
	_ =	sdelay $0x1  }
0xa1: {  	s23 =	simm.s32 $0x1B8B  }
0xa2: {  	_ =	swait.ge [sflag:s23], $0x1  }
0xa3: {  	[sflag:s23] =	ssyncset.done $0x0  }
0xa4: {  	[sflag:s23] =	ssyncadd.s32 $0xFFFFFFFF  }
0xa5: {  	s4 =	sld [smem:$0x0]  }
0xa6: {  	s5 =	sand.u32 $0xFFFFFFFE, s1  }
0xa7: {  	p0 =	sne.s32 s1, s5  }
0xa8: {  	s5 =	sshll.u32 @p0 s5, $0xE  }
0xa9: {  	s5 =	sadd.s32 @p0 $0x11B8D, s5;
	s6 =	sshll.u32 @p0 s4, $0x11  }
0xaa: {  	s5 =	sor.u32 @p0 s6, s5  }
0xab: {  	[sflag:s5] =	ssyncadd.remote.s32 @p0 $0x1;
	_ =	sdelay $0x1  }
0xac: {  	s5 =	simm.s32 @p0 $0x1B8D  }
0xad: {  	_ =	swait.eq @p0 [sflag:s5], $0x1  }
0xae: {  	[sflag:s5] =	ssyncadd.s32 @p0 $0xFFFFFFFF  }
0xaf: {  	s6 =	sshll.u32 @!p0 s1, $0xE  }
0xb0: {  	s6 =	sor.u32 @!p0 $0x4000, s6;
	s5 =	simm.s32 @!p0 $0x1B8D  }
0xb1: {  	s4 =	sshll.u32 @!p0 s4, $0x11;
	s6 =	sadd.s32 @!p0 $0x11B8D, s6;
	_ =	swait.eq @!p0 [sflag:s5], $0x1  }
0xb2: {  	s4 =	sor.u32 @!p0 s4, s6;
	[sflag:s5] =	ssyncadd.s32 @!p0 $0xFFFFFFFF  }
0xb3: {  	s25 =	simm.s32 $0x1B8E;
	s24 =	sld [smem:$0x3FFE];
	[sflag:s4] =	ssyncadd.remote.s32 @!p0 $0x1  }
0xb4: {  	s26 =	simm.s32 $execute0_lowered;
	[smem:$0x3FD2] =	sst s25  }
0xb5: {  	s5 =	sshll.u32 s26, $0x1;
	_ =	strace $0x80000052;
	[dreg:$0x1] =	wrdreg $0xFFFFFFFF  }
0xb6: {  	s28 =	simm.s32 $_size_execute0_lowered;
	s3 =	sadd.s32 s3, s5;
	[dreg:$0x0] =	wrdreg $0x0  }
0xb7: {  	s5 =	sshll.u32 s28, $0x1;
	[dreg:$0x2] =	wrdreg s3  }
0xb8: {  	[dreg:$0x3] =	wrdreg s5  }
0xb9: {  	[dreg:$0x4] =	wrdreg $0xC0  }
0xba: {  	_ =	task [dreg:s22], $0x5FFFF  }
0xbb: {  	[dreg:$0x1] =	wrdreg $0xFFFFFFFF  }
0xbc: {  	[dreg:$0x0] =	wrdreg $0x60  }
0xbd: {  	[dreg:$0x2] =	wrdreg s24  }
0xbe: {  	[dreg:$0x3] =	wrdreg $0x7C000  }
0xbf: {  	[dreg:$0x4] =	wrdreg $0xA  }
0xc0: {  	_ =	task.clear_ibuf [dreg:s22], $0x5FFFF;
	_ =	strace $0x90000052  }
0xc1: {  	s29 =	simm.s32 $0xA;
	_ =	strace $0x80000054  }
0xc2: {  	_ =	swait.ge [sflag:s29], $0x1  }
0xc3: {  	[sflag:s29] =	ssyncadd.s32 $0xFFFFFFFF  }
0xc4: {  	_ =	strace $0x90000054  }
0xc5: {  	_ =	sfence  }
0xc6: {  	s30 =	sld [smem:$0x0];
	_ =	sdelay $0x2  }
0xc7: {  	s31 =	sshll.u32 s1, $0xD;
	s1 =	sshrl.u32 s1, $0x2  }
0xc8: {  	s4 =	sand.u32 $0x4000, s31;
	s1 =	sadd.s32 s1, s30  }
0xc9: {  	s0 =	sor.u32 s4, s0;
	s1 =	sshll.u32 s1, $0x11  }
0xca: {  	s0 =	sor.u32 s1, s0  }
0xcb: {  	s0 =	sadd.s32 $0x8F2B, s0  }
0xcc: {  	[sflag:s0] =	ssyncadd.remote.s32 $0x1  }
0xcd: {  	_ =	sfence.sel $0xFFFF  }
0xce: {  	[dreg:$0x0] =	wrdreg $0xFFFFFFFF;
	(pc) =	sbr.abs _section_cstart, $3  }
0xcf: {  	[dreg:$0x1] =	wrdreg $0xFFFFFFFF  }
0xd0: {  	_ =	task.clear_ibuf [dreg:s22], $0x2FFFF;
	_ =	strace $0x9FFFFFFF  }
0xd1: {  	(tm) =	ssettm $0x7FFFFFFF  }
tec
execute0_lowered:
.L_overlay_start_1:
0x0: {  	(tag) =	ssettag $0x1  }
0x1: {  	s0 =	srdreg.scid;
	s3 =	rddreg [dreg:$0x0]  }
0x2: {  	s8 =	stileid.u32;
	s2 =	rddreg [dreg:$0x1]  }
0x3: {  	s7 =	simm.s32 $0x0;
	s19 =	simm.s32 $0x3;
	s20 =	simm.s32 $0x10  }
0x4: {  	s21 =	simm.s32 $0x80;
	s22 =	simm.s32 $0x1400;
	s23 =	simm.s32 $0x1C00  }
0x5: {  	s28 =	simm.s32 $0x2C00;
	s29 =	simm.s32 $0x3400;
	s18 =	simm.s32 $0x4400  }
0x6: {  	s30 =	simm.s32 $0x1;
	s24 =	simm.s32 $0x0;
	s6 =	smul.u32 $0x14000, s8  }
0x7: {  	s0 =	sand.u32 $0x1, s0;
	s1 =	sshll.u32 s8, $0x1;
	s9 =	smul.u32 $0xA000, s8  }
0x8: {  	[smem:$0x7FF] =	sst s7;
	s1 =	sor.u32 s0, s1;
	s5 =	smul.u32 $0x140000, s0  }
0x9: {  	_ =	strace $0x80000053;
	s0 =	ssub.s32 $0x2, s0;
	s4 =	smul.u32 $0x14000, s1  }
0xa: {  	s1 =	smul.u32 $0x280, s1;
	s26 =	sshrl.u32 s0, $0x1;
	s25 =	sadd.s32 s6, s5  }
0xb: {  	s0 =	ssub.s32 s0, s26;
	s26 =	simm.s32 $0x4C00;
	s17 =	sadd.s32 s4, s3  }
0xc: {  	s1 =	sadd.s32 s1, s3;
	s4 =	sshrl.u32 s25, $0x3;
	s25 =	simm.s32 $0x2400  }
0xd: {  	s3 =	sadd.s32 s4, s3;
	s4 =	sadd.s32 $0x8F600, s1;
	s5 =	sadd.s32 $0x819600, s17  }
0xe: {  	s31 =	sshrl.u32 s9, $0x2;
	s7 =	sadd.s32 $0x81B600, s17;
	s8 =	sadd.s32 $0x81D600, s17  }
0xf: {  	s11 =	sadd.s32 s31, s2;
	s9 =	sadd.s32 $0x81F600, s17;
	s10 =	sadd.s32 $0x821600, s17  }
0x10: {  	s14 =	smax.u32 s0, $0x1;
	s12 =	sadd.s32 $0x823600, s17;
	s13 =	sadd.s32 $0x825600, s17  }
0x11: {  	s0 =	simm.s32 $0x2;
	s15 =	sadd.s32 $0x827600, s17;
	s16 =	sadd.s32 $0x829600, s17  }
0x12: {  	v0 =	vimm.f32 $0.0e+00;
	s17 =	sadd.s32 $0x82B600, s17;
	s1 =	simm.s32 $0x3C00;
	s6 =	sadd.s32 $0x94600, s3  }
.LBB2_1:
0x13: {  	s31 =	simm.s32 $0x40;
	s3 =	simm.s32 $0x0  }
.LBB2_2:
0x14: {  	p0 =	sne.s32 s31, $0x9FC0;
	[tilespmem:s3+$0x5400] =	vst v0;
	s3 =	smov.u32 s31;
	s31 =	sadd.s32 $0x40, s31  }
.Ltmp0:
0x15: {  	(pc) =	sbr.rel @p0 .LBB2_2-.Ltmp0, $2  }
0x16: {  	_ =	sdelay $0x2  }
0x17: {  	s3 =	sshra.s32 s3, $0x2  }
0x18: {  	[tilespmem:s3+$0x5400] =	vst v0;
	s31 =	simm.s32 $0x5400  }
0x19: {  	[spmem:s11] =	stream.linear.scatter [tilespmem:s31], [sflag:$0x3], $0x2800, $0x38;
	[tilespmem:$0xA400] =	vst v63  }
0x1a: {  	_ =	swait.ge [sflag:s19], $0x2800  }
0x1b: {  	[sflag:s19] =	ssyncset.done $0x0  }
0x1c: {  	s31 =	simm.s32 $0x0;
	[sflag:s19] =	ssyncadd.s32 $0xFFFFD800  }
0x1d: {  	[tilespmem:s31], [sflag:$0x3] =	stream.linear.gather [hbm4b:s4+s31], $0x1400, $0x38;
	[tilespmem:$0xA400] =	vst v63  }
0x1e: {  	_ =	swait.ge [sflag:s19], $0x1400  }
0x1f: {  	[sflag:s19] =	ssyncset.done $0x0  }
0x20: {  	[sflag:s19] =	ssyncadd.s32 $0xFFFFEC00  }
0x21: {  	[bflag:$0x0] =	sbarrier.arrive $0xFFFF  }
0x22: {  	[tilespmem:s22], [sflag:$0x3] =	stream.strided.gather [hbm4b:s5+s20], $0x2000, s21, s20, $0x38;
	[tilespmem:$0xA400] =	vst v63  }
0x23: {  	_ =	swait.ge [sflag:s19], $0x2000  }
0x24: {  	[sflag:s19] =	ssyncset.done $0x0  }
0x25: {  	[sflag:s19] =	ssyncadd.s32 $0xFFFFE000  }
0x26: {  	[spmem:s2] =	stream.indirect.scatter.add.f32 [tilespmem:s22], [sflag:$0x1], $0x10, s31, s21, $0xb8;
	[tilespmem:$0xA400] =	vst v63  }
0x27: {  	_ = 	snop  }
0x28: {  	[spmem:s2] =	stream.indirect.scatter.add.f32 [tilespmem:s23], [sflag:$0x1], $0x10, s21, s21, $0xb8;
	[tilespmem:$0xA400] =	vst v63  }
0x29: {  	s31 =	simm.s32 $0x100  }
0x2a: {  	[spmem:s2] =	stream.indirect.scatter.add.f32 [tilespmem:s25], [sflag:$0x1], $0x10, s31, s21, $0xb8;
	[tilespmem:$0xA400] =	vst v63  }
0x2b: {  	s31 =	simm.s32 $0x180  }
0x2c: {  	[spmem:s2] =	stream.indirect.scatter.add.f32 [tilespmem:s28], [sflag:$0x1], $0x10, s31, s21, $0xb8;
	[tilespmem:$0xA400] =	vst v63  }
0x2d: {  	_ = 	snop  }
0x2e: {  	[tilespmem:s29], [sflag:$0x3] =	stream.strided.gather [hbm4b:s7+s20], $0x2000, s21, s20, $0x38;
	[tilespmem:$0xA400] =	vst v63  }
0x2f: {  	_ =	swait.ge [sflag:s19], $0x2000  }
0x30: {  	[sflag:s19] =	ssyncset.done $0x0  }
0x31: {  	s31 =	simm.s32 $0x200;
	[sflag:s19] =	ssyncadd.s32 $0xFFFFE000  }
0x32: {  	[spmem:s2] =	stream.indirect.scatter.add.f32 [tilespmem:s29], [sflag:$0x2], $0x10, s31, s21, $0xb8;
	[tilespmem:$0xA400] =	vst v63  }
0x33: {  	s31 =	simm.s32 $0x280  }
0x34: {  	[spmem:s2] =	stream.indirect.scatter.add.f32 [tilespmem:s1], [sflag:$0x2], $0x10, s31, s21, $0xb8;
	[tilespmem:$0xA400] =	vst v63  }
0x35: {  	s31 =	simm.s32 $0x300  }
0x36: {  	[spmem:s2] =	stream.indirect.scatter.add.f32 [tilespmem:s18], [sflag:$0x2], $0x10, s31, s21, $0xb8;
	[tilespmem:$0xA400] =	vst v63  }
0x37: {  	s31 =	simm.s32 $0x380  }
0x38: {  	[spmem:s2] =	stream.indirect.scatter.add.f32 [tilespmem:s26], [sflag:$0x2], $0x10, s31, s21, $0xb8;
	[tilespmem:$0xA400] =	vst v63  }
0x39: {  	_ =	swait.ge [sflag:s30], $0x2000  }
0x3a: {  	[sflag:s30] =	ssyncset.done $0x0  }
0x3b: {  	[sflag:s30] =	ssyncadd.s32 $0xFFFFE000  }
0x3c: {  	[tilespmem:s22], [sflag:$0x3] =	stream.strided.gather [hbm4b:s8+s20], $0x2000, s21, s20, $0x38;
	[tilespmem:$0xA400] =	vst v63  }
0x3d: {  	_ =	swait.ge [sflag:s19], $0x2000  }
0x3e: {  	[sflag:s19] =	ssyncset.done $0x0  }
0x3f: {  	s31 =	simm.s32 $0x400;
	[sflag:s19] =	ssyncadd.s32 $0xFFFFE000  }
0x40: {  	[spmem:s2] =	stream.indirect.scatter.add.f32 [tilespmem:s22], [sflag:$0x1], $0x10, s31, s21, $0xb8;
	[tilespmem:$0xA400] =	vst v63  }
0x41: {  	s31 =	simm.s32 $0x480  }
0x42: {  	[spmem:s2] =	stream.indirect.scatter.add.f32 [tilespmem:s23], [sflag:$0x1], $0x10, s31, s21, $0xb8;
	[tilespmem:$0xA400] =	vst v63  }
0x43: {  	s31 =	simm.s32 $0x500  }
0x44: {  	[spmem:s2] =	stream.indirect.scatter.add.f32 [tilespmem:s25], [sflag:$0x1], $0x10, s31, s21, $0xb8;
	[tilespmem:$0xA400] =	vst v63  }
0x45: {  	s31 =	simm.s32 $0x580  }
0x46: {  	[spmem:s2] =	stream.indirect.scatter.add.f32 [tilespmem:s28], [sflag:$0x1], $0x10, s31, s21, $0xb8;
	[tilespmem:$0xA400] =	vst v63  }
0x47: {  	_ =	swait.ge [sflag:s0], $0x2000  }
0x48: {  	[sflag:s0] =	ssyncset.done $0x0  }
0x49: {  	[sflag:s0] =	ssyncadd.s32 $0xFFFFE000  }
0x4a: {  	[tilespmem:s29], [sflag:$0x3] =	stream.strided.gather [hbm4b:s9+s20], $0x2000, s21, s20, $0x38;
	[tilespmem:$0xA400] =	vst v63  }
0x4b: {  	_ =	swait.ge [sflag:s19], $0x2000  }
0x4c: {  	[sflag:s19] =	ssyncset.done $0x0  }
0x4d: {  	s31 =	simm.s32 $0x600;
	[sflag:s19] =	ssyncadd.s32 $0xFFFFE000  }
0x4e: {  	[spmem:s2] =	stream.indirect.scatter.add.f32 [tilespmem:s29], [sflag:$0x2], $0x10, s31, s21, $0xb8;
	[tilespmem:$0xA400] =	vst v63  }
0x4f: {  	s31 =	simm.s32 $0x680  }
0x50: {  	[spmem:s2] =	stream.indirect.scatter.add.f32 [tilespmem:s1], [sflag:$0x2], $0x10, s31, s21, $0xb8;
	[tilespmem:$0xA400] =	vst v63  }
0x51: {  	s31 =	simm.s32 $0x700  }
0x52: {  	[spmem:s2] =	stream.indirect.scatter.add.f32 [tilespmem:s18], [sflag:$0x2], $0x10, s31, s21, $0xb8;
	[tilespmem:$0xA400] =	vst v63  }
0x53: {  	s31 =	simm.s32 $0x780  }
0x54: {  	[spmem:s2] =	stream.indirect.scatter.add.f32 [tilespmem:s26], [sflag:$0x2], $0x10, s31, s21, $0xb8;
	[tilespmem:$0xA400] =	vst v63  }
0x55: {  	_ =	swait.ge [sflag:s30], $0x2000  }
0x56: {  	[sflag:s30] =	ssyncset.done $0x0  }
0x57: {  	[sflag:s30] =	ssyncadd.s32 $0xFFFFE000  }
0x58: {  	[tilespmem:s22], [sflag:$0x3] =	stream.strided.gather [hbm4b:s10+s20], $0x2000, s21, s20, $0x38;
	[tilespmem:$0xA400] =	vst v63  }
0x59: {  	_ =	swait.ge [sflag:s19], $0x2000  }
0x5a: {  	[sflag:s19] =	ssyncset.done $0x0  }
0x5b: {  	s31 =	simm.s32 $0x800;
	[sflag:s19] =	ssyncadd.s32 $0xFFFFE000  }
0x5c: {  	[spmem:s2] =	stream.indirect.scatter.add.f32 [tilespmem:s22], [sflag:$0x1], $0x10, s31, s21, $0xb8;
	[tilespmem:$0xA400] =	vst v63  }
0x5d: {  	s31 =	simm.s32 $0x880  }
0x5e: {  	[spmem:s2] =	stream.indirect.scatter.add.f32 [tilespmem:s23], [sflag:$0x1], $0x10, s31, s21, $0xb8;
	[tilespmem:$0xA400] =	vst v63  }
0x5f: {  	s31 =	simm.s32 $0x900  }
0x60: {  	[spmem:s2] =	stream.indirect.scatter.add.f32 [tilespmem:s25], [sflag:$0x1], $0x10, s31, s21, $0xb8;
	[tilespmem:$0xA400] =	vst v63  }
0x61: {  	s31 =	simm.s32 $0x980  }
0x62: {  	[spmem:s2] =	stream.indirect.scatter.add.f32 [tilespmem:s28], [sflag:$0x1], $0x10, s31, s21, $0xb8;
	[tilespmem:$0xA400] =	vst v63  }
0x63: {  	_ =	swait.ge [sflag:s0], $0x2000  }
0x64: {  	[sflag:s0] =	ssyncset.done $0x0  }
0x65: {  	[sflag:s0] =	ssyncadd.s32 $0xFFFFE000  }
0x66: {  	[tilespmem:s29], [sflag:$0x3] =	stream.strided.gather [hbm4b:s12+s20], $0x2000, s21, s20, $0x38;
	[tilespmem:$0xA400] =	vst v63  }
0x67: {  	_ =	swait.ge [sflag:s19], $0x2000  }
0x68: {  	[sflag:s19] =	ssyncset.done $0x0  }
0x69: {  	s31 =	simm.s32 $0xA00;
	[sflag:s19] =	ssyncadd.s32 $0xFFFFE000  }
0x6a: {  	[spmem:s2] =	stream.indirect.scatter.add.f32 [tilespmem:s29], [sflag:$0x2], $0x10, s31, s21, $0xb8;
	[tilespmem:$0xA400] =	vst v63  }
0x6b: {  	s31 =	simm.s32 $0xA80  }
0x6c: {  	[spmem:s2] =	stream.indirect.scatter.add.f32 [tilespmem:s1], [sflag:$0x2], $0x10, s31, s21, $0xb8;
	[tilespmem:$0xA400] =	vst v63  }
0x6d: {  	s31 =	simm.s32 $0xB00  }
0x6e: {  	[spmem:s2] =	stream.indirect.scatter.add.f32 [tilespmem:s18], [sflag:$0x2], $0x10, s31, s21, $0xb8;
	[tilespmem:$0xA400] =	vst v63  }
0x6f: {  	s31 =	simm.s32 $0xB80  }
0x70: {  	[spmem:s2] =	stream.indirect.scatter.add.f32 [tilespmem:s26], [sflag:$0x2], $0x10, s31, s21, $0xb8;
	[tilespmem:$0xA400] =	vst v63  }
0x71: {  	_ =	swait.ge [sflag:s30], $0x2000  }
0x72: {  	[sflag:s30] =	ssyncset.done $0x0  }
0x73: {  	[sflag:s30] =	ssyncadd.s32 $0xFFFFE000  }
0x74: {  	[tilespmem:s22], [sflag:$0x3] =	stream.strided.gather [hbm4b:s13+s20], $0x2000, s21, s20, $0x38;
	[tilespmem:$0xA400] =	vst v63  }
0x75: {  	_ =	swait.ge [sflag:s19], $0x2000  }
0x76: {  	[sflag:s19] =	ssyncset.done $0x0  }
0x77: {  	s31 =	simm.s32 $0xC00;
	[sflag:s19] =	ssyncadd.s32 $0xFFFFE000  }
0x78: {  	[spmem:s2] =	stream.indirect.scatter.add.f32 [tilespmem:s22], [sflag:$0x1], $0x10, s31, s21, $0xb8;
	[tilespmem:$0xA400] =	vst v63  }
0x79: {  	s31 =	simm.s32 $0xC80  }
0x7a: {  	[spmem:s2] =	stream.indirect.scatter.add.f32 [tilespmem:s23], [sflag:$0x1], $0x10, s31, s21, $0xb8;
	[tilespmem:$0xA400] =	vst v63  }
0x7b: {  	s31 =	simm.s32 $0xD00  }
0x7c: {  	[spmem:s2] =	stream.indirect.scatter.add.f32 [tilespmem:s25], [sflag:$0x1], $0x10, s31, s21, $0xb8;
	[tilespmem:$0xA400] =	vst v63  }
0x7d: {  	s31 =	simm.s32 $0xD80  }
0x7e: {  	[spmem:s2] =	stream.indirect.scatter.add.f32 [tilespmem:s28], [sflag:$0x1], $0x10, s31, s21, $0xb8;
	[tilespmem:$0xA400] =	vst v63  }
0x7f: {  	_ =	swait.ge [sflag:s0], $0x2000  }
0x80: {  	[sflag:s0] =	ssyncset.done $0x0  }
0x81: {  	[sflag:s0] =	ssyncadd.s32 $0xFFFFE000  }
0x82: {  	[tilespmem:s29], [sflag:$0x3] =	stream.strided.gather [hbm4b:s15+s20], $0x2000, s21, s20, $0x38;
	[tilespmem:$0xA400] =	vst v63  }
0x83: {  	_ =	swait.ge [sflag:s19], $0x2000  }
0x84: {  	[sflag:s19] =	ssyncset.done $0x0  }
0x85: {  	s31 =	simm.s32 $0xE00;
	[sflag:s19] =	ssyncadd.s32 $0xFFFFE000  }
0x86: {  	[spmem:s2] =	stream.indirect.scatter.add.f32 [tilespmem:s29], [sflag:$0x2], $0x10, s31, s21, $0xb8;
	[tilespmem:$0xA400] =	vst v63  }
0x87: {  	s31 =	simm.s32 $0xE80  }
0x88: {  	[spmem:s2] =	stream.indirect.scatter.add.f32 [tilespmem:s1], [sflag:$0x2], $0x10, s31, s21, $0xb8;
	[tilespmem:$0xA400] =	vst v63  }
0x89: {  	s31 =	simm.s32 $0xF00  }
0x8a: {  	[spmem:s2] =	stream.indirect.scatter.add.f32 [tilespmem:s18], [sflag:$0x2], $0x10, s31, s21, $0xb8;
	[tilespmem:$0xA400] =	vst v63  }
0x8b: {  	s31 =	simm.s32 $0xF80  }
0x8c: {  	[spmem:s2] =	stream.indirect.scatter.add.f32 [tilespmem:s26], [sflag:$0x2], $0x10, s31, s21, $0xb8;
	[tilespmem:$0xA400] =	vst v63  }
0x8d: {  	_ =	swait.ge [sflag:s30], $0x2000  }
0x8e: {  	[sflag:s30] =	ssyncset.done $0x0  }
0x8f: {  	[sflag:s30] =	ssyncadd.s32 $0xFFFFE000  }
0x90: {  	[tilespmem:s22], [sflag:$0x3] =	stream.strided.gather [hbm4b:s16+s20], $0x2000, s21, s20, $0x38;
	[tilespmem:$0xA400] =	vst v63  }
0x91: {  	_ =	swait.ge [sflag:s19], $0x2000  }
0x92: {  	[sflag:s19] =	ssyncset.done $0x0  }
0x93: {  	s31 =	simm.s32 $0x1000;
	[sflag:s19] =	ssyncadd.s32 $0xFFFFE000  }
0x94: {  	[spmem:s2] =	stream.indirect.scatter.add.f32 [tilespmem:s22], [sflag:$0x1], $0x10, s31, s21, $0xb8;
	[tilespmem:$0xA400] =	vst v63  }
0x95: {  	s31 =	simm.s32 $0x1080  }
0x96: {  	[spmem:s2] =	stream.indirect.scatter.add.f32 [tilespmem:s23], [sflag:$0x1], $0x10, s31, s21, $0xb8;
	[tilespmem:$0xA400] =	vst v63  }
0x97: {  	s31 =	simm.s32 $0x1100  }
0x98: {  	[spmem:s2] =	stream.indirect.scatter.add.f32 [tilespmem:s25], [sflag:$0x1], $0x10, s31, s21, $0xb8;
	[tilespmem:$0xA400] =	vst v63  }
0x99: {  	s31 =	simm.s32 $0x1180  }
0x9a: {  	[spmem:s2] =	stream.indirect.scatter.add.f32 [tilespmem:s28], [sflag:$0x1], $0x10, s31, s21, $0xb8;
	[tilespmem:$0xA400] =	vst v63  }
0x9b: {  	_ =	swait.ge [sflag:s0], $0x2000  }
0x9c: {  	[sflag:s0] =	ssyncset.done $0x0  }
0x9d: {  	[sflag:s0] =	ssyncadd.s32 $0xFFFFE000  }
0x9e: {  	[tilespmem:s29], [sflag:$0x3] =	stream.strided.gather [hbm4b:s17+s20], $0x2000, s21, s20, $0x38;
	[tilespmem:$0xA400] =	vst v63  }
0x9f: {  	_ =	swait.ge [sflag:s19], $0x2000  }
0xa0: {  	[sflag:s19] =	ssyncset.done $0x0  }
0xa1: {  	s31 =	simm.s32 $0x1200;
	[sflag:s19] =	ssyncadd.s32 $0xFFFFE000  }
0xa2: {  	[spmem:s2] =	stream.indirect.scatter.add.f32 [tilespmem:s29], [sflag:$0x2], $0x10, s31, s21, $0xb8;
	[tilespmem:$0xA400] =	vst v63  }
0xa3: {  	s31 =	simm.s32 $0x1280  }
0xa4: {  	[spmem:s2] =	stream.indirect.scatter.add.f32 [tilespmem:s1], [sflag:$0x2], $0x10, s31, s21, $0xb8;
	[tilespmem:$0xA400] =	vst v63  }
0xa5: {  	s31 =	simm.s32 $0x1300  }
0xa6: {  	[spmem:s2] =	stream.indirect.scatter.add.f32 [tilespmem:s18], [sflag:$0x2], $0x10, s31, s21, $0xb8;
	[tilespmem:$0xA400] =	vst v63  }
0xa7: {  	s31 =	simm.s32 $0x1380  }
0xa8: {  	[spmem:s2] =	stream.indirect.scatter.add.f32 [tilespmem:s26], [sflag:$0x2], $0x10, s31, s21, $0xb8;
	[tilespmem:$0xA400] =	vst v63  }
0xa9: {  	_ =	swait.ge [sflag:s30], $0x2000  }
0xaa: {  	[sflag:s30] =	ssyncset.done $0x0  }
0xab: {  	[sflag:s30] =	ssyncadd.s32 $0xFFFFE000  }
0xac: {  	s24 =	sadd.s32 $0x1, s24;
	_ =	swait.ge [sflag:s0], $0x2000  }
0xad: {  	p0 =	sne.s32 s24, s14;
	s31 =	stileid.u32;
	[sflag:s0] =	ssyncset.done $0x0  }
0xae: {  	s3 =	sshll.u32 s31, $0x6;
	s31 =	sshrl.u32 s11, $0x3;
	[sflag:s0] =	ssyncadd.s32 $0xFFFFE000  }
.Ltmp1:
0xaf: {  	s3 =	sor.u32 $0x1C03, s3;
	[bflag:$0x0] =	sbarrier.arrive $0xFFFF;
	(pc) =	sbr.rel @p0 .LBB2_1-.Ltmp1, $4  }
0xb0: {  	[hbm:s6@s20], [sflag:s3] =	dma.strided [spmem:s31@s0], $0x500, s30, $0x2   }
0xb1: {  	_ =	swait.ge [sflag:s19], $0x500  }
0xb2: {  	[sflag:s19] =	ssyncset.done $0x0  }
0xb3: {  	[sflag:s19] =	ssyncadd.s32 $0xFFFFFB00  }
0xb4: {  	_ =	sfence.sel $0x180000  }
0xb5: {  	[bflag:$0x0] =	sbarrier.arrive $0xFFFF  }
0xb6: {  	_ =	strace $0x90000053  }
0xb7: {  	s0 =	stileid.u32;
	[bflag:$0x2] =	sbarrier.arrive $0xFFFF  }
0xb8: {  	p0 =	sne.s32 s0, $0x0;
	s0 =	rddreg [dreg:$0x2]  }
0xb9: {  	s0 =	sadd.s32 @!p0 $0x100000, s0  }
0xba: {  	[sflag:s0] =	ssyncadd.tile.s32 @!p0 $0x1;
	_ =	shalt  }
.Lfunc_end2:
_tile_overlayer_lowered:
.L_overlay_start_2:
0xbb: {  	(tag) =	ssettag $0x2  }
0xbc: {  	s0 =	rddreg [dreg:$0x0];
	s2 =	stileid.u32  }
0xbd: {  	s1 =	rddreg [dreg:$0x1];
	p0 =	sne.s32 s2, $0x0  }
0xbe: {  	s3 =	rddreg [dreg:$0x2];
	[bflag:$0x3] =	sbarrier.arrive $0xFFFF;
	s2 =	simm.s32 @!p0 $0x1C03  }
0xbf: {  	[timem:s3], [sflag:s2] =	dma.local @!p0 [hbm:s0], s1  }
0xc0: {  	s0 =	simm.s32 @!p0 $0x3  }
0xc1: {  	_ =	swait.ge @!p0 [sflag:s0], s1  }
0xc2: {  	s1 =	ssub.s32 @!p0 $0x0, s1;
	[sflag:s0] =	ssyncset.done @!p0 $0x0  }
0xc3: {  	[sflag:s0] =	ssyncadd.s32 @!p0 s1  }
0xc4: {  	[bflag:$0x3] =	sbarrier.arrive $0xFFFF  }
0xc5: {  	_ =	shalt  }

</sc_bundles>
